<compile_context>
chip_gen: v7x
topology: tpu7x:2x2x1
jax: 0.10.2.dev20260603
libtpu: 0.0.44.dev20260713+nightly
codegen_flags: <defaults>
</compile_context>

<pallas_src>
import functools
import math

import jax
import jax.numpy as jnp
from jax import lax
from jax.experimental import pallas as pl
from jax.experimental.pallas import tpu as pltpu
from jax.experimental.pallas import tpu_sc as plsc

NSUB = 16
CHUNK = 80
NBUF = 3
CHUNK2 = 120
LANES = 16
DROW = 80


def _edge_pipeline(nch, start_idx, wait_idx, start_gather, wait_gather,
                   do_scatter, after_scatter=None):
  for b in range(NBUF):
    start_idx(b, b)
  wait_idx(0)
  start_gather(0, 0)
  plsc.subcore_barrier()

  def group(g, carry):
    for b in range(NBUF):
      i = g * NBUF + b
      nb = (b + 1) % NBUF

      @pl.when(i + 1 < nch)
      def _():
        wait_idx(nb)
        start_gather(nb, nb)

      wait_gather(b)
      do_scatter(b, b)
      if after_scatter is not None:
        after_scatter(b)

      @pl.when(i + NBUF < nch)
      def _():
        start_idx(i + NBUF, b)
    return carry

  lax.fori_loop(0, nch // NBUF, group, 0)
  plsc.subcore_barrier()


def _zero_vmem(ref, total):
  z = jnp.zeros((LANES,), ref.dtype)

  def st(t, carry):
    r = t // (ref.shape[-1] // LANES)
    cg = t % (ref.shape[-1] // LANES)
    ref[r, pl.ds(cg * LANES, LANES)] = z
    return carry

  lax.fori_loop(0, total // LANES, st, 0)


def _sc_pass_shared(n_pad, n_half, e_pad, dtype):
  ept = e_pad // NSUB
  nch = ept // CHUNK
  rps = n_pad // NSUB
  dcols = 8 * LANES

  def body(tab_lo, tab_hi, idx3, zin, zdeg,
           o_e_lo, o_e_hi, o_h_lo, o_h_hi, o_degs,
           idxr, rows, hist, idx80, acc1, acc2, degs, *sems):
    semi = sems[:NBUF]
    semg = sems[NBUF:2 * NBUF]
    semh = sems[2 * NBUF]
    c = lax.axis_index("c")
    s = lax.axis_index("s")
    srow = pl.multiple_of(s * rps, 8)
    pltpu.sync_copy(zin.at[pl.ds(srow, rps)], acc1.at[pl.ds(srow, rps)])
    pltpu.sync_copy(zin.at[pl.ds(srow, rps)], acc2.at[pl.ds(srow, rps)])

    @pl.when(c == 0)
    def _():
      for r in range(3):
        _zero_vmem(hist.at[r], DROW * dcols)
      iota = lax.iota(jnp.int32, LANES)
      for r in range(3):
        def sti(t, carry, r=r):
          idx80[r, pl.ds(t * LANES, LANES)] = iota + (r * DROW + t * LANES)
          return carry

        lax.fori_loop(0, DROW // LANES, sti, 0)

      @pl.when(s == 0)
      def _():
        pltpu.sync_copy(zdeg, degs)

    def start_idx(i, q):
      pltpu.async_copy(idx3.at[s * nch + i], idxr.at[q], semi[q])

    def wait_idx(q):
      pltpu.make_async_copy(idx3.at[0], idxr.at[q], semi[q]).wait()

    def start_gather(b, q):
      @pl.when(c == 0)
      def _():
        pltpu.async_copy(tab_lo.at[idxr.at[q, 0]], rows.at[b], semg[b])

      @pl.when(c == 1)
      def _():
        pltpu.async_copy(tab_hi.at[idxr.at[q, 0]], rows.at[b], semg[b])

    def wait_gather(b):
      pltpu.make_async_copy(tab_lo.at[idxr.at[0, 0]], rows.at[b],
                            semg[b]).wait()

    def do_scatter(b, q):
      pltpu.sync_copy(rows.at[b], acc1.at[idxr.at[q, 1]], add=True)
      pltpu.sync_copy(rows.at[b], acc2.at[idxr.at[q, 2]], add=True)

    ones = jnp.ones((LANES,), dtype)

    def after_scatter(q):
      @pl.when(c == 0)
      def _():
        for r in range(3):
          for t in range(CHUNK // LANES):
            v = idxr[q, r, pl.ds(t * LANES, LANES)]
            plsc.addupdate_scatter(hist.at[r], [v >> 7, v & 127], ones)

    _edge_pipeline(nch, start_idx, wait_idx, start_gather, wait_gather,
                   do_scatter, after_scatter)

    @pl.when(c == 0)
    def _():
      for r in range(3):
        pltpu.async_copy(hist.at[r], degs.at[idx80.at[r]], semh,
                         add=True).wait()
      plsc.subcore_barrier()
      pltpu.sync_copy(acc1.at[pl.ds(srow, rps)], o_e_lo.at[pl.ds(srow, rps)])
      pltpu.sync_copy(acc2.at[pl.ds(srow, rps)], o_h_lo.at[pl.ds(srow, rps)])

      @pl.when(s == 0)
      def _():
        pltpu.sync_copy(degs, o_degs)

    @pl.when(c == 1)
    def _():
      plsc.subcore_barrier()
      pltpu.sync_copy(acc1.at[pl.ds(srow, rps)], o_e_hi.at[pl.ds(srow, rps)])
      pltpu.sync_copy(acc2.at[pl.ds(srow, rps)], o_h_hi.at[pl.ds(srow, rps)])

  half = jax.ShapeDtypeStruct((n_pad, n_half), dtype)
  return pl.kernel(
      body,
      out_type=[half, half, half, half,
                jax.ShapeDtypeStruct((3 * DROW, 8 * LANES), dtype)],
      mesh=plsc.VectorSubcoreMesh(core_axis_name="c", subcore_axis_name="s"),
      scratch_types=[
          pltpu.VMEM((NBUF, 3, CHUNK), jnp.int32),
          pltpu.VMEM((NBUF, CHUNK, n_half), dtype),
          pltpu.VMEM((3, DROW, 8 * LANES), dtype),
          pltpu.VMEM((3, DROW), jnp.int32),
          pltpu.VMEM_SHARED((n_pad, n_half), dtype),
          pltpu.VMEM_SHARED((n_pad, n_half), dtype),
          pltpu.VMEM_SHARED((3 * DROW, 8 * LANES), dtype),
      ] + [pltpu.SemaphoreType.DMA] * (2 * NBUF + 1),
      compiler_params=pltpu.CompilerParams(use_tc_tiling_on_sc=False,
                                           needs_layout_passes=False),
  )


def _sc_pass(n_pad, n_cols, e_pad, dtype):
  ept = e_pad // NSUB
  nch = ept // CHUNK2
  rps = n_pad // NSUB

  def body(tab_a, tab_b, idx3, zinit,
           out_a, out_b, idxr, rows, acc, *sems):
    semi = sems[:NBUF]
    semg = sems[NBUF:]
    c = lax.axis_index("c")
    s = lax.axis_index("s")
    srow = pl.multiple_of(s * rps, 8)
    pltpu.sync_copy(zinit.at[pl.ds(srow, rps)],
                    acc.at[pl.ds(srow, rps)])

    def start_idx(i, q):
      pltpu.async_copy(idx3.at[s * nch + i], idxr.at[q], semi[q])

    def wait_idx(q):
      pltpu.make_async_copy(idx3.at[0], idxr.at[q], semi[q]).wait()

    def start_gather(b, q):
      @pl.when(c == 0)
      def _():
        pltpu.async_copy(tab_a.at[idxr.at[q, 1]], rows.at[b], semg[b])

      @pl.when(c == 1)
      def _():
        pltpu.async_copy(tab_b.at[idxr.at[q, 0]], rows.at[b], semg[b])

    def wait_gather(b):
      pltpu.make_async_copy(tab_a.at[idxr.at[0, 0]], rows.at[b],
                            semg[b]).wait()

    def do_scatter(b, q):
      @pl.when(c == 0)
      def _():
        pltpu.sync_copy(rows.at[b], acc.at[idxr.at[q, 0]], add=True)

      @pl.when(c == 1)
      def _():
        pltpu.sync_copy(rows.at[b], acc.at[idxr.at[q, 2]], add=True)

    _edge_pipeline(nch, start_idx, wait_idx, start_gather, wait_gather,
                   do_scatter)

    @pl.when(c == 0)
    def _():
      pltpu.sync_copy(acc.at[pl.ds(srow, rps)],
                      out_a.at[pl.ds(srow, rps)])

    @pl.when(c == 1)
    def _():
      pltpu.sync_copy(acc.at[pl.ds(srow, rps)],
                      out_b.at[pl.ds(srow, rps)])

  shape = jax.ShapeDtypeStruct((n_pad, n_cols), dtype)
  return pl.kernel(
      body,
      out_type=[shape, shape],
      mesh=plsc.VectorSubcoreMesh(core_axis_name="c", subcore_axis_name="s"),
      scratch_types=[
          pltpu.VMEM((NBUF, 3, CHUNK2), jnp.int32),
          pltpu.VMEM((NBUF, CHUNK2, n_cols), dtype),
          pltpu.VMEM_SHARED((n_pad, n_cols), dtype),
      ] + [pltpu.SemaphoreType.DMA] * (2 * NBUF),
      compiler_params=pltpu.CompilerParams(use_tc_tiling_on_sc=False,
                                           needs_layout_passes=False),
  )


def _relu_scale(acc, deg):
  return jnp.maximum(acc / jnp.maximum(deg, 1.0), 0.0)


def _l2n(v):
  n = jnp.sqrt(jnp.sum(v * v, axis=1, keepdims=True))
  return v / jnp.maximum(n, 1e-12)


def _tc1_body(d, e_lo_ref, e_hi_ref, h_lo_ref, h_hi_ref, dege_ref, deg_ref,
              xe_ref, g1_ref):
  hd = d // 2

  def join(lo, hi, deg):
    return _relu_scale(jnp.concatenate([lo[:, :hd], hi[:, :hd]], axis=1), deg)

  xe_ref[...] = join(e_lo_ref[...], e_hi_ref[...], dege_ref[...])
  g1_ref[...] = _l2n(join(h_lo_ref[...], h_hi_ref[...], deg_ref[...]))


def _tc2_body(acc_v_ref, acc_h2_ref, x_ref, g1_ref, degv_ref, deg_ref,
              out_ref):
  x_v = _l2n(_relu_scale(acc_v_ref[...], degv_ref[...]))
  h2 = _l2n(_relu_scale(acc_h2_ref[...], deg_ref[...]))
  cat = jnp.concatenate([x_ref[...], x_v, g1_ref[...], h2], axis=1)
  out_ref[...] = _l2n(cat)


def kernel(x, edge):
  n, d = x.shape
  e = edge.shape[1]
  dtype = x.dtype
  hd = d // 2
  n_pad = ((n + 1 + NSUB * 8 - 1) // (NSUB * 8)) * (NSUB * 8)
  egrp = NSUB * NBUF * math.lcm(CHUNK, CHUNK2)
  e_pad = ((e + egrp - 1) // egrp) * egrp
  assert DROW * 8 * LANES >= n_pad

  x_lo = jnp.zeros((n_pad, hd), dtype).at[:n].set(x[:, :hd])
  x_hi = jnp.zeros((n_pad, hd), dtype).at[:n].set(x[:, hd:])

  pad = jnp.full((e_pad - e,), n, jnp.int32)
  src = jnp.concatenate([edge[0], pad])
  eid = jnp.concatenate([edge[1], pad])
  dst = jnp.concatenate([edge[2], pad])
  zinit = jnp.zeros((n_pad, d), dtype)

  def triplet(ch):
    return jnp.stack([a.reshape(-1, ch) for a in (src, eid, dst)], axis=1)

  trip1 = triplet(CHUNK)
  trip2 = triplet(CHUNK2)

  zdeg = jnp.zeros((3 * DROW, 8 * LANES), dtype)
  sc1 = _sc_pass_shared(n_pad, hd, e_pad, dtype)
  e_lo, e_hi, h_lo, h_hi, degs = sc1(x_lo, x_hi, trip1,
                                     zinit[:, :hd], zdeg)
  degs = degs.reshape(3, DROW * 8 * LANES)[:, :n_pad, None]
  deg_v, deg_e, deg = degs[0], degs[1], degs[2]

  br = max(b for b in range(8, n_pad + 1, 8)
           if n_pad % b == 0 and b * d * 4 <= 1536 * 1024)
  grid = (n_pad // br,)
  spec = pl.BlockSpec((br, d), lambda i: (i, 0))
  hspec = pl.BlockSpec((br, hd), lambda i: (i, 0))
  dspec = pl.BlockSpec((br, 1), lambda i: (i, 0))
  xe, g1 = pl.pallas_call(
      functools.partial(_tc1_body, d),
      grid=grid,
      in_specs=[hspec] * 4 + [dspec] * 2,
      out_specs=[spec, spec],
      out_shape=[jax.ShapeDtypeStruct((n_pad, d), dtype)] * 2,
  )(e_lo, e_hi, h_lo, h_hi, deg_e, deg)

  sc2 = _sc_pass(n_pad, d, e_pad, dtype)
  acc_v, acc_h2 = sc2(xe, g1, trip2, zinit)

  x2 = jnp.zeros((n_pad, d), dtype).at[:n].set(x)
  out = pl.pallas_call(
      _tc2_body,
      grid=grid,
      in_specs=[spec, spec, spec, spec, dspec, dspec],
      out_specs=pl.BlockSpec((br, 4 * d), lambda i: (i, 0)),
      out_shape=jax.ShapeDtypeStruct((n_pad, 4 * d), dtype),
  )(acc_v, acc_h2, x2, g1, deg_v, deg)
  return out[:n]

# --- scband reference (transcript-rebuilt; emitter-appended) ---
"""Pipeline reference for scband-gcn-66022237274403 (READ-ONLY COPY).

The authoritative reference and input builder live on the scoring server;
editing this copy changes nothing except your own understanding.
"""

import jax, jax.numpy as jnp
import numpy as np

N = 10000
E = 320000
D = 128


def _l2norm(x):
    # torch F.normalize(x, dim=1, p=2): x / max(||x||_2, 1e-12)
    n = jnp.sqrt(jnp.sum(x * x, axis=1, keepdims=True))
    return x / jnp.maximum(n, 1e-12)


def setup_inputs(seed: int = 0) -> dict:
    key = jax.random.key(seed)
    k1, k2 = jax.random.split(key)
    x = jax.random.normal(k1, (N, D), dtype=jnp.float32)
    edge = jax.random.randint(k2, (3, E), 0, N, dtype=jnp.int32)
    return {"x": x, "edge": edge}


def reference(x, edge):
    size_v = x.shape[0]
    size_e = size_v  # init: size_e == size_v == 10000
    d = x.shape[1]
    src = edge[0]  # node ids (edge_j)
    eid = edge[1]  # hyperedge ids (edge_i in v2e)
    dst = edge[2]  # node ids used by GCN_layer
    ones = jnp.ones(src.shape[0], dtype=x.dtype)

    # ---- GCN_V2E2V_layer ----
    # v2e: deg over hyperedges, sparse (size_e, size_v) with rows=eid, cols=src
    deg_e = jnp.zeros((size_e,), x.dtype).at[eid].add(ones)
    w_e = (deg_e ** -1.0)[eid]
    x_e = jnp.zeros((size_e, d), x.dtype).at[eid].add(w_e[:, None] * x[src])
    x_e = jax.nn.relu(x_e)
    # e2v: deg over nodes indexed by edge[0], sparse (size_v, size_e) rows=src, cols=eid
    deg_v = jnp.zeros((size_v,), x.dtype).at[src].add(ones)
    w_v = (deg_v ** -1.0)[src]
    x_v = jnp.zeros((size_v, d), x.dtype).at[src].add(w_v[:, None] * x_e[eid])
    x_v = _l2norm(jax.nn.relu(x_v))

    outputs = [x, x_v]

    # ---- two GCN_layer passes ----
    h = x
    for _ in range(2):
        deg = jnp.zeros((size_v,), x.dtype).at[dst].add(ones)
        w = (1.0 / deg)[dst]
        h = jnp.zeros((size_v, d), x.dtype).at[dst].add(w[:, None] * h[src])
        h = _l2norm(jax.nn.relu(h))
        outputs.append(h)

    out = jnp.concatenate(outputs, axis=1)
    out = _l2norm(out)
    return out

if __name__ == "__main__":
    import jax
    _d = setup_inputs()
    print(jax.jit(kernel)(*tuple(_d.values())))

</pallas_src>

<mosaic_0001>
#map = affine_map<(d0, d1) -> (0, 0)>
#map1 = affine_map<(d0, d1) -> (0, 0, 0)>
module attributes {stable_mosaic.version = 14 : i64} {
  func.func @body(%arg0: i32, %arg1: i32, %arg2: memref<10112x128xf32, #tpu.memory_space<hbm>>, %arg3: memref<10112x128xf32, #tpu.memory_space<hbm>>, %arg4: memref<2688x3x120xi32, #tpu.memory_space<hbm>>, %arg5: memref<10112x128xf32, #tpu.memory_space<hbm>>, %arg6: memref<10112x128xf32, #tpu.memory_space<hbm>>, %arg7: memref<10112x128xf32, #tpu.memory_space<hbm>>, %arg8: memref<3x3x120xi32, #tpu.memory_space<vmem>>, %arg9: memref<3x120x128xf32, #tpu.memory_space<vmem>>, %arg10: memref<10112x128xf32, #tpu.memory_space<vmem_shared>>, %arg11: memref<!tpu.dma_semaphore, #tpu.memory_space<semaphore_mem>>, %arg12: memref<!tpu.dma_semaphore, #tpu.memory_space<semaphore_mem>>, %arg13: memref<!tpu.dma_semaphore, #tpu.memory_space<semaphore_mem>>, %arg14: memref<!tpu.dma_semaphore, #tpu.memory_space<semaphore_mem>>, %arg15: memref<!tpu.dma_semaphore, #tpu.memory_space<semaphore_mem>>, %arg16: memref<!tpu.dma_semaphore, #tpu.memory_space<semaphore_mem>>) attributes {dimension_semantics = [#tpu.dimension_semantics<core_parallel>, #tpu.dimension_semantics<subcore_parallel>], iteration_bounds = array<i64: 2, 16>, scalar_prefetch = 0 : i64, scratch_operands = 9 : i64, tpu.core_type = #tpu.core_type<sc_vector_subcore>, window_params = [{transform_indices = #map}, {transform_indices = #map}, {transform_indices = #map1}, {transform_indices = #map}, {transform_indices = #map}, {transform_indices = #map}]} {
    %mul3A = arith.constant 632 : i32
    %mul3A_0 = arith.muli %arg1, %mul3A : i32
    %multiple_of3A = tpu.assume_multiple %mul3A_0, 8 : i32
    "tpu.region"() ({
      %run_scoped3A = tpu.sem_alloc : memref<!tpu.dma_semaphore, #tpu.memory_space<semaphore_mem>>
      %dma_start3A_102 = arith.constant 0 : i32
      %dma_start3A_103 = tpu.memref_slice %arg10[%multiple_of3A, %dma_start3A_102] : memref<10112x128xf32, #tpu.memory_space<vmem_shared>> -> memref<632x128xf32, #tpu.memory_space<vmem_shared>>
      %dma_start3A_104 = arith.constant 0 : i32
      %dma_start3A_105 = tpu.memref_slice %arg5[%multiple_of3A, %dma_start3A_104] : memref<10112x128xf32, #tpu.memory_space<hbm>> -> memref<632x128xf32, #tpu.memory_space<hbm>>
      tpu.enqueue_dma source(%dma_start3A_105 : memref<632x128xf32, #tpu.memory_space<hbm>>) target(%dma_start3A_103 : memref<632x128xf32, #tpu.memory_space<vmem_shared>>) target_semaphore(%run_scoped3A : memref<!tpu.dma_semaphore, #tpu.memory_space<semaphore_mem>>)
      %dma_wait3A_106 = arith.constant 0 : i32
      %dma_wait3A_107 = tpu.memref_slice %arg10[%multiple_of3A, %dma_wait3A_106] : memref<10112x128xf32, #tpu.memory_space<vmem_shared>> -> memref<632x128xf32, #tpu.memory_space<vmem_shared>>
      %dma_wait3A_108 = arith.constant 0 : i32
      %dma_wait3A_109 = tpu.memref_slice %arg5[%multiple_of3A, %dma_wait3A_108] : memref<10112x128xf32, #tpu.memory_space<hbm>> -> memref<632x128xf32, #tpu.memory_space<hbm>>
      tpu.wait_dma2 semaphore(%run_scoped3A : memref<!tpu.dma_semaphore, #tpu.memory_space<semaphore_mem>>) src(%dma_wait3A_109 : memref<632x128xf32, #tpu.memory_space<hbm>>) dst(%dma_wait3A_107 : memref<632x128xf32, #tpu.memory_space<vmem_shared>>)
      tpu.yield
    }) : () -> ()
    %mul3A_1 = arith.constant 168 : i32
    %mul3A_2 = arith.muli %arg1, %mul3A_1 : i32
    %add3A = arith.constant 0 : i32
    %add3A_3 = arith.addi %mul3A_2, %add3A : i32
    %dma_start3A = arith.constant 0 : i32
    %dma_start3A_4 = arith.constant 0 : i32
    %dma_start3A_5 = arith.constant 0 : i32
    %dma_start3A_6 = tpu.memref_slice %arg8[%dma_start3A, %dma_start3A_4, %dma_start3A_5] : memref<3x3x120xi32, #tpu.memory_space<vmem>> -> memref<1x3x120xi32, #tpu.memory_space<vmem>>
    %dma_start3A_7 = tpu.memref_squeeze %dma_start3A_6 : memref<1x3x120xi32, #tpu.memory_space<vmem>> -> memref<3x120xi32, #tpu.memory_space<vmem>>
    %dma_start3A_8 = arith.constant 0 : i32
    %dma_start3A_9 = arith.constant 0 : i32
    %dma_start3A_10 = tpu.memref_slice %arg4[%add3A_3, %dma_start3A_8, %dma_start3A_9] : memref<2688x3x120xi32, #tpu.memory_space<hbm>> -> memref<1x3x120xi32, #tpu.memory_space<hbm>>
    %dma_start3A_11 = tpu.memref_squeeze %dma_start3A_10 : memref<1x3x120xi32, #tpu.memory_space<hbm>> -> memref<3x120xi32, #tpu.memory_space<hbm>>
    %dma_start3A_12 = arith.constant 0 : i32
    %dma_start3A_13 = arith.constant 0 : i32
    %dma_start3A_14 = tpu.memref_slice %arg8[%dma_start3A, %dma_start3A_12, %dma_start3A_13] : memref<3x3x120xi32, #tpu.memory_space<vmem>> -> memref<1x3x120xi32, #tpu.memory_space<vmem>>
    %dma_start3A_15 = tpu.memref_squeeze %dma_start3A_14 : memref<1x3x120xi32, #tpu.memory_space<vmem>> -> memref<3x120xi32, #tpu.memory_space<vmem>>
    %dma_start3A_16 = arith.constant 0 : i32
    %dma_start3A_17 = arith.constant 0 : i32
    %dma_start3A_18 = tpu.memref_slice %arg4[%add3A_3, %dma_start3A_16, %dma_start3A_17] : memref<2688x3x120xi32, #tpu.memory_space<hbm>> -> memref<1x3x120xi32, #tpu.memory_space<hbm>>
    %dma_start3A_19 = tpu.memref_squeeze %dma_start3A_18 : memref<1x3x120xi32, #tpu.memory_space<hbm>> -> memref<3x120xi32, #tpu.memory_space<hbm>>
    tpu.enqueue_dma source(%dma_start3A_19 : memref<3x120xi32, #tpu.memory_space<hbm>>) target(%dma_start3A_15 : memref<3x120xi32, #tpu.memory_space<vmem>>) target_semaphore(%arg11 : memref<!tpu.dma_semaphore, #tpu.memory_space<semaphore_mem>>)
    %mul3A_20 = arith.constant 168 : i32
    %mul3A_21 = arith.muli %arg1, %mul3A_20 : i32
    %add3A_22 = arith.constant 1 : i32
    %add3A_23 = arith.addi %mul3A_21, %add3A_22 : i32
    %dma_start3A_24 = arith.constant 1 : i32
    %dma_start3A_25 = arith.constant 0 : i32
    %dma_start3A_26 = arith.constant 0 : i32
    %dma_start3A_27 = tpu.memref_slice %arg8[%dma_start3A_24, %dma_start3A_25, %dma_start3A_26] : memref<3x3x120xi32, #tpu.memory_space<vmem>> -> memref<1x3x120xi32, #tpu.memory_space<vmem>>
    %dma_start3A_28 = tpu.memref_squeeze %dma_start3A_27 : memref<1x3x120xi32, #tpu.memory_space<vmem>> -> memref<3x120xi32, #tpu.memory_space<vmem>>
    %dma_start3A_29 = arith.constant 0 : i32
    %dma_start3A_30 = arith.constant 0 : i32
    %dma_start3A_31 = tpu.memref_slice %arg4[%add3A_23, %dma_start3A_29, %dma_start3A_30] : memref<2688x3x120xi32, #tpu.memory_space<hbm>> -> memref<1x3x120xi32, #tpu.memory_space<hbm>>
    %dma_start3A_32 = tpu.memref_squeeze %dma_start3A_31 : memref<1x3x120xi32, #tpu.memory_space<hbm>> -> memref<3x120xi32, #tpu.memory_space<hbm>>
    %dma_start3A_33 = arith.constant 0 : i32
    %dma_start3A_34 = arith.constant 0 : i32
    %dma_start3A_35 = tpu.memref_slice %arg8[%dma_start3A_24, %dma_start3A_33, %dma_start3A_34] : memref<3x3x120xi32, #tpu.memory_space<vmem>> -> memref<1x3x120xi32, #tpu.memory_space<vmem>>
    %dma_start3A_36 = tpu.memref_squeeze %dma_start3A_35 : memref<1x3x120xi32, #tpu.memory_space<vmem>> -> memref<3x120xi32, #tpu.memory_space<vmem>>
    %dma_start3A_37 = arith.constant 0 : i32
    %dma_start3A_38 = arith.constant 0 : i32
    %dma_start3A_39 = tpu.memref_slice %arg4[%add3A_23, %dma_start3A_37, %dma_start3A_38] : memref<2688x3x120xi32, #tpu.memory_space<hbm>> -> memref<1x3x120xi32, #tpu.memory_space<hbm>>
    %dma_start3A_40 = tpu.memref_squeeze %dma_start3A_39 : memref<1x3x120xi32, #tpu.memory_space<hbm>> -> memref<3x120xi32, #tpu.memory_space<hbm>>
    tpu.enqueue_dma source(%dma_start3A_40 : memref<3x120xi32, #tpu.memory_space<hbm>>) target(%dma_start3A_36 : memref<3x120xi32, #tpu.memory_space<vmem>>) target_semaphore(%arg12 : memref<!tpu.dma_semaphore, #tpu.memory_space<semaphore_mem>>)
    %mul3A_41 = arith.constant 168 : i32
    %mul3A_42 = arith.muli %arg1, %mul3A_41 : i32
    %add3A_43 = arith.constant 2 : i32
    %add3A_44 = arith.addi %mul3A_42, %add3A_43 : i32
    %dma_start3A_45 = arith.constant 2 : i32
    %dma_start3A_46 = arith.constant 0 : i32
    %dma_start3A_47 = arith.constant 0 : i32
    %dma_start3A_48 = tpu.memref_slice %arg8[%dma_start3A_45, %dma_start3A_46, %dma_start3A_47] : memref<3x3x120xi32, #tpu.memory_space<vmem>> -> memref<1x3x120xi32, #tpu.memory_space<vmem>>
    %dma_start3A_49 = tpu.memref_squeeze %dma_start3A_48 : memref<1x3x120xi32, #tpu.memory_space<vmem>> -> memref<3x120xi32, #tpu.memory_space<vmem>>
    %dma_start3A_50 = arith.constant 0 : i32
    %dma_start3A_51 = arith.constant 0 : i32
    %dma_start3A_52 = tpu.memref_slice %arg4[%add3A_44, %dma_start3A_50, %dma_start3A_51] : memref<2688x3x120xi32, #tpu.memory_space<hbm>> -> memref<1x3x120xi32, #tpu.memory_space<hbm>>
    %dma_start3A_53 = tpu.memref_squeeze %dma_start3A_52 : memref<1x3x120xi32, #tpu.memory_space<hbm>> -> memref<3x120xi32, #tpu.memory_space<hbm>>
    %dma_start3A_54 = arith.constant 0 : i32
    %dma_start3A_55 = arith.constant 0 : i32
    %dma_start3A_56 = tpu.memref_slice %arg8[%dma_start3A_45, %dma_start3A_54, %dma_start3A_55] : memref<3x3x120xi32, #tpu.memory_space<vmem>> -> memref<1x3x120xi32, #tpu.memory_space<vmem>>
    %dma_start3A_57 = tpu.memref_squeeze %dma_start3A_56 : memref<1x3x120xi32, #tpu.memory_space<vmem>> -> memref<3x120xi32, #tpu.memory_space<vmem>>
    %dma_start3A_58 = arith.constant 0 : i32
    %dma_start3A_59 = arith.constant 0 : i32
    %dma_start3A_60 = tpu.memref_slice %arg4[%add3A_44, %dma_start3A_58, %dma_start3A_59] : memref<2688x3x120xi32, #tpu.memory_space<hbm>> -> memref<1x3x120xi32, #tpu.memory_space<hbm>>
    %dma_start3A_61 = tpu.memref_squeeze %dma_start3A_60 : memref<1x3x120xi32, #tpu.memory_space<hbm>> -> memref<3x120xi32, #tpu.memory_space<hbm>>
    tpu.enqueue_dma source(%dma_start3A_61 : memref<3x120xi32, #tpu.memory_space<hbm>>) target(%dma_start3A_57 : memref<3x120xi32, #tpu.memory_space<vmem>>) target_semaphore(%arg13 : memref<!tpu.dma_semaphore, #tpu.memory_space<semaphore_mem>>)
    %dma_wait3A = arith.constant 0 : i32
    %dma_wait3A_62 = arith.constant 0 : i32
    %dma_wait3A_63 = arith.constant 0 : i32
    %dma_wait3A_64 = arith.constant 0 : i32
    %dma_wait3A_65 = tpu.memref_slice %arg8[%dma_wait3A_62, %dma_wait3A_63, %dma_wait3A_64] : memref<3x3x120xi32, #tpu.memory_space<vmem>> -> memref<1x3x120xi32, #tpu.memory_space<vmem>>
    %dma_wait3A_66 = tpu.memref_squeeze %dma_wait3A_65 : memref<1x3x120xi32, #tpu.memory_space<vmem>> -> memref<3x120xi32, #tpu.memory_space<vmem>>
    %dma_wait3A_67 = arith.constant 0 : i32
    %dma_wait3A_68 = arith.constant 0 : i32
    %dma_wait3A_69 = tpu.memref_slice %arg4[%dma_wait3A, %dma_wait3A_67, %dma_wait3A_68] : memref<2688x3x120xi32, #tpu.memory_space<hbm>> -> memref<1x3x120xi32, #tpu.memory_space<hbm>>
    %dma_wait3A_70 = tpu.memref_squeeze %dma_wait3A_69 : memref<1x3x120xi32, #tpu.memory_space<hbm>> -> memref<3x120xi32, #tpu.memory_space<hbm>>
    %dma_wait3A_71 = arith.constant 0 : i32
    %dma_wait3A_72 = arith.constant 0 : i32
    %dma_wait3A_73 = tpu.memref_slice %arg8[%dma_wait3A_62, %dma_wait3A_71, %dma_wait3A_72] : memref<3x3x120xi32, #tpu.memory_space<vmem>> -> memref<1x3x120xi32, #tpu.memory_space<vmem>>
    %dma_wait3A_74 = tpu.memref_squeeze %dma_wait3A_73 : memref<1x3x120xi32, #tpu.memory_space<vmem>> -> memref<3x120xi32, #tpu.memory_space<vmem>>
    %dma_wait3A_75 = arith.constant 0 : i32
    %dma_wait3A_76 = arith.constant 0 : i32
    %dma_wait3A_77 = tpu.memref_slice %arg4[%dma_wait3A, %dma_wait3A_75, %dma_wait3A_76] : memref<2688x3x120xi32, #tpu.memory_space<hbm>> -> memref<1x3x120xi32, #tpu.memory_space<hbm>>
    %dma_wait3A_78 = tpu.memref_squeeze %dma_wait3A_77 : memref<1x3x120xi32, #tpu.memory_space<hbm>> -> memref<3x120xi32, #tpu.memory_space<hbm>>
    tpu.wait_dma2 semaphore(%arg11 : memref<!tpu.dma_semaphore, #tpu.memory_space<semaphore_mem>>) src(%dma_wait3A_78 : memref<3x120xi32, #tpu.memory_space<hbm>>) dst(%dma_wait3A_74 : memref<3x120xi32, #tpu.memory_space<vmem>>)
    %eq3A = arith.constant 0 : i32
    %eq3A_79 = arith.cmpi eq, %arg0, %eq3A : i32
    %convert_element_type3A = arith.extui %eq3A_79 : i1 to i32
    %cond3A = arith.constant 0 : i32
    %cond3A_80 = arith.cmpi ne, %convert_element_type3A, %cond3A : i32
    scf.if %cond3A_80 {
      %dma_start3A_102 = arith.constant 0 : i32
      %dma_start3A_103 = arith.constant 1 : i32
      %dma_start3A_104 = arith.constant 0 : i32
      %dma_start3A_105 = arith.constant 0 : i32
      %dma_start3A_106 = arith.constant 0 : i32
      %dma_start3A_107 = tpu.memref_slice %arg9[%dma_start3A_104, %dma_start3A_105, %dma_start3A_106] : memref<3x120x128xf32, #tpu.memory_space<vmem>> -> memref<1x120x128xf32, #tpu.memory_space<vmem>>
      %dma_start3A_108 = tpu.memref_squeeze %dma_start3A_107 : memref<1x120x128xf32, #tpu.memory_space<vmem>> -> memref<120x128xf32, #tpu.memory_space<vmem>>
      %dma_start3A_109 = arith.constant 0 : i32
      %dma_start3A_110 = tpu.memref_slice %arg8[%dma_start3A_102, %dma_start3A_103, %dma_start3A_109] : memref<3x3x120xi32, #tpu.memory_space<vmem>> -> memref<1x1x120xi32, #tpu.memory_space<vmem>>
      %dma_start3A_111 = tpu.memref_squeeze %dma_start3A_110 : memref<1x1x120xi32, #tpu.memory_space<vmem>> -> memref<120xi32, #tpu.memory_space<vmem>>
      %dma_start3A_112 = arith.constant 0 : i32
      %dma_start3A_113 = arith.constant 0 : i32
      %dma_start3A_114 = tpu.memref_slice %arg2[%dma_start3A_112, %dma_start3A_113] : memref<10112x128xf32, #tpu.memory_space<hbm>> -> memref<10112x128xf32, #tpu.memory_space<hbm>>
      tpu.enqueue_indirect_dma source(%dma_start3A_114 : memref<10112x128xf32, #tpu.memory_space<hbm>>) target(%dma_start3A_108 : memref<120x128xf32, #tpu.memory_space<vmem>>) offsets(%dma_start3A_111 : memref<120xi32, #tpu.memory_space<vmem>>) semaphore(%arg14 : memref<!tpu.dma_semaphore, #tpu.memory_space<semaphore_mem>>)
    } else {
    }
    %eq3A_81 = arith.constant 1 : i32
    %eq3A_82 = arith.cmpi eq, %arg0, %eq3A_81 : i32
    %convert_element_type3A_83 = arith.extui %eq3A_82 : i1 to i32
    %cond3A_84 = arith.constant 0 : i32
    %cond3A_85 = arith.cmpi ne, %convert_element_type3A_83, %cond3A_84 : i32
    scf.if %cond3A_85 {
      %dma_start3A_102 = arith.constant 0 : i32
      %dma_start3A_103 = arith.constant 0 : i32
      %dma_start3A_104 = arith.constant 0 : i32
      %dma_start3A_105 = arith.constant 0 : i32
      %dma_start3A_106 = arith.constant 0 : i32
      %dma_start3A_107 = tpu.memref_slice %arg9[%dma_start3A_104, %dma_start3A_105, %dma_start3A_106] : memref<3x120x128xf32, #tpu.memory_space<vmem>> -> memref<1x120x128xf32, #tpu.memory_space<vmem>>
      %dma_start3A_108 = tpu.memref_squeeze %dma_start3A_107 : memref<1x120x128xf32, #tpu.memory_space<vmem>> -> memref<120x128xf32, #tpu.memory_space<vmem>>
      %dma_start3A_109 = arith.constant 0 : i32
      %dma_start3A_110 = tpu.memref_slice %arg8[%dma_start3A_102, %dma_start3A_103, %dma_start3A_109] : memref<3x3x120xi32, #tpu.memory_space<vmem>> -> memref<1x1x120xi32, #tpu.memory_space<vmem>>
      %dma_start3A_111 = tpu.memref_squeeze %dma_start3A_110 : memref<1x1x120xi32, #tpu.memory_space<vmem>> -> memref<120xi32, #tpu.memory_space<vmem>>
      %dma_start3A_112 = arith.constant 0 : i32
      %dma_start3A_113 = arith.constant 0 : i32
      %dma_start3A_114 = tpu.memref_slice %arg3[%dma_start3A_112, %dma_start3A_113] : memref<10112x128xf32, #tpu.memory_space<hbm>> -> memref<10112x128xf32, #tpu.memory_space<hbm>>
      tpu.enqueue_indirect_dma source(%dma_start3A_114 : memref<10112x128xf32, #tpu.memory_space<hbm>>) target(%dma_start3A_108 : memref<120x128xf32, #tpu.memory_space<vmem>>) offsets(%dma_start3A_111 : memref<120xi32, #tpu.memory_space<vmem>>) semaphore(%arg14 : memref<!tpu.dma_semaphore, #tpu.memory_space<semaphore_mem>>)
    } else {
    }
    %barrier3A = arith.constant 0 : index
    tpu.barrier barrier_id(%barrier3A)
    %scan3A = arith.constant 0 : i32
    %scan3A_86 = arith.constant 0 : i32
    %scan3A_87 = arith.constant 56 : i32
    %scan3A_88 = arith.addi %scan3A_86, %scan3A_87 : i32
    %scan3A_89 = arith.constant 1 : i32
    scf.for %scan3A_102 = %scan3A_86 to %scan3A_88 step %scan3A_89  : i32 {
      %mul3A_103 = arith.constant 3 : i32
      %mul3A_104 = arith.muli %scan3A_102, %mul3A_103 : i32
      %add3A_105 = arith.constant 0 : i32
      %add3A_106 = arith.addi %mul3A_104, %add3A_105 : i32
      %add3A_107 = arith.constant 1 : i32
      %add3A_108 = arith.addi %add3A_106, %add3A_107 : i32
      %lt3A = arith.constant 168 : i32
      %lt3A_109 = arith.cmpi slt, %add3A_108, %lt3A : i32
      %convert_element_type3A_110 = arith.extui %lt3A_109 : i1 to i32
      %cond3A_111 = arith.constant 0 : i32
      %cond3A_112 = arith.cmpi ne, %convert_element_type3A_110, %cond3A_111 : i32
      scf.if %cond3A_112 {
        %dma_wait3A_225 = arith.constant 0 : i32
        %dma_wait3A_226 = arith.constant 1 : i32
        %dma_wait3A_227 = arith.constant 0 : i32
        %dma_wait3A_228 = arith.constant 0 : i32
        %dma_wait3A_229 = tpu.memref_slice %arg8[%dma_wait3A_226, %dma_wait3A_227, %dma_wait3A_228] : memref<3x3x120xi32, #tpu.memory_space<vmem>> -> memref<1x3x120xi32, #tpu.memory_space<vmem>>
        %dma_wait3A_230 = tpu.memref_squeeze %dma_wait3A_229 : memref<1x3x120xi32, #tpu.memory_space<vmem>> -> memref<3x120xi32, #tpu.memory_space<vmem>>
        %dma_wait3A_231 = arith.constant 0 : i32
        %dma_wait3A_232 = arith.constant 0 : i32
        %dma_wait3A_233 = tpu.memref_slice %arg4[%dma_wait3A_225, %dma_wait3A_231, %dma_wait3A_232] : memref<2688x3x120xi32, #tpu.memory_space<hbm>> -> memref<1x3x120xi32, #tpu.memory_space<hbm>>
        %dma_wait3A_234 = tpu.memref_squeeze %dma_wait3A_233 : memref<1x3x120xi32, #tpu.memory_space<hbm>> -> memref<3x120xi32, #tpu.memory_space<hbm>>
        %dma_wait3A_235 = arith.constant 0 : i32
        %dma_wait3A_236 = arith.constant 0 : i32
        %dma_wait3A_237 = tpu.memref_slice %arg8[%dma_wait3A_226, %dma_wait3A_235, %dma_wait3A_236] : memref<3x3x120xi32, #tpu.memory_space<vmem>> -> memref<1x3x120xi32, #tpu.memory_space<vmem>>
        %dma_wait3A_238 = tpu.memref_squeeze %dma_wait3A_237 : memref<1x3x120xi32, #tpu.memory_space<vmem>> -> memref<3x120xi32, #tpu.memory_space<vmem>>
        %dma_wait3A_239 = arith.constant 0 : i32
        %dma_wait3A_240 = arith.constant 0 : i32
        %dma_wait3A_241 = tpu.memref_slice %arg4[%dma_wait3A_225, %dma_wait3A_239, %dma_wait3A_240] : memref<2688x3x120xi32, #tpu.memory_space<hbm>> -> memref<1x3x120xi32, #tpu.memory_space<hbm>>
        %dma_wait3A_242 = tpu.memref_squeeze %dma_wait3A_241 : memref<1x3x120xi32, #tpu.memory_space<hbm>> -> memref<3x120xi32, #tpu.memory_space<hbm>>
        tpu.wait_dma2 semaphore(%arg12 : memref<!tpu.dma_semaphore, #tpu.memory_space<semaphore_mem>>) src(%dma_wait3A_242 : memref<3x120xi32, #tpu.memory_space<hbm>>) dst(%dma_wait3A_238 : memref<3x120xi32, #tpu.memory_space<vmem>>)
        %eq3A_243 = arith.constant 0 : i32
        %eq3A_244 = arith.cmpi eq, %arg0, %eq3A_243 : i32
        %convert_element_type3A_245 = arith.extui %eq3A_244 : i1 to i32
        %cond3A_246 = arith.constant 0 : i32
        %cond3A_247 = arith.cmpi ne, %convert_element_type3A_245, %cond3A_246 : i32
        scf.if %cond3A_247 {
          %dma_start3A_253 = arith.constant 1 : i32
          %dma_start3A_254 = arith.constant 1 : i32
          %dma_start3A_255 = arith.constant 1 : i32
          %dma_start3A_256 = arith.constant 0 : i32
          %dma_start3A_257 = arith.constant 0 : i32
          %dma_start3A_258 = tpu.memref_slice %arg9[%dma_start3A_255, %dma_start3A_256, %dma_start3A_257] : memref<3x120x128xf32, #tpu.memory_space<vmem>> -> memref<1x120x128xf32, #tpu.memory_space<vmem>>
          %dma_start3A_259 = tpu.memref_squeeze %dma_start3A_258 : memref<1x120x128xf32, #tpu.memory_space<vmem>> -> memref<120x128xf32, #tpu.memory_space<vmem>>
          %dma_start3A_260 = arith.constant 0 : i32
          %dma_start3A_261 = tpu.memref_slice %arg8[%dma_start3A_253, %dma_start3A_254, %dma_start3A_260] : memref<3x3x120xi32, #tpu.memory_space<vmem>> -> memref<1x1x120xi32, #tpu.memory_space<vmem>>
          %dma_start3A_262 = tpu.memref_squeeze %dma_start3A_261 : memref<1x1x120xi32, #tpu.memory_space<vmem>> -> memref<120xi32, #tpu.memory_space<vmem>>
          %dma_start3A_263 = arith.constant 0 : i32
          %dma_start3A_264 = arith.constant 0 : i32
          %dma_start3A_265 = tpu.memref_slice %arg2[%dma_start3A_263, %dma_start3A_264] : memref<10112x128xf32, #tpu.memory_space<hbm>> -> memref<10112x128xf32, #tpu.memory_space<hbm>>
          tpu.enqueue_indirect_dma source(%dma_start3A_265 : memref<10112x128xf32, #tpu.memory_space<hbm>>) target(%dma_start3A_259 : memref<120x128xf32, #tpu.memory_space<vmem>>) offsets(%dma_start3A_262 : memref<120xi32, #tpu.memory_space<vmem>>) semaphore(%arg15 : memref<!tpu.dma_semaphore, #tpu.memory_space<semaphore_mem>>)
        } else {
        }
        %eq3A_248 = arith.constant 1 : i32
        %eq3A_249 = arith.cmpi eq, %arg0, %eq3A_248 : i32
        %convert_element_type3A_250 = arith.extui %eq3A_249 : i1 to i32
        %cond3A_251 = arith.constant 0 : i32
        %cond3A_252 = arith.cmpi ne, %convert_element_type3A_250, %cond3A_251 : i32
        scf.if %cond3A_252 {
          %dma_start3A_253 = arith.constant 1 : i32
          %dma_start3A_254 = arith.constant 0 : i32
          %dma_start3A_255 = arith.constant 1 : i32
          %dma_start3A_256 = arith.constant 0 : i32
          %dma_start3A_257 = arith.constant 0 : i32
          %dma_start3A_258 = tpu.memref_slice %arg9[%dma_start3A_255, %dma_start3A_256, %dma_start3A_257] : memref<3x120x128xf32, #tpu.memory_space<vmem>> -> memref<1x120x128xf32, #tpu.memory_space<vmem>>
          %dma_start3A_259 = tpu.memref_squeeze %dma_start3A_258 : memref<1x120x128xf32, #tpu.memory_space<vmem>> -> memref<120x128xf32, #tpu.memory_space<vmem>>
          %dma_start3A_260 = arith.constant 0 : i32
          %dma_start3A_261 = tpu.memref_slice %arg8[%dma_start3A_253, %dma_start3A_254, %dma_start3A_260] : memref<3x3x120xi32, #tpu.memory_space<vmem>> -> memref<1x1x120xi32, #tpu.memory_space<vmem>>
          %dma_start3A_262 = tpu.memref_squeeze %dma_start3A_261 : memref<1x1x120xi32, #tpu.memory_space<vmem>> -> memref<120xi32, #tpu.memory_space<vmem>>
          %dma_start3A_263 = arith.constant 0 : i32
          %dma_start3A_264 = arith.constant 0 : i32
          %dma_start3A_265 = tpu.memref_slice %arg3[%dma_start3A_263, %dma_start3A_264] : memref<10112x128xf32, #tpu.memory_space<hbm>> -> memref<10112x128xf32, #tpu.memory_space<hbm>>
          tpu.enqueue_indirect_dma source(%dma_start3A_265 : memref<10112x128xf32, #tpu.memory_space<hbm>>) target(%dma_start3A_259 : memref<120x128xf32, #tpu.memory_space<vmem>>) offsets(%dma_start3A_262 : memref<120xi32, #tpu.memory_space<vmem>>) semaphore(%arg15 : memref<!tpu.dma_semaphore, #tpu.memory_space<semaphore_mem>>)
        } else {
        }
      } else {
      }
      %dma_wait3A_113 = arith.constant 0 : i32
      %dma_wait3A_114 = arith.constant 0 : i32
      %dma_wait3A_115 = arith.constant 0 : i32
      %dma_wait3A_116 = arith.constant 0 : i32
      %dma_wait3A_117 = arith.constant 0 : i32
      %dma_wait3A_118 = tpu.memref_slice %arg9[%dma_wait3A_115, %dma_wait3A_116, %dma_wait3A_117] : memref<3x120x128xf32, #tpu.memory_space<vmem>> -> memref<1x120x128xf32, #tpu.memory_space<vmem>>
      %dma_wait3A_119 = tpu.memref_squeeze %dma_wait3A_118 : memref<1x120x128xf32, #tpu.memory_space<vmem>> -> memref<120x128xf32, #tpu.memory_space<vmem>>
      %dma_wait3A_120 = arith.constant 0 : i32
      %dma_wait3A_121 = tpu.memref_slice %arg8[%dma_wait3A_113, %dma_wait3A_114, %dma_wait3A_120] : memref<3x3x120xi32, #tpu.memory_space<vmem>> -> memref<1x1x120xi32, #tpu.memory_space<vmem>>
      %dma_wait3A_122 = tpu.memref_squeeze %dma_wait3A_121 : memref<1x1x120xi32, #tpu.memory_space<vmem>> -> memref<120xi32, #tpu.memory_space<vmem>>
      %dma_wait3A_123 = arith.constant 0 : i32
      %dma_wait3A_124 = arith.constant 0 : i32
      %dma_wait3A_125 = tpu.memref_slice %arg2[%dma_wait3A_123, %dma_wait3A_124] : memref<10112x128xf32, #tpu.memory_space<hbm>> -> memref<10112x128xf32, #tpu.memory_space<hbm>>
      tpu.wait_indirect_dma semaphore(%arg14 : memref<!tpu.dma_semaphore, #tpu.memory_space<semaphore_mem>>) src(%dma_wait3A_125 : memref<10112x128xf32, #tpu.memory_space<hbm>>) dst(%dma_wait3A_119 : memref<120x128xf32, #tpu.memory_space<vmem>>)
      %eq3A_126 = arith.constant 0 : i32
      %eq3A_127 = arith.cmpi eq, %arg0, %eq3A_126 : i32
      %convert_element_type3A_128 = arith.extui %eq3A_127 : i1 to i32
      %cond3A_129 = arith.constant 0 : i32
      %cond3A_130 = arith.cmpi ne, %convert_element_type3A_128, %cond3A_129 : i32
      scf.if %cond3A_130 {
        %run_scoped3A = arith.constant 0 : i32
        %run_scoped3A_225 = arith.constant 0 : i32
        %run_scoped3A_226 = arith.constant 0 : i32
        "tpu.region"() ({
          %run_scoped3A_227 = tpu.sem_alloc : memref<!tpu.dma_semaphore, #tpu.memory_space<semaphore_mem>>
          %dma_start3A_228 = arith.constant 0 : i32
          %dma_start3A_229 = arith.constant 0 : i32
          %dma_start3A_230 = tpu.memref_slice %arg9[%run_scoped3A, %dma_start3A_228, %dma_start3A_229] : memref<3x120x128xf32, #tpu.memory_space<vmem>> -> memref<1x120x128xf32, #tpu.memory_space<vmem>>
          %dma_start3A_231 = tpu.memref_squeeze %dma_start3A_230 : memref<1x120x128xf32, #tpu.memory_space<vmem>> -> memref<120x128xf32, #tpu.memory_space<vmem>>
          %dma_start3A_232 = arith.constant 0 : i32
          %dma_start3A_233 = tpu.memref_slice %arg8[%run_scoped3A_225, %run_scoped3A_226, %dma_start3A_232] : memref<3x3x120xi32, #tpu.memory_space<vmem>> -> memref<1x1x120xi32, #tpu.memory_space<vmem>>
          %dma_start3A_234 = tpu.memref_squeeze %dma_start3A_233 : memref<1x1x120xi32, #tpu.memory_space<vmem>> -> memref<120xi32, #tpu.memory_space<vmem>>
          %dma_start3A_235 = arith.constant 0 : i32
          %dma_start3A_236 = arith.constant 0 : i32
          %dma_start3A_237 = tpu.memref_slice %arg10[%dma_start3A_235, %dma_start3A_236] : memref<10112x128xf32, #tpu.memory_space<vmem_shared>> -> memref<10112x128xf32, #tpu.memory_space<vmem_shared>>
          tpu.enqueue_indirect_dma source(%dma_start3A_231 : memref<120x128xf32, #tpu.memory_space<vmem>>) target(%dma_start3A_237 : memref<10112x128xf32, #tpu.memory_space<vmem_shared>>) offsets(%dma_start3A_234 : memref<120xi32, #tpu.memory_space<vmem>>) semaphore(%run_scoped3A_227 : memref<!tpu.dma_semaphore, #tpu.memory_space<semaphore_mem>>) {add = true}
          %dma_wait3A_238 = arith.constant 0 : i32
          %dma_wait3A_239 = arith.constant 0 : i32
          %dma_wait3A_240 = tpu.memref_slice %arg9[%run_scoped3A, %dma_wait3A_238, %dma_wait3A_239] : memref<3x120x128xf32, #tpu.memory_space<vmem>> -> memref<1x120x128xf32, #tpu.memory_space<vmem>>
          %dma_wait3A_241 = tpu.memref_squeeze %dma_wait3A_240 : memref<1x120x128xf32, #tpu.memory_space<vmem>> -> memref<120x128xf32, #tpu.memory_space<vmem>>
          %dma_wait3A_242 = arith.constant 0 : i32
          %dma_wait3A_243 = tpu.memref_slice %arg8[%run_scoped3A_225, %run_scoped3A_226, %dma_wait3A_242] : memref<3x3x120xi32, #tpu.memory_space<vmem>> -> memref<1x1x120xi32, #tpu.memory_space<vmem>>
          %dma_wait3A_244 = tpu.memref_squeeze %dma_wait3A_243 : memref<1x1x120xi32, #tpu.memory_space<vmem>> -> memref<120xi32, #tpu.memory_space<vmem>>
          %dma_wait3A_245 = arith.constant 0 : i32
          %dma_wait3A_246 = arith.constant 0 : i32
          %dma_wait3A_247 = tpu.memref_slice %arg10[%dma_wait3A_245, %dma_wait3A_246] : memref<10112x128xf32, #tpu.memory_space<vmem_shared>> -> memref<10112x128xf32, #tpu.memory_space<vmem_shared>>
          tpu.wait_indirect_dma semaphore(%run_scoped3A_227 : memref<!tpu.dma_semaphore, #tpu.memory_space<semaphore_mem>>) src(%dma_wait3A_241 : memref<120x128xf32, #tpu.memory_space<vmem>>) dst(%dma_wait3A_247 : memref<10112x128xf32, #tpu.memory_space<vmem_shared>>)
          tpu.yield
        }) : () -> ()
      } else {
      }
      %eq3A_131 = arith.constant 1 : i32
      %eq3A_132 = arith.cmpi eq, %arg0, %eq3A_131 : i32
      %convert_element_type3A_133 = arith.extui %eq3A_132 : i1 to i32
      %cond3A_134 = arith.constant 0 : i32
      %cond3A_135 = arith.cmpi ne, %convert_element_type3A_133, %cond3A_134 : i32
      scf.if %cond3A_135 {
        %run_scoped3A = arith.constant 0 : i32
        %run_scoped3A_225 = arith.constant 0 : i32
        %run_scoped3A_226 = arith.constant 2 : i32
        "tpu.region"() ({
          %run_scoped3A_227 = tpu.sem_alloc : memref<!tpu.dma_semaphore, #tpu.memory_space<semaphore_mem>>
          %dma_start3A_228 = arith.constant 0 : i32
          %dma_start3A_229 = arith.constant 0 : i32
          %dma_start3A_230 = tpu.memref_slice %arg9[%run_scoped3A, %dma_start3A_228, %dma_start3A_229] : memref<3x120x128xf32, #tpu.memory_space<vmem>> -> memref<1x120x128xf32, #tpu.memory_space<vmem>>
          %dma_start3A_231 = tpu.memref_squeeze %dma_start3A_230 : memref<1x120x128xf32, #tpu.memory_space<vmem>> -> memref<120x128xf32, #tpu.memory_space<vmem>>
          %dma_start3A_232 = arith.constant 0 : i32
          %dma_start3A_233 = tpu.memref_slice %arg8[%run_scoped3A_225, %run_scoped3A_226, %dma_start3A_232] : memref<3x3x120xi32, #tpu.memory_space<vmem>> -> memref<1x1x120xi32, #tpu.memory_space<vmem>>
          %dma_start3A_234 = tpu.memref_squeeze %dma_start3A_233 : memref<1x1x120xi32, #tpu.memory_space<vmem>> -> memref<120xi32, #tpu.memory_space<vmem>>
          %dma_start3A_235 = arith.constant 0 : i32
          %dma_start3A_236 = arith.constant 0 : i32
          %dma_start3A_237 = tpu.memref_slice %arg10[%dma_start3A_235, %dma_start3A_236] : memref<10112x128xf32, #tpu.memory_space<vmem_shared>> -> memref<10112x128xf32, #tpu.memory_space<vmem_shared>>
          tpu.enqueue_indirect_dma source(%dma_start3A_231 : memref<120x128xf32, #tpu.memory_space<vmem>>) target(%dma_start3A_237 : memref<10112x128xf32, #tpu.memory_space<vmem_shared>>) offsets(%dma_start3A_234 : memref<120xi32, #tpu.memory_space<vmem>>) semaphore(%run_scoped3A_227 : memref<!tpu.dma_semaphore, #tpu.memory_space<semaphore_mem>>) {add = true}
          %dma_wait3A_238 = arith.constant 0 : i32
          %dma_wait3A_239 = arith.constant 0 : i32
          %dma_wait3A_240 = tpu.memref_slice %arg9[%run_scoped3A, %dma_wait3A_238, %dma_wait3A_239] : memref<3x120x128xf32, #tpu.memory_space<vmem>> -> memref<1x120x128xf32, #tpu.memory_space<vmem>>
          %dma_wait3A_241 = tpu.memref_squeeze %dma_wait3A_240 : memref<1x120x128xf32, #tpu.memory_space<vmem>> -> memref<120x128xf32, #tpu.memory_space<vmem>>
          %dma_wait3A_242 = arith.constant 0 : i32
          %dma_wait3A_243 = tpu.memref_slice %arg8[%run_scoped3A_225, %run_scoped3A_226, %dma_wait3A_242] : memref<3x3x120xi32, #tpu.memory_space<vmem>> -> memref<1x1x120xi32, #tpu.memory_space<vmem>>
          %dma_wait3A_244 = tpu.memref_squeeze %dma_wait3A_243 : memref<1x1x120xi32, #tpu.memory_space<vmem>> -> memref<120xi32, #tpu.memory_space<vmem>>
          %dma_wait3A_245 = arith.constant 0 : i32
          %dma_wait3A_246 = arith.constant 0 : i32
          %dma_wait3A_247 = tpu.memref_slice %arg10[%dma_wait3A_245, %dma_wait3A_246] : memref<10112x128xf32, #tpu.memory_space<vmem_shared>> -> memref<10112x128xf32, #tpu.memory_space<vmem_shared>>
          tpu.wait_indirect_dma semaphore(%run_scoped3A_227 : memref<!tpu.dma_semaphore, #tpu.memory_space<semaphore_mem>>) src(%dma_wait3A_241 : memref<120x128xf32, #tpu.memory_space<vmem>>) dst(%dma_wait3A_247 : memref<10112x128xf32, #tpu.memory_space<vmem_shared>>)
          tpu.yield
        }) : () -> ()
      } else {
      }
      %add3A_136 = arith.constant 3 : i32
      %add3A_137 = arith.addi %add3A_106, %add3A_136 : i32
      %lt3A_138 = arith.constant 168 : i32
      %lt3A_139 = arith.cmpi slt, %add3A_137, %lt3A_138 : i32
      %convert_element_type3A_140 = arith.extui %lt3A_139 : i1 to i32
      %cond3A_141 = arith.constant 0 : i32
      %cond3A_142 = arith.cmpi ne, %convert_element_type3A_140, %cond3A_141 : i32
      scf.if %cond3A_142 {
        %add3A_225 = arith.constant 3 : i32
        %add3A_226 = arith.addi %add3A_106, %add3A_225 : i32
        %mul3A_227 = arith.constant 168 : i32
        %mul3A_228 = arith.muli %arg1, %mul3A_227 : i32
        %add3A_229 = arith.addi %mul3A_228, %add3A_226 : i32
        %dma_start3A_230 = arith.constant 0 : i32
        %dma_start3A_231 = arith.constant 0 : i32
        %dma_start3A_232 = arith.constant 0 : i32
        %dma_start3A_233 = tpu.memref_slice %arg8[%dma_start3A_230, %dma_start3A_231, %dma_start3A_232] : memref<3x3x120xi32, #tpu.memory_space<vmem>> -> memref<1x3x120xi32, #tpu.memory_space<vmem>>
        %dma_start3A_234 = tpu.memref_squeeze %dma_start3A_233 : memref<1x3x120xi32, #tpu.memory_space<vmem>> -> memref<3x120xi32, #tpu.memory_space<vmem>>
        %dma_start3A_235 = arith.constant 0 : i32
        %dma_start3A_236 = arith.constant 0 : i32
        %dma_start3A_237 = tpu.memref_slice %arg4[%add3A_229, %dma_start3A_235, %dma_start3A_236] : memref<2688x3x120xi32, #tpu.memory_space<hbm>> -> memref<1x3x120xi32, #tpu.memory_space<hbm>>
        %dma_start3A_238 = tpu.memref_squeeze %dma_start3A_237 : memref<1x3x120xi32, #tpu.memory_space<hbm>> -> memref<3x120xi32, #tpu.memory_space<hbm>>
        %dma_start3A_239 = arith.constant 0 : i32
        %dma_start3A_240 = arith.constant 0 : i32
        %dma_start3A_241 = tpu.memref_slice %arg8[%dma_start3A_230, %dma_start3A_239, %dma_start3A_240] : memref<3x3x120xi32, #tpu.memory_space<vmem>> -> memref<1x3x120xi32, #tpu.memory_space<vmem>>
        %dma_start3A_242 = tpu.memref_squeeze %dma_start3A_241 : memref<1x3x120xi32, #tpu.memory_space<vmem>> -> memref<3x120xi32, #tpu.memory_space<vmem>>
        %dma_start3A_243 = arith.constant 0 : i32
        %dma_start3A_244 = arith.constant 0 : i32
        %dma_start3A_245 = tpu.memref_slice %arg4[%add3A_229, %dma_start3A_243, %dma_start3A_244] : memref<2688x3x120xi32, #tpu.memory_space<hbm>> -> memref<1x3x120xi32, #tpu.memory_space<hbm>>
        %dma_start3A_246 = tpu.memref_squeeze %dma_start3A_245 : memref<1x3x120xi32, #tpu.memory_space<hbm>> -> memref<3x120xi32, #tpu.memory_space<hbm>>
        tpu.enqueue_dma source(%dma_start3A_246 : memref<3x120xi32, #tpu.memory_space<hbm>>) target(%dma_start3A_242 : memref<3x120xi32, #tpu.memory_space<vmem>>) target_semaphore(%arg11 : memref<!tpu.dma_semaphore, #tpu.memory_space<semaphore_mem>>)
      } else {
      }
      %mul3A_143 = arith.constant 3 : i32
      %mul3A_144 = arith.muli %scan3A_102, %mul3A_143 : i32
      %add3A_145 = arith.constant 1 : i32
      %add3A_146 = arith.addi %mul3A_144, %add3A_145 : i32
      %add3A_147 = arith.constant 1 : i32
      %add3A_148 = arith.addi %add3A_146, %add3A_147 : i32
      %lt3A_149 = arith.constant 168 : i32
      %lt3A_150 = arith.cmpi slt, %add3A_148, %lt3A_149 : i32
      %convert_element_type3A_151 = arith.extui %lt3A_150 : i1 to i32
      %cond3A_152 = arith.constant 0 : i32
      %cond3A_153 = arith.cmpi ne, %convert_element_type3A_151, %cond3A_152 : i32
      scf.if %cond3A_153 {
        %dma_wait3A_225 = arith.constant 0 : i32
        %dma_wait3A_226 = arith.constant 2 : i32
        %dma_wait3A_227 = arith.constant 0 : i32
        %dma_wait3A_228 = arith.constant 0 : i32
        %dma_wait3A_229 = tpu.memref_slice %arg8[%dma_wait3A_226, %dma_wait3A_227, %dma_wait3A_228] : memref<3x3x120xi32, #tpu.memory_space<vmem>> -> memref<1x3x120xi32, #tpu.memory_space<vmem>>
        %dma_wait3A_230 = tpu.memref_squeeze %dma_wait3A_229 : memref<1x3x120xi32, #tpu.memory_space<vmem>> -> memref<3x120xi32, #tpu.memory_space<vmem>>
        %dma_wait3A_231 = arith.constant 0 : i32
        %dma_wait3A_232 = arith.constant 0 : i32
        %dma_wait3A_233 = tpu.memref_slice %arg4[%dma_wait3A_225, %dma_wait3A_231, %dma_wait3A_232] : memref<2688x3x120xi32, #tpu.memory_space<hbm>> -> memref<1x3x120xi32, #tpu.memory_space<hbm>>
        %dma_wait3A_234 = tpu.memref_squeeze %dma_wait3A_233 : memref<1x3x120xi32, #tpu.memory_space<hbm>> -> memref<3x120xi32, #tpu.memory_space<hbm>>
        %dma_wait3A_235 = arith.constant 0 : i32
        %dma_wait3A_236 = arith.constant 0 : i32
        %dma_wait3A_237 = tpu.memref_slice %arg8[%dma_wait3A_226, %dma_wait3A_235, %dma_wait3A_236] : memref<3x3x120xi32, #tpu.memory_space<vmem>> -> memref<1x3x120xi32, #tpu.memory_space<vmem>>
        %dma_wait3A_238 = tpu.memref_squeeze %dma_wait3A_237 : memref<1x3x120xi32, #tpu.memory_space<vmem>> -> memref<3x120xi32, #tpu.memory_space<vmem>>
        %dma_wait3A_239 = arith.constant 0 : i32
        %dma_wait3A_240 = arith.constant 0 : i32
        %dma_wait3A_241 = tpu.memref_slice %arg4[%dma_wait3A_225, %dma_wait3A_239, %dma_wait3A_240] : memref<2688x3x120xi32, #tpu.memory_space<hbm>> -> memref<1x3x120xi32, #tpu.memory_space<hbm>>
        %dma_wait3A_242 = tpu.memref_squeeze %dma_wait3A_241 : memref<1x3x120xi32, #tpu.memory_space<hbm>> -> memref<3x120xi32, #tpu.memory_space<hbm>>
        tpu.wait_dma2 semaphore(%arg13 : memref<!tpu.dma_semaphore, #tpu.memory_space<semaphore_mem>>) src(%dma_wait3A_242 : memref<3x120xi32, #tpu.memory_space<hbm>>) dst(%dma_wait3A_238 : memref<3x120xi32, #tpu.memory_space<vmem>>)
        %eq3A_243 = arith.constant 0 : i32
        %eq3A_244 = arith.cmpi eq, %arg0, %eq3A_243 : i32
        %convert_element_type3A_245 = arith.extui %eq3A_244 : i1 to i32
        %cond3A_246 = arith.constant 0 : i32
        %cond3A_247 = arith.cmpi ne, %convert_element_type3A_245, %cond3A_246 : i32
        scf.if %cond3A_247 {
          %dma_start3A_253 = arith.constant 2 : i32
          %dma_start3A_254 = arith.constant 1 : i32
          %dma_start3A_255 = arith.constant 2 : i32
          %dma_start3A_256 = arith.constant 0 : i32
          %dma_start3A_257 = arith.constant 0 : i32
          %dma_start3A_258 = tpu.memref_slice %arg9[%dma_start3A_255, %dma_start3A_256, %dma_start3A_257] : memref<3x120x128xf32, #tpu.memory_space<vmem>> -> memref<1x120x128xf32, #tpu.memory_space<vmem>>
          %dma_start3A_259 = tpu.memref_squeeze %dma_start3A_258 : memref<1x120x128xf32, #tpu.memory_space<vmem>> -> memref<120x128xf32, #tpu.memory_space<vmem>>
          %dma_start3A_260 = arith.constant 0 : i32
          %dma_start3A_261 = tpu.memref_slice %arg8[%dma_start3A_253, %dma_start3A_254, %dma_start3A_260] : memref<3x3x120xi32, #tpu.memory_space<vmem>> -> memref<1x1x120xi32, #tpu.memory_space<vmem>>
          %dma_start3A_262 = tpu.memref_squeeze %dma_start3A_261 : memref<1x1x120xi32, #tpu.memory_space<vmem>> -> memref<120xi32, #tpu.memory_space<vmem>>
          %dma_start3A_263 = arith.constant 0 : i32
          %dma_start3A_264 = arith.constant 0 : i32
          %dma_start3A_265 = tpu.memref_slice %arg2[%dma_start3A_263, %dma_start3A_264] : memref<10112x128xf32, #tpu.memory_space<hbm>> -> memref<10112x128xf32, #tpu.memory_space<hbm>>
          tpu.enqueue_indirect_dma source(%dma_start3A_265 : memref<10112x128xf32, #tpu.memory_space<hbm>>) target(%dma_start3A_259 : memref<120x128xf32, #tpu.memory_space<vmem>>) offsets(%dma_start3A_262 : memref<120xi32, #tpu.memory_space<vmem>>) semaphore(%arg16 : memref<!tpu.dma_semaphore, #tpu.memory_space<semaphore_mem>>)
        } else {
        }
        %eq3A_248 = arith.constant 1 : i32
        %eq3A_249 = arith.cmpi eq, %arg0, %eq3A_248 : i32
        %convert_element_type3A_250 = arith.extui %eq3A_249 : i1 to i32
        %cond3A_251 = arith.constant 0 : i32
        %cond3A_252 = arith.cmpi ne, %convert_element_type3A_250, %cond3A_251 : i32
        scf.if %cond3A_252 {
          %dma_start3A_253 = arith.constant 2 : i32
          %dma_start3A_254 = arith.constant 0 : i32
          %dma_start3A_255 = arith.constant 2 : i32
          %dma_start3A_256 = arith.constant 0 : i32
          %dma_start3A_257 = arith.constant 0 : i32
          %dma_start3A_258 = tpu.memref_slice %arg9[%dma_start3A_255, %dma_start3A_256, %dma_start3A_257] : memref<3x120x128xf32, #tpu.memory_space<vmem>> -> memref<1x120x128xf32, #tpu.memory_space<vmem>>
          %dma_start3A_259 = tpu.memref_squeeze %dma_start3A_258 : memref<1x120x128xf32, #tpu.memory_space<vmem>> -> memref<120x128xf32, #tpu.memory_space<vmem>>
          %dma_start3A_260 = arith.constant 0 : i32
          %dma_start3A_261 = tpu.memref_slice %arg8[%dma_start3A_253, %dma_start3A_254, %dma_start3A_260] : memref<3x3x120xi32, #tpu.memory_space<vmem>> -> memref<1x1x120xi32, #tpu.memory_space<vmem>>
          %dma_start3A_262 = tpu.memref_squeeze %dma_start3A_261 : memref<1x1x120xi32, #tpu.memory_space<vmem>> -> memref<120xi32, #tpu.memory_space<vmem>>
          %dma_start3A_263 = arith.constant 0 : i32
          %dma_start3A_264 = arith.constant 0 : i32
          %dma_start3A_265 = tpu.memref_slice %arg3[%dma_start3A_263, %dma_start3A_264] : memref<10112x128xf32, #tpu.memory_space<hbm>> -> memref<10112x128xf32, #tpu.memory_space<hbm>>
          tpu.enqueue_indirect_dma source(%dma_start3A_265 : memref<10112x128xf32, #tpu.memory_space<hbm>>) target(%dma_start3A_259 : memref<120x128xf32, #tpu.memory_space<vmem>>) offsets(%dma_start3A_262 : memref<120xi32, #tpu.memory_space<vmem>>) semaphore(%arg16 : memref<!tpu.dma_semaphore, #tpu.memory_space<semaphore_mem>>)
        } else {
        }
      } else {
      }
      %dma_wait3A_154 = arith.constant 0 : i32
      %dma_wait3A_155 = arith.constant 0 : i32
      %dma_wait3A_156 = arith.constant 1 : i32
      %dma_wait3A_157 = arith.constant 0 : i32
      %dma_wait3A_158 = arith.constant 0 : i32
      %dma_wait3A_159 = tpu.memref_slice %arg9[%dma_wait3A_156, %dma_wait3A_157, %dma_wait3A_158] : memref<3x120x128xf32, #tpu.memory_space<vmem>> -> memref<1x120x128xf32, #tpu.memory_space<vmem>>
      %dma_wait3A_160 = tpu.memref_squeeze %dma_wait3A_159 : memref<1x120x128xf32, #tpu.memory_space<vmem>> -> memref<120x128xf32, #tpu.memory_space<vmem>>
      %dma_wait3A_161 = arith.constant 0 : i32
      %dma_wait3A_162 = tpu.memref_slice %arg8[%dma_wait3A_154, %dma_wait3A_155, %dma_wait3A_161] : memref<3x3x120xi32, #tpu.memory_space<vmem>> -> memref<1x1x120xi32, #tpu.memory_space<vmem>>
      %dma_wait3A_163 = tpu.memref_squeeze %dma_wait3A_162 : memref<1x1x120xi32, #tpu.memory_space<vmem>> -> memref<120xi32, #tpu.memory_space<vmem>>
      %dma_wait3A_164 = arith.constant 0 : i32
      %dma_wait3A_165 = arith.constant 0 : i32
      %dma_wait3A_166 = tpu.memref_slice %arg2[%dma_wait3A_164, %dma_wait3A_165] : memref<10112x128xf32, #tpu.memory_space<hbm>> -> memref<10112x128xf32, #tpu.memory_space<hbm>>
      tpu.wait_indirect_dma semaphore(%arg15 : memref<!tpu.dma_semaphore, #tpu.memory_space<semaphore_mem>>) src(%dma_wait3A_166 : memref<10112x128xf32, #tpu.memory_space<hbm>>) dst(%dma_wait3A_160 : memref<120x128xf32, #tpu.memory_space<vmem>>)
      %eq3A_167 = arith.constant 0 : i32
      %eq3A_168 = arith.cmpi eq, %arg0, %eq3A_167 : i32
      %convert_element_type3A_169 = arith.extui %eq3A_168 : i1 to i32
      %cond3A_170 = arith.constant 0 : i32
      %cond3A_171 = arith.cmpi ne, %convert_element_type3A_169, %cond3A_170 : i32
      scf.if %cond3A_171 {
        %run_scoped3A = arith.constant 1 : i32
        %run_scoped3A_225 = arith.constant 1 : i32
        %run_scoped3A_226 = arith.constant 0 : i32
        "tpu.region"() ({
          %run_scoped3A_227 = tpu.sem_alloc : memref<!tpu.dma_semaphore, #tpu.memory_space<semaphore_mem>>
          %dma_start3A_228 = arith.constant 0 : i32
          %dma_start3A_229 = arith.constant 0 : i32
          %dma_start3A_230 = tpu.memref_slice %arg9[%run_scoped3A, %dma_start3A_228, %dma_start3A_229] : memref<3x120x128xf32, #tpu.memory_space<vmem>> -> memref<1x120x128xf32, #tpu.memory_space<vmem>>
          %dma_start3A_231 = tpu.memref_squeeze %dma_start3A_230 : memref<1x120x128xf32, #tpu.memory_space<vmem>> -> memref<120x128xf32, #tpu.memory_space<vmem>>
          %dma_start3A_232 = arith.constant 0 : i32
          %dma_start3A_233 = tpu.memref_slice %arg8[%run_scoped3A_225, %run_scoped3A_226, %dma_start3A_232] : memref<3x3x120xi32, #tpu.memory_space<vmem>> -> memref<1x1x120xi32, #tpu.memory_space<vmem>>
          %dma_start3A_234 = tpu.memref_squeeze %dma_start3A_233 : memref<1x1x120xi32, #tpu.memory_space<vmem>> -> memref<120xi32, #tpu.memory_space<vmem>>
          %dma_start3A_235 = arith.constant 0 : i32
          %dma_start3A_236 = arith.constant 0 : i32
          %dma_start3A_237 = tpu.memref_slice %arg10[%dma_start3A_235, %dma_start3A_236] : memref<10112x128xf32, #tpu.memory_space<vmem_shared>> -> memref<10112x128xf32, #tpu.memory_space<vmem_shared>>
          tpu.enqueue_indirect_dma source(%dma_start3A_231 : memref<120x128xf32, #tpu.memory_space<vmem>>) target(%dma_start3A_237 : memref<10112x128xf32, #tpu.memory_space<vmem_shared>>) offsets(%dma_start3A_234 : memref<120xi32, #tpu.memory_space<vmem>>) semaphore(%run_scoped3A_227 : memref<!tpu.dma_semaphore, #tpu.memory_space<semaphore_mem>>) {add = true}
          %dma_wait3A_238 = arith.constant 0 : i32
          %dma_wait3A_239 = arith.constant 0 : i32
          %dma_wait3A_240 = tpu.memref_slice %arg9[%run_scoped3A, %dma_wait3A_238, %dma_wait3A_239] : memref<3x120x128xf32, #tpu.memory_space<vmem>> -> memref<1x120x128xf32, #tpu.memory_space<vmem>>
          %dma_wait3A_241 = tpu.memref_squeeze %dma_wait3A_240 : memref<1x120x128xf32, #tpu.memory_space<vmem>> -> memref<120x128xf32, #tpu.memory_space<vmem>>
          %dma_wait3A_242 = arith.constant 0 : i32
          %dma_wait3A_243 = tpu.memref_slice %arg8[%run_scoped3A_225, %run_scoped3A_226, %dma_wait3A_242] : memref<3x3x120xi32, #tpu.memory_space<vmem>> -> memref<1x1x120xi32, #tpu.memory_space<vmem>>
          %dma_wait3A_244 = tpu.memref_squeeze %dma_wait3A_243 : memref<1x1x120xi32, #tpu.memory_space<vmem>> -> memref<120xi32, #tpu.memory_space<vmem>>
          %dma_wait3A_245 = arith.constant 0 : i32
          %dma_wait3A_246 = arith.constant 0 : i32
          %dma_wait3A_247 = tpu.memref_slice %arg10[%dma_wait3A_245, %dma_wait3A_246] : memref<10112x128xf32, #tpu.memory_space<vmem_shared>> -> memref<10112x128xf32, #tpu.memory_space<vmem_shared>>
          tpu.wait_indirect_dma semaphore(%run_scoped3A_227 : memref<!tpu.dma_semaphore, #tpu.memory_space<semaphore_mem>>) src(%dma_wait3A_241 : memref<120x128xf32, #tpu.memory_space<vmem>>) dst(%dma_wait3A_247 : memref<10112x128xf32, #tpu.memory_space<vmem_shared>>)
          tpu.yield
        }) : () -> ()
      } else {
      }
      %eq3A_172 = arith.constant 1 : i32
      %eq3A_173 = arith.cmpi eq, %arg0, %eq3A_172 : i32
      %convert_element_type3A_174 = arith.extui %eq3A_173 : i1 to i32
      %cond3A_175 = arith.constant 0 : i32
      %cond3A_176 = arith.cmpi ne, %convert_element_type3A_174, %cond3A_175 : i32
      scf.if %cond3A_176 {
        %run_scoped3A = arith.constant 1 : i32
        %run_scoped3A_225 = arith.constant 1 : i32
        %run_scoped3A_226 = arith.constant 2 : i32
        "tpu.region"() ({
          %run_scoped3A_227 = tpu.sem_alloc : memref<!tpu.dma_semaphore, #tpu.memory_space<semaphore_mem>>
          %dma_start3A_228 = arith.constant 0 : i32
          %dma_start3A_229 = arith.constant 0 : i32
          %dma_start3A_230 = tpu.memref_slice %arg9[%run_scoped3A, %dma_start3A_228, %dma_start3A_229] : memref<3x120x128xf32, #tpu.memory_space<vmem>> -> memref<1x120x128xf32, #tpu.memory_space<vmem>>
          %dma_start3A_231 = tpu.memref_squeeze %dma_start3A_230 : memref<1x120x128xf32, #tpu.memory_space<vmem>> -> memref<120x128xf32, #tpu.memory_space<vmem>>
          %dma_start3A_232 = arith.constant 0 : i32
          %dma_start3A_233 = tpu.memref_slice %arg8[%run_scoped3A_225, %run_scoped3A_226, %dma_start3A_232] : memref<3x3x120xi32, #tpu.memory_space<vmem>> -> memref<1x1x120xi32, #tpu.memory_space<vmem>>
          %dma_start3A_234 = tpu.memref_squeeze %dma_start3A_233 : memref<1x1x120xi32, #tpu.memory_space<vmem>> -> memref<120xi32, #tpu.memory_space<vmem>>
          %dma_start3A_235 = arith.constant 0 : i32
          %dma_start3A_236 = arith.constant 0 : i32
          %dma_start3A_237 = tpu.memref_slice %arg10[%dma_start3A_235, %dma_start3A_236] : memref<10112x128xf32, #tpu.memory_space<vmem_shared>> -> memref<10112x128xf32, #tpu.memory_space<vmem_shared>>
          tpu.enqueue_indirect_dma source(%dma_start3A_231 : memref<120x128xf32, #tpu.memory_space<vmem>>) target(%dma_start3A_237 : memref<10112x128xf32, #tpu.memory_space<vmem_shared>>) offsets(%dma_start3A_234 : memref<120xi32, #tpu.memory_space<vmem>>) semaphore(%run_scoped3A_227 : memref<!tpu.dma_semaphore, #tpu.memory_space<semaphore_mem>>) {add = true}
          %dma_wait3A_238 = arith.constant 0 : i32
          %dma_wait3A_239 = arith.constant 0 : i32
          %dma_wait3A_240 = tpu.memref_slice %arg9[%run_scoped3A, %dma_wait3A_238, %dma_wait3A_239] : memref<3x120x128xf32, #tpu.memory_space<vmem>> -> memref<1x120x128xf32, #tpu.memory_space<vmem>>
          %dma_wait3A_241 = tpu.memref_squeeze %dma_wait3A_240 : memref<1x120x128xf32, #tpu.memory_space<vmem>> -> memref<120x128xf32, #tpu.memory_space<vmem>>
          %dma_wait3A_242 = arith.constant 0 : i32
          %dma_wait3A_243 = tpu.memref_slice %arg8[%run_scoped3A_225, %run_scoped3A_226, %dma_wait3A_242] : memref<3x3x120xi32, #tpu.memory_space<vmem>> -> memref<1x1x120xi32, #tpu.memory_space<vmem>>
          %dma_wait3A_244 = tpu.memref_squeeze %dma_wait3A_243 : memref<1x1x120xi32, #tpu.memory_space<vmem>> -> memref<120xi32, #tpu.memory_space<vmem>>
          %dma_wait3A_245 = arith.constant 0 : i32
          %dma_wait3A_246 = arith.constant 0 : i32
          %dma_wait3A_247 = tpu.memref_slice %arg10[%dma_wait3A_245, %dma_wait3A_246] : memref<10112x128xf32, #tpu.memory_space<vmem_shared>> -> memref<10112x128xf32, #tpu.memory_space<vmem_shared>>
          tpu.wait_indirect_dma semaphore(%run_scoped3A_227 : memref<!tpu.dma_semaphore, #tpu.memory_space<semaphore_mem>>) src(%dma_wait3A_241 : memref<120x128xf32, #tpu.memory_space<vmem>>) dst(%dma_wait3A_247 : memref<10112x128xf32, #tpu.memory_space<vmem_shared>>)
          tpu.yield
        }) : () -> ()
      } else {
      }
      %add3A_177 = arith.constant 3 : i32
      %add3A_178 = arith.addi %add3A_146, %add3A_177 : i32
      %lt3A_179 = arith.constant 168 : i32
      %lt3A_180 = arith.cmpi slt, %add3A_178, %lt3A_179 : i32
      %convert_element_type3A_181 = arith.extui %lt3A_180 : i1 to i32
      %cond3A_182 = arith.constant 0 : i32
      %cond3A_183 = arith.cmpi ne, %convert_element_type3A_181, %cond3A_182 : i32
      scf.if %cond3A_183 {
        %add3A_225 = arith.constant 3 : i32
        %add3A_226 = arith.addi %add3A_146, %add3A_225 : i32
        %mul3A_227 = arith.constant 168 : i32
        %mul3A_228 = arith.muli %arg1, %mul3A_227 : i32
        %add3A_229 = arith.addi %mul3A_228, %add3A_226 : i32
        %dma_start3A_230 = arith.constant 1 : i32
        %dma_start3A_231 = arith.constant 0 : i32
        %dma_start3A_232 = arith.constant 0 : i32
        %dma_start3A_233 = tpu.memref_slice %arg8[%dma_start3A_230, %dma_start3A_231, %dma_start3A_232] : memref<3x3x120xi32, #tpu.memory_space<vmem>> -> memref<1x3x120xi32, #tpu.memory_space<vmem>>
        %dma_start3A_234 = tpu.memref_squeeze %dma_start3A_233 : memref<1x3x120xi32, #tpu.memory_space<vmem>> -> memref<3x120xi32, #tpu.memory_space<vmem>>
        %dma_start3A_235 = arith.constant 0 : i32
        %dma_start3A_236 = arith.constant 0 : i32
        %dma_start3A_237 = tpu.memref_slice %arg4[%add3A_229, %dma_start3A_235, %dma_start3A_236] : memref<2688x3x120xi32, #tpu.memory_space<hbm>> -> memref<1x3x120xi32, #tpu.memory_space<hbm>>
        %dma_start3A_238 = tpu.memref_squeeze %dma_start3A_237 : memref<1x3x120xi32, #tpu.memory_space<hbm>> -> memref<3x120xi32, #tpu.memory_space<hbm>>
        %dma_start3A_239 = arith.constant 0 : i32
        %dma_start3A_240 = arith.constant 0 : i32
        %dma_start3A_241 = tpu.memref_slice %arg8[%dma_start3A_230, %dma_start3A_239, %dma_start3A_240] : memref<3x3x120xi32, #tpu.memory_space<vmem>> -> memref<1x3x120xi32, #tpu.memory_space<vmem>>
        %dma_start3A_242 = tpu.memref_squeeze %dma_start3A_241 : memref<1x3x120xi32, #tpu.memory_space<vmem>> -> memref<3x120xi32, #tpu.memory_space<vmem>>
        %dma_start3A_243 = arith.constant 0 : i32
        %dma_start3A_244 = arith.constant 0 : i32
        %dma_start3A_245 = tpu.memref_slice %arg4[%add3A_229, %dma_start3A_243, %dma_start3A_244] : memref<2688x3x120xi32, #tpu.memory_space<hbm>> -> memref<1x3x120xi32, #tpu.memory_space<hbm>>
        %dma_start3A_246 = tpu.memref_squeeze %dma_start3A_245 : memref<1x3x120xi32, #tpu.memory_space<hbm>> -> memref<3x120xi32, #tpu.memory_space<hbm>>
        tpu.enqueue_dma source(%dma_start3A_246 : memref<3x120xi32, #tpu.memory_space<hbm>>) target(%dma_start3A_242 : memref<3x120xi32, #tpu.memory_space<vmem>>) target_semaphore(%arg12 : memref<!tpu.dma_semaphore, #tpu.memory_space<semaphore_mem>>)
      } else {
      }
      %mul3A_184 = arith.constant 3 : i32
      %mul3A_185 = arith.muli %scan3A_102, %mul3A_184 : i32
      %add3A_186 = arith.constant 2 : i32
      %add3A_187 = arith.addi %mul3A_185, %add3A_186 : i32
      %add3A_188 = arith.constant 1 : i32
      %add3A_189 = arith.addi %add3A_187, %add3A_188 : i32
      %lt3A_190 = arith.constant 168 : i32
      %lt3A_191 = arith.cmpi slt, %add3A_189, %lt3A_190 : i32
      %convert_element_type3A_192 = arith.extui %lt3A_191 : i1 to i32
      %cond3A_193 = arith.constant 0 : i32
      %cond3A_194 = arith.cmpi ne, %convert_element_type3A_192, %cond3A_193 : i32
      scf.if %cond3A_194 {
        %dma_wait3A_225 = arith.constant 0 : i32
        %dma_wait3A_226 = arith.constant 0 : i32
        %dma_wait3A_227 = arith.constant 0 : i32
        %dma_wait3A_228 = arith.constant 0 : i32
        %dma_wait3A_229 = tpu.memref_slice %arg8[%dma_wait3A_226, %dma_wait3A_227, %dma_wait3A_228] : memref<3x3x120xi32, #tpu.memory_space<vmem>> -> memref<1x3x120xi32, #tpu.memory_space<vmem>>
        %dma_wait3A_230 = tpu.memref_squeeze %dma_wait3A_229 : memref<1x3x120xi32, #tpu.memory_space<vmem>> -> memref<3x120xi32, #tpu.memory_space<vmem>>
        %dma_wait3A_231 = arith.constant 0 : i32
        %dma_wait3A_232 = arith.constant 0 : i32
        %dma_wait3A_233 = tpu.memref_slice %arg4[%dma_wait3A_225, %dma_wait3A_231, %dma_wait3A_232] : memref<2688x3x120xi32, #tpu.memory_space<hbm>> -> memref<1x3x120xi32, #tpu.memory_space<hbm>>
        %dma_wait3A_234 = tpu.memref_squeeze %dma_wait3A_233 : memref<1x3x120xi32, #tpu.memory_space<hbm>> -> memref<3x120xi32, #tpu.memory_space<hbm>>
        %dma_wait3A_235 = arith.constant 0 : i32
        %dma_wait3A_236 = arith.constant 0 : i32
        %dma_wait3A_237 = tpu.memref_slice %arg8[%dma_wait3A_226, %dma_wait3A_235, %dma_wait3A_236] : memref<3x3x120xi32, #tpu.memory_space<vmem>> -> memref<1x3x120xi32, #tpu.memory_space<vmem>>
        %dma_wait3A_238 = tpu.memref_squeeze %dma_wait3A_237 : memref<1x3x120xi32, #tpu.memory_space<vmem>> -> memref<3x120xi32, #tpu.memory_space<vmem>>
        %dma_wait3A_239 = arith.constant 0 : i32
        %dma_wait3A_240 = arith.constant 0 : i32
        %dma_wait3A_241 = tpu.memref_slice %arg4[%dma_wait3A_225, %dma_wait3A_239, %dma_wait3A_240] : memref<2688x3x120xi32, #tpu.memory_space<hbm>> -> memref<1x3x120xi32, #tpu.memory_space<hbm>>
        %dma_wait3A_242 = tpu.memref_squeeze %dma_wait3A_241 : memref<1x3x120xi32, #tpu.memory_space<hbm>> -> memref<3x120xi32, #tpu.memory_space<hbm>>
        tpu.wait_dma2 semaphore(%arg11 : memref<!tpu.dma_semaphore, #tpu.memory_space<semaphore_mem>>) src(%dma_wait3A_242 : memref<3x120xi32, #tpu.memory_space<hbm>>) dst(%dma_wait3A_238 : memref<3x120xi32, #tpu.memory_space<vmem>>)
        %eq3A_243 = arith.constant 0 : i32
        %eq3A_244 = arith.cmpi eq, %arg0, %eq3A_243 : i32
        %convert_element_type3A_245 = arith.extui %eq3A_244 : i1 to i32
        %cond3A_246 = arith.constant 0 : i32
        %cond3A_247 = arith.cmpi ne, %convert_element_type3A_245, %cond3A_246 : i32
        scf.if %cond3A_247 {
          %dma_start3A_253 = arith.constant 0 : i32
          %dma_start3A_254 = arith.constant 1 : i32
          %dma_start3A_255 = arith.constant 0 : i32
          %dma_start3A_256 = arith.constant 0 : i32
          %dma_start3A_257 = arith.constant 0 : i32
          %dma_start3A_258 = tpu.memref_slice %arg9[%dma_start3A_255, %dma_start3A_256, %dma_start3A_257] : memref<3x120x128xf32, #tpu.memory_space<vmem>> -> memref<1x120x128xf32, #tpu.memory_space<vmem>>
          %dma_start3A_259 = tpu.memref_squeeze %dma_start3A_258 : memref<1x120x128xf32, #tpu.memory_space<vmem>> -> memref<120x128xf32, #tpu.memory_space<vmem>>
          %dma_start3A_260 = arith.constant 0 : i32
          %dma_start3A_261 = tpu.memref_slice %arg8[%dma_start3A_253, %dma_start3A_254, %dma_start3A_260] : memref<3x3x120xi32, #tpu.memory_space<vmem>> -> memref<1x1x120xi32, #tpu.memory_space<vmem>>
          %dma_start3A_262 = tpu.memref_squeeze %dma_start3A_261 : memref<1x1x120xi32, #tpu.memory_space<vmem>> -> memref<120xi32, #tpu.memory_space<vmem>>
          %dma_start3A_263 = arith.constant 0 : i32
          %dma_start3A_264 = arith.constant 0 : i32
          %dma_start3A_265 = tpu.memref_slice %arg2[%dma_start3A_263, %dma_start3A_264] : memref<10112x128xf32, #tpu.memory_space<hbm>> -> memref<10112x128xf32, #tpu.memory_space<hbm>>
          tpu.enqueue_indirect_dma source(%dma_start3A_265 : memref<10112x128xf32, #tpu.memory_space<hbm>>) target(%dma_start3A_259 : memref<120x128xf32, #tpu.memory_space<vmem>>) offsets(%dma_start3A_262 : memref<120xi32, #tpu.memory_space<vmem>>) semaphore(%arg14 : memref<!tpu.dma_semaphore, #tpu.memory_space<semaphore_mem>>)
        } else {
        }
        %eq3A_248 = arith.constant 1 : i32
        %eq3A_249 = arith.cmpi eq, %arg0, %eq3A_248 : i32
        %convert_element_type3A_250 = arith.extui %eq3A_249 : i1 to i32
        %cond3A_251 = arith.constant 0 : i32
        %cond3A_252 = arith.cmpi ne, %convert_element_type3A_250, %cond3A_251 : i32
        scf.if %cond3A_252 {
          %dma_start3A_253 = arith.constant 0 : i32
          %dma_start3A_254 = arith.constant 0 : i32
          %dma_start3A_255 = arith.constant 0 : i32
          %dma_start3A_256 = arith.constant 0 : i32
          %dma_start3A_257 = arith.constant 0 : i32
          %dma_start3A_258 = tpu.memref_slice %arg9[%dma_start3A_255, %dma_start3A_256, %dma_start3A_257] : memref<3x120x128xf32, #tpu.memory_space<vmem>> -> memref<1x120x128xf32, #tpu.memory_space<vmem>>
          %dma_start3A_259 = tpu.memref_squeeze %dma_start3A_258 : memref<1x120x128xf32, #tpu.memory_space<vmem>> -> memref<120x128xf32, #tpu.memory_space<vmem>>
          %dma_start3A_260 = arith.constant 0 : i32
          %dma_start3A_261 = tpu.memref_slice %arg8[%dma_start3A_253, %dma_start3A_254, %dma_start3A_260] : memref<3x3x120xi32, #tpu.memory_space<vmem>> -> memref<1x1x120xi32, #tpu.memory_space<vmem>>
          %dma_start3A_262 = tpu.memref_squeeze %dma_start3A_261 : memref<1x1x120xi32, #tpu.memory_space<vmem>> -> memref<120xi32, #tpu.memory_space<vmem>>
          %dma_start3A_263 = arith.constant 0 : i32
          %dma_start3A_264 = arith.constant 0 : i32
          %dma_start3A_265 = tpu.memref_slice %arg3[%dma_start3A_263, %dma_start3A_264] : memref<10112x128xf32, #tpu.memory_space<hbm>> -> memref<10112x128xf32, #tpu.memory_space<hbm>>
          tpu.enqueue_indirect_dma source(%dma_start3A_265 : memref<10112x128xf32, #tpu.memory_space<hbm>>) target(%dma_start3A_259 : memref<120x128xf32, #tpu.memory_space<vmem>>) offsets(%dma_start3A_262 : memref<120xi32, #tpu.memory_space<vmem>>) semaphore(%arg14 : memref<!tpu.dma_semaphore, #tpu.memory_space<semaphore_mem>>)
        } else {
        }
      } else {
      }
      %dma_wait3A_195 = arith.constant 0 : i32
      %dma_wait3A_196 = arith.constant 0 : i32
      %dma_wait3A_197 = arith.constant 2 : i32
      %dma_wait3A_198 = arith.constant 0 : i32
      %dma_wait3A_199 = arith.constant 0 : i32
      %dma_wait3A_200 = tpu.memref_slice %arg9[%dma_wait3A_197, %dma_wait3A_198, %dma_wait3A_199] : memref<3x120x128xf32, #tpu.memory_space<vmem>> -> memref<1x120x128xf32, #tpu.memory_space<vmem>>
      %dma_wait3A_201 = tpu.memref_squeeze %dma_wait3A_200 : memref<1x120x128xf32, #tpu.memory_space<vmem>> -> memref<120x128xf32, #tpu.memory_space<vmem>>
      %dma_wait3A_202 = arith.constant 0 : i32
      %dma_wait3A_203 = tpu.memref_slice %arg8[%dma_wait3A_195, %dma_wait3A_196, %dma_wait3A_202] : memref<3x3x120xi32, #tpu.memory_space<vmem>> -> memref<1x1x120xi32, #tpu.memory_space<vmem>>
      %dma_wait3A_204 = tpu.memref_squeeze %dma_wait3A_203 : memref<1x1x120xi32, #tpu.memory_space<vmem>> -> memref<120xi32, #tpu.memory_space<vmem>>
      %dma_wait3A_205 = arith.constant 0 : i32
      %dma_wait3A_206 = arith.constant 0 : i32
      %dma_wait3A_207 = tpu.memref_slice %arg2[%dma_wait3A_205, %dma_wait3A_206] : memref<10112x128xf32, #tpu.memory_space<hbm>> -> memref<10112x128xf32, #tpu.memory_space<hbm>>
      tpu.wait_indirect_dma semaphore(%arg16 : memref<!tpu.dma_semaphore, #tpu.memory_space<semaphore_mem>>) src(%dma_wait3A_207 : memref<10112x128xf32, #tpu.memory_space<hbm>>) dst(%dma_wait3A_201 : memref<120x128xf32, #tpu.memory_space<vmem>>)
      %eq3A_208 = arith.constant 0 : i32
      %eq3A_209 = arith.cmpi eq, %arg0, %eq3A_208 : i32
      %convert_element_type3A_210 = arith.extui %eq3A_209 : i1 to i32
      %cond3A_211 = arith.constant 0 : i32
      %cond3A_212 = arith.cmpi ne, %convert_element_type3A_210, %cond3A_211 : i32
      scf.if %cond3A_212 {
        %run_scoped3A = arith.constant 2 : i32
        %run_scoped3A_225 = arith.constant 2 : i32
        %run_scoped3A_226 = arith.constant 0 : i32
        "tpu.region"() ({
          %run_scoped3A_227 = tpu.sem_alloc : memref<!tpu.dma_semaphore, #tpu.memory_space<semaphore_mem>>
          %dma_start3A_228 = arith.constant 0 : i32
          %dma_start3A_229 = arith.constant 0 : i32
          %dma_start3A_230 = tpu.memref_slice %arg9[%run_scoped3A, %dma_start3A_228, %dma_start3A_229] : memref<3x120x128xf32, #tpu.memory_space<vmem>> -> memref<1x120x128xf32, #tpu.memory_space<vmem>>
          %dma_start3A_231 = tpu.memref_squeeze %dma_start3A_230 : memref<1x120x128xf32, #tpu.memory_space<vmem>> -> memref<120x128xf32, #tpu.memory_space<vmem>>
          %dma_start3A_232 = arith.constant 0 : i32
          %dma_start3A_233 = tpu.memref_slice %arg8[%run_scoped3A_225, %run_scoped3A_226, %dma_start3A_232] : memref<3x3x120xi32, #tpu.memory_space<vmem>> -> memref<1x1x120xi32, #tpu.memory_space<vmem>>
          %dma_start3A_234 = tpu.memref_squeeze %dma_start3A_233 : memref<1x1x120xi32, #tpu.memory_space<vmem>> -> memref<120xi32, #tpu.memory_space<vmem>>
          %dma_start3A_235 = arith.constant 0 : i32
          %dma_start3A_236 = arith.constant 0 : i32
          %dma_start3A_237 = tpu.memref_slice %arg10[%dma_start3A_235, %dma_start3A_236] : memref<10112x128xf32, #tpu.memory_space<vmem_shared>> -> memref<10112x128xf32, #tpu.memory_space<vmem_shared>>
          tpu.enqueue_indirect_dma source(%dma_start3A_231 : memref<120x128xf32, #tpu.memory_space<vmem>>) target(%dma_start3A_237 : memref<10112x128xf32, #tpu.memory_space<vmem_shared>>) offsets(%dma_start3A_234 : memref<120xi32, #tpu.memory_space<vmem>>) semaphore(%run_scoped3A_227 : memref<!tpu.dma_semaphore, #tpu.memory_space<semaphore_mem>>) {add = true}
          %dma_wait3A_238 = arith.constant 0 : i32
          %dma_wait3A_239 = arith.constant 0 : i32
          %dma_wait3A_240 = tpu.memref_slice %arg9[%run_scoped3A, %dma_wait3A_238, %dma_wait3A_239] : memref<3x120x128xf32, #tpu.memory_space<vmem>> -> memref<1x120x128xf32, #tpu.memory_space<vmem>>
          %dma_wait3A_241 = tpu.memref_squeeze %dma_wait3A_240 : memref<1x120x128xf32, #tpu.memory_space<vmem>> -> memref<120x128xf32, #tpu.memory_space<vmem>>
          %dma_wait3A_242 = arith.constant 0 : i32
          %dma_wait3A_243 = tpu.memref_slice %arg8[%run_scoped3A_225, %run_scoped3A_226, %dma_wait3A_242] : memref<3x3x120xi32, #tpu.memory_space<vmem>> -> memref<1x1x120xi32, #tpu.memory_space<vmem>>
          %dma_wait3A_244 = tpu.memref_squeeze %dma_wait3A_243 : memref<1x1x120xi32, #tpu.memory_space<vmem>> -> memref<120xi32, #tpu.memory_space<vmem>>
          %dma_wait3A_245 = arith.constant 0 : i32
          %dma_wait3A_246 = arith.constant 0 : i32
          %dma_wait3A_247 = tpu.memref_slice %arg10[%dma_wait3A_245, %dma_wait3A_246] : memref<10112x128xf32, #tpu.memory_space<vmem_shared>> -> memref<10112x128xf32, #tpu.memory_space<vmem_shared>>
          tpu.wait_indirect_dma semaphore(%run_scoped3A_227 : memref<!tpu.dma_semaphore, #tpu.memory_space<semaphore_mem>>) src(%dma_wait3A_241 : memref<120x128xf32, #tpu.memory_space<vmem>>) dst(%dma_wait3A_247 : memref<10112x128xf32, #tpu.memory_space<vmem_shared>>)
          tpu.yield
        }) : () -> ()
      } else {
      }
      %eq3A_213 = arith.constant 1 : i32
      %eq3A_214 = arith.cmpi eq, %arg0, %eq3A_213 : i32
      %convert_element_type3A_215 = arith.extui %eq3A_214 : i1 to i32
      %cond3A_216 = arith.constant 0 : i32
      %cond3A_217 = arith.cmpi ne, %convert_element_type3A_215, %cond3A_216 : i32
      scf.if %cond3A_217 {
        %run_scoped3A = arith.constant 2 : i32
        %run_scoped3A_225 = arith.constant 2 : i32
        %run_scoped3A_226 = arith.constant 2 : i32
        "tpu.region"() ({
          %run_scoped3A_227 = tpu.sem_alloc : memref<!tpu.dma_semaphore, #tpu.memory_space<semaphore_mem>>
          %dma_start3A_228 = arith.constant 0 : i32
          %dma_start3A_229 = arith.constant 0 : i32
          %dma_start3A_230 = tpu.memref_slice %arg9[%run_scoped3A, %dma_start3A_228, %dma_start3A_229] : memref<3x120x128xf32, #tpu.memory_space<vmem>> -> memref<1x120x128xf32, #tpu.memory_space<vmem>>
          %dma_start3A_231 = tpu.memref_squeeze %dma_start3A_230 : memref<1x120x128xf32, #tpu.memory_space<vmem>> -> memref<120x128xf32, #tpu.memory_space<vmem>>
          %dma_start3A_232 = arith.constant 0 : i32
          %dma_start3A_233 = tpu.memref_slice %arg8[%run_scoped3A_225, %run_scoped3A_226, %dma_start3A_232] : memref<3x3x120xi32, #tpu.memory_space<vmem>> -> memref<1x1x120xi32, #tpu.memory_space<vmem>>
          %dma_start3A_234 = tpu.memref_squeeze %dma_start3A_233 : memref<1x1x120xi32, #tpu.memory_space<vmem>> -> memref<120xi32, #tpu.memory_space<vmem>>
          %dma_start3A_235 = arith.constant 0 : i32
          %dma_start3A_236 = arith.constant 0 : i32
          %dma_start3A_237 = tpu.memref_slice %arg10[%dma_start3A_235, %dma_start3A_236] : memref<10112x128xf32, #tpu.memory_space<vmem_shared>> -> memref<10112x128xf32, #tpu.memory_space<vmem_shared>>
          tpu.enqueue_indirect_dma source(%dma_start3A_231 : memref<120x128xf32, #tpu.memory_space<vmem>>) target(%dma_start3A_237 : memref<10112x128xf32, #tpu.memory_space<vmem_shared>>) offsets(%dma_start3A_234 : memref<120xi32, #tpu.memory_space<vmem>>) semaphore(%run_scoped3A_227 : memref<!tpu.dma_semaphore, #tpu.memory_space<semaphore_mem>>) {add = true}
          %dma_wait3A_238 = arith.constant 0 : i32
          %dma_wait3A_239 = arith.constant 0 : i32
          %dma_wait3A_240 = tpu.memref_slice %arg9[%run_scoped3A, %dma_wait3A_238, %dma_wait3A_239] : memref<3x120x128xf32, #tpu.memory_space<vmem>> -> memref<1x120x128xf32, #tpu.memory_space<vmem>>
          %dma_wait3A_241 = tpu.memref_squeeze %dma_wait3A_240 : memref<1x120x128xf32, #tpu.memory_space<vmem>> -> memref<120x128xf32, #tpu.memory_space<vmem>>
          %dma_wait3A_242 = arith.constant 0 : i32
          %dma_wait3A_243 = tpu.memref_slice %arg8[%run_scoped3A_225, %run_scoped3A_226, %dma_wait3A_242] : memref<3x3x120xi32, #tpu.memory_space<vmem>> -> memref<1x1x120xi32, #tpu.memory_space<vmem>>
          %dma_wait3A_244 = tpu.memref_squeeze %dma_wait3A_243 : memref<1x1x120xi32, #tpu.memory_space<vmem>> -> memref<120xi32, #tpu.memory_space<vmem>>
          %dma_wait3A_245 = arith.constant 0 : i32
          %dma_wait3A_246 = arith.constant 0 : i32
          %dma_wait3A_247 = tpu.memref_slice %arg10[%dma_wait3A_245, %dma_wait3A_246] : memref<10112x128xf32, #tpu.memory_space<vmem_shared>> -> memref<10112x128xf32, #tpu.memory_space<vmem_shared>>
          tpu.wait_indirect_dma semaphore(%run_scoped3A_227 : memref<!tpu.dma_semaphore, #tpu.memory_space<semaphore_mem>>) src(%dma_wait3A_241 : memref<120x128xf32, #tpu.memory_space<vmem>>) dst(%dma_wait3A_247 : memref<10112x128xf32, #tpu.memory_space<vmem_shared>>)
          tpu.yield
        }) : () -> ()
      } else {
      }
      %add3A_218 = arith.constant 3 : i32
      %add3A_219 = arith.addi %add3A_187, %add3A_218 : i32
      %lt3A_220 = arith.constant 168 : i32
      %lt3A_221 = arith.cmpi slt, %add3A_219, %lt3A_220 : i32
      %convert_element_type3A_222 = arith.extui %lt3A_221 : i1 to i32
      %cond3A_223 = arith.constant 0 : i32
      %cond3A_224 = arith.cmpi ne, %convert_element_type3A_222, %cond3A_223 : i32
      scf.if %cond3A_224 {
        %add3A_225 = arith.constant 3 : i32
        %add3A_226 = arith.addi %add3A_187, %add3A_225 : i32
        %mul3A_227 = arith.constant 168 : i32
        %mul3A_228 = arith.muli %arg1, %mul3A_227 : i32
        %add3A_229 = arith.addi %mul3A_228, %add3A_226 : i32
        %dma_start3A_230 = arith.constant 2 : i32
        %dma_start3A_231 = arith.constant 0 : i32
        %dma_start3A_232 = arith.constant 0 : i32
        %dma_start3A_233 = tpu.memref_slice %arg8[%dma_start3A_230, %dma_start3A_231, %dma_start3A_232] : memref<3x3x120xi32, #tpu.memory_space<vmem>> -> memref<1x3x120xi32, #tpu.memory_space<vmem>>
        %dma_start3A_234 = tpu.memref_squeeze %dma_start3A_233 : memref<1x3x120xi32, #tpu.memory_space<vmem>> -> memref<3x120xi32, #tpu.memory_space<vmem>>
        %dma_start3A_235 = arith.constant 0 : i32
        %dma_start3A_236 = arith.constant 0 : i32
        %dma_start3A_237 = tpu.memref_slice %arg4[%add3A_229, %dma_start3A_235, %dma_start3A_236] : memref<2688x3x120xi32, #tpu.memory_space<hbm>> -> memref<1x3x120xi32, #tpu.memory_space<hbm>>
        %dma_start3A_238 = tpu.memref_squeeze %dma_start3A_237 : memref<1x3x120xi32, #tpu.memory_space<hbm>> -> memref<3x120xi32, #tpu.memory_space<hbm>>
        %dma_start3A_239 = arith.constant 0 : i32
        %dma_start3A_240 = arith.constant 0 : i32
        %dma_start3A_241 = tpu.memref_slice %arg8[%dma_start3A_230, %dma_start3A_239, %dma_start3A_240] : memref<3x3x120xi32, #tpu.memory_space<vmem>> -> memref<1x3x120xi32, #tpu.memory_space<vmem>>
        %dma_start3A_242 = tpu.memref_squeeze %dma_start3A_241 : memref<1x3x120xi32, #tpu.memory_space<vmem>> -> memref<3x120xi32, #tpu.memory_space<vmem>>
        %dma_start3A_243 = arith.constant 0 : i32
        %dma_start3A_244 = arith.constant 0 : i32
        %dma_start3A_245 = tpu.memref_slice %arg4[%add3A_229, %dma_start3A_243, %dma_start3A_244] : memref<2688x3x120xi32, #tpu.memory_space<hbm>> -> memref<1x3x120xi32, #tpu.memory_space<hbm>>
        %dma_start3A_246 = tpu.memref_squeeze %dma_start3A_245 : memref<1x3x120xi32, #tpu.memory_space<hbm>> -> memref<3x120xi32, #tpu.memory_space<hbm>>
        tpu.enqueue_dma source(%dma_start3A_246 : memref<3x120xi32, #tpu.memory_space<hbm>>) target(%dma_start3A_242 : memref<3x120xi32, #tpu.memory_space<vmem>>) target_semaphore(%arg13 : memref<!tpu.dma_semaphore, #tpu.memory_space<semaphore_mem>>)
      } else {
      }
    }
    %scan3A_90 = arith.constant 56 : i32
    %barrier3A_91 = arith.constant 0 : index
    tpu.barrier barrier_id(%barrier3A_91)
    %eq3A_92 = arith.constant 0 : i32
    %eq3A_93 = arith.cmpi eq, %arg0, %eq3A_92 : i32
    %convert_element_type3A_94 = arith.extui %eq3A_93 : i1 to i32
    %cond3A_95 = arith.constant 0 : i32
    %cond3A_96 = arith.cmpi ne, %convert_element_type3A_94, %cond3A_95 : i32
    scf.if %cond3A_96 {
      "tpu.region"() ({
        %run_scoped3A = tpu.sem_alloc : memref<!tpu.dma_semaphore, #tpu.memory_space<semaphore_mem>>
        %dma_start3A_102 = arith.constant 0 : i32
        %dma_start3A_103 = tpu.memref_slice %arg6[%multiple_of3A, %dma_start3A_102] : memref<10112x128xf32, #tpu.memory_space<hbm>> -> memref<632x128xf32, #tpu.memory_space<hbm>>
        %dma_start3A_104 = arith.constant 0 : i32
        %dma_start3A_105 = tpu.memref_slice %arg10[%multiple_of3A, %dma_start3A_104] : memref<10112x128xf32, #tpu.memory_space<vmem_shared>> -> memref<632x128xf32, #tpu.memory_space<vmem_shared>>
        tpu.enqueue_dma source(%dma_start3A_105 : memref<632x128xf32, #tpu.memory_space<vmem_shared>>) target(%dma_start3A_103 : memref<632x128xf32, #tpu.memory_space<hbm>>) target_semaphore(%run_scoped3A : memref<!tpu.dma_semaphore, #tpu.memory_space<semaphore_mem>>)
        %dma_wait3A_106 = arith.constant 0 : i32
        %dma_wait3A_107 = tpu.memref_slice %arg6[%multiple_of3A, %dma_wait3A_106] : memref<10112x128xf32, #tpu.memory_space<hbm>> -> memref<632x128xf32, #tpu.memory_space<hbm>>
        %dma_wait3A_108 = arith.constant 0 : i32
        %dma_wait3A_109 = tpu.memref_slice %arg10[%multiple_of3A, %dma_wait3A_108] : memref<10112x128xf32, #tpu.memory_space<vmem_shared>> -> memref<632x128xf32, #tpu.memory_space<vmem_shared>>
        tpu.wait_dma2 semaphore(%run_scoped3A : memref<!tpu.dma_semaphore, #tpu.memory_space<semaphore_mem>>) src(%dma_wait3A_109 : memref<632x128xf32, #tpu.memory_space<vmem_shared>>) dst(%dma_wait3A_107 : memref<632x128xf32, #tpu.memory_space<hbm>>)
        tpu.yield
      }) : () -> ()
    } else {
    }
    %eq3A_97 = arith.constant 1 : i32
    %eq3A_98 = arith.cmpi eq, %arg0, %eq3A_97 : i32
    %convert_element_type3A_99 = arith.extui %eq3A_98 : i1 to i32
    %cond3A_100 = arith.constant 0 : i32
    %cond3A_101 = arith.cmpi ne, %convert_element_type3A_99, %cond3A_100 : i32
    scf.if %cond3A_101 {
      "tpu.region"() ({
        %run_scoped3A = tpu.sem_alloc : memref<!tpu.dma_semaphore, #tpu.memory_space<semaphore_mem>>
        %dma_start3A_102 = arith.constant 0 : i32
        %dma_start3A_103 = tpu.memref_slice %arg7[%multiple_of3A, %dma_start3A_102] : memref<10112x128xf32, #tpu.memory_space<hbm>> -> memref<632x128xf32, #tpu.memory_space<hbm>>
        %dma_start3A_104 = arith.constant 0 : i32
        %dma_start3A_105 = tpu.memref_slice %arg10[%multiple_of3A, %dma_start3A_104] : memref<10112x128xf32, #tpu.memory_space<vmem_shared>> -> memref<632x128xf32, #tpu.memory_space<vmem_shared>>
        tpu.enqueue_dma source(%dma_start3A_105 : memref<632x128xf32, #tpu.memory_space<vmem_shared>>) target(%dma_start3A_103 : memref<632x128xf32, #tpu.memory_space<hbm>>) target_semaphore(%run_scoped3A : memref<!tpu.dma_semaphore, #tpu.memory_space<semaphore_mem>>)
        %dma_wait3A_106 = arith.constant 0 : i32
        %dma_wait3A_107 = tpu.memref_slice %arg7[%multiple_of3A, %dma_wait3A_106] : memref<10112x128xf32, #tpu.memory_space<hbm>> -> memref<632x128xf32, #tpu.memory_space<hbm>>
        %dma_wait3A_108 = arith.constant 0 : i32
        %dma_wait3A_109 = tpu.memref_slice %arg10[%multiple_of3A, %dma_wait3A_108] : memref<10112x128xf32, #tpu.memory_space<vmem_shared>> -> memref<632x128xf32, #tpu.memory_space<vmem_shared>>
        tpu.wait_dma2 semaphore(%run_scoped3A : memref<!tpu.dma_semaphore, #tpu.memory_space<semaphore_mem>>) src(%dma_wait3A_109 : memref<632x128xf32, #tpu.memory_space<vmem_shared>>) dst(%dma_wait3A_107 : memref<632x128xf32, #tpu.memory_space<hbm>>)
        tpu.yield
      }) : () -> ()
    } else {
    }
    return
  }
}

#map = affine_map<(d0, d1) -> (0, 0)>
#map1 = affine_map<(d0, d1) -> (0, 0, 0)>
module attributes {stable_mosaic.version = 14 : i64} {
  func.func @body(%arg0: i32, %arg1: i32, %arg2: memref<10112x64xf32, #tpu.memory_space<hbm>>, %arg3: memref<10112x64xf32, #tpu.memory_space<hbm>>, %arg4: memref<4032x3x80xi32, #tpu.memory_space<hbm>>, %arg5: memref<10112x64xf32, #tpu.memory_space<hbm>>, %arg6: memref<240x128xf32, #tpu.memory_space<hbm>>, %arg7: memref<10112x64xf32, #tpu.memory_space<hbm>>, %arg8: memref<10112x64xf32, #tpu.memory_space<hbm>>, %arg9: memref<10112x64xf32, #tpu.memory_space<hbm>>, %arg10: memref<10112x64xf32, #tpu.memory_space<hbm>>, %arg11: memref<240x128xf32, #tpu.memory_space<hbm>>, %arg12: memref<3x3x80xi32, #tpu.memory_space<vmem>>, %arg13: memref<3x80x64xf32, #tpu.memory_space<vmem>>, %arg14: memref<3x80x128xf32, #tpu.memory_space<vmem>>, %arg15: memref<3x80xi32, #tpu.memory_space<vmem>>, %arg16: memref<10112x64xf32, #tpu.memory_space<vmem_shared>>, %arg17: memref<10112x64xf32, #tpu.memory_space<vmem_shared>>, %arg18: memref<240x128xf32, #tpu.memory_space<vmem_shared>>, %arg19: memref<!tpu.dma_semaphore, #tpu.memory_space<semaphore_mem>>, %arg20: memref<!tpu.dma_semaphore, #tpu.memory_space<semaphore_mem>>, %arg21: memref<!tpu.dma_semaphore, #tpu.memory_space<semaphore_mem>>, %arg22: memref<!tpu.dma_semaphore, #tpu.memory_space<semaphore_mem>>, %arg23: memref<!tpu.dma_semaphore, #tpu.memory_space<semaphore_mem>>, %arg24: memref<!tpu.dma_semaphore, #tpu.memory_space<semaphore_mem>>, %arg25: memref<!tpu.dma_semaphore, #tpu.memory_space<semaphore_mem>>) attributes {dimension_semantics = [#tpu.dimension_semantics<core_parallel>, #tpu.dimension_semantics<subcore_parallel>], iteration_bounds = array<i64: 2, 16>, scalar_prefetch = 0 : i64, scratch_operands = 14 : i64, tpu.core_type = #tpu.core_type<sc_vector_subcore>, window_params = [{transform_indices = #map}, {transform_indices = #map}, {transform_indices = #map1}, {transform_indices = #map}, {transform_indices = #map}, {transform_indices = #map}, {transform_indices = #map}, {transform_indices = #map}, {transform_indices = #map}, {transform_indices = #map}]} {
    %mul3A = arith.constant 632 : i32
    %mul3A_0 = arith.muli %arg1, %mul3A : i32
    %multiple_of3A = tpu.assume_multiple %mul3A_0, 8 : i32
    "tpu.region"() ({
      %run_scoped3A = tpu.sem_alloc : memref<!tpu.dma_semaphore, #tpu.memory_space<semaphore_mem>>
      %dma_start3A_108 = arith.constant 0 : i32
      %dma_start3A_109 = tpu.memref_slice %arg16[%multiple_of3A, %dma_start3A_108] : memref<10112x64xf32, #tpu.memory_space<vmem_shared>> -> memref<632x64xf32, #tpu.memory_space<vmem_shared>>
      %dma_start3A_110 = arith.constant 0 : i32
      %dma_start3A_111 = tpu.memref_slice %arg5[%multiple_of3A, %dma_start3A_110] : memref<10112x64xf32, #tpu.memory_space<hbm>> -> memref<632x64xf32, #tpu.memory_space<hbm>>
      tpu.enqueue_dma source(%dma_start3A_111 : memref<632x64xf32, #tpu.memory_space<hbm>>) target(%dma_start3A_109 : memref<632x64xf32, #tpu.memory_space<vmem_shared>>) target_semaphore(%run_scoped3A : memref<!tpu.dma_semaphore, #tpu.memory_space<semaphore_mem>>)
      %dma_wait3A_112 = arith.constant 0 : i32
      %dma_wait3A_113 = tpu.memref_slice %arg16[%multiple_of3A, %dma_wait3A_112] : memref<10112x64xf32, #tpu.memory_space<vmem_shared>> -> memref<632x64xf32, #tpu.memory_space<vmem_shared>>
      %dma_wait3A_114 = arith.constant 0 : i32
      %dma_wait3A_115 = tpu.memref_slice %arg5[%multiple_of3A, %dma_wait3A_114] : memref<10112x64xf32, #tpu.memory_space<hbm>> -> memref<632x64xf32, #tpu.memory_space<hbm>>
      tpu.wait_dma2 semaphore(%run_scoped3A : memref<!tpu.dma_semaphore, #tpu.memory_space<semaphore_mem>>) src(%dma_wait3A_115 : memref<632x64xf32, #tpu.memory_space<hbm>>) dst(%dma_wait3A_113 : memref<632x64xf32, #tpu.memory_space<vmem_shared>>)
      tpu.yield
    }) : () -> ()
    "tpu.region"() ({
      %run_scoped3A = tpu.sem_alloc : memref<!tpu.dma_semaphore, #tpu.memory_space<semaphore_mem>>
      %dma_start3A_108 = arith.constant 0 : i32
      %dma_start3A_109 = tpu.memref_slice %arg17[%multiple_of3A, %dma_start3A_108] : memref<10112x64xf32, #tpu.memory_space<vmem_shared>> -> memref<632x64xf32, #tpu.memory_space<vmem_shared>>
      %dma_start3A_110 = arith.constant 0 : i32
      %dma_start3A_111 = tpu.memref_slice %arg5[%multiple_of3A, %dma_start3A_110] : memref<10112x64xf32, #tpu.memory_space<hbm>> -> memref<632x64xf32, #tpu.memory_space<hbm>>
      tpu.enqueue_dma source(%dma_start3A_111 : memref<632x64xf32, #tpu.memory_space<hbm>>) target(%dma_start3A_109 : memref<632x64xf32, #tpu.memory_space<vmem_shared>>) target_semaphore(%run_scoped3A : memref<!tpu.dma_semaphore, #tpu.memory_space<semaphore_mem>>)
      %dma_wait3A_112 = arith.constant 0 : i32
      %dma_wait3A_113 = tpu.memref_slice %arg17[%multiple_of3A, %dma_wait3A_112] : memref<10112x64xf32, #tpu.memory_space<vmem_shared>> -> memref<632x64xf32, #tpu.memory_space<vmem_shared>>
      %dma_wait3A_114 = arith.constant 0 : i32
      %dma_wait3A_115 = tpu.memref_slice %arg5[%multiple_of3A, %dma_wait3A_114] : memref<10112x64xf32, #tpu.memory_space<hbm>> -> memref<632x64xf32, #tpu.memory_space<hbm>>
      tpu.wait_dma2 semaphore(%run_scoped3A : memref<!tpu.dma_semaphore, #tpu.memory_space<semaphore_mem>>) src(%dma_wait3A_115 : memref<632x64xf32, #tpu.memory_space<hbm>>) dst(%dma_wait3A_113 : memref<632x64xf32, #tpu.memory_space<vmem_shared>>)
      tpu.yield
    }) : () -> ()
    %eq3A = arith.constant 0 : i32
    %eq3A_1 = arith.cmpi eq, %arg0, %eq3A : i32
    %convert_element_type3A = arith.extui %eq3A_1 : i1 to i32
    %cond3A = arith.constant 0 : i32
    %cond3A_2 = arith.cmpi ne, %convert_element_type3A, %cond3A : i32
    scf.if %cond3A_2 {
      %broadcast_in_dim3A_108 = arith.constant 0.000000e+00 : f32
      %broadcast_in_dim3A_109 = vector.broadcast %broadcast_in_dim3A_108 : f32 to vector<16xf32>
      %scan3A_110 = arith.constant 0 : i32
      %scan3A_111 = arith.constant 0 : i32
      %scan3A_112 = arith.constant 0 : i32
      %scan3A_113 = arith.constant 640 : i32
      %scan3A_114 = arith.addi %scan3A_112, %scan3A_113 : i32
      %scan3A_115 = arith.constant 1 : i32
      scf.for %scan3A_158 = %scan3A_112 to %scan3A_114 step %scan3A_115  : i32 {
        %jit3A = arith.constant 8 : i32
        %div3A = arith.divsi %scan3A_158, %jit3A : i32
        %sign3A = arith.constant 0 : i32
        %sign3A_159 = arith.cmpi sgt, %scan3A_158, %sign3A : i32
        %sign3A_160 = arith.extui %sign3A_159 : i1 to i32
        %sign3A_161 = arith.constant 0 : i32
        %sign3A_162 = arith.cmpi slt, %scan3A_158, %sign3A_161 : i32
        %sign3A_163 = arith.extui %sign3A_162 : i1 to i32
        %sign3A_164 = arith.subi %sign3A_160, %sign3A_163 : i32
        %sign3A_165 = arith.constant 0 : i32
        %sign3A_166 = arith.cmpi sgt, %jit3A, %sign3A_165 : i32
        %sign3A_167 = arith.extui %sign3A_166 : i1 to i32
        %sign3A_168 = arith.constant 0 : i32
        %sign3A_169 = arith.cmpi slt, %jit3A, %sign3A_168 : i32
        %sign3A_170 = arith.extui %sign3A_169 : i1 to i32
        %sign3A_171 = arith.subi %sign3A_167, %sign3A_170 : i32
        %ne3A = arith.cmpi ne, %sign3A_164, %sign3A_171 : i32
        %rem3A = arith.remsi %scan3A_158, %jit3A : i32
        %ne3A_172 = arith.constant 0 : i32
        %ne3A_173 = arith.cmpi ne, %rem3A, %ne3A_172 : i32
        %and3A = arith.andi %ne3A, %ne3A_173 : i1
        %sub3A = arith.constant 1 : i32
        %sub3A_174 = arith.subi %div3A, %sub3A : i32
        %select_n3A = arith.select %and3A, %sub3A_174, %div3A : i32
        %jit3A_175 = arith.constant 8 : i32
        %eq3A_176 = arith.constant 0 : i32
        %eq3A_177 = arith.cmpi eq, %jit3A_175, %eq3A_176 : i32
        %jit3A_178 = arith.constant 1 : i32
        %select_n3A_179 = arith.select %eq3A_177, %jit3A_178, %jit3A_175 : i32
        %rem3A_180 = arith.remsi %scan3A_158, %select_n3A_179 : i32
        %ne3A_181 = arith.constant 0 : i32
        %ne3A_182 = arith.cmpi ne, %rem3A_180, %ne3A_181 : i32
        %lt3A = arith.constant 0 : i32
        %lt3A_183 = arith.cmpi slt, %rem3A_180, %lt3A : i32
        %lt3A_184 = arith.constant 0 : i32
        %lt3A_185 = arith.cmpi slt, %select_n3A_179, %lt3A_184 : i32
        %ne3A_186 = arith.xori %lt3A_183, %lt3A_185 : i1
        %and3A_187 = arith.andi %ne3A_186, %ne3A_182 : i1
        %add3A_188 = arith.addi %rem3A_180, %select_n3A_179 : i32
        %select_n3A_189 = arith.select %and3A_187, %add3A_188, %rem3A_180 : i32
        %mul3A_190 = arith.constant 16 : i32
        %mul3A_191 = arith.muli %select_n3A_189, %mul3A_190 : i32
        %swap3A = arith.constant 0 : i32
        %swap3A_192 = arith.constant 0 : i32
        %swap3A_193 = tpu.memref_slice %arg14[%scan3A_111, %swap3A, %swap3A_192] : memref<3x80x128xf32, #tpu.memory_space<vmem>> -> memref<1x80x128xf32, #tpu.memory_space<vmem>>
        %swap3A_194 = tpu.memref_squeeze %swap3A_193 : memref<1x80x128xf32, #tpu.memory_space<vmem>> -> memref<80x128xf32, #tpu.memory_space<vmem>>
        %swap3A_195 = arith.index_cast %select_n3A : i32 to index
        %swap3A_196 = arith.index_cast %mul3A_191 : i32 to index
        %swap3A_197 = tpu.vector_load %swap3A_194[%swap3A_195, %swap3A_196] {strides = array<i32>} : memref<80x128xf32, #tpu.memory_space<vmem>>, vector<16xf32>,
        tpu.vector_store %swap3A_194[%swap3A_195, %swap3A_196], %broadcast_in_dim3A_109 {strides = array<i32>} : memref<80x128xf32, #tpu.memory_space<vmem>>, vector<16xf32>,
      }
      %scan3A_116 = arith.constant 640 : i32
      %broadcast_in_dim3A_117 = arith.constant 0.000000e+00 : f32
      %broadcast_in_dim3A_118 = vector.broadcast %broadcast_in_dim3A_117 : f32 to vector<16xf32>
      %scan3A_119 = arith.constant 0 : i32
      %scan3A_120 = arith.constant 1 : i32
      %scan3A_121 = arith.constant 0 : i32
      %scan3A_122 = arith.constant 640 : i32
      %scan3A_123 = arith.addi %scan3A_121, %scan3A_122 : i32
      %scan3A_124 = arith.constant 1 : i32
      scf.for %scan3A_158 = %scan3A_121 to %scan3A_123 step %scan3A_124  : i32 {
        %jit3A = arith.constant 8 : i32
        %div3A = arith.divsi %scan3A_158, %jit3A : i32
        %sign3A = arith.constant 0 : i32
        %sign3A_159 = arith.cmpi sgt, %scan3A_158, %sign3A : i32
        %sign3A_160 = arith.extui %sign3A_159 : i1 to i32
        %sign3A_161 = arith.constant 0 : i32
        %sign3A_162 = arith.cmpi slt, %scan3A_158, %sign3A_161 : i32
        %sign3A_163 = arith.extui %sign3A_162 : i1 to i32
        %sign3A_164 = arith.subi %sign3A_160, %sign3A_163 : i32
        %sign3A_165 = arith.constant 0 : i32
        %sign3A_166 = arith.cmpi sgt, %jit3A, %sign3A_165 : i32
        %sign3A_167 = arith.extui %sign3A_166 : i1 to i32
        %sign3A_168 = arith.constant 0 : i32
        %sign3A_169 = arith.cmpi slt, %jit3A, %sign3A_168 : i32
        %sign3A_170 = arith.extui %sign3A_169 : i1 to i32
        %sign3A_171 = arith.subi %sign3A_167, %sign3A_170 : i32
        %ne3A = arith.cmpi ne, %sign3A_164, %sign3A_171 : i32
        %rem3A = arith.remsi %scan3A_158, %jit3A : i32
        %ne3A_172 = arith.constant 0 : i32
        %ne3A_173 = arith.cmpi ne, %rem3A, %ne3A_172 : i32
        %and3A = arith.andi %ne3A, %ne3A_173 : i1
        %sub3A = arith.constant 1 : i32
        %sub3A_174 = arith.subi %div3A, %sub3A : i32
        %select_n3A = arith.select %and3A, %sub3A_174, %div3A : i32
        %jit3A_175 = arith.constant 8 : i32
        %eq3A_176 = arith.constant 0 : i32
        %eq3A_177 = arith.cmpi eq, %jit3A_175, %eq3A_176 : i32
        %jit3A_178 = arith.constant 1 : i32
        %select_n3A_179 = arith.select %eq3A_177, %jit3A_178, %jit3A_175 : i32
        %rem3A_180 = arith.remsi %scan3A_158, %select_n3A_179 : i32
        %ne3A_181 = arith.constant 0 : i32
        %ne3A_182 = arith.cmpi ne, %rem3A_180, %ne3A_181 : i32
        %lt3A = arith.constant 0 : i32
        %lt3A_183 = arith.cmpi slt, %rem3A_180, %lt3A : i32
        %lt3A_184 = arith.constant 0 : i32
        %lt3A_185 = arith.cmpi slt, %select_n3A_179, %lt3A_184 : i32
        %ne3A_186 = arith.xori %lt3A_183, %lt3A_185 : i1
        %and3A_187 = arith.andi %ne3A_186, %ne3A_182 : i1
        %add3A_188 = arith.addi %rem3A_180, %select_n3A_179 : i32
        %select_n3A_189 = arith.select %and3A_187, %add3A_188, %rem3A_180 : i32
        %mul3A_190 = arith.constant 16 : i32
        %mul3A_191 = arith.muli %select_n3A_189, %mul3A_190 : i32
        %swap3A = arith.constant 0 : i32
        %swap3A_192 = arith.constant 0 : i32
        %swap3A_193 = tpu.memref_slice %arg14[%scan3A_120, %swap3A, %swap3A_192] : memref<3x80x128xf32, #tpu.memory_space<vmem>> -> memref<1x80x128xf32, #tpu.memory_space<vmem>>
        %swap3A_194 = tpu.memref_squeeze %swap3A_193 : memref<1x80x128xf32, #tpu.memory_space<vmem>> -> memref<80x128xf32, #tpu.memory_space<vmem>>
        %swap3A_195 = arith.index_cast %select_n3A : i32 to index
        %swap3A_196 = arith.index_cast %mul3A_191 : i32 to index
        %swap3A_197 = tpu.vector_load %swap3A_194[%swap3A_195, %swap3A_196] {strides = array<i32>} : memref<80x128xf32, #tpu.memory_space<vmem>>, vector<16xf32>,
        tpu.vector_store %swap3A_194[%swap3A_195, %swap3A_196], %broadcast_in_dim3A_118 {strides = array<i32>} : memref<80x128xf32, #tpu.memory_space<vmem>>, vector<16xf32>,
      }
      %scan3A_125 = arith.constant 640 : i32
      %broadcast_in_dim3A_126 = arith.constant 0.000000e+00 : f32
      %broadcast_in_dim3A_127 = vector.broadcast %broadcast_in_dim3A_126 : f32 to vector<16xf32>
      %scan3A_128 = arith.constant 0 : i32
      %scan3A_129 = arith.constant 2 : i32
      %scan3A_130 = arith.constant 0 : i32
      %scan3A_131 = arith.constant 640 : i32
      %scan3A_132 = arith.addi %scan3A_130, %scan3A_131 : i32
      %scan3A_133 = arith.constant 1 : i32
      scf.for %scan3A_158 = %scan3A_130 to %scan3A_132 step %scan3A_133  : i32 {
        %jit3A = arith.constant 8 : i32
        %div3A = arith.divsi %scan3A_158, %jit3A : i32
        %sign3A = arith.constant 0 : i32
        %sign3A_159 = arith.cmpi sgt, %scan3A_158, %sign3A : i32
        %sign3A_160 = arith.extui %sign3A_159 : i1 to i32
        %sign3A_161 = arith.constant 0 : i32
        %sign3A_162 = arith.cmpi slt, %scan3A_158, %sign3A_161 : i32
        %sign3A_163 = arith.extui %sign3A_162 : i1 to i32
        %sign3A_164 = arith.subi %sign3A_160, %sign3A_163 : i32
        %sign3A_165 = arith.constant 0 : i32
        %sign3A_166 = arith.cmpi sgt, %jit3A, %sign3A_165 : i32
        %sign3A_167 = arith.extui %sign3A_166 : i1 to i32
        %sign3A_168 = arith.constant 0 : i32
        %sign3A_169 = arith.cmpi slt, %jit3A, %sign3A_168 : i32
        %sign3A_170 = arith.extui %sign3A_169 : i1 to i32
        %sign3A_171 = arith.subi %sign3A_167, %sign3A_170 : i32
        %ne3A = arith.cmpi ne, %sign3A_164, %sign3A_171 : i32
        %rem3A = arith.remsi %scan3A_158, %jit3A : i32
        %ne3A_172 = arith.constant 0 : i32
        %ne3A_173 = arith.cmpi ne, %rem3A, %ne3A_172 : i32
        %and3A = arith.andi %ne3A, %ne3A_173 : i1
        %sub3A = arith.constant 1 : i32
        %sub3A_174 = arith.subi %div3A, %sub3A : i32
        %select_n3A = arith.select %and3A, %sub3A_174, %div3A : i32
        %jit3A_175 = arith.constant 8 : i32
        %eq3A_176 = arith.constant 0 : i32
        %eq3A_177 = arith.cmpi eq, %jit3A_175, %eq3A_176 : i32
        %jit3A_178 = arith.constant 1 : i32
        %select_n3A_179 = arith.select %eq3A_177, %jit3A_178, %jit3A_175 : i32
        %rem3A_180 = arith.remsi %scan3A_158, %select_n3A_179 : i32
        %ne3A_181 = arith.constant 0 : i32
        %ne3A_182 = arith.cmpi ne, %rem3A_180, %ne3A_181 : i32
        %lt3A = arith.constant 0 : i32
        %lt3A_183 = arith.cmpi slt, %rem3A_180, %lt3A : i32
        %lt3A_184 = arith.constant 0 : i32
        %lt3A_185 = arith.cmpi slt, %select_n3A_179, %lt3A_184 : i32
        %ne3A_186 = arith.xori %lt3A_183, %lt3A_185 : i1
        %and3A_187 = arith.andi %ne3A_186, %ne3A_182 : i1
        %add3A_188 = arith.addi %rem3A_180, %select_n3A_179 : i32
        %select_n3A_189 = arith.select %and3A_187, %add3A_188, %rem3A_180 : i32
        %mul3A_190 = arith.constant 16 : i32
        %mul3A_191 = arith.muli %select_n3A_189, %mul3A_190 : i32
        %swap3A = arith.constant 0 : i32
        %swap3A_192 = arith.constant 0 : i32
        %swap3A_193 = tpu.memref_slice %arg14[%scan3A_129, %swap3A, %swap3A_192] : memref<3x80x128xf32, #tpu.memory_space<vmem>> -> memref<1x80x128xf32, #tpu.memory_space<vmem>>
        %swap3A_194 = tpu.memref_squeeze %swap3A_193 : memref<1x80x128xf32, #tpu.memory_space<vmem>> -> memref<80x128xf32, #tpu.memory_space<vmem>>
        %swap3A_195 = arith.index_cast %select_n3A : i32 to index
        %swap3A_196 = arith.index_cast %mul3A_191 : i32 to index
        %swap3A_197 = tpu.vector_load %swap3A_194[%swap3A_195, %swap3A_196] {strides = array<i32>} : memref<80x128xf32, #tpu.memory_space<vmem>>, vector<16xf32>,
        tpu.vector_store %swap3A_194[%swap3A_195, %swap3A_196], %broadcast_in_dim3A_127 {strides = array<i32>} : memref<80x128xf32, #tpu.memory_space<vmem>>, vector<16xf32>,
      }
      %scan3A_134 = arith.constant 640 : i32
      %iota3A = tpu.iota {dimensions = array<i32: 0>} : vector<16xi32>
      %scan3A_135 = arith.constant 0 : i32
      %scan3A_136 = arith.constant 0 : i32
      %scan3A_137 = arith.constant 5 : i32
      %scan3A_138 = arith.addi %scan3A_136, %scan3A_137 : i32
      %scan3A_139 = arith.constant 1 : i32
      scf.for %scan3A_158 = %scan3A_136 to %scan3A_138 step %scan3A_139  : i32 {
        %mul3A_159 = arith.constant 16 : i32
        %mul3A_160 = arith.muli %scan3A_158, %mul3A_159 : i32
        %add3A_161 = arith.constant 0 : i32
        %add3A_162 = arith.addi %add3A_161, %mul3A_160 : i32
        %add3A_163 = vector.broadcast %add3A_162 : i32 to vector<16xi32>
        %add3A_164 = arith.addi %iota3A, %add3A_163 : vector<16xi32>
        %mul3A_165 = arith.constant 16 : i32
        %mul3A_166 = arith.muli %scan3A_158, %mul3A_165 : i32
        %swap3A = arith.constant 0 : i32
        %swap3A_167 = arith.index_cast %swap3A : i32 to index
        %swap3A_168 = arith.index_cast %mul3A_166 : i32 to index
        %swap3A_169 = tpu.vector_load %arg15[%swap3A_167, %swap3A_168] {strides = array<i32>} : memref<3x80xi32, #tpu.memory_space<vmem>>, vector<16xi32>,
        tpu.vector_store %arg15[%swap3A_167, %swap3A_168], %add3A_164 {strides = array<i32>} : memref<3x80xi32, #tpu.memory_space<vmem>>, vector<16xi32>,
      }
      %scan3A_140 = arith.constant 5 : i32
      %scan3A_141 = arith.constant 0 : i32
      %scan3A_142 = arith.constant 0 : i32
      %scan3A_143 = arith.constant 5 : i32
      %scan3A_144 = arith.addi %scan3A_142, %scan3A_143 : i32
      %scan3A_145 = arith.constant 1 : i32
      scf.for %scan3A_158 = %scan3A_142 to %scan3A_144 step %scan3A_145  : i32 {
        %mul3A_159 = arith.constant 16 : i32
        %mul3A_160 = arith.muli %scan3A_158, %mul3A_159 : i32
        %add3A_161 = arith.constant 80 : i32
        %add3A_162 = arith.addi %add3A_161, %mul3A_160 : i32
        %add3A_163 = vector.broadcast %add3A_162 : i32 to vector<16xi32>
        %add3A_164 = arith.addi %iota3A, %add3A_163 : vector<16xi32>
        %mul3A_165 = arith.constant 16 : i32
        %mul3A_166 = arith.muli %scan3A_158, %mul3A_165 : i32
        %swap3A = arith.constant 1 : i32
        %swap3A_167 = arith.index_cast %swap3A : i32 to index
        %swap3A_168 = arith.index_cast %mul3A_166 : i32 to index
        %swap3A_169 = tpu.vector_load %arg15[%swap3A_167, %swap3A_168] {strides = array<i32>} : memref<3x80xi32, #tpu.memory_space<vmem>>, vector<16xi32>,
        tpu.vector_store %arg15[%swap3A_167, %swap3A_168], %add3A_164 {strides = array<i32>} : memref<3x80xi32, #tpu.memory_space<vmem>>, vector<16xi32>,
      }
      %scan3A_146 = arith.constant 5 : i32
      %scan3A_147 = arith.constant 0 : i32
      %scan3A_148 = arith.constant 0 : i32
      %scan3A_149 = arith.constant 5 : i32
      %scan3A_150 = arith.addi %scan3A_148, %scan3A_149 : i32
      %scan3A_151 = arith.constant 1 : i32
      scf.for %scan3A_158 = %scan3A_148 to %scan3A_150 step %scan3A_151  : i32 {
        %mul3A_159 = arith.constant 16 : i32
        %mul3A_160 = arith.muli %scan3A_158, %mul3A_159 : i32
        %add3A_161 = arith.constant 160 : i32
        %add3A_162 = arith.addi %add3A_161, %mul3A_160 : i32
        %add3A_163 = vector.broadcast %add3A_162 : i32 to vector<16xi32>
        %add3A_164 = arith.addi %iota3A, %add3A_163 : vector<16xi32>
        %mul3A_165 = arith.constant 16 : i32
        %mul3A_166 = arith.muli %scan3A_158, %mul3A_165 : i32
        %swap3A = arith.constant 2 : i32
        %swap3A_167 = arith.index_cast %swap3A : i32 to index
        %swap3A_168 = arith.index_cast %mul3A_166 : i32 to index
        %swap3A_169 = tpu.vector_load %arg15[%swap3A_167, %swap3A_168] {strides = array<i32>} : memref<3x80xi32, #tpu.memory_space<vmem>>, vector<16xi32>,
        tpu.vector_store %arg15[%swap3A_167, %swap3A_168], %add3A_164 {strides = array<i32>} : memref<3x80xi32, #tpu.memory_space<vmem>>, vector<16xi32>,
      }
      %scan3A_152 = arith.constant 5 : i32
      %eq3A_153 = arith.constant 0 : i32
      %eq3A_154 = arith.cmpi eq, %arg1, %eq3A_153 : i32
      %convert_element_type3A_155 = arith.extui %eq3A_154 : i1 to i32
      %cond3A_156 = arith.constant 0 : i32
      %cond3A_157 = arith.cmpi ne, %convert_element_type3A_155, %cond3A_156 : i32
      scf.if %cond3A_157 {
        "tpu.region"() ({
          %run_scoped3A = tpu.sem_alloc : memref<!tpu.dma_semaphore, #tpu.memory_space<semaphore_mem>>
          tpu.enqueue_dma source(%arg6 : memref<240x128xf32, #tpu.memory_space<hbm>>) target(%arg18 : memref<240x128xf32, #tpu.memory_space<vmem_shared>>) target_semaphore(%run_scoped3A : memref<!tpu.dma_semaphore, #tpu.memory_space<semaphore_mem>>)
          tpu.wait_dma2 semaphore(%run_scoped3A : memref<!tpu.dma_semaphore, #tpu.memory_space<semaphore_mem>>) src(%arg6 : memref<240x128xf32, #tpu.memory_space<hbm>>) dst(%arg18 : memref<240x128xf32, #tpu.memory_space<vmem_shared>>)
          tpu.yield
        }) : () -> ()
      } else {
      }
    } else {
    }
    %broadcast_in_dim3A = arith.constant 1.000000e+00 : f32
    %broadcast_in_dim3A_3 = vector.broadcast %broadcast_in_dim3A : f32 to vector<16xf32>
    %mul3A_4 = arith.constant 252 : i32
    %mul3A_5 = arith.muli %arg1, %mul3A_4 : i32
    %add3A = arith.constant 0 : i32
    %add3A_6 = arith.addi %mul3A_5, %add3A : i32
    %dma_start3A = arith.constant 0 : i32
    %dma_start3A_7 = arith.constant 0 : i32
    %dma_start3A_8 = arith.constant 0 : i32
    %dma_start3A_9 = tpu.memref_slice %arg12[%dma_start3A, %dma_start3A_7, %dma_start3A_8] : memref<3x3x80xi32, #tpu.memory_space<vmem>> -> memref<1x3x80xi32, #tpu.memory_space<vmem>>
    %dma_start3A_10 = tpu.memref_squeeze %dma_start3A_9 : memref<1x3x80xi32, #tpu.memory_space<vmem>> -> memref<3x80xi32, #tpu.memory_space<vmem>>
    %dma_start3A_11 = arith.constant 0 : i32
    %dma_start3A_12 = arith.constant 0 : i32
    %dma_start3A_13 = tpu.memref_slice %arg4[%add3A_6, %dma_start3A_11, %dma_start3A_12] : memref<4032x3x80xi32, #tpu.memory_space<hbm>> -> memref<1x3x80xi32, #tpu.memory_space<hbm>>
    %dma_start3A_14 = tpu.memref_squeeze %dma_start3A_13 : memref<1x3x80xi32, #tpu.memory_space<hbm>> -> memref<3x80xi32, #tpu.memory_space<hbm>>
    %dma_start3A_15 = arith.constant 0 : i32
    %dma_start3A_16 = arith.constant 0 : i32
    %dma_start3A_17 = tpu.memref_slice %arg12[%dma_start3A, %dma_start3A_15, %dma_start3A_16] : memref<3x3x80xi32, #tpu.memory_space<vmem>> -> memref<1x3x80xi32, #tpu.memory_space<vmem>>
    %dma_start3A_18 = tpu.memref_squeeze %dma_start3A_17 : memref<1x3x80xi32, #tpu.memory_space<vmem>> -> memref<3x80xi32, #tpu.memory_space<vmem>>
    %dma_start3A_19 = arith.constant 0 : i32
    %dma_start3A_20 = arith.constant 0 : i32
    %dma_start3A_21 = tpu.memref_slice %arg4[%add3A_6, %dma_start3A_19, %dma_start3A_20] : memref<4032x3x80xi32, #tpu.memory_space<hbm>> -> memref<1x3x80xi32, #tpu.memory_space<hbm>>
    %dma_start3A_22 = tpu.memref_squeeze %dma_start3A_21 : memref<1x3x80xi32, #tpu.memory_space<hbm>> -> memref<3x80xi32, #tpu.memory_space<hbm>>
    tpu.enqueue_dma source(%dma_start3A_22 : memref<3x80xi32, #tpu.memory_space<hbm>>) target(%dma_start3A_18 : memref<3x80xi32, #tpu.memory_space<vmem>>) target_semaphore(%arg19 : memref<!tpu.dma_semaphore, #tpu.memory_space<semaphore_mem>>)
    %mul3A_23 = arith.constant 252 : i32
    %mul3A_24 = arith.muli %arg1, %mul3A_23 : i32
    %add3A_25 = arith.constant 1 : i32
    %add3A_26 = arith.addi %mul3A_24, %add3A_25 : i32
    %dma_start3A_27 = arith.constant 1 : i32
    %dma_start3A_28 = arith.constant 0 : i32
    %dma_start3A_29 = arith.constant 0 : i32
    %dma_start3A_30 = tpu.memref_slice %arg12[%dma_start3A_27, %dma_start3A_28, %dma_start3A_29] : memref<3x3x80xi32, #tpu.memory_space<vmem>> -> memref<1x3x80xi32, #tpu.memory_space<vmem>>
    %dma_start3A_31 = tpu.memref_squeeze %dma_start3A_30 : memref<1x3x80xi32, #tpu.memory_space<vmem>> -> memref<3x80xi32, #tpu.memory_space<vmem>>
    %dma_start3A_32 = arith.constant 0 : i32
    %dma_start3A_33 = arith.constant 0 : i32
    %dma_start3A_34 = tpu.memref_slice %arg4[%add3A_26, %dma_start3A_32, %dma_start3A_33] : memref<4032x3x80xi32, #tpu.memory_space<hbm>> -> memref<1x3x80xi32, #tpu.memory_space<hbm>>
    %dma_start3A_35 = tpu.memref_squeeze %dma_start3A_34 : memref<1x3x80xi32, #tpu.memory_space<hbm>> -> memref<3x80xi32, #tpu.memory_space<hbm>>
    %dma_start3A_36 = arith.constant 0 : i32
    %dma_start3A_37 = arith.constant 0 : i32
    %dma_start3A_38 = tpu.memref_slice %arg12[%dma_start3A_27, %dma_start3A_36, %dma_start3A_37] : memref<3x3x80xi32, #tpu.memory_space<vmem>> -> memref<1x3x80xi32, #tpu.memory_space<vmem>>
    %dma_start3A_39 = tpu.memref_squeeze %dma_start3A_38 : memref<1x3x80xi32, #tpu.memory_space<vmem>> -> memref<3x80xi32, #tpu.memory_space<vmem>>
    %dma_start3A_40 = arith.constant 0 : i32
    %dma_start3A_41 = arith.constant 0 : i32
    %dma_start3A_42 = tpu.memref_slice %arg4[%add3A_26, %dma_start3A_40, %dma_start3A_41] : memref<4032x3x80xi32, #tpu.memory_space<hbm>> -> memref<1x3x80xi32, #tpu.memory_space<hbm>>
    %dma_start3A_43 = tpu.memref_squeeze %dma_start3A_42 : memref<1x3x80xi32, #tpu.memory_space<hbm>> -> memref<3x80xi32, #tpu.memory_space<hbm>>
    tpu.enqueue_dma source(%dma_start3A_43 : memref<3x80xi32, #tpu.memory_space<hbm>>) target(%dma_start3A_39 : memref<3x80xi32, #tpu.memory_space<vmem>>) target_semaphore(%arg20 : memref<!tpu.dma_semaphore, #tpu.memory_space<semaphore_mem>>)
    %mul3A_44 = arith.constant 252 : i32
    %mul3A_45 = arith.muli %arg1, %mul3A_44 : i32
    %add3A_46 = arith.constant 2 : i32
    %add3A_47 = arith.addi %mul3A_45, %add3A_46 : i32
    %dma_start3A_48 = arith.constant 2 : i32
    %dma_start3A_49 = arith.constant 0 : i32
    %dma_start3A_50 = arith.constant 0 : i32
    %dma_start3A_51 = tpu.memref_slice %arg12[%dma_start3A_48, %dma_start3A_49, %dma_start3A_50] : memref<3x3x80xi32, #tpu.memory_space<vmem>> -> memref<1x3x80xi32, #tpu.memory_space<vmem>>
    %dma_start3A_52 = tpu.memref_squeeze %dma_start3A_51 : memref<1x3x80xi32, #tpu.memory_space<vmem>> -> memref<3x80xi32, #tpu.memory_space<vmem>>
    %dma_start3A_53 = arith.constant 0 : i32
    %dma_start3A_54 = arith.constant 0 : i32
    %dma_start3A_55 = tpu.memref_slice %arg4[%add3A_47, %dma_start3A_53, %dma_start3A_54] : memref<4032x3x80xi32, #tpu.memory_space<hbm>> -> memref<1x3x80xi32, #tpu.memory_space<hbm>>
    %dma_start3A_56 = tpu.memref_squeeze %dma_start3A_55 : memref<1x3x80xi32, #tpu.memory_space<hbm>> -> memref<3x80xi32, #tpu.memory_space<hbm>>
    %dma_start3A_57 = arith.constant 0 : i32
    %dma_start3A_58 = arith.constant 0 : i32
    %dma_start3A_59 = tpu.memref_slice %arg12[%dma_start3A_48, %dma_start3A_57, %dma_start3A_58] : memref<3x3x80xi32, #tpu.memory_space<vmem>> -> memref<1x3x80xi32, #tpu.memory_space<vmem>>
    %dma_start3A_60 = tpu.memref_squeeze %dma_start3A_59 : memref<1x3x80xi32, #tpu.memory_space<vmem>> -> memref<3x80xi32, #tpu.memory_space<vmem>>
    %dma_start3A_61 = arith.constant 0 : i32
    %dma_start3A_62 = arith.constant 0 : i32
    %dma_start3A_63 = tpu.memref_slice %arg4[%add3A_47, %dma_start3A_61, %dma_start3A_62] : memref<4032x3x80xi32, #tpu.memory_space<hbm>> -> memref<1x3x80xi32, #tpu.memory_space<hbm>>
    %dma_start3A_64 = tpu.memref_squeeze %dma_start3A_63 : memref<1x3x80xi32, #tpu.memory_space<hbm>> -> memref<3x80xi32, #tpu.memory_space<hbm>>
    tpu.enqueue_dma source(%dma_start3A_64 : memref<3x80xi32, #tpu.memory_space<hbm>>) target(%dma_start3A_60 : memref<3x80xi32, #tpu.memory_space<vmem>>) target_semaphore(%arg21 : memref<!tpu.dma_semaphore, #tpu.memory_space<semaphore_mem>>)
    %dma_wait3A = arith.constant 0 : i32
    %dma_wait3A_65 = arith.constant 0 : i32
    %dma_wait3A_66 = arith.constant 0 : i32
    %dma_wait3A_67 = arith.constant 0 : i32
    %dma_wait3A_68 = tpu.memref_slice %arg12[%dma_wait3A_65, %dma_wait3A_66, %dma_wait3A_67] : memref<3x3x80xi32, #tpu.memory_space<vmem>> -> memref<1x3x80xi32, #tpu.memory_space<vmem>>
    %dma_wait3A_69 = tpu.memref_squeeze %dma_wait3A_68 : memref<1x3x80xi32, #tpu.memory_space<vmem>> -> memref<3x80xi32, #tpu.memory_space<vmem>>
    %dma_wait3A_70 = arith.constant 0 : i32
    %dma_wait3A_71 = arith.constant 0 : i32
    %dma_wait3A_72 = tpu.memref_slice %arg4[%dma_wait3A, %dma_wait3A_70, %dma_wait3A_71] : memref<4032x3x80xi32, #tpu.memory_space<hbm>> -> memref<1x3x80xi32, #tpu.memory_space<hbm>>
    %dma_wait3A_73 = tpu.memref_squeeze %dma_wait3A_72 : memref<1x3x80xi32, #tpu.memory_space<hbm>> -> memref<3x80xi32, #tpu.memory_space<hbm>>
    %dma_wait3A_74 = arith.constant 0 : i32
    %dma_wait3A_75 = arith.constant 0 : i32
    %dma_wait3A_76 = tpu.memref_slice %arg12[%dma_wait3A_65, %dma_wait3A_74, %dma_wait3A_75] : memref<3x3x80xi32, #tpu.memory_space<vmem>> -> memref<1x3x80xi32, #tpu.memory_space<vmem>>
    %dma_wait3A_77 = tpu.memref_squeeze %dma_wait3A_76 : memref<1x3x80xi32, #tpu.memory_space<vmem>> -> memref<3x80xi32, #tpu.memory_space<vmem>>
    %dma_wait3A_78 = arith.constant 0 : i32
    %dma_wait3A_79 = arith.constant 0 : i32
    %dma_wait3A_80 = tpu.memref_slice %arg4[%dma_wait3A, %dma_wait3A_78, %dma_wait3A_79] : memref<4032x3x80xi32, #tpu.memory_space<hbm>> -> memref<1x3x80xi32, #tpu.memory_space<hbm>>
    %dma_wait3A_81 = tpu.memref_squeeze %dma_wait3A_80 : memref<1x3x80xi32, #tpu.memory_space<hbm>> -> memref<3x80xi32, #tpu.memory_space<hbm>>
    tpu.wait_dma2 semaphore(%arg19 : memref<!tpu.dma_semaphore, #tpu.memory_space<semaphore_mem>>) src(%dma_wait3A_81 : memref<3x80xi32, #tpu.memory_space<hbm>>) dst(%dma_wait3A_77 : memref<3x80xi32, #tpu.memory_space<vmem>>)
    %eq3A_82 = arith.constant 0 : i32
    %eq3A_83 = arith.cmpi eq, %arg0, %eq3A_82 : i32
    %convert_element_type3A_84 = arith.extui %eq3A_83 : i1 to i32
    %cond3A_85 = arith.constant 0 : i32
    %cond3A_86 = arith.cmpi ne, %convert_element_type3A_84, %cond3A_85 : i32
    scf.if %cond3A_86 {
      %dma_start3A_108 = arith.constant 0 : i32
      %dma_start3A_109 = arith.constant 0 : i32
      %dma_start3A_110 = arith.constant 0 : i32
      %dma_start3A_111 = arith.constant 0 : i32
      %dma_start3A_112 = arith.constant 0 : i32
      %dma_start3A_113 = tpu.memref_slice %arg13[%dma_start3A_110, %dma_start3A_111, %dma_start3A_112] : memref<3x80x64xf32, #tpu.memory_space<vmem>> -> memref<1x80x64xf32, #tpu.memory_space<vmem>>
      %dma_start3A_114 = tpu.memref_squeeze %dma_start3A_113 : memref<1x80x64xf32, #tpu.memory_space<vmem>> -> memref<80x64xf32, #tpu.memory_space<vmem>>
      %dma_start3A_115 = arith.constant 0 : i32
      %dma_start3A_116 = tpu.memref_slice %arg12[%dma_start3A_108, %dma_start3A_109, %dma_start3A_115] : memref<3x3x80xi32, #tpu.memory_space<vmem>> -> memref<1x1x80xi32, #tpu.memory_space<vmem>>
      %dma_start3A_117 = tpu.memref_squeeze %dma_start3A_116 : memref<1x1x80xi32, #tpu.memory_space<vmem>> -> memref<80xi32, #tpu.memory_space<vmem>>
      %dma_start3A_118 = arith.constant 0 : i32
      %dma_start3A_119 = arith.constant 0 : i32
      %dma_start3A_120 = tpu.memref_slice %arg2[%dma_start3A_118, %dma_start3A_119] : memref<10112x64xf32, #tpu.memory_space<hbm>> -> memref<10112x64xf32, #tpu.memory_space<hbm>>
      tpu.enqueue_indirect_dma source(%dma_start3A_120 : memref<10112x64xf32, #tpu.memory_space<hbm>>) target(%dma_start3A_114 : memref<80x64xf32, #tpu.memory_space<vmem>>) offsets(%dma_start3A_117 : memref<80xi32, #tpu.memory_space<vmem>>) semaphore(%arg22 : memref<!tpu.dma_semaphore, #tpu.memory_space<semaphore_mem>>)
    } else {
    }
    %eq3A_87 = arith.constant 1 : i32
    %eq3A_88 = arith.cmpi eq, %arg0, %eq3A_87 : i32
    %convert_element_type3A_89 = arith.extui %eq3A_88 : i1 to i32
    %cond3A_90 = arith.constant 0 : i32
    %cond3A_91 = arith.cmpi ne, %convert_element_type3A_89, %cond3A_90 : i32
    scf.if %cond3A_91 {
      %dma_start3A_108 = arith.constant 0 : i32
      %dma_start3A_109 = arith.constant 0 : i32
      %dma_start3A_110 = arith.constant 0 : i32
      %dma_start3A_111 = arith.constant 0 : i32
      %dma_start3A_112 = arith.constant 0 : i32
      %dma_start3A_113 = tpu.memref_slice %arg13[%dma_start3A_110, %dma_start3A_111, %dma_start3A_112] : memref<3x80x64xf32, #tpu.memory_space<vmem>> -> memref<1x80x64xf32, #tpu.memory_space<vmem>>
      %dma_start3A_114 = tpu.memref_squeeze %dma_start3A_113 : memref<1x80x64xf32, #tpu.memory_space<vmem>> -> memref<80x64xf32, #tpu.memory_space<vmem>>
      %dma_start3A_115 = arith.constant 0 : i32
      %dma_start3A_116 = tpu.memref_slice %arg12[%dma_start3A_108, %dma_start3A_109, %dma_start3A_115] : memref<3x3x80xi32, #tpu.memory_space<vmem>> -> memref<1x1x80xi32, #tpu.memory_space<vmem>>
      %dma_start3A_117 = tpu.memref_squeeze %dma_start3A_116 : memref<1x1x80xi32, #tpu.memory_space<vmem>> -> memref<80xi32, #tpu.memory_space<vmem>>
      %dma_start3A_118 = arith.constant 0 : i32
      %dma_start3A_119 = arith.constant 0 : i32
      %dma_start3A_120 = tpu.memref_slice %arg3[%dma_start3A_118, %dma_start3A_119] : memref<10112x64xf32, #tpu.memory_space<hbm>> -> memref<10112x64xf32, #tpu.memory_space<hbm>>
      tpu.enqueue_indirect_dma source(%dma_start3A_120 : memref<10112x64xf32, #tpu.memory_space<hbm>>) target(%dma_start3A_114 : memref<80x64xf32, #tpu.memory_space<vmem>>) offsets(%dma_start3A_117 : memref<80xi32, #tpu.memory_space<vmem>>) semaphore(%arg22 : memref<!tpu.dma_semaphore, #tpu.memory_space<semaphore_mem>>)
    } else {
    }
    %barrier3A = arith.constant 0 : index
    tpu.barrier barrier_id(%barrier3A)
    %scan3A = arith.constant 0 : i32
    %scan3A_92 = arith.constant 0 : i32
    %scan3A_93 = arith.constant 84 : i32
    %scan3A_94 = arith.addi %scan3A_92, %scan3A_93 : i32
    %scan3A_95 = arith.constant 1 : i32
    scf.for %scan3A_108 = %scan3A_92 to %scan3A_94 step %scan3A_95  : i32 {
      %mul3A_109 = arith.constant 3 : i32
      %mul3A_110 = arith.muli %scan3A_108, %mul3A_109 : i32
      %add3A_111 = arith.constant 0 : i32
      %add3A_112 = arith.addi %mul3A_110, %add3A_111 : i32
      %add3A_113 = arith.constant 1 : i32
      %add3A_114 = arith.addi %add3A_112, %add3A_113 : i32
      %lt3A = arith.constant 252 : i32
      %lt3A_115 = arith.cmpi slt, %add3A_114, %lt3A : i32
      %convert_element_type3A_116 = arith.extui %lt3A_115 : i1 to i32
      %cond3A_117 = arith.constant 0 : i32
      %cond3A_118 = arith.cmpi ne, %convert_element_type3A_116, %cond3A_117 : i32
      scf.if %cond3A_118 {
        %dma_wait3A_233 = arith.constant 0 : i32
        %dma_wait3A_234 = arith.constant 1 : i32
        %dma_wait3A_235 = arith.constant 0 : i32
        %dma_wait3A_236 = arith.constant 0 : i32
        %dma_wait3A_237 = tpu.memref_slice %arg12[%dma_wait3A_234, %dma_wait3A_235, %dma_wait3A_236] : memref<3x3x80xi32, #tpu.memory_space<vmem>> -> memref<1x3x80xi32, #tpu.memory_space<vmem>>
        %dma_wait3A_238 = tpu.memref_squeeze %dma_wait3A_237 : memref<1x3x80xi32, #tpu.memory_space<vmem>> -> memref<3x80xi32, #tpu.memory_space<vmem>>
        %dma_wait3A_239 = arith.constant 0 : i32
        %dma_wait3A_240 = arith.constant 0 : i32
        %dma_wait3A_241 = tpu.memref_slice %arg4[%dma_wait3A_233, %dma_wait3A_239, %dma_wait3A_240] : memref<4032x3x80xi32, #tpu.memory_space<hbm>> -> memref<1x3x80xi32, #tpu.memory_space<hbm>>
        %dma_wait3A_242 = tpu.memref_squeeze %dma_wait3A_241 : memref<1x3x80xi32, #tpu.memory_space<hbm>> -> memref<3x80xi32, #tpu.memory_space<hbm>>
        %dma_wait3A_243 = arith.constant 0 : i32
        %dma_wait3A_244 = arith.constant 0 : i32
        %dma_wait3A_245 = tpu.memref_slice %arg12[%dma_wait3A_234, %dma_wait3A_243, %dma_wait3A_244] : memref<3x3x80xi32, #tpu.memory_space<vmem>> -> memref<1x3x80xi32, #tpu.memory_space<vmem>>
        %dma_wait3A_246 = tpu.memref_squeeze %dma_wait3A_245 : memref<1x3x80xi32, #tpu.memory_space<vmem>> -> memref<3x80xi32, #tpu.memory_space<vmem>>
        %dma_wait3A_247 = arith.constant 0 : i32
        %dma_wait3A_248 = arith.constant 0 : i32
        %dma_wait3A_249 = tpu.memref_slice %arg4[%dma_wait3A_233, %dma_wait3A_247, %dma_wait3A_248] : memref<4032x3x80xi32, #tpu.memory_space<hbm>> -> memref<1x3x80xi32, #tpu.memory_space<hbm>>
        %dma_wait3A_250 = tpu.memref_squeeze %dma_wait3A_249 : memref<1x3x80xi32, #tpu.memory_space<hbm>> -> memref<3x80xi32, #tpu.memory_space<hbm>>
        tpu.wait_dma2 semaphore(%arg20 : memref<!tpu.dma_semaphore, #tpu.memory_space<semaphore_mem>>) src(%dma_wait3A_250 : memref<3x80xi32, #tpu.memory_space<hbm>>) dst(%dma_wait3A_246 : memref<3x80xi32, #tpu.memory_space<vmem>>)
        %eq3A_251 = arith.constant 0 : i32
        %eq3A_252 = arith.cmpi eq, %arg0, %eq3A_251 : i32
        %convert_element_type3A_253 = arith.extui %eq3A_252 : i1 to i32
        %cond3A_254 = arith.constant 0 : i32
        %cond3A_255 = arith.cmpi ne, %convert_element_type3A_253, %cond3A_254 : i32
        scf.if %cond3A_255 {
          %dma_start3A_261 = arith.constant 1 : i32
          %dma_start3A_262 = arith.constant 0 : i32
          %dma_start3A_263 = arith.constant 1 : i32
          %dma_start3A_264 = arith.constant 0 : i32
          %dma_start3A_265 = arith.constant 0 : i32
          %dma_start3A_266 = tpu.memref_slice %arg13[%dma_start3A_263, %dma_start3A_264, %dma_start3A_265] : memref<3x80x64xf32, #tpu.memory_space<vmem>> -> memref<1x80x64xf32, #tpu.memory_space<vmem>>
          %dma_start3A_267 = tpu.memref_squeeze %dma_start3A_266 : memref<1x80x64xf32, #tpu.memory_space<vmem>> -> memref<80x64xf32, #tpu.memory_space<vmem>>
          %dma_start3A_268 = arith.constant 0 : i32
          %dma_start3A_269 = tpu.memref_slice %arg12[%dma_start3A_261, %dma_start3A_262, %dma_start3A_268] : memref<3x3x80xi32, #tpu.memory_space<vmem>> -> memref<1x1x80xi32, #tpu.memory_space<vmem>>
          %dma_start3A_270 = tpu.memref_squeeze %dma_start3A_269 : memref<1x1x80xi32, #tpu.memory_space<vmem>> -> memref<80xi32, #tpu.memory_space<vmem>>
          %dma_start3A_271 = arith.constant 0 : i32
          %dma_start3A_272 = arith.constant 0 : i32
          %dma_start3A_273 = tpu.memref_slice %arg2[%dma_start3A_271, %dma_start3A_272] : memref<10112x64xf32, #tpu.memory_space<hbm>> -> memref<10112x64xf32, #tpu.memory_space<hbm>>
          tpu.enqueue_indirect_dma source(%dma_start3A_273 : memref<10112x64xf32, #tpu.memory_space<hbm>>) target(%dma_start3A_267 : memref<80x64xf32, #tpu.memory_space<vmem>>) offsets(%dma_start3A_270 : memref<80xi32, #tpu.memory_space<vmem>>) semaphore(%arg23 : memref<!tpu.dma_semaphore, #tpu.memory_space<semaphore_mem>>)
        } else {
        }
        %eq3A_256 = arith.constant 1 : i32
        %eq3A_257 = arith.cmpi eq, %arg0, %eq3A_256 : i32
        %convert_element_type3A_258 = arith.extui %eq3A_257 : i1 to i32
        %cond3A_259 = arith.constant 0 : i32
        %cond3A_260 = arith.cmpi ne, %convert_element_type3A_258, %cond3A_259 : i32
        scf.if %cond3A_260 {
          %dma_start3A_261 = arith.constant 1 : i32
          %dma_start3A_262 = arith.constant 0 : i32
          %dma_start3A_263 = arith.constant 1 : i32
          %dma_start3A_264 = arith.constant 0 : i32
          %dma_start3A_265 = arith.constant 0 : i32
          %dma_start3A_266 = tpu.memref_slice %arg13[%dma_start3A_263, %dma_start3A_264, %dma_start3A_265] : memref<3x80x64xf32, #tpu.memory_space<vmem>> -> memref<1x80x64xf32, #tpu.memory_space<vmem>>
          %dma_start3A_267 = tpu.memref_squeeze %dma_start3A_266 : memref<1x80x64xf32, #tpu.memory_space<vmem>> -> memref<80x64xf32, #tpu.memory_space<vmem>>
          %dma_start3A_268 = arith.constant 0 : i32
          %dma_start3A_269 = tpu.memref_slice %arg12[%dma_start3A_261, %dma_start3A_262, %dma_start3A_268] : memref<3x3x80xi32, #tpu.memory_space<vmem>> -> memref<1x1x80xi32, #tpu.memory_space<vmem>>
          %dma_start3A_270 = tpu.memref_squeeze %dma_start3A_269 : memref<1x1x80xi32, #tpu.memory_space<vmem>> -> memref<80xi32, #tpu.memory_space<vmem>>
          %dma_start3A_271 = arith.constant 0 : i32
          %dma_start3A_272 = arith.constant 0 : i32
          %dma_start3A_273 = tpu.memref_slice %arg3[%dma_start3A_271, %dma_start3A_272] : memref<10112x64xf32, #tpu.memory_space<hbm>> -> memref<10112x64xf32, #tpu.memory_space<hbm>>
          tpu.enqueue_indirect_dma source(%dma_start3A_273 : memref<10112x64xf32, #tpu.memory_space<hbm>>) target(%dma_start3A_267 : memref<80x64xf32, #tpu.memory_space<vmem>>) offsets(%dma_start3A_270 : memref<80xi32, #tpu.memory_space<vmem>>) semaphore(%arg23 : memref<!tpu.dma_semaphore, #tpu.memory_space<semaphore_mem>>)
        } else {
        }
      } else {
      }
      %dma_wait3A_119 = arith.constant 0 : i32
      %dma_wait3A_120 = arith.constant 0 : i32
      %dma_wait3A_121 = arith.constant 0 : i32
      %dma_wait3A_122 = arith.constant 0 : i32
      %dma_wait3A_123 = arith.constant 0 : i32
      %dma_wait3A_124 = tpu.memref_slice %arg13[%dma_wait3A_121, %dma_wait3A_122, %dma_wait3A_123] : memref<3x80x64xf32, #tpu.memory_space<vmem>> -> memref<1x80x64xf32, #tpu.memory_space<vmem>>
      %dma_wait3A_125 = tpu.memref_squeeze %dma_wait3A_124 : memref<1x80x64xf32, #tpu.memory_space<vmem>> -> memref<80x64xf32, #tpu.memory_space<vmem>>
      %dma_wait3A_126 = arith.constant 0 : i32
      %dma_wait3A_127 = tpu.memref_slice %arg12[%dma_wait3A_119, %dma_wait3A_120, %dma_wait3A_126] : memref<3x3x80xi32, #tpu.memory_space<vmem>> -> memref<1x1x80xi32, #tpu.memory_space<vmem>>
      %dma_wait3A_128 = tpu.memref_squeeze %dma_wait3A_127 : memref<1x1x80xi32, #tpu.memory_space<vmem>> -> memref<80xi32, #tpu.memory_space<vmem>>
      %dma_wait3A_129 = arith.constant 0 : i32
      %dma_wait3A_130 = arith.constant 0 : i32
      %dma_wait3A_131 = tpu.memref_slice %arg2[%dma_wait3A_129, %dma_wait3A_130] : memref<10112x64xf32, #tpu.memory_space<hbm>> -> memref<10112x64xf32, #tpu.memory_space<hbm>>
      tpu.wait_indirect_dma semaphore(%arg22 : memref<!tpu.dma_semaphore, #tpu.memory_space<semaphore_mem>>) src(%dma_wait3A_131 : memref<10112x64xf32, #tpu.memory_space<hbm>>) dst(%dma_wait3A_125 : memref<80x64xf32, #tpu.memory_space<vmem>>)
      %run_scoped3A = arith.constant 0 : i32
      %run_scoped3A_132 = arith.constant 0 : i32
      %run_scoped3A_133 = arith.constant 1 : i32
      "tpu.region"() ({
        %run_scoped3A_233 = tpu.sem_alloc : memref<!tpu.dma_semaphore, #tpu.memory_space<semaphore_mem>>
        %dma_start3A_234 = arith.constant 0 : i32
        %dma_start3A_235 = arith.constant 0 : i32
        %dma_start3A_236 = tpu.memref_slice %arg13[%run_scoped3A, %dma_start3A_234, %dma_start3A_235] : memref<3x80x64xf32, #tpu.memory_space<vmem>> -> memref<1x80x64xf32, #tpu.memory_space<vmem>>
        %dma_start3A_237 = tpu.memref_squeeze %dma_start3A_236 : memref<1x80x64xf32, #tpu.memory_space<vmem>> -> memref<80x64xf32, #tpu.memory_space<vmem>>
        %dma_start3A_238 = arith.constant 0 : i32
        %dma_start3A_239 = tpu.memref_slice %arg12[%run_scoped3A_132, %run_scoped3A_133, %dma_start3A_238] : memref<3x3x80xi32, #tpu.memory_space<vmem>> -> memref<1x1x80xi32, #tpu.memory_space<vmem>>
        %dma_start3A_240 = tpu.memref_squeeze %dma_start3A_239 : memref<1x1x80xi32, #tpu.memory_space<vmem>> -> memref<80xi32, #tpu.memory_space<vmem>>
        %dma_start3A_241 = arith.constant 0 : i32
        %dma_start3A_242 = arith.constant 0 : i32
        %dma_start3A_243 = tpu.memref_slice %arg16[%dma_start3A_241, %dma_start3A_242] : memref<10112x64xf32, #tpu.memory_space<vmem_shared>> -> memref<10112x64xf32, #tpu.memory_space<vmem_shared>>
        tpu.enqueue_indirect_dma source(%dma_start3A_237 : memref<80x64xf32, #tpu.memory_space<vmem>>) target(%dma_start3A_243 : memref<10112x64xf32, #tpu.memory_space<vmem_shared>>) offsets(%dma_start3A_240 : memref<80xi32, #tpu.memory_space<vmem>>) semaphore(%run_scoped3A_233 : memref<!tpu.dma_semaphore, #tpu.memory_space<semaphore_mem>>) {add = true}
        %dma_wait3A_244 = arith.constant 0 : i32
        %dma_wait3A_245 = arith.constant 0 : i32
        %dma_wait3A_246 = tpu.memref_slice %arg13[%run_scoped3A, %dma_wait3A_244, %dma_wait3A_245] : memref<3x80x64xf32, #tpu.memory_space<vmem>> -> memref<1x80x64xf32, #tpu.memory_space<vmem>>
        %dma_wait3A_247 = tpu.memref_squeeze %dma_wait3A_246 : memref<1x80x64xf32, #tpu.memory_space<vmem>> -> memref<80x64xf32, #tpu.memory_space<vmem>>
        %dma_wait3A_248 = arith.constant 0 : i32
        %dma_wait3A_249 = tpu.memref_slice %arg12[%run_scoped3A_132, %run_scoped3A_133, %dma_wait3A_248] : memref<3x3x80xi32, #tpu.memory_space<vmem>> -> memref<1x1x80xi32, #tpu.memory_space<vmem>>
        %dma_wait3A_250 = tpu.memref_squeeze %dma_wait3A_249 : memref<1x1x80xi32, #tpu.memory_space<vmem>> -> memref<80xi32, #tpu.memory_space<vmem>>
        %dma_wait3A_251 = arith.constant 0 : i32
        %dma_wait3A_252 = arith.constant 0 : i32
        %dma_wait3A_253 = tpu.memref_slice %arg16[%dma_wait3A_251, %dma_wait3A_252] : memref<10112x64xf32, #tpu.memory_space<vmem_shared>> -> memref<10112x64xf32, #tpu.memory_space<vmem_shared>>
        tpu.wait_indirect_dma semaphore(%run_scoped3A_233 : memref<!tpu.dma_semaphore, #tpu.memory_space<semaphore_mem>>) src(%dma_wait3A_247 : memref<80x64xf32, #tpu.memory_space<vmem>>) dst(%dma_wait3A_253 : memref<10112x64xf32, #tpu.memory_space<vmem_shared>>)
        tpu.yield
      }) : () -> ()
      %run_scoped3A_134 = arith.constant 0 : i32
      %run_scoped3A_135 = arith.constant 0 : i32
      %run_scoped3A_136 = arith.constant 2 : i32
      "tpu.region"() ({
        %run_scoped3A_233 = tpu.sem_alloc : memref<!tpu.dma_semaphore, #tpu.memory_space<semaphore_mem>>
        %dma_start3A_234 = arith.constant 0 : i32
        %dma_start3A_235 = arith.constant 0 : i32
        %dma_start3A_236 = tpu.memref_slice %arg13[%run_scoped3A_134, %dma_start3A_234, %dma_start3A_235] : memref<3x80x64xf32, #tpu.memory_space<vmem>> -> memref<1x80x64xf32, #tpu.memory_space<vmem>>
        %dma_start3A_237 = tpu.memref_squeeze %dma_start3A_236 : memref<1x80x64xf32, #tpu.memory_space<vmem>> -> memref<80x64xf32, #tpu.memory_space<vmem>>
        %dma_start3A_238 = arith.constant 0 : i32
        %dma_start3A_239 = tpu.memref_slice %arg12[%run_scoped3A_135, %run_scoped3A_136, %dma_start3A_238] : memref<3x3x80xi32, #tpu.memory_space<vmem>> -> memref<1x1x80xi32, #tpu.memory_space<vmem>>
        %dma_start3A_240 = tpu.memref_squeeze %dma_start3A_239 : memref<1x1x80xi32, #tpu.memory_space<vmem>> -> memref<80xi32, #tpu.memory_space<vmem>>
        %dma_start3A_241 = arith.constant 0 : i32
        %dma_start3A_242 = arith.constant 0 : i32
        %dma_start3A_243 = tpu.memref_slice %arg17[%dma_start3A_241, %dma_start3A_242] : memref<10112x64xf32, #tpu.memory_space<vmem_shared>> -> memref<10112x64xf32, #tpu.memory_space<vmem_shared>>
        tpu.enqueue_indirect_dma source(%dma_start3A_237 : memref<80x64xf32, #tpu.memory_space<vmem>>) target(%dma_start3A_243 : memref<10112x64xf32, #tpu.memory_space<vmem_shared>>) offsets(%dma_start3A_240 : memref<80xi32, #tpu.memory_space<vmem>>) semaphore(%run_scoped3A_233 : memref<!tpu.dma_semaphore, #tpu.memory_space<semaphore_mem>>) {add = true}
        %dma_wait3A_244 = arith.constant 0 : i32
        %dma_wait3A_245 = arith.constant 0 : i32
        %dma_wait3A_246 = tpu.memref_slice %arg13[%run_scoped3A_134, %dma_wait3A_244, %dma_wait3A_245] : memref<3x80x64xf32, #tpu.memory_space<vmem>> -> memref<1x80x64xf32, #tpu.memory_space<vmem>>
        %dma_wait3A_247 = tpu.memref_squeeze %dma_wait3A_246 : memref<1x80x64xf32, #tpu.memory_space<vmem>> -> memref<80x64xf32, #tpu.memory_space<vmem>>
        %dma_wait3A_248 = arith.constant 0 : i32
        %dma_wait3A_249 = tpu.memref_slice %arg12[%run_scoped3A_135, %run_scoped3A_136, %dma_wait3A_248] : memref<3x3x80xi32, #tpu.memory_space<vmem>> -> memref<1x1x80xi32, #tpu.memory_space<vmem>>
        %dma_wait3A_250 = tpu.memref_squeeze %dma_wait3A_249 : memref<1x1x80xi32, #tpu.memory_space<vmem>> -> memref<80xi32, #tpu.memory_space<vmem>>
        %dma_wait3A_251 = arith.constant 0 : i32
        %dma_wait3A_252 = arith.constant 0 : i32
        %dma_wait3A_253 = tpu.memref_slice %arg17[%dma_wait3A_251, %dma_wait3A_252] : memref<10112x64xf32, #tpu.memory_space<vmem_shared>> -> memref<10112x64xf32, #tpu.memory_space<vmem_shared>>
        tpu.wait_indirect_dma semaphore(%run_scoped3A_233 : memref<!tpu.dma_semaphore, #tpu.memory_space<semaphore_mem>>) src(%dma_wait3A_247 : memref<80x64xf32, #tpu.memory_space<vmem>>) dst(%dma_wait3A_253 : memref<10112x64xf32, #tpu.memory_space<vmem_shared>>)
        tpu.yield
      }) : () -> ()
      %eq3A_137 = arith.constant 0 : i32
      %eq3A_138 = arith.cmpi eq, %arg0, %eq3A_137 : i32
      %convert_element_type3A_139 = arith.extui %eq3A_138 : i1 to i32
      %cond3A_140 = arith.constant 0 : i32
      %cond3A_141 = arith.cmpi ne, %convert_element_type3A_139, %cond3A_140 : i32
      scf.if %cond3A_141 {
        %get3A = arith.constant 0 : i32
        %get3A_233 = arith.constant 0 : i32
        %get3A_234 = arith.index_cast %get3A : i32 to index
        %get3A_235 = arith.index_cast %get3A_233 : i32 to index
        %get3A_236 = arith.constant 0 : index
        %get3A_237 = tpu.vector_load %arg12[%get3A_234, %get3A_235, %get3A_236] {strides = array<i32>} : memref<3x3x80xi32, #tpu.memory_space<vmem>>, vector<16xi32>,
        %shift_right_arithmetic3A = arith.constant 7 : i32
        %shift_right_arithmetic3A_238 = vector.broadcast %shift_right_arithmetic3A : i32 to vector<16xi32>
        %shift_right_arithmetic3A_239 = arith.shrsi %get3A_237, %shift_right_arithmetic3A_238 : vector<16xi32>
        %and3A = arith.constant 127 : i32
        %and3A_240 = vector.broadcast %and3A : i32 to vector<16xi32>
        %and3A_241 = arith.andi %get3A_237, %and3A_240 : vector<16xi32>
        %scatter3A = arith.constant 0 : i32
        %scatter3A_242 = arith.constant 0 : i32
        %scatter3A_243 = arith.constant 0 : i32
        %scatter3A_244 = tpu.memref_slice %arg14[%scatter3A, %scatter3A_242, %scatter3A_243] : memref<3x80x128xf32, #tpu.memory_space<vmem>> -> memref<1x80x128xf32, #tpu.memory_space<vmem>>
        %scatter3A_245 = tpu.memref_squeeze %scatter3A_244 : memref<1x80x128xf32, #tpu.memory_space<vmem>> -> memref<80x128xf32, #tpu.memory_space<vmem>>
        tpu.vector_store_idx %scatter3A_245[%shift_right_arithmetic3A_239, %and3A_241], %broadcast_in_dim3A_3 {add = true} : memref<80x128xf32, #tpu.memory_space<vmem>>[vector<16xi32>, vector<16xi32>], vector<16xf32>,
        %get3A_246 = arith.constant 0 : i32
        %get3A_247 = arith.constant 0 : i32
        %get3A_248 = arith.index_cast %get3A_246 : i32 to index
        %get3A_249 = arith.index_cast %get3A_247 : i32 to index
        %get3A_250 = arith.constant 16 : index
        %get3A_251 = tpu.vector_load %arg12[%get3A_248, %get3A_249, %get3A_250] {strides = array<i32>} : memref<3x3x80xi32, #tpu.memory_space<vmem>>, vector<16xi32>,
        %shift_right_arithmetic3A_252 = arith.constant 7 : i32
        %shift_right_arithmetic3A_253 = vector.broadcast %shift_right_arithmetic3A_252 : i32 to vector<16xi32>
        %shift_right_arithmetic3A_254 = arith.shrsi %get3A_251, %shift_right_arithmetic3A_253 : vector<16xi32>
        %and3A_255 = arith.constant 127 : i32
        %and3A_256 = vector.broadcast %and3A_255 : i32 to vector<16xi32>
        %and3A_257 = arith.andi %get3A_251, %and3A_256 : vector<16xi32>
        %scatter3A_258 = arith.constant 0 : i32
        %scatter3A_259 = arith.constant 0 : i32
        %scatter3A_260 = arith.constant 0 : i32
        %scatter3A_261 = tpu.memref_slice %arg14[%scatter3A_258, %scatter3A_259, %scatter3A_260] : memref<3x80x128xf32, #tpu.memory_space<vmem>> -> memref<1x80x128xf32, #tpu.memory_space<vmem>>
        %scatter3A_262 = tpu.memref_squeeze %scatter3A_261 : memref<1x80x128xf32, #tpu.memory_space<vmem>> -> memref<80x128xf32, #tpu.memory_space<vmem>>
        tpu.vector_store_idx %scatter3A_262[%shift_right_arithmetic3A_254, %and3A_257], %broadcast_in_dim3A_3 {add = true} : memref<80x128xf32, #tpu.memory_space<vmem>>[vector<16xi32>, vector<16xi32>], vector<16xf32>,
        %get3A_263 = arith.constant 0 : i32
        %get3A_264 = arith.constant 0 : i32
        %get3A_265 = arith.index_cast %get3A_263 : i32 to index
        %get3A_266 = arith.index_cast %get3A_264 : i32 to index
        %get3A_267 = arith.constant 32 : index
        %get3A_268 = tpu.vector_load %arg12[%get3A_265, %get3A_266, %get3A_267] {strides = array<i32>} : memref<3x3x80xi32, #tpu.memory_space<vmem>>, vector<16xi32>,
        %shift_right_arithmetic3A_269 = arith.constant 7 : i32
        %shift_right_arithmetic3A_270 = vector.broadcast %shift_right_arithmetic3A_269 : i32 to vector<16xi32>
        %shift_right_arithmetic3A_271 = arith.shrsi %get3A_268, %shift_right_arithmetic3A_270 : vector<16xi32>
        %and3A_272 = arith.constant 127 : i32
        %and3A_273 = vector.broadcast %and3A_272 : i32 to vector<16xi32>
        %and3A_274 = arith.andi %get3A_268, %and3A_273 : vector<16xi32>
        %scatter3A_275 = arith.constant 0 : i32
        %scatter3A_276 = arith.constant 0 : i32
        %scatter3A_277 = arith.constant 0 : i32
        %scatter3A_278 = tpu.memref_slice %arg14[%scatter3A_275, %scatter3A_276, %scatter3A_277] : memref<3x80x128xf32, #tpu.memory_space<vmem>> -> memref<1x80x128xf32, #tpu.memory_space<vmem>>
        %scatter3A_279 = tpu.memref_squeeze %scatter3A_278 : memref<1x80x128xf32, #tpu.memory_space<vmem>> -> memref<80x128xf32, #tpu.memory_space<vmem>>
        tpu.vector_store_idx %scatter3A_279[%shift_right_arithmetic3A_271, %and3A_274], %broadcast_in_dim3A_3 {add = true} : memref<80x128xf32, #tpu.memory_space<vmem>>[vector<16xi32>, vector<16xi32>], vector<16xf32>,
        %get3A_280 = arith.constant 0 : i32
        %get3A_281 = arith.constant 0 : i32
        %get3A_282 = arith.index_cast %get3A_280 : i32 to index
        %get3A_283 = arith.index_cast %get3A_281 : i32 to index
        %get3A_284 = arith.constant 48 : index
        %get3A_285 = tpu.vector_load %arg12[%get3A_282, %get3A_283, %get3A_284] {strides = array<i32>} : memref<3x3x80xi32, #tpu.memory_space<vmem>>, vector<16xi32>,
        %shift_right_arithmetic3A_286 = arith.constant 7 : i32
        %shift_right_arithmetic3A_287 = vector.broadcast %shift_right_arithmetic3A_286 : i32 to vector<16xi32>
        %shift_right_arithmetic3A_288 = arith.shrsi %get3A_285, %shift_right_arithmetic3A_287 : vector<16xi32>
        %and3A_289 = arith.constant 127 : i32
        %and3A_290 = vector.broadcast %and3A_289 : i32 to vector<16xi32>
        %and3A_291 = arith.andi %get3A_285, %and3A_290 : vector<16xi32>
        %scatter3A_292 = arith.constant 0 : i32
        %scatter3A_293 = arith.constant 0 : i32
        %scatter3A_294 = arith.constant 0 : i32
        %scatter3A_295 = tpu.memref_slice %arg14[%scatter3A_292, %scatter3A_293, %scatter3A_294] : memref<3x80x128xf32, #tpu.memory_space<vmem>> -> memref<1x80x128xf32, #tpu.memory_space<vmem>>
        %scatter3A_296 = tpu.memref_squeeze %scatter3A_295 : memref<1x80x128xf32, #tpu.memory_space<vmem>> -> memref<80x128xf32, #tpu.memory_space<vmem>>
        tpu.vector_store_idx %scatter3A_296[%shift_right_arithmetic3A_288, %and3A_291], %broadcast_in_dim3A_3 {add = true} : memref<80x128xf32, #tpu.memory_space<vmem>>[vector<16xi32>, vector<16xi32>], vector<16xf32>,
        %get3A_297 = arith.constant 0 : i32
        %get3A_298 = arith.constant 0 : i32
        %get3A_299 = arith.index_cast %get3A_297 : i32 to index
        %get3A_300 = arith.index_cast %get3A_298 : i32 to index
        %get3A_301 = arith.constant 64 : index
        %get3A_302 = tpu.vector_load %arg12[%get3A_299, %get3A_300, %get3A_301] {strides = array<i32>} : memref<3x3x80xi32, #tpu.memory_space<vmem>>, vector<16xi32>,
        %shift_right_arithmetic3A_303 = arith.constant 7 : i32
        %shift_right_arithmetic3A_304 = vector.broadcast %shift_right_arithmetic3A_303 : i32 to vector<16xi32>
        %shift_right_arithmetic3A_305 = arith.shrsi %get3A_302, %shift_right_arithmetic3A_304 : vector<16xi32>
        %and3A_306 = arith.constant 127 : i32
        %and3A_307 = vector.broadcast %and3A_306 : i32 to vector<16xi32>
        %and3A_308 = arith.andi %get3A_302, %and3A_307 : vector<16xi32>
        %scatter3A_309 = arith.constant 0 : i32
        %scatter3A_310 = arith.constant 0 : i32
        %scatter3A_311 = arith.constant 0 : i32
        %scatter3A_312 = tpu.memref_slice %arg14[%scatter3A_309, %scatter3A_310, %scatter3A_311] : memref<3x80x128xf32, #tpu.memory_space<vmem>> -> memref<1x80x128xf32, #tpu.memory_space<vmem>>
        %scatter3A_313 = tpu.memref_squeeze %scatter3A_312 : memref<1x80x128xf32, #tpu.memory_space<vmem>> -> memref<80x128xf32, #tpu.memory_space<vmem>>
        tpu.vector_store_idx %scatter3A_313[%shift_right_arithmetic3A_305, %and3A_308], %broadcast_in_dim3A_3 {add = true} : memref<80x128xf32, #tpu.memory_space<vmem>>[vector<16xi32>, vector<16xi32>], vector<16xf32>,
        %get3A_314 = arith.constant 0 : i32
        %get3A_315 = arith.constant 1 : i32
        %get3A_316 = arith.index_cast %get3A_314 : i32 to index
        %get3A_317 = arith.index_cast %get3A_315 : i32 to index
        %get3A_318 = arith.constant 0 : index
        %get3A_319 = tpu.vector_load %arg12[%get3A_316, %get3A_317, %get3A_318] {strides = array<i32>} : memref<3x3x80xi32, #tpu.memory_space<vmem>>, vector<16xi32>,
        %shift_right_arithmetic3A_320 = arith.constant 7 : i32
        %shift_right_arithmetic3A_321 = vector.broadcast %shift_right_arithmetic3A_320 : i32 to vector<16xi32>
        %shift_right_arithmetic3A_322 = arith.shrsi %get3A_319, %shift_right_arithmetic3A_321 : vector<16xi32>
        %and3A_323 = arith.constant 127 : i32
        %and3A_324 = vector.broadcast %and3A_323 : i32 to vector<16xi32>
        %and3A_325 = arith.andi %get3A_319, %and3A_324 : vector<16xi32>
        %scatter3A_326 = arith.constant 1 : i32
        %scatter3A_327 = arith.constant 0 : i32
        %scatter3A_328 = arith.constant 0 : i32
        %scatter3A_329 = tpu.memref_slice %arg14[%scatter3A_326, %scatter3A_327, %scatter3A_328] : memref<3x80x128xf32, #tpu.memory_space<vmem>> -> memref<1x80x128xf32, #tpu.memory_space<vmem>>
        %scatter3A_330 = tpu.memref_squeeze %scatter3A_329 : memref<1x80x128xf32, #tpu.memory_space<vmem>> -> memref<80x128xf32, #tpu.memory_space<vmem>>
        tpu.vector_store_idx %scatter3A_330[%shift_right_arithmetic3A_322, %and3A_325], %broadcast_in_dim3A_3 {add = true} : memref<80x128xf32, #tpu.memory_space<vmem>>[vector<16xi32>, vector<16xi32>], vector<16xf32>,
        %get3A_331 = arith.constant 0 : i32
        %get3A_332 = arith.constant 1 : i32
        %get3A_333 = arith.index_cast %get3A_331 : i32 to index
        %get3A_334 = arith.index_cast %get3A_332 : i32 to index
        %get3A_335 = arith.constant 16 : index
        %get3A_336 = tpu.vector_load %arg12[%get3A_333, %get3A_334, %get3A_335] {strides = array<i32>} : memref<3x3x80xi32, #tpu.memory_space<vmem>>, vector<16xi32>,
        %shift_right_arithmetic3A_337 = arith.constant 7 : i32
        %shift_right_arithmetic3A_338 = vector.broadcast %shift_right_arithmetic3A_337 : i32 to vector<16xi32>
        %shift_right_arithmetic3A_339 = arith.shrsi %get3A_336, %shift_right_arithmetic3A_338 : vector<16xi32>
        %and3A_340 = arith.constant 127 : i32
        %and3A_341 = vector.broadcast %and3A_340 : i32 to vector<16xi32>
        %and3A_342 = arith.andi %get3A_336, %and3A_341 : vector<16xi32>
        %scatter3A_343 = arith.constant 1 : i32
        %scatter3A_344 = arith.constant 0 : i32
        %scatter3A_345 = arith.constant 0 : i32
        %scatter3A_346 = tpu.memref_slice %arg14[%scatter3A_343, %scatter3A_344, %scatter3A_345] : memref<3x80x128xf32, #tpu.memory_space<vmem>> -> memref<1x80x128xf32, #tpu.memory_space<vmem>>
        %scatter3A_347 = tpu.memref_squeeze %scatter3A_346 : memref<1x80x128xf32, #tpu.memory_space<vmem>> -> memref<80x128xf32, #tpu.memory_space<vmem>>
        tpu.vector_store_idx %scatter3A_347[%shift_right_arithmetic3A_339, %and3A_342], %broadcast_in_dim3A_3 {add = true} : memref<80x128xf32, #tpu.memory_space<vmem>>[vector<16xi32>, vector<16xi32>], vector<16xf32>,
        %get3A_348 = arith.constant 0 : i32
        %get3A_349 = arith.constant 1 : i32
        %get3A_350 = arith.index_cast %get3A_348 : i32 to index
        %get3A_351 = arith.index_cast %get3A_349 : i32 to index
        %get3A_352 = arith.constant 32 : index
        %get3A_353 = tpu.vector_load %arg12[%get3A_350, %get3A_351, %get3A_352] {strides = array<i32>} : memref<3x3x80xi32, #tpu.memory_space<vmem>>, vector<16xi32>,
        %shift_right_arithmetic3A_354 = arith.constant 7 : i32
        %shift_right_arithmetic3A_355 = vector.broadcast %shift_right_arithmetic3A_354 : i32 to vector<16xi32>
        %shift_right_arithmetic3A_356 = arith.shrsi %get3A_353, %shift_right_arithmetic3A_355 : vector<16xi32>
        %and3A_357 = arith.constant 127 : i32
        %and3A_358 = vector.broadcast %and3A_357 : i32 to vector<16xi32>
        %and3A_359 = arith.andi %get3A_353, %and3A_358 : vector<16xi32>
        %scatter3A_360 = arith.constant 1 : i32
        %scatter3A_361 = arith.constant 0 : i32
        %scatter3A_362 = arith.constant 0 : i32
        %scatter3A_363 = tpu.memref_slice %arg14[%scatter3A_360, %scatter3A_361, %scatter3A_362] : memref<3x80x128xf32, #tpu.memory_space<vmem>> -> memref<1x80x128xf32, #tpu.memory_space<vmem>>
        %scatter3A_364 = tpu.memref_squeeze %scatter3A_363 : memref<1x80x128xf32, #tpu.memory_space<vmem>> -> memref<80x128xf32, #tpu.memory_space<vmem>>
        tpu.vector_store_idx %scatter3A_364[%shift_right_arithmetic3A_356, %and3A_359], %broadcast_in_dim3A_3 {add = true} : memref<80x128xf32, #tpu.memory_space<vmem>>[vector<16xi32>, vector<16xi32>], vector<16xf32>,
        %get3A_365 = arith.constant 0 : i32
        %get3A_366 = arith.constant 1 : i32
        %get3A_367 = arith.index_cast %get3A_365 : i32 to index
        %get3A_368 = arith.index_cast %get3A_366 : i32 to index
        %get3A_369 = arith.constant 48 : index
        %get3A_370 = tpu.vector_load %arg12[%get3A_367, %get3A_368, %get3A_369] {strides = array<i32>} : memref<3x3x80xi32, #tpu.memory_space<vmem>>, vector<16xi32>,
        %shift_right_arithmetic3A_371 = arith.constant 7 : i32
        %shift_right_arithmetic3A_372 = vector.broadcast %shift_right_arithmetic3A_371 : i32 to vector<16xi32>
        %shift_right_arithmetic3A_373 = arith.shrsi %get3A_370, %shift_right_arithmetic3A_372 : vector<16xi32>
        %and3A_374 = arith.constant 127 : i32
        %and3A_375 = vector.broadcast %and3A_374 : i32 to vector<16xi32>
        %and3A_376 = arith.andi %get3A_370, %and3A_375 : vector<16xi32>
        %scatter3A_377 = arith.constant 1 : i32
        %scatter3A_378 = arith.constant 0 : i32
        %scatter3A_379 = arith.constant 0 : i32
        %scatter3A_380 = tpu.memref_slice %arg14[%scatter3A_377, %scatter3A_378, %scatter3A_379] : memref<3x80x128xf32, #tpu.memory_space<vmem>> -> memref<1x80x128xf32, #tpu.memory_space<vmem>>
        %scatter3A_381 = tpu.memref_squeeze %scatter3A_380 : memref<1x80x128xf32, #tpu.memory_space<vmem>> -> memref<80x128xf32, #tpu.memory_space<vmem>>
        tpu.vector_store_idx %scatter3A_381[%shift_right_arithmetic3A_373, %and3A_376], %broadcast_in_dim3A_3 {add = true} : memref<80x128xf32, #tpu.memory_space<vmem>>[vector<16xi32>, vector<16xi32>], vector<16xf32>,
        %get3A_382 = arith.constant 0 : i32
        %get3A_383 = arith.constant 1 : i32
        %get3A_384 = arith.index_cast %get3A_382 : i32 to index
        %get3A_385 = arith.index_cast %get3A_383 : i32 to index
        %get3A_386 = arith.constant 64 : index
        %get3A_387 = tpu.vector_load %arg12[%get3A_384, %get3A_385, %get3A_386] {strides = array<i32>} : memref<3x3x80xi32, #tpu.memory_space<vmem>>, vector<16xi32>,
        %shift_right_arithmetic3A_388 = arith.constant 7 : i32
        %shift_right_arithmetic3A_389 = vector.broadcast %shift_right_arithmetic3A_388 : i32 to vector<16xi32>
        %shift_right_arithmetic3A_390 = arith.shrsi %get3A_387, %shift_right_arithmetic3A_389 : vector<16xi32>
        %and3A_391 = arith.constant 127 : i32
        %and3A_392 = vector.broadcast %and3A_391 : i32 to vector<16xi32>
        %and3A_393 = arith.andi %get3A_387, %and3A_392 : vector<16xi32>
        %scatter3A_394 = arith.constant 1 : i32
        %scatter3A_395 = arith.constant 0 : i32
        %scatter3A_396 = arith.constant 0 : i32
        %scatter3A_397 = tpu.memref_slice %arg14[%scatter3A_394, %scatter3A_395, %scatter3A_396] : memref<3x80x128xf32, #tpu.memory_space<vmem>> -> memref<1x80x128xf32, #tpu.memory_space<vmem>>
        %scatter3A_398 = tpu.memref_squeeze %scatter3A_397 : memref<1x80x128xf32, #tpu.memory_space<vmem>> -> memref<80x128xf32, #tpu.memory_space<vmem>>
        tpu.vector_store_idx %scatter3A_398[%shift_right_arithmetic3A_390, %and3A_393], %broadcast_in_dim3A_3 {add = true} : memref<80x128xf32, #tpu.memory_space<vmem>>[vector<16xi32>, vector<16xi32>], vector<16xf32>,
        %get3A_399 = arith.constant 0 : i32
        %get3A_400 = arith.constant 2 : i32
        %get3A_401 = arith.index_cast %get3A_399 : i32 to index
        %get3A_402 = arith.index_cast %get3A_400 : i32 to index
        %get3A_403 = arith.constant 0 : index
        %get3A_404 = tpu.vector_load %arg12[%get3A_401, %get3A_402, %get3A_403] {strides = array<i32>} : memref<3x3x80xi32, #tpu.memory_space<vmem>>, vector<16xi32>,
        %shift_right_arithmetic3A_405 = arith.constant 7 : i32
        %shift_right_arithmetic3A_406 = vector.broadcast %shift_right_arithmetic3A_405 : i32 to vector<16xi32>
        %shift_right_arithmetic3A_407 = arith.shrsi %get3A_404, %shift_right_arithmetic3A_406 : vector<16xi32>
        %and3A_408 = arith.constant 127 : i32
        %and3A_409 = vector.broadcast %and3A_408 : i32 to vector<16xi32>
        %and3A_410 = arith.andi %get3A_404, %and3A_409 : vector<16xi32>
        %scatter3A_411 = arith.constant 2 : i32
        %scatter3A_412 = arith.constant 0 : i32
        %scatter3A_413 = arith.constant 0 : i32
        %scatter3A_414 = tpu.memref_slice %arg14[%scatter3A_411, %scatter3A_412, %scatter3A_413] : memref<3x80x128xf32, #tpu.memory_space<vmem>> -> memref<1x80x128xf32, #tpu.memory_space<vmem>>
        %scatter3A_415 = tpu.memref_squeeze %scatter3A_414 : memref<1x80x128xf32, #tpu.memory_space<vmem>> -> memref<80x128xf32, #tpu.memory_space<vmem>>
        tpu.vector_store_idx %scatter3A_415[%shift_right_arithmetic3A_407, %and3A_410], %broadcast_in_dim3A_3 {add = true} : memref<80x128xf32, #tpu.memory_space<vmem>>[vector<16xi32>, vector<16xi32>], vector<16xf32>,
        %get3A_416 = arith.constant 0 : i32
        %get3A_417 = arith.constant 2 : i32
        %get3A_418 = arith.index_cast %get3A_416 : i32 to index
        %get3A_419 = arith.index_cast %get3A_417 : i32 to index
        %get3A_420 = arith.constant 16 : index
        %get3A_421 = tpu.vector_load %arg12[%get3A_418, %get3A_419, %get3A_420] {strides = array<i32>} : memref<3x3x80xi32, #tpu.memory_space<vmem>>, vector<16xi32>,
        %shift_right_arithmetic3A_422 = arith.constant 7 : i32
        %shift_right_arithmetic3A_423 = vector.broadcast %shift_right_arithmetic3A_422 : i32 to vector<16xi32>
        %shift_right_arithmetic3A_424 = arith.shrsi %get3A_421, %shift_right_arithmetic3A_423 : vector<16xi32>
        %and3A_425 = arith.constant 127 : i32
        %and3A_426 = vector.broadcast %and3A_425 : i32 to vector<16xi32>
        %and3A_427 = arith.andi %get3A_421, %and3A_426 : vector<16xi32>
        %scatter3A_428 = arith.constant 2 : i32
        %scatter3A_429 = arith.constant 0 : i32
        %scatter3A_430 = arith.constant 0 : i32
        %scatter3A_431 = tpu.memref_slice %arg14[%scatter3A_428, %scatter3A_429, %scatter3A_430] : memref<3x80x128xf32, #tpu.memory_space<vmem>> -> memref<1x80x128xf32, #tpu.memory_space<vmem>>
        %scatter3A_432 = tpu.memref_squeeze %scatter3A_431 : memref<1x80x128xf32, #tpu.memory_space<vmem>> -> memref<80x128xf32, #tpu.memory_space<vmem>>
        tpu.vector_store_idx %scatter3A_432[%shift_right_arithmetic3A_424, %and3A_427], %broadcast_in_dim3A_3 {add = true} : memref<80x128xf32, #tpu.memory_space<vmem>>[vector<16xi32>, vector<16xi32>], vector<16xf32>,
        %get3A_433 = arith.constant 0 : i32
        %get3A_434 = arith.constant 2 : i32
        %get3A_435 = arith.index_cast %get3A_433 : i32 to index
        %get3A_436 = arith.index_cast %get3A_434 : i32 to index
        %get3A_437 = arith.constant 32 : index
        %get3A_438 = tpu.vector_load %arg12[%get3A_435, %get3A_436, %get3A_437] {strides = array<i32>} : memref<3x3x80xi32, #tpu.memory_space<vmem>>, vector<16xi32>,
        %shift_right_arithmetic3A_439 = arith.constant 7 : i32
        %shift_right_arithmetic3A_440 = vector.broadcast %shift_right_arithmetic3A_439 : i32 to vector<16xi32>
        %shift_right_arithmetic3A_441 = arith.shrsi %get3A_438, %shift_right_arithmetic3A_440 : vector<16xi32>
        %and3A_442 = arith.constant 127 : i32
        %and3A_443 = vector.broadcast %and3A_442 : i32 to vector<16xi32>
        %and3A_444 = arith.andi %get3A_438, %and3A_443 : vector<16xi32>
        %scatter3A_445 = arith.constant 2 : i32
        %scatter3A_446 = arith.constant 0 : i32
        %scatter3A_447 = arith.constant 0 : i32
        %scatter3A_448 = tpu.memref_slice %arg14[%scatter3A_445, %scatter3A_446, %scatter3A_447] : memref<3x80x128xf32, #tpu.memory_space<vmem>> -> memref<1x80x128xf32, #tpu.memory_space<vmem>>
        %scatter3A_449 = tpu.memref_squeeze %scatter3A_448 : memref<1x80x128xf32, #tpu.memory_space<vmem>> -> memref<80x128xf32, #tpu.memory_space<vmem>>
        tpu.vector_store_idx %scatter3A_449[%shift_right_arithmetic3A_441, %and3A_444], %broadcast_in_dim3A_3 {add = true} : memref<80x128xf32, #tpu.memory_space<vmem>>[vector<16xi32>, vector<16xi32>], vector<16xf32>,
        %get3A_450 = arith.constant 0 : i32
        %get3A_451 = arith.constant 2 : i32
        %get3A_452 = arith.index_cast %get3A_450 : i32 to index
        %get3A_453 = arith.index_cast %get3A_451 : i32 to index
        %get3A_454 = arith.constant 48 : index
        %get3A_455 = tpu.vector_load %arg12[%get3A_452, %get3A_453, %get3A_454] {strides = array<i32>} : memref<3x3x80xi32, #tpu.memory_space<vmem>>, vector<16xi32>,
        %shift_right_arithmetic3A_456 = arith.constant 7 : i32
        %shift_right_arithmetic3A_457 = vector.broadcast %shift_right_arithmetic3A_456 : i32 to vector<16xi32>
        %shift_right_arithmetic3A_458 = arith.shrsi %get3A_455, %shift_right_arithmetic3A_457 : vector<16xi32>
        %and3A_459 = arith.constant 127 : i32
        %and3A_460 = vector.broadcast %and3A_459 : i32 to vector<16xi32>
        %and3A_461 = arith.andi %get3A_455, %and3A_460 : vector<16xi32>
        %scatter3A_462 = arith.constant 2 : i32
        %scatter3A_463 = arith.constant 0 : i32
        %scatter3A_464 = arith.constant 0 : i32
        %scatter3A_465 = tpu.memref_slice %arg14[%scatter3A_462, %scatter3A_463, %scatter3A_464] : memref<3x80x128xf32, #tpu.memory_space<vmem>> -> memref<1x80x128xf32, #tpu.memory_space<vmem>>
        %scatter3A_466 = tpu.memref_squeeze %scatter3A_465 : memref<1x80x128xf32, #tpu.memory_space<vmem>> -> memref<80x128xf32, #tpu.memory_space<vmem>>
        tpu.vector_store_idx %scatter3A_466[%shift_right_arithmetic3A_458, %and3A_461], %broadcast_in_dim3A_3 {add = true} : memref<80x128xf32, #tpu.memory_space<vmem>>[vector<16xi32>, vector<16xi32>], vector<16xf32>,
        %get3A_467 = arith.constant 0 : i32
        %get3A_468 = arith.constant 2 : i32
        %get3A_469 = arith.index_cast %get3A_467 : i32 to index
        %get3A_470 = arith.index_cast %get3A_468 : i32 to index
        %get3A_471 = arith.constant 64 : index
        %get3A_472 = tpu.vector_load %arg12[%get3A_469, %get3A_470, %get3A_471] {strides = array<i32>} : memref<3x3x80xi32, #tpu.memory_space<vmem>>, vector<16xi32>,
        %shift_right_arithmetic3A_473 = arith.constant 7 : i32
        %shift_right_arithmetic3A_474 = vector.broadcast %shift_right_arithmetic3A_473 : i32 to vector<16xi32>
        %shift_right_arithmetic3A_475 = arith.shrsi %get3A_472, %shift_right_arithmetic3A_474 : vector<16xi32>
        %and3A_476 = arith.constant 127 : i32
        %and3A_477 = vector.broadcast %and3A_476 : i32 to vector<16xi32>
        %and3A_478 = arith.andi %get3A_472, %and3A_477 : vector<16xi32>
        %scatter3A_479 = arith.constant 2 : i32
        %scatter3A_480 = arith.constant 0 : i32
        %scatter3A_481 = arith.constant 0 : i32
        %scatter3A_482 = tpu.memref_slice %arg14[%scatter3A_479, %scatter3A_480, %scatter3A_481] : memref<3x80x128xf32, #tpu.memory_space<vmem>> -> memref<1x80x128xf32, #tpu.memory_space<vmem>>
        %scatter3A_483 = tpu.memref_squeeze %scatter3A_482 : memref<1x80x128xf32, #tpu.memory_space<vmem>> -> memref<80x128xf32, #tpu.memory_space<vmem>>
        tpu.vector_store_idx %scatter3A_483[%shift_right_arithmetic3A_475, %and3A_478], %broadcast_in_dim3A_3 {add = true} : memref<80x128xf32, #tpu.memory_space<vmem>>[vector<16xi32>, vector<16xi32>], vector<16xf32>,
      } else {
      }
      %add3A_142 = arith.constant 3 : i32
      %add3A_143 = arith.addi %add3A_112, %add3A_142 : i32
      %lt3A_144 = arith.constant 252 : i32
      %lt3A_145 = arith.cmpi slt, %add3A_143, %lt3A_144 : i32
      %convert_element_type3A_146 = arith.extui %lt3A_145 : i1 to i32
      %cond3A_147 = arith.constant 0 : i32
      %cond3A_148 = arith.cmpi ne, %convert_element_type3A_146, %cond3A_147 : i32
      scf.if %cond3A_148 {
        %add3A_233 = arith.constant 3 : i32
        %add3A_234 = arith.addi %add3A_112, %add3A_233 : i32
        %mul3A_235 = arith.constant 252 : i32
        %mul3A_236 = arith.muli %arg1, %mul3A_235 : i32
        %add3A_237 = arith.addi %mul3A_236, %add3A_234 : i32
        %dma_start3A_238 = arith.constant 0 : i32
        %dma_start3A_239 = arith.constant 0 : i32
        %dma_start3A_240 = arith.constant 0 : i32
        %dma_start3A_241 = tpu.memref_slice %arg12[%dma_start3A_238, %dma_start3A_239, %dma_start3A_240] : memref<3x3x80xi32, #tpu.memory_space<vmem>> -> memref<1x3x80xi32, #tpu.memory_space<vmem>>
        %dma_start3A_242 = tpu.memref_squeeze %dma_start3A_241 : memref<1x3x80xi32, #tpu.memory_space<vmem>> -> memref<3x80xi32, #tpu.memory_space<vmem>>
        %dma_start3A_243 = arith.constant 0 : i32
        %dma_start3A_244 = arith.constant 0 : i32
        %dma_start3A_245 = tpu.memref_slice %arg4[%add3A_237, %dma_start3A_243, %dma_start3A_244] : memref<4032x3x80xi32, #tpu.memory_space<hbm>> -> memref<1x3x80xi32, #tpu.memory_space<hbm>>
        %dma_start3A_246 = tpu.memref_squeeze %dma_start3A_245 : memref<1x3x80xi32, #tpu.memory_space<hbm>> -> memref<3x80xi32, #tpu.memory_space<hbm>>
        %dma_start3A_247 = arith.constant 0 : i32
        %dma_start3A_248 = arith.constant 0 : i32
        %dma_start3A_249 = tpu.memref_slice %arg12[%dma_start3A_238, %dma_start3A_247, %dma_start3A_248] : memref<3x3x80xi32, #tpu.memory_space<vmem>> -> memref<1x3x80xi32, #tpu.memory_space<vmem>>
        %dma_start3A_250 = tpu.memref_squeeze %dma_start3A_249 : memref<1x3x80xi32, #tpu.memory_space<vmem>> -> memref<3x80xi32, #tpu.memory_space<vmem>>
        %dma_start3A_251 = arith.constant 0 : i32
        %dma_start3A_252 = arith.constant 0 : i32
        %dma_start3A_253 = tpu.memref_slice %arg4[%add3A_237, %dma_start3A_251, %dma_start3A_252] : memref<4032x3x80xi32, #tpu.memory_space<hbm>> -> memref<1x3x80xi32, #tpu.memory_space<hbm>>
        %dma_start3A_254 = tpu.memref_squeeze %dma_start3A_253 : memref<1x3x80xi32, #tpu.memory_space<hbm>> -> memref<3x80xi32, #tpu.memory_space<hbm>>
        tpu.enqueue_dma source(%dma_start3A_254 : memref<3x80xi32, #tpu.memory_space<hbm>>) target(%dma_start3A_250 : memref<3x80xi32, #tpu.memory_space<vmem>>) target_semaphore(%arg19 : memref<!tpu.dma_semaphore, #tpu.memory_space<semaphore_mem>>)
      } else {
      }
      %mul3A_149 = arith.constant 3 : i32
      %mul3A_150 = arith.muli %scan3A_108, %mul3A_149 : i32
      %add3A_151 = arith.constant 1 : i32
      %add3A_152 = arith.addi %mul3A_150, %add3A_151 : i32
      %add3A_153 = arith.constant 1 : i32
      %add3A_154 = arith.addi %add3A_152, %add3A_153 : i32
      %lt3A_155 = arith.constant 252 : i32
      %lt3A_156 = arith.cmpi slt, %add3A_154, %lt3A_155 : i32
      %convert_element_type3A_157 = arith.extui %lt3A_156 : i1 to i32
      %cond3A_158 = arith.constant 0 : i32
      %cond3A_159 = arith.cmpi ne, %convert_element_type3A_157, %cond3A_158 : i32
      scf.if %cond3A_159 {
        %dma_wait3A_233 = arith.constant 0 : i32
        %dma_wait3A_234 = arith.constant 2 : i32
        %dma_wait3A_235 = arith.constant 0 : i32
        %dma_wait3A_236 = arith.constant 0 : i32
        %dma_wait3A_237 = tpu.memref_slice %arg12[%dma_wait3A_234, %dma_wait3A_235, %dma_wait3A_236] : memref<3x3x80xi32, #tpu.memory_space<vmem>> -> memref<1x3x80xi32, #tpu.memory_space<vmem>>
        %dma_wait3A_238 = tpu.memref_squeeze %dma_wait3A_237 : memref<1x3x80xi32, #tpu.memory_space<vmem>> -> memref<3x80xi32, #tpu.memory_space<vmem>>
        %dma_wait3A_239 = arith.constant 0 : i32
        %dma_wait3A_240 = arith.constant 0 : i32
        %dma_wait3A_241 = tpu.memref_slice %arg4[%dma_wait3A_233, %dma_wait3A_239, %dma_wait3A_240] : memref<4032x3x80xi32, #tpu.memory_space<hbm>> -> memref<1x3x80xi32, #tpu.memory_space<hbm>>
        %dma_wait3A_242 = tpu.memref_squeeze %dma_wait3A_241 : memref<1x3x80xi32, #tpu.memory_space<hbm>> -> memref<3x80xi32, #tpu.memory_space<hbm>>
        %dma_wait3A_243 = arith.constant 0 : i32
        %dma_wait3A_244 = arith.constant 0 : i32
        %dma_wait3A_245 = tpu.memref_slice %arg12[%dma_wait3A_234, %dma_wait3A_243, %dma_wait3A_244] : memref<3x3x80xi32, #tpu.memory_space<vmem>> -> memref<1x3x80xi32, #tpu.memory_space<vmem>>
        %dma_wait3A_246 = tpu.memref_squeeze %dma_wait3A_245 : memref<1x3x80xi32, #tpu.memory_space<vmem>> -> memref<3x80xi32, #tpu.memory_space<vmem>>
        %dma_wait3A_247 = arith.constant 0 : i32
        %dma_wait3A_248 = arith.constant 0 : i32
        %dma_wait3A_249 = tpu.memref_slice %arg4[%dma_wait3A_233, %dma_wait3A_247, %dma_wait3A_248] : memref<4032x3x80xi32, #tpu.memory_space<hbm>> -> memref<1x3x80xi32, #tpu.memory_space<hbm>>
        %dma_wait3A_250 = tpu.memref_squeeze %dma_wait3A_249 : memref<1x3x80xi32, #tpu.memory_space<hbm>> -> memref<3x80xi32, #tpu.memory_space<hbm>>
        tpu.wait_dma2 semaphore(%arg21 : memref<!tpu.dma_semaphore, #tpu.memory_space<semaphore_mem>>) src(%dma_wait3A_250 : memref<3x80xi32, #tpu.memory_space<hbm>>) dst(%dma_wait3A_246 : memref<3x80xi32, #tpu.memory_space<vmem>>)
        %eq3A_251 = arith.constant 0 : i32
        %eq3A_252 = arith.cmpi eq, %arg0, %eq3A_251 : i32
        %convert_element_type3A_253 = arith.extui %eq3A_252 : i1 to i32
        %cond3A_254 = arith.constant 0 : i32
        %cond3A_255 = arith.cmpi ne, %convert_element_type3A_253, %cond3A_254 : i32
        scf.if %cond3A_255 {
          %dma_start3A_261 = arith.constant 2 : i32
          %dma_start3A_262 = arith.constant 0 : i32
          %dma_start3A_263 = arith.constant 2 : i32
          %dma_start3A_264 = arith.constant 0 : i32
          %dma_start3A_265 = arith.constant 0 : i32
          %dma_start3A_266 = tpu.memref_slice %arg13[%dma_start3A_263, %dma_start3A_264, %dma_start3A_265] : memref<3x80x64xf32, #tpu.memory_space<vmem>> -> memref<1x80x64xf32, #tpu.memory_space<vmem>>
          %dma_start3A_267 = tpu.memref_squeeze %dma_start3A_266 : memref<1x80x64xf32, #tpu.memory_space<vmem>> -> memref<80x64xf32, #tpu.memory_space<vmem>>
          %dma_start3A_268 = arith.constant 0 : i32
          %dma_start3A_269 = tpu.memref_slice %arg12[%dma_start3A_261, %dma_start3A_262, %dma_start3A_268] : memref<3x3x80xi32, #tpu.memory_space<vmem>> -> memref<1x1x80xi32, #tpu.memory_space<vmem>>
          %dma_start3A_270 = tpu.memref_squeeze %dma_start3A_269 : memref<1x1x80xi32, #tpu.memory_space<vmem>> -> memref<80xi32, #tpu.memory_space<vmem>>
          %dma_start3A_271 = arith.constant 0 : i32
          %dma_start3A_272 = arith.constant 0 : i32
          %dma_start3A_273 = tpu.memref_slice %arg2[%dma_start3A_271, %dma_start3A_272] : memref<10112x64xf32, #tpu.memory_space<hbm>> -> memref<10112x64xf32, #tpu.memory_space<hbm>>
          tpu.enqueue_indirect_dma source(%dma_start3A_273 : memref<10112x64xf32, #tpu.memory_space<hbm>>) target(%dma_start3A_267 : memref<80x64xf32, #tpu.memory_space<vmem>>) offsets(%dma_start3A_270 : memref<80xi32, #tpu.memory_space<vmem>>) semaphore(%arg24 : memref<!tpu.dma_semaphore, #tpu.memory_space<semaphore_mem>>)
        } else {
        }
        %eq3A_256 = arith.constant 1 : i32
        %eq3A_257 = arith.cmpi eq, %arg0, %eq3A_256 : i32
        %convert_element_type3A_258 = arith.extui %eq3A_257 : i1 to i32
        %cond3A_259 = arith.constant 0 : i32
        %cond3A_260 = arith.cmpi ne, %convert_element_type3A_258, %cond3A_259 : i32
        scf.if %cond3A_260 {
          %dma_start3A_261 = arith.constant 2 : i32
          %dma_start3A_262 = arith.constant 0 : i32
          %dma_start3A_263 = arith.constant 2 : i32
          %dma_start3A_264 = arith.constant 0 : i32
          %dma_start3A_265 = arith.constant 0 : i32
          %dma_start3A_266 = tpu.memref_slice %arg13[%dma_start3A_263, %dma_start3A_264, %dma_start3A_265] : memref<3x80x64xf32, #tpu.memory_space<vmem>> -> memref<1x80x64xf32, #tpu.memory_space<vmem>>
          %dma_start3A_267 = tpu.memref_squeeze %dma_start3A_266 : memref<1x80x64xf32, #tpu.memory_space<vmem>> -> memref<80x64xf32, #tpu.memory_space<vmem>>
          %dma_start3A_268 = arith.constant 0 : i32
          %dma_start3A_269 = tpu.memref_slice %arg12[%dma_start3A_261, %dma_start3A_262, %dma_start3A_268] : memref<3x3x80xi32, #tpu.memory_space<vmem>> -> memref<1x1x80xi32, #tpu.memory_space<vmem>>
          %dma_start3A_270 = tpu.memref_squeeze %dma_start3A_269 : memref<1x1x80xi32, #tpu.memory_space<vmem>> -> memref<80xi32, #tpu.memory_space<vmem>>
          %dma_start3A_271 = arith.constant 0 : i32
          %dma_start3A_272 = arith.constant 0 : i32
          %dma_start3A_273 = tpu.memref_slice %arg3[%dma_start3A_271, %dma_start3A_272] : memref<10112x64xf32, #tpu.memory_space<hbm>> -> memref<10112x64xf32, #tpu.memory_space<hbm>>
          tpu.enqueue_indirect_dma source(%dma_start3A_273 : memref<10112x64xf32, #tpu.memory_space<hbm>>) target(%dma_start3A_267 : memref<80x64xf32, #tpu.memory_space<vmem>>) offsets(%dma_start3A_270 : memref<80xi32, #tpu.memory_space<vmem>>) semaphore(%arg24 : memref<!tpu.dma_semaphore, #tpu.memory_space<semaphore_mem>>)
        } else {
        }
      } else {
      }
      %dma_wait3A_160 = arith.constant 0 : i32
      %dma_wait3A_161 = arith.constant 0 : i32
      %dma_wait3A_162 = arith.constant 1 : i32
      %dma_wait3A_163 = arith.constant 0 : i32
      %dma_wait3A_164 = arith.constant 0 : i32
      %dma_wait3A_165 = tpu.memref_slice %arg13[%dma_wait3A_162, %dma_wait3A_163, %dma_wait3A_164] : memref<3x80x64xf32, #tpu.memory_space<vmem>> -> memref<1x80x64xf32, #tpu.memory_space<vmem>>
      %dma_wait3A_166 = tpu.memref_squeeze %dma_wait3A_165 : memref<1x80x64xf32, #tpu.memory_space<vmem>> -> memref<80x64xf32, #tpu.memory_space<vmem>>
      %dma_wait3A_167 = arith.constant 0 : i32
      %dma_wait3A_168 = tpu.memref_slice %arg12[%dma_wait3A_160, %dma_wait3A_161, %dma_wait3A_167] : memref<3x3x80xi32, #tpu.memory_space<vmem>> -> memref<1x1x80xi32, #tpu.memory_space<vmem>>
      %dma_wait3A_169 = tpu.memref_squeeze %dma_wait3A_168 : memref<1x1x80xi32, #tpu.memory_space<vmem>> -> memref<80xi32, #tpu.memory_space<vmem>>
      %dma_wait3A_170 = arith.constant 0 : i32
      %dma_wait3A_171 = arith.constant 0 : i32
      %dma_wait3A_172 = tpu.memref_slice %arg2[%dma_wait3A_170, %dma_wait3A_171] : memref<10112x64xf32, #tpu.memory_space<hbm>> -> memref<10112x64xf32, #tpu.memory_space<hbm>>
      tpu.wait_indirect_dma semaphore(%arg23 : memref<!tpu.dma_semaphore, #tpu.memory_space<semaphore_mem>>) src(%dma_wait3A_172 : memref<10112x64xf32, #tpu.memory_space<hbm>>) dst(%dma_wait3A_166 : memref<80x64xf32, #tpu.memory_space<vmem>>)
      %run_scoped3A_173 = arith.constant 1 : i32
      %run_scoped3A_174 = arith.constant 1 : i32
      %run_scoped3A_175 = arith.constant 1 : i32
      "tpu.region"() ({
        %run_scoped3A_233 = tpu.sem_alloc : memref<!tpu.dma_semaphore, #tpu.memory_space<semaphore_mem>>
        %dma_start3A_234 = arith.constant 0 : i32
        %dma_start3A_235 = arith.constant 0 : i32
        %dma_start3A_236 = tpu.memref_slice %arg13[%run_scoped3A_173, %dma_start3A_234, %dma_start3A_235] : memref<3x80x64xf32, #tpu.memory_space<vmem>> -> memref<1x80x64xf32, #tpu.memory_space<vmem>>
        %dma_start3A_237 = tpu.memref_squeeze %dma_start3A_236 : memref<1x80x64xf32, #tpu.memory_space<vmem>> -> memref<80x64xf32, #tpu.memory_space<vmem>>
        %dma_start3A_238 = arith.constant 0 : i32
        %dma_start3A_239 = tpu.memref_slice %arg12[%run_scoped3A_174, %run_scoped3A_175, %dma_start3A_238] : memref<3x3x80xi32, #tpu.memory_space<vmem>> -> memref<1x1x80xi32, #tpu.memory_space<vmem>>
        %dma_start3A_240 = tpu.memref_squeeze %dma_start3A_239 : memref<1x1x80xi32, #tpu.memory_space<vmem>> -> memref<80xi32, #tpu.memory_space<vmem>>
        %dma_start3A_241 = arith.constant 0 : i32
        %dma_start3A_242 = arith.constant 0 : i32
        %dma_start3A_243 = tpu.memref_slice %arg16[%dma_start3A_241, %dma_start3A_242] : memref<10112x64xf32, #tpu.memory_space<vmem_shared>> -> memref<10112x64xf32, #tpu.memory_space<vmem_shared>>
        tpu.enqueue_indirect_dma source(%dma_start3A_237 : memref<80x64xf32, #tpu.memory_space<vmem>>) target(%dma_start3A_243 : memref<10112x64xf32, #tpu.memory_space<vmem_shared>>) offsets(%dma_start3A_240 : memref<80xi32, #tpu.memory_space<vmem>>) semaphore(%run_scoped3A_233 : memref<!tpu.dma_semaphore, #tpu.memory_space<semaphore_mem>>) {add = true}
        %dma_wait3A_244 = arith.constant 0 : i32
        %dma_wait3A_245 = arith.constant 0 : i32
        %dma_wait3A_246 = tpu.memref_slice %arg13[%run_scoped3A_173, %dma_wait3A_244, %dma_wait3A_245] : memref<3x80x64xf32, #tpu.memory_space<vmem>> -> memref<1x80x64xf32, #tpu.memory_space<vmem>>
        %dma_wait3A_247 = tpu.memref_squeeze %dma_wait3A_246 : memref<1x80x64xf32, #tpu.memory_space<vmem>> -> memref<80x64xf32, #tpu.memory_space<vmem>>
        %dma_wait3A_248 = arith.constant 0 : i32
        %dma_wait3A_249 = tpu.memref_slice %arg12[%run_scoped3A_174, %run_scoped3A_175, %dma_wait3A_248] : memref<3x3x80xi32, #tpu.memory_space<vmem>> -> memref<1x1x80xi32, #tpu.memory_space<vmem>>
        %dma_wait3A_250 = tpu.memref_squeeze %dma_wait3A_249 : memref<1x1x80xi32, #tpu.memory_space<vmem>> -> memref<80xi32, #tpu.memory_space<vmem>>
        %dma_wait3A_251 = arith.constant 0 : i32
        %dma_wait3A_252 = arith.constant 0 : i32
        %dma_wait3A_253 = tpu.memref_slice %arg16[%dma_wait3A_251, %dma_wait3A_252] : memref<10112x64xf32, #tpu.memory_space<vmem_shared>> -> memref<10112x64xf32, #tpu.memory_space<vmem_shared>>
        tpu.wait_indirect_dma semaphore(%run_scoped3A_233 : memref<!tpu.dma_semaphore, #tpu.memory_space<semaphore_mem>>) src(%dma_wait3A_247 : memref<80x64xf32, #tpu.memory_space<vmem>>) dst(%dma_wait3A_253 : memref<10112x64xf32, #tpu.memory_space<vmem_shared>>)
        tpu.yield
      }) : () -> ()
      %run_scoped3A_176 = arith.constant 1 : i32
      %run_scoped3A_177 = arith.constant 1 : i32
      %run_scoped3A_178 = arith.constant 2 : i32
      "tpu.region"() ({
        %run_scoped3A_233 = tpu.sem_alloc : memref<!tpu.dma_semaphore, #tpu.memory_space<semaphore_mem>>
        %dma_start3A_234 = arith.constant 0 : i32
        %dma_start3A_235 = arith.constant 0 : i32
        %dma_start3A_236 = tpu.memref_slice %arg13[%run_scoped3A_176, %dma_start3A_234, %dma_start3A_235] : memref<3x80x64xf32, #tpu.memory_space<vmem>> -> memref<1x80x64xf32, #tpu.memory_space<vmem>>
        %dma_start3A_237 = tpu.memref_squeeze %dma_start3A_236 : memref<1x80x64xf32, #tpu.memory_space<vmem>> -> memref<80x64xf32, #tpu.memory_space<vmem>>
        %dma_start3A_238 = arith.constant 0 : i32
        %dma_start3A_239 = tpu.memref_slice %arg12[%run_scoped3A_177, %run_scoped3A_178, %dma_start3A_238] : memref<3x3x80xi32, #tpu.memory_space<vmem>> -> memref<1x1x80xi32, #tpu.memory_space<vmem>>
        %dma_start3A_240 = tpu.memref_squeeze %dma_start3A_239 : memref<1x1x80xi32, #tpu.memory_space<vmem>> -> memref<80xi32, #tpu.memory_space<vmem>>
        %dma_start3A_241 = arith.constant 0 : i32
        %dma_start3A_242 = arith.constant 0 : i32
        %dma_start3A_243 = tpu.memref_slice %arg17[%dma_start3A_241, %dma_start3A_242] : memref<10112x64xf32, #tpu.memory_space<vmem_shared>> -> memref<10112x64xf32, #tpu.memory_space<vmem_shared>>
        tpu.enqueue_indirect_dma source(%dma_start3A_237 : memref<80x64xf32, #tpu.memory_space<vmem>>) target(%dma_start3A_243 : memref<10112x64xf32, #tpu.memory_space<vmem_shared>>) offsets(%dma_start3A_240 : memref<80xi32, #tpu.memory_space<vmem>>) semaphore(%run_scoped3A_233 : memref<!tpu.dma_semaphore, #tpu.memory_space<semaphore_mem>>) {add = true}
        %dma_wait3A_244 = arith.constant 0 : i32
        %dma_wait3A_245 = arith.constant 0 : i32
        %dma_wait3A_246 = tpu.memref_slice %arg13[%run_scoped3A_176, %dma_wait3A_244, %dma_wait3A_245] : memref<3x80x64xf32, #tpu.memory_space<vmem>> -> memref<1x80x64xf32, #tpu.memory_space<vmem>>
        %dma_wait3A_247 = tpu.memref_squeeze %dma_wait3A_246 : memref<1x80x64xf32, #tpu.memory_space<vmem>> -> memref<80x64xf32, #tpu.memory_space<vmem>>
        %dma_wait3A_248 = arith.constant 0 : i32
        %dma_wait3A_249 = tpu.memref_slice %arg12[%run_scoped3A_177, %run_scoped3A_178, %dma_wait3A_248] : memref<3x3x80xi32, #tpu.memory_space<vmem>> -> memref<1x1x80xi32, #tpu.memory_space<vmem>>
        %dma_wait3A_250 = tpu.memref_squeeze %dma_wait3A_249 : memref<1x1x80xi32, #tpu.memory_space<vmem>> -> memref<80xi32, #tpu.memory_space<vmem>>
        %dma_wait3A_251 = arith.constant 0 : i32
        %dma_wait3A_252 = arith.constant 0 : i32
        %dma_wait3A_253 = tpu.memref_slice %arg17[%dma_wait3A_251, %dma_wait3A_252] : memref<10112x64xf32, #tpu.memory_space<vmem_shared>> -> memref<10112x64xf32, #tpu.memory_space<vmem_shared>>
        tpu.wait_indirect_dma semaphore(%run_scoped3A_233 : memref<!tpu.dma_semaphore, #tpu.memory_space<semaphore_mem>>) src(%dma_wait3A_247 : memref<80x64xf32, #tpu.memory_space<vmem>>) dst(%dma_wait3A_253 : memref<10112x64xf32, #tpu.memory_space<vmem_shared>>)
        tpu.yield
      }) : () -> ()
      %eq3A_179 = arith.constant 0 : i32
      %eq3A_180 = arith.cmpi eq, %arg0, %eq3A_179 : i32
      %convert_element_type3A_181 = arith.extui %eq3A_180 : i1 to i32
      %cond3A_182 = arith.constant 0 : i32
      %cond3A_183 = arith.cmpi ne, %convert_element_type3A_181, %cond3A_182 : i32
      scf.if %cond3A_183 {
        %get3A = arith.constant 1 : i32
        %get3A_233 = arith.constant 0 : i32
        %get3A_234 = arith.index_cast %get3A : i32 to index
        %get3A_235 = arith.index_cast %get3A_233 : i32 to index
        %get3A_236 = arith.constant 0 : index
        %get3A_237 = tpu.vector_load %arg12[%get3A_234, %get3A_235, %get3A_236] {strides = array<i32>} : memref<3x3x80xi32, #tpu.memory_space<vmem>>, vector<16xi32>,
        %shift_right_arithmetic3A = arith.constant 7 : i32
        %shift_right_arithmetic3A_238 = vector.broadcast %shift_right_arithmetic3A : i32 to vector<16xi32>
        %shift_right_arithmetic3A_239 = arith.shrsi %get3A_237, %shift_right_arithmetic3A_238 : vector<16xi32>
        %and3A = arith.constant 127 : i32
        %and3A_240 = vector.broadcast %and3A : i32 to vector<16xi32>
        %and3A_241 = arith.andi %get3A_237, %and3A_240 : vector<16xi32>
        %scatter3A = arith.constant 0 : i32
        %scatter3A_242 = arith.constant 0 : i32
        %scatter3A_243 = arith.constant 0 : i32
        %scatter3A_244 = tpu.memref_slice %arg14[%scatter3A, %scatter3A_242, %scatter3A_243] : memref<3x80x128xf32, #tpu.memory_space<vmem>> -> memref<1x80x128xf32, #tpu.memory_space<vmem>>
        %scatter3A_245 = tpu.memref_squeeze %scatter3A_244 : memref<1x80x128xf32, #tpu.memory_space<vmem>> -> memref<80x128xf32, #tpu.memory_space<vmem>>
        tpu.vector_store_idx %scatter3A_245[%shift_right_arithmetic3A_239, %and3A_241], %broadcast_in_dim3A_3 {add = true} : memref<80x128xf32, #tpu.memory_space<vmem>>[vector<16xi32>, vector<16xi32>], vector<16xf32>,
        %get3A_246 = arith.constant 1 : i32
        %get3A_247 = arith.constant 0 : i32
        %get3A_248 = arith.index_cast %get3A_246 : i32 to index
        %get3A_249 = arith.index_cast %get3A_247 : i32 to index
        %get3A_250 = arith.constant 16 : index
        %get3A_251 = tpu.vector_load %arg12[%get3A_248, %get3A_249, %get3A_250] {strides = array<i32>} : memref<3x3x80xi32, #tpu.memory_space<vmem>>, vector<16xi32>,
        %shift_right_arithmetic3A_252 = arith.constant 7 : i32
        %shift_right_arithmetic3A_253 = vector.broadcast %shift_right_arithmetic3A_252 : i32 to vector<16xi32>
        %shift_right_arithmetic3A_254 = arith.shrsi %get3A_251, %shift_right_arithmetic3A_253 : vector<16xi32>
        %and3A_255 = arith.constant 127 : i32
        %and3A_256 = vector.broadcast %and3A_255 : i32 to vector<16xi32>
        %and3A_257 = arith.andi %get3A_251, %and3A_256 : vector<16xi32>
        %scatter3A_258 = arith.constant 0 : i32
        %scatter3A_259 = arith.constant 0 : i32
        %scatter3A_260 = arith.constant 0 : i32
        %scatter3A_261 = tpu.memref_slice %arg14[%scatter3A_258, %scatter3A_259, %scatter3A_260] : memref<3x80x128xf32, #tpu.memory_space<vmem>> -> memref<1x80x128xf32, #tpu.memory_space<vmem>>
        %scatter3A_262 = tpu.memref_squeeze %scatter3A_261 : memref<1x80x128xf32, #tpu.memory_space<vmem>> -> memref<80x128xf32, #tpu.memory_space<vmem>>
        tpu.vector_store_idx %scatter3A_262[%shift_right_arithmetic3A_254, %and3A_257], %broadcast_in_dim3A_3 {add = true} : memref<80x128xf32, #tpu.memory_space<vmem>>[vector<16xi32>, vector<16xi32>], vector<16xf32>,
        %get3A_263 = arith.constant 1 : i32
        %get3A_264 = arith.constant 0 : i32
        %get3A_265 = arith.index_cast %get3A_263 : i32 to index
        %get3A_266 = arith.index_cast %get3A_264 : i32 to index
        %get3A_267 = arith.constant 32 : index
        %get3A_268 = tpu.vector_load %arg12[%get3A_265, %get3A_266, %get3A_267] {strides = array<i32>} : memref<3x3x80xi32, #tpu.memory_space<vmem>>, vector<16xi32>,
        %shift_right_arithmetic3A_269 = arith.constant 7 : i32
        %shift_right_arithmetic3A_270 = vector.broadcast %shift_right_arithmetic3A_269 : i32 to vector<16xi32>
        %shift_right_arithmetic3A_271 = arith.shrsi %get3A_268, %shift_right_arithmetic3A_270 : vector<16xi32>
        %and3A_272 = arith.constant 127 : i32
        %and3A_273 = vector.broadcast %and3A_272 : i32 to vector<16xi32>
        %and3A_274 = arith.andi %get3A_268, %and3A_273 : vector<16xi32>
        %scatter3A_275 = arith.constant 0 : i32
        %scatter3A_276 = arith.constant 0 : i32
        %scatter3A_277 = arith.constant 0 : i32
        %scatter3A_278 = tpu.memref_slice %arg14[%scatter3A_275, %scatter3A_276, %scatter3A_277] : memref<3x80x128xf32, #tpu.memory_space<vmem>> -> memref<1x80x128xf32, #tpu.memory_space<vmem>>
        %scatter3A_279 = tpu.memref_squeeze %scatter3A_278 : memref<1x80x128xf32, #tpu.memory_space<vmem>> -> memref<80x128xf32, #tpu.memory_space<vmem>>
        tpu.vector_store_idx %scatter3A_279[%shift_right_arithmetic3A_271, %and3A_274], %broadcast_in_dim3A_3 {add = true} : memref<80x128xf32, #tpu.memory_space<vmem>>[vector<16xi32>, vector<16xi32>], vector<16xf32>,
        %get3A_280 = arith.constant 1 : i32
        %get3A_281 = arith.constant 0 : i32
        %get3A_282 = arith.index_cast %get3A_280 : i32 to index
        %get3A_283 = arith.index_cast %get3A_281 : i32 to index
        %get3A_284 = arith.constant 48 : index
        %get3A_285 = tpu.vector_load %arg12[%get3A_282, %get3A_283, %get3A_284] {strides = array<i32>} : memref<3x3x80xi32, #tpu.memory_space<vmem>>, vector<16xi32>,
        %shift_right_arithmetic3A_286 = arith.constant 7 : i32
        %shift_right_arithmetic3A_287 = vector.broadcast %shift_right_arithmetic3A_286 : i32 to vector<16xi32>
        %shift_right_arithmetic3A_288 = arith.shrsi %get3A_285, %shift_right_arithmetic3A_287 : vector<16xi32>
        %and3A_289 = arith.constant 127 : i32
        %and3A_290 = vector.broadcast %and3A_289 : i32 to vector<16xi32>
        %and3A_291 = arith.andi %get3A_285, %and3A_290 : vector<16xi32>
        %scatter3A_292 = arith.constant 0 : i32
        %scatter3A_293 = arith.constant 0 : i32
        %scatter3A_294 = arith.constant 0 : i32
        %scatter3A_295 = tpu.memref_slice %arg14[%scatter3A_292, %scatter3A_293, %scatter3A_294] : memref<3x80x128xf32, #tpu.memory_space<vmem>> -> memref<1x80x128xf32, #tpu.memory_space<vmem>>
        %scatter3A_296 = tpu.memref_squeeze %scatter3A_295 : memref<1x80x128xf32, #tpu.memory_space<vmem>> -> memref<80x128xf32, #tpu.memory_space<vmem>>
        tpu.vector_store_idx %scatter3A_296[%shift_right_arithmetic3A_288, %and3A_291], %broadcast_in_dim3A_3 {add = true} : memref<80x128xf32, #tpu.memory_space<vmem>>[vector<16xi32>, vector<16xi32>], vector<16xf32>,
        %get3A_297 = arith.constant 1 : i32
        %get3A_298 = arith.constant 0 : i32
        %get3A_299 = arith.index_cast %get3A_297 : i32 to index
        %get3A_300 = arith.index_cast %get3A_298 : i32 to index
        %get3A_301 = arith.constant 64 : index
        %get3A_302 = tpu.vector_load %arg12[%get3A_299, %get3A_300, %get3A_301] {strides = array<i32>} : memref<3x3x80xi32, #tpu.memory_space<vmem>>, vector<16xi32>,
        %shift_right_arithmetic3A_303 = arith.constant 7 : i32
        %shift_right_arithmetic3A_304 = vector.broadcast %shift_right_arithmetic3A_303 : i32 to vector<16xi32>
        %shift_right_arithmetic3A_305 = arith.shrsi %get3A_302, %shift_right_arithmetic3A_304 : vector<16xi32>
        %and3A_306 = arith.constant 127 : i32
        %and3A_307 = vector.broadcast %and3A_306 : i32 to vector<16xi32>
        %and3A_308 = arith.andi %get3A_302, %and3A_307 : vector<16xi32>
        %scatter3A_309 = arith.constant 0 : i32
        %scatter3A_310 = arith.constant 0 : i32
        %scatter3A_311 = arith.constant 0 : i32
        %scatter3A_312 = tpu.memref_slice %arg14[%scatter3A_309, %scatter3A_310, %scatter3A_311] : memref<3x80x128xf32, #tpu.memory_space<vmem>> -> memref<1x80x128xf32, #tpu.memory_space<vmem>>
        %scatter3A_313 = tpu.memref_squeeze %scatter3A_312 : memref<1x80x128xf32, #tpu.memory_space<vmem>> -> memref<80x128xf32, #tpu.memory_space<vmem>>
        tpu.vector_store_idx %scatter3A_313[%shift_right_arithmetic3A_305, %and3A_308], %broadcast_in_dim3A_3 {add = true} : memref<80x128xf32, #tpu.memory_space<vmem>>[vector<16xi32>, vector<16xi32>], vector<16xf32>,
        %get3A_314 = arith.constant 1 : i32
        %get3A_315 = arith.constant 1 : i32
        %get3A_316 = arith.index_cast %get3A_314 : i32 to index
        %get3A_317 = arith.index_cast %get3A_315 : i32 to index
        %get3A_318 = arith.constant 0 : index
        %get3A_319 = tpu.vector_load %arg12[%get3A_316, %get3A_317, %get3A_318] {strides = array<i32>} : memref<3x3x80xi32, #tpu.memory_space<vmem>>, vector<16xi32>,
        %shift_right_arithmetic3A_320 = arith.constant 7 : i32
        %shift_right_arithmetic3A_321 = vector.broadcast %shift_right_arithmetic3A_320 : i32 to vector<16xi32>
        %shift_right_arithmetic3A_322 = arith.shrsi %get3A_319, %shift_right_arithmetic3A_321 : vector<16xi32>
        %and3A_323 = arith.constant 127 : i32
        %and3A_324 = vector.broadcast %and3A_323 : i32 to vector<16xi32>
        %and3A_325 = arith.andi %get3A_319, %and3A_324 : vector<16xi32>
        %scatter3A_326 = arith.constant 1 : i32
        %scatter3A_327 = arith.constant 0 : i32
        %scatter3A_328 = arith.constant 0 : i32
        %scatter3A_329 = tpu.memref_slice %arg14[%scatter3A_326, %scatter3A_327, %scatter3A_328] : memref<3x80x128xf32, #tpu.memory_space<vmem>> -> memref<1x80x128xf32, #tpu.memory_space<vmem>>
        %scatter3A_330 = tpu.memref_squeeze %scatter3A_329 : memref<1x80x128xf32, #tpu.memory_space<vmem>> -> memref<80x128xf32, #tpu.memory_space<vmem>>
        tpu.vector_store_idx %scatter3A_330[%shift_right_arithmetic3A_322, %and3A_325], %broadcast_in_dim3A_3 {add = true} : memref<80x128xf32, #tpu.memory_space<vmem>>[vector<16xi32>, vector<16xi32>], vector<16xf32>,
        %get3A_331 = arith.constant 1 : i32
        %get3A_332 = arith.constant 1 : i32
        %get3A_333 = arith.index_cast %get3A_331 : i32 to index
        %get3A_334 = arith.index_cast %get3A_332 : i32 to index
        %get3A_335 = arith.constant 16 : index
        %get3A_336 = tpu.vector_load %arg12[%get3A_333, %get3A_334, %get3A_335] {strides = array<i32>} : memref<3x3x80xi32, #tpu.memory_space<vmem>>, vector<16xi32>,
        %shift_right_arithmetic3A_337 = arith.constant 7 : i32
        %shift_right_arithmetic3A_338 = vector.broadcast %shift_right_arithmetic3A_337 : i32 to vector<16xi32>
        %shift_right_arithmetic3A_339 = arith.shrsi %get3A_336, %shift_right_arithmetic3A_338 : vector<16xi32>
        %and3A_340 = arith.constant 127 : i32
        %and3A_341 = vector.broadcast %and3A_340 : i32 to vector<16xi32>
        %and3A_342 = arith.andi %get3A_336, %and3A_341 : vector<16xi32>
        %scatter3A_343 = arith.constant 1 : i32
        %scatter3A_344 = arith.constant 0 : i32
        %scatter3A_345 = arith.constant 0 : i32
        %scatter3A_346 = tpu.memref_slice %arg14[%scatter3A_343, %scatter3A_344, %scatter3A_345] : memref<3x80x128xf32, #tpu.memory_space<vmem>> -> memref<1x80x128xf32, #tpu.memory_space<vmem>>
        %scatter3A_347 = tpu.memref_squeeze %scatter3A_346 : memref<1x80x128xf32, #tpu.memory_space<vmem>> -> memref<80x128xf32, #tpu.memory_space<vmem>>
        tpu.vector_store_idx %scatter3A_347[%shift_right_arithmetic3A_339, %and3A_342], %broadcast_in_dim3A_3 {add = true} : memref<80x128xf32, #tpu.memory_space<vmem>>[vector<16xi32>, vector<16xi32>], vector<16xf32>,
        %get3A_348 = arith.constant 1 : i32
        %get3A_349 = arith.constant 1 : i32
        %get3A_350 = arith.index_cast %get3A_348 : i32 to index
        %get3A_351 = arith.index_cast %get3A_349 : i32 to index
        %get3A_352 = arith.constant 32 : index
        %get3A_353 = tpu.vector_load %arg12[%get3A_350, %get3A_351, %get3A_352] {strides = array<i32>} : memref<3x3x80xi32, #tpu.memory_space<vmem>>, vector<16xi32>,
        %shift_right_arithmetic3A_354 = arith.constant 7 : i32
        %shift_right_arithmetic3A_355 = vector.broadcast %shift_right_arithmetic3A_354 : i32 to vector<16xi32>
        %shift_right_arithmetic3A_356 = arith.shrsi %get3A_353, %shift_right_arithmetic3A_355 : vector<16xi32>
        %and3A_357 = arith.constant 127 : i32
        %and3A_358 = vector.broadcast %and3A_357 : i32 to vector<16xi32>
        %and3A_359 = arith.andi %get3A_353, %and3A_358 : vector<16xi32>
        %scatter3A_360 = arith.constant 1 : i32
        %scatter3A_361 = arith.constant 0 : i32
        %scatter3A_362 = arith.constant 0 : i32
        %scatter3A_363 = tpu.memref_slice %arg14[%scatter3A_360, %scatter3A_361, %scatter3A_362] : memref<3x80x128xf32, #tpu.memory_space<vmem>> -> memref<1x80x128xf32, #tpu.memory_space<vmem>>
        %scatter3A_364 = tpu.memref_squeeze %scatter3A_363 : memref<1x80x128xf32, #tpu.memory_space<vmem>> -> memref<80x128xf32, #tpu.memory_space<vmem>>
        tpu.vector_store_idx %scatter3A_364[%shift_right_arithmetic3A_356, %and3A_359], %broadcast_in_dim3A_3 {add = true} : memref<80x128xf32, #tpu.memory_space<vmem>>[vector<16xi32>, vector<16xi32>], vector<16xf32>,
        %get3A_365 = arith.constant 1 : i32
        %get3A_366 = arith.constant 1 : i32
        %get3A_367 = arith.index_cast %get3A_365 : i32 to index
        %get3A_368 = arith.index_cast %get3A_366 : i32 to index
        %get3A_369 = arith.constant 48 : index
        %get3A_370 = tpu.vector_load %arg12[%get3A_367, %get3A_368, %get3A_369] {strides = array<i32>} : memref<3x3x80xi32, #tpu.memory_space<vmem>>, vector<16xi32>,
        %shift_right_arithmetic3A_371 = arith.constant 7 : i32
        %shift_right_arithmetic3A_372 = vector.broadcast %shift_right_arithmetic3A_371 : i32 to vector<16xi32>
        %shift_right_arithmetic3A_373 = arith.shrsi %get3A_370, %shift_right_arithmetic3A_372 : vector<16xi32>
        %and3A_374 = arith.constant 127 : i32
        %and3A_375 = vector.broadcast %and3A_374 : i32 to vector<16xi32>
        %and3A_376 = arith.andi %get3A_370, %and3A_375 : vector<16xi32>
        %scatter3A_377 = arith.constant 1 : i32
        %scatter3A_378 = arith.constant 0 : i32
        %scatter3A_379 = arith.constant 0 : i32
        %scatter3A_380 = tpu.memref_slice %arg14[%scatter3A_377, %scatter3A_378, %scatter3A_379] : memref<3x80x128xf32, #tpu.memory_space<vmem>> -> memref<1x80x128xf32, #tpu.memory_space<vmem>>
        %scatter3A_381 = tpu.memref_squeeze %scatter3A_380 : memref<1x80x128xf32, #tpu.memory_space<vmem>> -> memref<80x128xf32, #tpu.memory_space<vmem>>
        tpu.vector_store_idx %scatter3A_381[%shift_right_arithmetic3A_373, %and3A_376], %broadcast_in_dim3A_3 {add = true} : memref<80x128xf32, #tpu.memory_space<vmem>>[vector<16xi32>, vector<16xi32>], vector<16xf32>,
        %get3A_382 = arith.constant 1 : i32
        %get3A_383 = arith.constant 1 : i32
        %get3A_384 = arith.index_cast %get3A_382 : i32 to index
        %get3A_385 = arith.index_cast %get3A_383 : i32 to index
        %get3A_386 = arith.constant 64 : index
        %get3A_387 = tpu.vector_load %arg12[%get3A_384, %get3A_385, %get3A_386] {strides = array<i32>} : memref<3x3x80xi32, #tpu.memory_space<vmem>>, vector<16xi32>,
        %shift_right_arithmetic3A_388 = arith.constant 7 : i32
        %shift_right_arithmetic3A_389 = vector.broadcast %shift_right_arithmetic3A_388 : i32 to vector<16xi32>
        %shift_right_arithmetic3A_390 = arith.shrsi %get3A_387, %shift_right_arithmetic3A_389 : vector<16xi32>
        %and3A_391 = arith.constant 127 : i32
        %and3A_392 = vector.broadcast %and3A_391 : i32 to vector<16xi32>
        %and3A_393 = arith.andi %get3A_387, %and3A_392 : vector<16xi32>
        %scatter3A_394 = arith.constant 1 : i32
        %scatter3A_395 = arith.constant 0 : i32
        %scatter3A_396 = arith.constant 0 : i32
        %scatter3A_397 = tpu.memref_slice %arg14[%scatter3A_394, %scatter3A_395, %scatter3A_396] : memref<3x80x128xf32, #tpu.memory_space<vmem>> -> memref<1x80x128xf32, #tpu.memory_space<vmem>>
        %scatter3A_398 = tpu.memref_squeeze %scatter3A_397 : memref<1x80x128xf32, #tpu.memory_space<vmem>> -> memref<80x128xf32, #tpu.memory_space<vmem>>
        tpu.vector_store_idx %scatter3A_398[%shift_right_arithmetic3A_390, %and3A_393], %broadcast_in_dim3A_3 {add = true} : memref<80x128xf32, #tpu.memory_space<vmem>>[vector<16xi32>, vector<16xi32>], vector<16xf32>,
        %get3A_399 = arith.constant 1 : i32
        %get3A_400 = arith.constant 2 : i32
        %get3A_401 = arith.index_cast %get3A_399 : i32 to index
        %get3A_402 = arith.index_cast %get3A_400 : i32 to index
        %get3A_403 = arith.constant 0 : index
        %get3A_404 = tpu.vector_load %arg12[%get3A_401, %get3A_402, %get3A_403] {strides = array<i32>} : memref<3x3x80xi32, #tpu.memory_space<vmem>>, vector<16xi32>,
        %shift_right_arithmetic3A_405 = arith.constant 7 : i32
        %shift_right_arithmetic3A_406 = vector.broadcast %shift_right_arithmetic3A_405 : i32 to vector<16xi32>
        %shift_right_arithmetic3A_407 = arith.shrsi %get3A_404, %shift_right_arithmetic3A_406 : vector<16xi32>
        %and3A_408 = arith.constant 127 : i32
        %and3A_409 = vector.broadcast %and3A_408 : i32 to vector<16xi32>
        %and3A_410 = arith.andi %get3A_404, %and3A_409 : vector<16xi32>
        %scatter3A_411 = arith.constant 2 : i32
        %scatter3A_412 = arith.constant 0 : i32
        %scatter3A_413 = arith.constant 0 : i32
        %scatter3A_414 = tpu.memref_slice %arg14[%scatter3A_411, %scatter3A_412, %scatter3A_413] : memref<3x80x128xf32, #tpu.memory_space<vmem>> -> memref<1x80x128xf32, #tpu.memory_space<vmem>>
        %scatter3A_415 = tpu.memref_squeeze %scatter3A_414 : memref<1x80x128xf32, #tpu.memory_space<vmem>> -> memref<80x128xf32, #tpu.memory_space<vmem>>
        tpu.vector_store_idx %scatter3A_415[%shift_right_arithmetic3A_407, %and3A_410], %broadcast_in_dim3A_3 {add = true} : memref<80x128xf32, #tpu.memory_space<vmem>>[vector<16xi32>, vector<16xi32>], vector<16xf32>,
        %get3A_416 = arith.constant 1 : i32
        %get3A_417 = arith.constant 2 : i32
        %get3A_418 = arith.index_cast %get3A_416 : i32 to index
        %get3A_419 = arith.index_cast %get3A_417 : i32 to index
        %get3A_420 = arith.constant 16 : index
        %get3A_421 = tpu.vector_load %arg12[%get3A_418, %get3A_419, %get3A_420] {strides = array<i32>} : memref<3x3x80xi32, #tpu.memory_space<vmem>>, vector<16xi32>,
        %shift_right_arithmetic3A_422 = arith.constant 7 : i32
        %shift_right_arithmetic3A_423 = vector.broadcast %shift_right_arithmetic3A_422 : i32 to vector<16xi32>
        %shift_right_arithmetic3A_424 = arith.shrsi %get3A_421, %shift_right_arithmetic3A_423 : vector<16xi32>
        %and3A_425 = arith.constant 127 : i32
        %and3A_426 = vector.broadcast %and3A_425 : i32 to vector<16xi32>
        %and3A_427 = arith.andi %get3A_421, %and3A_426 : vector<16xi32>
        %scatter3A_428 = arith.constant 2 : i32
        %scatter3A_429 = arith.constant 0 : i32
        %scatter3A_430 = arith.constant 0 : i32
        %scatter3A_431 = tpu.memref_slice %arg14[%scatter3A_428, %scatter3A_429, %scatter3A_430] : memref<3x80x128xf32, #tpu.memory_space<vmem>> -> memref<1x80x128xf32, #tpu.memory_space<vmem>>
        %scatter3A_432 = tpu.memref_squeeze %scatter3A_431 : memref<1x80x128xf32, #tpu.memory_space<vmem>> -> memref<80x128xf32, #tpu.memory_space<vmem>>
        tpu.vector_store_idx %scatter3A_432[%shift_right_arithmetic3A_424, %and3A_427], %broadcast_in_dim3A_3 {add = true} : memref<80x128xf32, #tpu.memory_space<vmem>>[vector<16xi32>, vector<16xi32>], vector<16xf32>,
        %get3A_433 = arith.constant 1 : i32
        %get3A_434 = arith.constant 2 : i32
        %get3A_435 = arith.index_cast %get3A_433 : i32 to index
        %get3A_436 = arith.index_cast %get3A_434 : i32 to index
        %get3A_437 = arith.constant 32 : index
        %get3A_438 = tpu.vector_load %arg12[%get3A_435, %get3A_436, %get3A_437] {strides = array<i32>} : memref<3x3x80xi32, #tpu.memory_space<vmem>>, vector<16xi32>,
        %shift_right_arithmetic3A_439 = arith.constant 7 : i32
        %shift_right_arithmetic3A_440 = vector.broadcast %shift_right_arithmetic3A_439 : i32 to vector<16xi32>
        %shift_right_arithmetic3A_441 = arith.shrsi %get3A_438, %shift_right_arithmetic3A_440 : vector<16xi32>
        %and3A_442 = arith.constant 127 : i32
        %and3A_443 = vector.broadcast %and3A_442 : i32 to vector<16xi32>
        %and3A_444 = arith.andi %get3A_438, %and3A_443 : vector<16xi32>
        %scatter3A_445 = arith.constant 2 : i32
        %scatter3A_446 = arith.constant 0 : i32
        %scatter3A_447 = arith.constant 0 : i32
        %scatter3A_448 = tpu.memref_slice %arg14[%scatter3A_445, %scatter3A_446, %scatter3A_447] : memref<3x80x128xf32, #tpu.memory_space<vmem>> -> memref<1x80x128xf32, #tpu.memory_space<vmem>>
        %scatter3A_449 = tpu.memref_squeeze %scatter3A_448 : memref<1x80x128xf32, #tpu.memory_space<vmem>> -> memref<80x128xf32, #tpu.memory_space<vmem>>
        tpu.vector_store_idx %scatter3A_449[%shift_right_arithmetic3A_441, %and3A_444], %broadcast_in_dim3A_3 {add = true} : memref<80x128xf32, #tpu.memory_space<vmem>>[vector<16xi32>, vector<16xi32>], vector<16xf32>,
        %get3A_450 = arith.constant 1 : i32
        %get3A_451 = arith.constant 2 : i32
        %get3A_452 = arith.index_cast %get3A_450 : i32 to index
        %get3A_453 = arith.index_cast %get3A_451 : i32 to index
        %get3A_454 = arith.constant 48 : index
        %get3A_455 = tpu.vector_load %arg12[%get3A_452, %get3A_453, %get3A_454] {strides = array<i32>} : memref<3x3x80xi32, #tpu.memory_space<vmem>>, vector<16xi32>,
        %shift_right_arithmetic3A_456 = arith.constant 7 : i32
        %shift_right_arithmetic3A_457 = vector.broadcast %shift_right_arithmetic3A_456 : i32 to vector<16xi32>
        %shift_right_arithmetic3A_458 = arith.shrsi %get3A_455, %shift_right_arithmetic3A_457 : vector<16xi32>
        %and3A_459 = arith.constant 127 : i32
        %and3A_460 = vector.broadcast %and3A_459 : i32 to vector<16xi32>
        %and3A_461 = arith.andi %get3A_455, %and3A_460 : vector<16xi32>
        %scatter3A_462 = arith.constant 2 : i32
        %scatter3A_463 = arith.constant 0 : i32
        %scatter3A_464 = arith.constant 0 : i32
        %scatter3A_465 = tpu.memref_slice %arg14[%scatter3A_462, %scatter3A_463, %scatter3A_464] : memref<3x80x128xf32, #tpu.memory_space<vmem>> -> memref<1x80x128xf32, #tpu.memory_space<vmem>>
        %scatter3A_466 = tpu.memref_squeeze %scatter3A_465 : memref<1x80x128xf32, #tpu.memory_space<vmem>> -> memref<80x128xf32, #tpu.memory_space<vmem>>
        tpu.vector_store_idx %scatter3A_466[%shift_right_arithmetic3A_458, %and3A_461], %broadcast_in_dim3A_3 {add = true} : memref<80x128xf32, #tpu.memory_space<vmem>>[vector<16xi32>, vector<16xi32>], vector<16xf32>,
        %get3A_467 = arith.constant 1 : i32
        %get3A_468 = arith.constant 2 : i32
        %get3A_469 = arith.index_cast %get3A_467 : i32 to index
        %get3A_470 = arith.index_cast %get3A_468 : i32 to index
        %get3A_471 = arith.constant 64 : index
        %get3A_472 = tpu.vector_load %arg12[%get3A_469, %get3A_470, %get3A_471] {strides = array<i32>} : memref<3x3x80xi32, #tpu.memory_space<vmem>>, vector<16xi32>,
        %shift_right_arithmetic3A_473 = arith.constant 7 : i32
        %shift_right_arithmetic3A_474 = vector.broadcast %shift_right_arithmetic3A_473 : i32 to vector<16xi32>
        %shift_right_arithmetic3A_475 = arith.shrsi %get3A_472, %shift_right_arithmetic3A_474 : vector<16xi32>
        %and3A_476 = arith.constant 127 : i32
        %and3A_477 = vector.broadcast %and3A_476 : i32 to vector<16xi32>
        %and3A_478 = arith.andi %get3A_472, %and3A_477 : vector<16xi32>
        %scatter3A_479 = arith.constant 2 : i32
        %scatter3A_480 = arith.constant 0 : i32
        %scatter3A_481 = arith.constant 0 : i32
        %scatter3A_482 = tpu.memref_slice %arg14[%scatter3A_479, %scatter3A_480, %scatter3A_481] : memref<3x80x128xf32, #tpu.memory_space<vmem>> -> memref<1x80x128xf32, #tpu.memory_space<vmem>>
        %scatter3A_483 = tpu.memref_squeeze %scatter3A_482 : memref<1x80x128xf32, #tpu.memory_space<vmem>> -> memref<80x128xf32, #tpu.memory_space<vmem>>
        tpu.vector_store_idx %scatter3A_483[%shift_right_arithmetic3A_475, %and3A_478], %broadcast_in_dim3A_3 {add = true} : memref<80x128xf32, #tpu.memory_space<vmem>>[vector<16xi32>, vector<16xi32>], vector<16xf32>,
      } else {
      }
      %add3A_184 = arith.constant 3 : i32
      %add3A_185 = arith.addi %add3A_152, %add3A_184 : i32
      %lt3A_186 = arith.constant 252 : i32
      %lt3A_187 = arith.cmpi slt, %add3A_185, %lt3A_186 : i32
      %convert_element_type3A_188 = arith.extui %lt3A_187 : i1 to i32
      %cond3A_189 = arith.constant 0 : i32
      %cond3A_190 = arith.cmpi ne, %convert_element_type3A_188, %cond3A_189 : i32
      scf.if %cond3A_190 {
        %add3A_233 = arith.constant 3 : i32
        %add3A_234 = arith.addi %add3A_152, %add3A_233 : i32
        %mul3A_235 = arith.constant 252 : i32
        %mul3A_236 = arith.muli %arg1, %mul3A_235 : i32
        %add3A_237 = arith.addi %mul3A_236, %add3A_234 : i32
        %dma_start3A_238 = arith.constant 1 : i32
        %dma_start3A_239 = arith.constant 0 : i32
        %dma_start3A_240 = arith.constant 0 : i32
        %dma_start3A_241 = tpu.memref_slice %arg12[%dma_start3A_238, %dma_start3A_239, %dma_start3A_240] : memref<3x3x80xi32, #tpu.memory_space<vmem>> -> memref<1x3x80xi32, #tpu.memory_space<vmem>>
        %dma_start3A_242 = tpu.memref_squeeze %dma_start3A_241 : memref<1x3x80xi32, #tpu.memory_space<vmem>> -> memref<3x80xi32, #tpu.memory_space<vmem>>
        %dma_start3A_243 = arith.constant 0 : i32
        %dma_start3A_244 = arith.constant 0 : i32
        %dma_start3A_245 = tpu.memref_slice %arg4[%add3A_237, %dma_start3A_243, %dma_start3A_244] : memref<4032x3x80xi32, #tpu.memory_space<hbm>> -> memref<1x3x80xi32, #tpu.memory_space<hbm>>
        %dma_start3A_246 = tpu.memref_squeeze %dma_start3A_245 : memref<1x3x80xi32, #tpu.memory_space<hbm>> -> memref<3x80xi32, #tpu.memory_space<hbm>>
        %dma_start3A_247 = arith.constant 0 : i32
        %dma_start3A_248 = arith.constant 0 : i32
        %dma_start3A_249 = tpu.memref_slice %arg12[%dma_start3A_238, %dma_start3A_247, %dma_start3A_248] : memref<3x3x80xi32, #tpu.memory_space<vmem>> -> memref<1x3x80xi32, #tpu.memory_space<vmem>>
        %dma_start3A_250 = tpu.memref_squeeze %dma_start3A_249 : memref<1x3x80xi32, #tpu.memory_space<vmem>> -> memref<3x80xi32, #tpu.memory_space<vmem>>
        %dma_start3A_251 = arith.constant 0 : i32
        %dma_start3A_252 = arith.constant 0 : i32
        %dma_start3A_253 = tpu.memref_slice %arg4[%add3A_237, %dma_start3A_251, %dma_start3A_252] : memref<4032x3x80xi32, #tpu.memory_space<hbm>> -> memref<1x3x80xi32, #tpu.memory_space<hbm>>
        %dma_start3A_254 = tpu.memref_squeeze %dma_start3A_253 : memref<1x3x80xi32, #tpu.memory_space<hbm>> -> memref<3x80xi32, #tpu.memory_space<hbm>>
        tpu.enqueue_dma source(%dma_start3A_254 : memref<3x80xi32, #tpu.memory_space<hbm>>) target(%dma_start3A_250 : memref<3x80xi32, #tpu.memory_space<vmem>>) target_semaphore(%arg20 : memref<!tpu.dma_semaphore, #tpu.memory_space<semaphore_mem>>)
      } else {
      }
      %mul3A_191 = arith.constant 3 : i32
      %mul3A_192 = arith.muli %scan3A_108, %mul3A_191 : i32
      %add3A_193 = arith.constant 2 : i32
      %add3A_194 = arith.addi %mul3A_192, %add3A_193 : i32
      %add3A_195 = arith.constant 1 : i32
      %add3A_196 = arith.addi %add3A_194, %add3A_195 : i32
      %lt3A_197 = arith.constant 252 : i32
      %lt3A_198 = arith.cmpi slt, %add3A_196, %lt3A_197 : i32
      %convert_element_type3A_199 = arith.extui %lt3A_198 : i1 to i32
      %cond3A_200 = arith.constant 0 : i32
      %cond3A_201 = arith.cmpi ne, %convert_element_type3A_199, %cond3A_200 : i32
      scf.if %cond3A_201 {
        %dma_wait3A_233 = arith.constant 0 : i32
        %dma_wait3A_234 = arith.constant 0 : i32
        %dma_wait3A_235 = arith.constant 0 : i32
        %dma_wait3A_236 = arith.constant 0 : i32
        %dma_wait3A_237 = tpu.memref_slice %arg12[%dma_wait3A_234, %dma_wait3A_235, %dma_wait3A_236] : memref<3x3x80xi32, #tpu.memory_space<vmem>> -> memref<1x3x80xi32, #tpu.memory_space<vmem>>
        %dma_wait3A_238 = tpu.memref_squeeze %dma_wait3A_237 : memref<1x3x80xi32, #tpu.memory_space<vmem>> -> memref<3x80xi32, #tpu.memory_space<vmem>>
        %dma_wait3A_239 = arith.constant 0 : i32
        %dma_wait3A_240 = arith.constant 0 : i32
        %dma_wait3A_241 = tpu.memref_slice %arg4[%dma_wait3A_233, %dma_wait3A_239, %dma_wait3A_240] : memref<4032x3x80xi32, #tpu.memory_space<hbm>> -> memref<1x3x80xi32, #tpu.memory_space<hbm>>
        %dma_wait3A_242 = tpu.memref_squeeze %dma_wait3A_241 : memref<1x3x80xi32, #tpu.memory_space<hbm>> -> memref<3x80xi32, #tpu.memory_space<hbm>>
        %dma_wait3A_243 = arith.constant 0 : i32
        %dma_wait3A_244 = arith.constant 0 : i32
        %dma_wait3A_245 = tpu.memref_slice %arg12[%dma_wait3A_234, %dma_wait3A_243, %dma_wait3A_244] : memref<3x3x80xi32, #tpu.memory_space<vmem>> -> memref<1x3x80xi32, #tpu.memory_space<vmem>>
        %dma_wait3A_246 = tpu.memref_squeeze %dma_wait3A_245 : memref<1x3x80xi32, #tpu.memory_space<vmem>> -> memref<3x80xi32, #tpu.memory_space<vmem>>
        %dma_wait3A_247 = arith.constant 0 : i32
        %dma_wait3A_248 = arith.constant 0 : i32
        %dma_wait3A_249 = tpu.memref_slice %arg4[%dma_wait3A_233, %dma_wait3A_247, %dma_wait3A_248] : memref<4032x3x80xi32, #tpu.memory_space<hbm>> -> memref<1x3x80xi32, #tpu.memory_space<hbm>>
        %dma_wait3A_250 = tpu.memref_squeeze %dma_wait3A_249 : memref<1x3x80xi32, #tpu.memory_space<hbm>> -> memref<3x80xi32, #tpu.memory_space<hbm>>
        tpu.wait_dma2 semaphore(%arg19 : memref<!tpu.dma_semaphore, #tpu.memory_space<semaphore_mem>>) src(%dma_wait3A_250 : memref<3x80xi32, #tpu.memory_space<hbm>>) dst(%dma_wait3A_246 : memref<3x80xi32, #tpu.memory_space<vmem>>)
        %eq3A_251 = arith.constant 0 : i32
        %eq3A_252 = arith.cmpi eq, %arg0, %eq3A_251 : i32
        %convert_element_type3A_253 = arith.extui %eq3A_252 : i1 to i32
        %cond3A_254 = arith.constant 0 : i32
        %cond3A_255 = arith.cmpi ne, %convert_element_type3A_253, %cond3A_254 : i32
        scf.if %cond3A_255 {
          %dma_start3A_261 = arith.constant 0 : i32
          %dma_start3A_262 = arith.constant 0 : i32
          %dma_start3A_263 = arith.constant 0 : i32
          %dma_start3A_264 = arith.constant 0 : i32
          %dma_start3A_265 = arith.constant 0 : i32
          %dma_start3A_266 = tpu.memref_slice %arg13[%dma_start3A_263, %dma_start3A_264, %dma_start3A_265] : memref<3x80x64xf32, #tpu.memory_space<vmem>> -> memref<1x80x64xf32, #tpu.memory_space<vmem>>
          %dma_start3A_267 = tpu.memref_squeeze %dma_start3A_266 : memref<1x80x64xf32, #tpu.memory_space<vmem>> -> memref<80x64xf32, #tpu.memory_space<vmem>>
          %dma_start3A_268 = arith.constant 0 : i32
          %dma_start3A_269 = tpu.memref_slice %arg12[%dma_start3A_261, %dma_start3A_262, %dma_start3A_268] : memref<3x3x80xi32, #tpu.memory_space<vmem>> -> memref<1x1x80xi32, #tpu.memory_space<vmem>>
          %dma_start3A_270 = tpu.memref_squeeze %dma_start3A_269 : memref<1x1x80xi32, #tpu.memory_space<vmem>> -> memref<80xi32, #tpu.memory_space<vmem>>
          %dma_start3A_271 = arith.constant 0 : i32
          %dma_start3A_272 = arith.constant 0 : i32
          %dma_start3A_273 = tpu.memref_slice %arg2[%dma_start3A_271, %dma_start3A_272] : memref<10112x64xf32, #tpu.memory_space<hbm>> -> memref<10112x64xf32, #tpu.memory_space<hbm>>
          tpu.enqueue_indirect_dma source(%dma_start3A_273 : memref<10112x64xf32, #tpu.memory_space<hbm>>) target(%dma_start3A_267 : memref<80x64xf32, #tpu.memory_space<vmem>>) offsets(%dma_start3A_270 : memref<80xi32, #tpu.memory_space<vmem>>) semaphore(%arg22 : memref<!tpu.dma_semaphore, #tpu.memory_space<semaphore_mem>>)
        } else {
        }
        %eq3A_256 = arith.constant 1 : i32
        %eq3A_257 = arith.cmpi eq, %arg0, %eq3A_256 : i32
        %convert_element_type3A_258 = arith.extui %eq3A_257 : i1 to i32
        %cond3A_259 = arith.constant 0 : i32
        %cond3A_260 = arith.cmpi ne, %convert_element_type3A_258, %cond3A_259 : i32
        scf.if %cond3A_260 {
          %dma_start3A_261 = arith.constant 0 : i32
          %dma_start3A_262 = arith.constant 0 : i32
          %dma_start3A_263 = arith.constant 0 : i32
          %dma_start3A_264 = arith.constant 0 : i32
          %dma_start3A_265 = arith.constant 0 : i32
          %dma_start3A_266 = tpu.memref_slice %arg13[%dma_start3A_263, %dma_start3A_264, %dma_start3A_265] : memref<3x80x64xf32, #tpu.memory_space<vmem>> -> memref<1x80x64xf32, #tpu.memory_space<vmem>>
          %dma_start3A_267 = tpu.memref_squeeze %dma_start3A_266 : memref<1x80x64xf32, #tpu.memory_space<vmem>> -> memref<80x64xf32, #tpu.memory_space<vmem>>
          %dma_start3A_268 = arith.constant 0 : i32
          %dma_start3A_269 = tpu.memref_slice %arg12[%dma_start3A_261, %dma_start3A_262, %dma_start3A_268] : memref<3x3x80xi32, #tpu.memory_space<vmem>> -> memref<1x1x80xi32, #tpu.memory_space<vmem>>
          %dma_start3A_270 = tpu.memref_squeeze %dma_start3A_269 : memref<1x1x80xi32, #tpu.memory_space<vmem>> -> memref<80xi32, #tpu.memory_space<vmem>>
          %dma_start3A_271 = arith.constant 0 : i32
          %dma_start3A_272 = arith.constant 0 : i32
          %dma_start3A_273 = tpu.memref_slice %arg3[%dma_start3A_271, %dma_start3A_272] : memref<10112x64xf32, #tpu.memory_space<hbm>> -> memref<10112x64xf32, #tpu.memory_space<hbm>>
          tpu.enqueue_indirect_dma source(%dma_start3A_273 : memref<10112x64xf32, #tpu.memory_space<hbm>>) target(%dma_start3A_267 : memref<80x64xf32, #tpu.memory_space<vmem>>) offsets(%dma_start3A_270 : memref<80xi32, #tpu.memory_space<vmem>>) semaphore(%arg22 : memref<!tpu.dma_semaphore, #tpu.memory_space<semaphore_mem>>)
        } else {
        }
      } else {
      }
      %dma_wait3A_202 = arith.constant 0 : i32
      %dma_wait3A_203 = arith.constant 0 : i32
      %dma_wait3A_204 = arith.constant 2 : i32
      %dma_wait3A_205 = arith.constant 0 : i32
      %dma_wait3A_206 = arith.constant 0 : i32
      %dma_wait3A_207 = tpu.memref_slice %arg13[%dma_wait3A_204, %dma_wait3A_205, %dma_wait3A_206] : memref<3x80x64xf32, #tpu.memory_space<vmem>> -> memref<1x80x64xf32, #tpu.memory_space<vmem>>
      %dma_wait3A_208 = tpu.memref_squeeze %dma_wait3A_207 : memref<1x80x64xf32, #tpu.memory_space<vmem>> -> memref<80x64xf32, #tpu.memory_space<vmem>>
      %dma_wait3A_209 = arith.constant 0 : i32
      %dma_wait3A_210 = tpu.memref_slice %arg12[%dma_wait3A_202, %dma_wait3A_203, %dma_wait3A_209] : memref<3x3x80xi32, #tpu.memory_space<vmem>> -> memref<1x1x80xi32, #tpu.memory_space<vmem>>
      %dma_wait3A_211 = tpu.memref_squeeze %dma_wait3A_210 : memref<1x1x80xi32, #tpu.memory_space<vmem>> -> memref<80xi32, #tpu.memory_space<vmem>>
      %dma_wait3A_212 = arith.constant 0 : i32
      %dma_wait3A_213 = arith.constant 0 : i32
      %dma_wait3A_214 = tpu.memref_slice %arg2[%dma_wait3A_212, %dma_wait3A_213] : memref<10112x64xf32, #tpu.memory_space<hbm>> -> memref<10112x64xf32, #tpu.memory_space<hbm>>
      tpu.wait_indirect_dma semaphore(%arg24 : memref<!tpu.dma_semaphore, #tpu.memory_space<semaphore_mem>>) src(%dma_wait3A_214 : memref<10112x64xf32, #tpu.memory_space<hbm>>) dst(%dma_wait3A_208 : memref<80x64xf32, #tpu.memory_space<vmem>>)
      %run_scoped3A_215 = arith.constant 2 : i32
      %run_scoped3A_216 = arith.constant 2 : i32
      %run_scoped3A_217 = arith.constant 1 : i32
      "tpu.region"() ({
        %run_scoped3A_233 = tpu.sem_alloc : memref<!tpu.dma_semaphore, #tpu.memory_space<semaphore_mem>>
        %dma_start3A_234 = arith.constant 0 : i32
        %dma_start3A_235 = arith.constant 0 : i32
        %dma_start3A_236 = tpu.memref_slice %arg13[%run_scoped3A_215, %dma_start3A_234, %dma_start3A_235] : memref<3x80x64xf32, #tpu.memory_space<vmem>> -> memref<1x80x64xf32, #tpu.memory_space<vmem>>
        %dma_start3A_237 = tpu.memref_squeeze %dma_start3A_236 : memref<1x80x64xf32, #tpu.memory_space<vmem>> -> memref<80x64xf32, #tpu.memory_space<vmem>>
        %dma_start3A_238 = arith.constant 0 : i32
        %dma_start3A_239 = tpu.memref_slice %arg12[%run_scoped3A_216, %run_scoped3A_217, %dma_start3A_238] : memref<3x3x80xi32, #tpu.memory_space<vmem>> -> memref<1x1x80xi32, #tpu.memory_space<vmem>>
        %dma_start3A_240 = tpu.memref_squeeze %dma_start3A_239 : memref<1x1x80xi32, #tpu.memory_space<vmem>> -> memref<80xi32, #tpu.memory_space<vmem>>
        %dma_start3A_241 = arith.constant 0 : i32
        %dma_start3A_242 = arith.constant 0 : i32
        %dma_start3A_243 = tpu.memref_slice %arg16[%dma_start3A_241, %dma_start3A_242] : memref<10112x64xf32, #tpu.memory_space<vmem_shared>> -> memref<10112x64xf32, #tpu.memory_space<vmem_shared>>
        tpu.enqueue_indirect_dma source(%dma_start3A_237 : memref<80x64xf32, #tpu.memory_space<vmem>>) target(%dma_start3A_243 : memref<10112x64xf32, #tpu.memory_space<vmem_shared>>) offsets(%dma_start3A_240 : memref<80xi32, #tpu.memory_space<vmem>>) semaphore(%run_scoped3A_233 : memref<!tpu.dma_semaphore, #tpu.memory_space<semaphore_mem>>) {add = true}
        %dma_wait3A_244 = arith.constant 0 : i32
        %dma_wait3A_245 = arith.constant 0 : i32
        %dma_wait3A_246 = tpu.memref_slice %arg13[%run_scoped3A_215, %dma_wait3A_244, %dma_wait3A_245] : memref<3x80x64xf32, #tpu.memory_space<vmem>> -> memref<1x80x64xf32, #tpu.memory_space<vmem>>
        %dma_wait3A_247 = tpu.memref_squeeze %dma_wait3A_246 : memref<1x80x64xf32, #tpu.memory_space<vmem>> -> memref<80x64xf32, #tpu.memory_space<vmem>>
        %dma_wait3A_248 = arith.constant 0 : i32
        %dma_wait3A_249 = tpu.memref_slice %arg12[%run_scoped3A_216, %run_scoped3A_217, %dma_wait3A_248] : memref<3x3x80xi32, #tpu.memory_space<vmem>> -> memref<1x1x80xi32, #tpu.memory_space<vmem>>
        %dma_wait3A_250 = tpu.memref_squeeze %dma_wait3A_249 : memref<1x1x80xi32, #tpu.memory_space<vmem>> -> memref<80xi32, #tpu.memory_space<vmem>>
        %dma_wait3A_251 = arith.constant 0 : i32
        %dma_wait3A_252 = arith.constant 0 : i32
        %dma_wait3A_253 = tpu.memref_slice %arg16[%dma_wait3A_251, %dma_wait3A_252] : memref<10112x64xf32, #tpu.memory_space<vmem_shared>> -> memref<10112x64xf32, #tpu.memory_space<vmem_shared>>
        tpu.wait_indirect_dma semaphore(%run_scoped3A_233 : memref<!tpu.dma_semaphore, #tpu.memory_space<semaphore_mem>>) src(%dma_wait3A_247 : memref<80x64xf32, #tpu.memory_space<vmem>>) dst(%dma_wait3A_253 : memref<10112x64xf32, #tpu.memory_space<vmem_shared>>)
        tpu.yield
      }) : () -> ()
      %run_scoped3A_218 = arith.constant 2 : i32
      %run_scoped3A_219 = arith.constant 2 : i32
      %run_scoped3A_220 = arith.constant 2 : i32
      "tpu.region"() ({
        %run_scoped3A_233 = tpu.sem_alloc : memref<!tpu.dma_semaphore, #tpu.memory_space<semaphore_mem>>
        %dma_start3A_234 = arith.constant 0 : i32
        %dma_start3A_235 = arith.constant 0 : i32
        %dma_start3A_236 = tpu.memref_slice %arg13[%run_scoped3A_218, %dma_start3A_234, %dma_start3A_235] : memref<3x80x64xf32, #tpu.memory_space<vmem>> -> memref<1x80x64xf32, #tpu.memory_space<vmem>>
        %dma_start3A_237 = tpu.memref_squeeze %dma_start3A_236 : memref<1x80x64xf32, #tpu.memory_space<vmem>> -> memref<80x64xf32, #tpu.memory_space<vmem>>
        %dma_start3A_238 = arith.constant 0 : i32
        %dma_start3A_239 = tpu.memref_slice %arg12[%run_scoped3A_219, %run_scoped3A_220, %dma_start3A_238] : memref<3x3x80xi32, #tpu.memory_space<vmem>> -> memref<1x1x80xi32, #tpu.memory_space<vmem>>
        %dma_start3A_240 = tpu.memref_squeeze %dma_start3A_239 : memref<1x1x80xi32, #tpu.memory_space<vmem>> -> memref<80xi32, #tpu.memory_space<vmem>>
        %dma_start3A_241 = arith.constant 0 : i32
        %dma_start3A_242 = arith.constant 0 : i32
        %dma_start3A_243 = tpu.memref_slice %arg17[%dma_start3A_241, %dma_start3A_242] : memref<10112x64xf32, #tpu.memory_space<vmem_shared>> -> memref<10112x64xf32, #tpu.memory_space<vmem_shared>>
        tpu.enqueue_indirect_dma source(%dma_start3A_237 : memref<80x64xf32, #tpu.memory_space<vmem>>) target(%dma_start3A_243 : memref<10112x64xf32, #tpu.memory_space<vmem_shared>>) offsets(%dma_start3A_240 : memref<80xi32, #tpu.memory_space<vmem>>) semaphore(%run_scoped3A_233 : memref<!tpu.dma_semaphore, #tpu.memory_space<semaphore_mem>>) {add = true}
        %dma_wait3A_244 = arith.constant 0 : i32
        %dma_wait3A_245 = arith.constant 0 : i32
        %dma_wait3A_246 = tpu.memref_slice %arg13[%run_scoped3A_218, %dma_wait3A_244, %dma_wait3A_245] : memref<3x80x64xf32, #tpu.memory_space<vmem>> -> memref<1x80x64xf32, #tpu.memory_space<vmem>>
        %dma_wait3A_247 = tpu.memref_squeeze %dma_wait3A_246 : memref<1x80x64xf32, #tpu.memory_space<vmem>> -> memref<80x64xf32, #tpu.memory_space<vmem>>
        %dma_wait3A_248 = arith.constant 0 : i32
        %dma_wait3A_249 = tpu.memref_slice %arg12[%run_scoped3A_219, %run_scoped3A_220, %dma_wait3A_248] : memref<3x3x80xi32, #tpu.memory_space<vmem>> -> memref<1x1x80xi32, #tpu.memory_space<vmem>>
        %dma_wait3A_250 = tpu.memref_squeeze %dma_wait3A_249 : memref<1x1x80xi32, #tpu.memory_space<vmem>> -> memref<80xi32, #tpu.memory_space<vmem>>
        %dma_wait3A_251 = arith.constant 0 : i32
        %dma_wait3A_252 = arith.constant 0 : i32
        %dma_wait3A_253 = tpu.memref_slice %arg17[%dma_wait3A_251, %dma_wait3A_252] : memref<10112x64xf32, #tpu.memory_space<vmem_shared>> -> memref<10112x64xf32, #tpu.memory_space<vmem_shared>>
        tpu.wait_indirect_dma semaphore(%run_scoped3A_233 : memref<!tpu.dma_semaphore, #tpu.memory_space<semaphore_mem>>) src(%dma_wait3A_247 : memref<80x64xf32, #tpu.memory_space<vmem>>) dst(%dma_wait3A_253 : memref<10112x64xf32, #tpu.memory_space<vmem_shared>>)
        tpu.yield
      }) : () -> ()
      %eq3A_221 = arith.constant 0 : i32
      %eq3A_222 = arith.cmpi eq, %arg0, %eq3A_221 : i32
      %convert_element_type3A_223 = arith.extui %eq3A_222 : i1 to i32
      %cond3A_224 = arith.constant 0 : i32
      %cond3A_225 = arith.cmpi ne, %convert_element_type3A_223, %cond3A_224 : i32
      scf.if %cond3A_225 {
        %get3A = arith.constant 2 : i32
        %get3A_233 = arith.constant 0 : i32
        %get3A_234 = arith.index_cast %get3A : i32 to index
        %get3A_235 = arith.index_cast %get3A_233 : i32 to index
        %get3A_236 = arith.constant 0 : index
        %get3A_237 = tpu.vector_load %arg12[%get3A_234, %get3A_235, %get3A_236] {strides = array<i32>} : memref<3x3x80xi32, #tpu.memory_space<vmem>>, vector<16xi32>,
        %shift_right_arithmetic3A = arith.constant 7 : i32
        %shift_right_arithmetic3A_238 = vector.broadcast %shift_right_arithmetic3A : i32 to vector<16xi32>
        %shift_right_arithmetic3A_239 = arith.shrsi %get3A_237, %shift_right_arithmetic3A_238 : vector<16xi32>
        %and3A = arith.constant 127 : i32
        %and3A_240 = vector.broadcast %and3A : i32 to vector<16xi32>
        %and3A_241 = arith.andi %get3A_237, %and3A_240 : vector<16xi32>
        %scatter3A = arith.constant 0 : i32
        %scatter3A_242 = arith.constant 0 : i32
        %scatter3A_243 = arith.constant 0 : i32
        %scatter3A_244 = tpu.memref_slice %arg14[%scatter3A, %scatter3A_242, %scatter3A_243] : memref<3x80x128xf32, #tpu.memory_space<vmem>> -> memref<1x80x128xf32, #tpu.memory_space<vmem>>
        %scatter3A_245 = tpu.memref_squeeze %scatter3A_244 : memref<1x80x128xf32, #tpu.memory_space<vmem>> -> memref<80x128xf32, #tpu.memory_space<vmem>>
        tpu.vector_store_idx %scatter3A_245[%shift_right_arithmetic3A_239, %and3A_241], %broadcast_in_dim3A_3 {add = true} : memref<80x128xf32, #tpu.memory_space<vmem>>[vector<16xi32>, vector<16xi32>], vector<16xf32>,
        %get3A_246 = arith.constant 2 : i32
        %get3A_247 = arith.constant 0 : i32
        %get3A_248 = arith.index_cast %get3A_246 : i32 to index
        %get3A_249 = arith.index_cast %get3A_247 : i32 to index
        %get3A_250 = arith.constant 16 : index
        %get3A_251 = tpu.vector_load %arg12[%get3A_248, %get3A_249, %get3A_250] {strides = array<i32>} : memref<3x3x80xi32, #tpu.memory_space<vmem>>, vector<16xi32>,
        %shift_right_arithmetic3A_252 = arith.constant 7 : i32
        %shift_right_arithmetic3A_253 = vector.broadcast %shift_right_arithmetic3A_252 : i32 to vector<16xi32>
        %shift_right_arithmetic3A_254 = arith.shrsi %get3A_251, %shift_right_arithmetic3A_253 : vector<16xi32>
        %and3A_255 = arith.constant 127 : i32
        %and3A_256 = vector.broadcast %and3A_255 : i32 to vector<16xi32>
        %and3A_257 = arith.andi %get3A_251, %and3A_256 : vector<16xi32>
        %scatter3A_258 = arith.constant 0 : i32
        %scatter3A_259 = arith.constant 0 : i32
        %scatter3A_260 = arith.constant 0 : i32
        %scatter3A_261 = tpu.memref_slice %arg14[%scatter3A_258, %scatter3A_259, %scatter3A_260] : memref<3x80x128xf32, #tpu.memory_space<vmem>> -> memref<1x80x128xf32, #tpu.memory_space<vmem>>
        %scatter3A_262 = tpu.memref_squeeze %scatter3A_261 : memref<1x80x128xf32, #tpu.memory_space<vmem>> -> memref<80x128xf32, #tpu.memory_space<vmem>>
        tpu.vector_store_idx %scatter3A_262[%shift_right_arithmetic3A_254, %and3A_257], %broadcast_in_dim3A_3 {add = true} : memref<80x128xf32, #tpu.memory_space<vmem>>[vector<16xi32>, vector<16xi32>], vector<16xf32>,
        %get3A_263 = arith.constant 2 : i32
        %get3A_264 = arith.constant 0 : i32
        %get3A_265 = arith.index_cast %get3A_263 : i32 to index
        %get3A_266 = arith.index_cast %get3A_264 : i32 to index
        %get3A_267 = arith.constant 32 : index
        %get3A_268 = tpu.vector_load %arg12[%get3A_265, %get3A_266, %get3A_267] {strides = array<i32>} : memref<3x3x80xi32, #tpu.memory_space<vmem>>, vector<16xi32>,
        %shift_right_arithmetic3A_269 = arith.constant 7 : i32
        %shift_right_arithmetic3A_270 = vector.broadcast %shift_right_arithmetic3A_269 : i32 to vector<16xi32>
        %shift_right_arithmetic3A_271 = arith.shrsi %get3A_268, %shift_right_arithmetic3A_270 : vector<16xi32>
        %and3A_272 = arith.constant 127 : i32
        %and3A_273 = vector.broadcast %and3A_272 : i32 to vector<16xi32>
        %and3A_274 = arith.andi %get3A_268, %and3A_273 : vector<16xi32>
        %scatter3A_275 = arith.constant 0 : i32
        %scatter3A_276 = arith.constant 0 : i32
        %scatter3A_277 = arith.constant 0 : i32
        %scatter3A_278 = tpu.memref_slice %arg14[%scatter3A_275, %scatter3A_276, %scatter3A_277] : memref<3x80x128xf32, #tpu.memory_space<vmem>> -> memref<1x80x128xf32, #tpu.memory_space<vmem>>
        %scatter3A_279 = tpu.memref_squeeze %scatter3A_278 : memref<1x80x128xf32, #tpu.memory_space<vmem>> -> memref<80x128xf32, #tpu.memory_space<vmem>>
        tpu.vector_store_idx %scatter3A_279[%shift_right_arithmetic3A_271, %and3A_274], %broadcast_in_dim3A_3 {add = true} : memref<80x128xf32, #tpu.memory_space<vmem>>[vector<16xi32>, vector<16xi32>], vector<16xf32>,
        %get3A_280 = arith.constant 2 : i32
        %get3A_281 = arith.constant 0 : i32
        %get3A_282 = arith.index_cast %get3A_280 : i32 to index
        %get3A_283 = arith.index_cast %get3A_281 : i32 to index
        %get3A_284 = arith.constant 48 : index
        %get3A_285 = tpu.vector_load %arg12[%get3A_282, %get3A_283, %get3A_284] {strides = array<i32>} : memref<3x3x80xi32, #tpu.memory_space<vmem>>, vector<16xi32>,
        %shift_right_arithmetic3A_286 = arith.constant 7 : i32
        %shift_right_arithmetic3A_287 = vector.broadcast %shift_right_arithmetic3A_286 : i32 to vector<16xi32>
        %shift_right_arithmetic3A_288 = arith.shrsi %get3A_285, %shift_right_arithmetic3A_287 : vector<16xi32>
        %and3A_289 = arith.constant 127 : i32
        %and3A_290 = vector.broadcast %and3A_289 : i32 to vector<16xi32>
        %and3A_291 = arith.andi %get3A_285, %and3A_290 : vector<16xi32>
        %scatter3A_292 = arith.constant 0 : i32
        %scatter3A_293 = arith.constant 0 : i32
        %scatter3A_294 = arith.constant 0 : i32
        %scatter3A_295 = tpu.memref_slice %arg14[%scatter3A_292, %scatter3A_293, %scatter3A_294] : memref<3x80x128xf32, #tpu.memory_space<vmem>> -> memref<1x80x128xf32, #tpu.memory_space<vmem>>
        %scatter3A_296 = tpu.memref_squeeze %scatter3A_295 : memref<1x80x128xf32, #tpu.memory_space<vmem>> -> memref<80x128xf32, #tpu.memory_space<vmem>>
        tpu.vector_store_idx %scatter3A_296[%shift_right_arithmetic3A_288, %and3A_291], %broadcast_in_dim3A_3 {add = true} : memref<80x128xf32, #tpu.memory_space<vmem>>[vector<16xi32>, vector<16xi32>], vector<16xf32>,
        %get3A_297 = arith.constant 2 : i32
        %get3A_298 = arith.constant 0 : i32
        %get3A_299 = arith.index_cast %get3A_297 : i32 to index
        %get3A_300 = arith.index_cast %get3A_298 : i32 to index
        %get3A_301 = arith.constant 64 : index
        %get3A_302 = tpu.vector_load %arg12[%get3A_299, %get3A_300, %get3A_301] {strides = array<i32>} : memref<3x3x80xi32, #tpu.memory_space<vmem>>, vector<16xi32>,
        %shift_right_arithmetic3A_303 = arith.constant 7 : i32
        %shift_right_arithmetic3A_304 = vector.broadcast %shift_right_arithmetic3A_303 : i32 to vector<16xi32>
        %shift_right_arithmetic3A_305 = arith.shrsi %get3A_302, %shift_right_arithmetic3A_304 : vector<16xi32>
        %and3A_306 = arith.constant 127 : i32
        %and3A_307 = vector.broadcast %and3A_306 : i32 to vector<16xi32>
        %and3A_308 = arith.andi %get3A_302, %and3A_307 : vector<16xi32>
        %scatter3A_309 = arith.constant 0 : i32
        %scatter3A_310 = arith.constant 0 : i32
        %scatter3A_311 = arith.constant 0 : i32
        %scatter3A_312 = tpu.memref_slice %arg14[%scatter3A_309, %scatter3A_310, %scatter3A_311] : memref<3x80x128xf32, #tpu.memory_space<vmem>> -> memref<1x80x128xf32, #tpu.memory_space<vmem>>
        %scatter3A_313 = tpu.memref_squeeze %scatter3A_312 : memref<1x80x128xf32, #tpu.memory_space<vmem>> -> memref<80x128xf32, #tpu.memory_space<vmem>>
        tpu.vector_store_idx %scatter3A_313[%shift_right_arithmetic3A_305, %and3A_308], %broadcast_in_dim3A_3 {add = true} : memref<80x128xf32, #tpu.memory_space<vmem>>[vector<16xi32>, vector<16xi32>], vector<16xf32>,
        %get3A_314 = arith.constant 2 : i32
        %get3A_315 = arith.constant 1 : i32
        %get3A_316 = arith.index_cast %get3A_314 : i32 to index
        %get3A_317 = arith.index_cast %get3A_315 : i32 to index
        %get3A_318 = arith.constant 0 : index
        %get3A_319 = tpu.vector_load %arg12[%get3A_316, %get3A_317, %get3A_318] {strides = array<i32>} : memref<3x3x80xi32, #tpu.memory_space<vmem>>, vector<16xi32>,
        %shift_right_arithmetic3A_320 = arith.constant 7 : i32
        %shift_right_arithmetic3A_321 = vector.broadcast %shift_right_arithmetic3A_320 : i32 to vector<16xi32>
        %shift_right_arithmetic3A_322 = arith.shrsi %get3A_319, %shift_right_arithmetic3A_321 : vector<16xi32>
        %and3A_323 = arith.constant 127 : i32
        %and3A_324 = vector.broadcast %and3A_323 : i32 to vector<16xi32>
        %and3A_325 = arith.andi %get3A_319, %and3A_324 : vector<16xi32>
        %scatter3A_326 = arith.constant 1 : i32
        %scatter3A_327 = arith.constant 0 : i32
        %scatter3A_328 = arith.constant 0 : i32
        %scatter3A_329 = tpu.memref_slice %arg14[%scatter3A_326, %scatter3A_327, %scatter3A_328] : memref<3x80x128xf32, #tpu.memory_space<vmem>> -> memref<1x80x128xf32, #tpu.memory_space<vmem>>
        %scatter3A_330 = tpu.memref_squeeze %scatter3A_329 : memref<1x80x128xf32, #tpu.memory_space<vmem>> -> memref<80x128xf32, #tpu.memory_space<vmem>>
        tpu.vector_store_idx %scatter3A_330[%shift_right_arithmetic3A_322, %and3A_325], %broadcast_in_dim3A_3 {add = true} : memref<80x128xf32, #tpu.memory_space<vmem>>[vector<16xi32>, vector<16xi32>], vector<16xf32>,
        %get3A_331 = arith.constant 2 : i32
        %get3A_332 = arith.constant 1 : i32
        %get3A_333 = arith.index_cast %get3A_331 : i32 to index
        %get3A_334 = arith.index_cast %get3A_332 : i32 to index
        %get3A_335 = arith.constant 16 : index
        %get3A_336 = tpu.vector_load %arg12[%get3A_333, %get3A_334, %get3A_335] {strides = array<i32>} : memref<3x3x80xi32, #tpu.memory_space<vmem>>, vector<16xi32>,
        %shift_right_arithmetic3A_337 = arith.constant 7 : i32
        %shift_right_arithmetic3A_338 = vector.broadcast %shift_right_arithmetic3A_337 : i32 to vector<16xi32>
        %shift_right_arithmetic3A_339 = arith.shrsi %get3A_336, %shift_right_arithmetic3A_338 : vector<16xi32>
        %and3A_340 = arith.constant 127 : i32
        %and3A_341 = vector.broadcast %and3A_340 : i32 to vector<16xi32>
        %and3A_342 = arith.andi %get3A_336, %and3A_341 : vector<16xi32>
        %scatter3A_343 = arith.constant 1 : i32
        %scatter3A_344 = arith.constant 0 : i32
        %scatter3A_345 = arith.constant 0 : i32
        %scatter3A_346 = tpu.memref_slice %arg14[%scatter3A_343, %scatter3A_344, %scatter3A_345] : memref<3x80x128xf32, #tpu.memory_space<vmem>> -> memref<1x80x128xf32, #tpu.memory_space<vmem>>
        %scatter3A_347 = tpu.memref_squeeze %scatter3A_346 : memref<1x80x128xf32, #tpu.memory_space<vmem>> -> memref<80x128xf32, #tpu.memory_space<vmem>>
        tpu.vector_store_idx %scatter3A_347[%shift_right_arithmetic3A_339, %and3A_342], %broadcast_in_dim3A_3 {add = true} : memref<80x128xf32, #tpu.memory_space<vmem>>[vector<16xi32>, vector<16xi32>], vector<16xf32>,
        %get3A_348 = arith.constant 2 : i32
        %get3A_349 = arith.constant 1 : i32
        %get3A_350 = arith.index_cast %get3A_348 : i32 to index
        %get3A_351 = arith.index_cast %get3A_349 : i32 to index
        %get3A_352 = arith.constant 32 : index
        %get3A_353 = tpu.vector_load %arg12[%get3A_350, %get3A_351, %get3A_352] {strides = array<i32>} : memref<3x3x80xi32, #tpu.memory_space<vmem>>, vector<16xi32>,
        %shift_right_arithmetic3A_354 = arith.constant 7 : i32
        %shift_right_arithmetic3A_355 = vector.broadcast %shift_right_arithmetic3A_354 : i32 to vector<16xi32>
        %shift_right_arithmetic3A_356 = arith.shrsi %get3A_353, %shift_right_arithmetic3A_355 : vector<16xi32>
        %and3A_357 = arith.constant 127 : i32
        %and3A_358 = vector.broadcast %and3A_357 : i32 to vector<16xi32>
        %and3A_359 = arith.andi %get3A_353, %and3A_358 : vector<16xi32>
        %scatter3A_360 = arith.constant 1 : i32
        %scatter3A_361 = arith.constant 0 : i32
        %scatter3A_362 = arith.constant 0 : i32
        %scatter3A_363 = tpu.memref_slice %arg14[%scatter3A_360, %scatter3A_361, %scatter3A_362] : memref<3x80x128xf32, #tpu.memory_space<vmem>> -> memref<1x80x128xf32, #tpu.memory_space<vmem>>
        %scatter3A_364 = tpu.memref_squeeze %scatter3A_363 : memref<1x80x128xf32, #tpu.memory_space<vmem>> -> memref<80x128xf32, #tpu.memory_space<vmem>>
        tpu.vector_store_idx %scatter3A_364[%shift_right_arithmetic3A_356, %and3A_359], %broadcast_in_dim3A_3 {add = true} : memref<80x128xf32, #tpu.memory_space<vmem>>[vector<16xi32>, vector<16xi32>], vector<16xf32>,
        %get3A_365 = arith.constant 2 : i32
        %get3A_366 = arith.constant 1 : i32
        %get3A_367 = arith.index_cast %get3A_365 : i32 to index
        %get3A_368 = arith.index_cast %get3A_366 : i32 to index
        %get3A_369 = arith.constant 48 : index
        %get3A_370 = tpu.vector_load %arg12[%get3A_367, %get3A_368, %get3A_369] {strides = array<i32>} : memref<3x3x80xi32, #tpu.memory_space<vmem>>, vector<16xi32>,
        %shift_right_arithmetic3A_371 = arith.constant 7 : i32
        %shift_right_arithmetic3A_372 = vector.broadcast %shift_right_arithmetic3A_371 : i32 to vector<16xi32>
        %shift_right_arithmetic3A_373 = arith.shrsi %get3A_370, %shift_right_arithmetic3A_372 : vector<16xi32>
        %and3A_374 = arith.constant 127 : i32
        %and3A_375 = vector.broadcast %and3A_374 : i32 to vector<16xi32>
        %and3A_376 = arith.andi %get3A_370, %and3A_375 : vector<16xi32>
        %scatter3A_377 = arith.constant 1 : i32
        %scatter3A_378 = arith.constant 0 : i32
        %scatter3A_379 = arith.constant 0 : i32
        %scatter3A_380 = tpu.memref_slice %arg14[%scatter3A_377, %scatter3A_378, %scatter3A_379] : memref<3x80x128xf32, #tpu.memory_space<vmem>> -> memref<1x80x128xf32, #tpu.memory_space<vmem>>
        %scatter3A_381 = tpu.memref_squeeze %scatter3A_380 : memref<1x80x128xf32, #tpu.memory_space<vmem>> -> memref<80x128xf32, #tpu.memory_space<vmem>>
        tpu.vector_store_idx %scatter3A_381[%shift_right_arithmetic3A_373, %and3A_376], %broadcast_in_dim3A_3 {add = true} : memref<80x128xf32, #tpu.memory_space<vmem>>[vector<16xi32>, vector<16xi32>], vector<16xf32>,
        %get3A_382 = arith.constant 2 : i32
        %get3A_383 = arith.constant 1 : i32
        %get3A_384 = arith.index_cast %get3A_382 : i32 to index
        %get3A_385 = arith.index_cast %get3A_383 : i32 to index
        %get3A_386 = arith.constant 64 : index
        %get3A_387 = tpu.vector_load %arg12[%get3A_384, %get3A_385, %get3A_386] {strides = array<i32>} : memref<3x3x80xi32, #tpu.memory_space<vmem>>, vector<16xi32>,
        %shift_right_arithmetic3A_388 = arith.constant 7 : i32
        %shift_right_arithmetic3A_389 = vector.broadcast %shift_right_arithmetic3A_388 : i32 to vector<16xi32>
        %shift_right_arithmetic3A_390 = arith.shrsi %get3A_387, %shift_right_arithmetic3A_389 : vector<16xi32>
        %and3A_391 = arith.constant 127 : i32
        %and3A_392 = vector.broadcast %and3A_391 : i32 to vector<16xi32>
        %and3A_393 = arith.andi %get3A_387, %and3A_392 : vector<16xi32>
        %scatter3A_394 = arith.constant 1 : i32
        %scatter3A_395 = arith.constant 0 : i32
        %scatter3A_396 = arith.constant 0 : i32
        %scatter3A_397 = tpu.memref_slice %arg14[%scatter3A_394, %scatter3A_395, %scatter3A_396] : memref<3x80x128xf32, #tpu.memory_space<vmem>> -> memref<1x80x128xf32, #tpu.memory_space<vmem>>
        %scatter3A_398 = tpu.memref_squeeze %scatter3A_397 : memref<1x80x128xf32, #tpu.memory_space<vmem>> -> memref<80x128xf32, #tpu.memory_space<vmem>>
        tpu.vector_store_idx %scatter3A_398[%shift_right_arithmetic3A_390, %and3A_393], %broadcast_in_dim3A_3 {add = true} : memref<80x128xf32, #tpu.memory_space<vmem>>[vector<16xi32>, vector<16xi32>], vector<16xf32>,
        %get3A_399 = arith.constant 2 : i32
        %get3A_400 = arith.constant 2 : i32
        %get3A_401 = arith.index_cast %get3A_399 : i32 to index
        %get3A_402 = arith.index_cast %get3A_400 : i32 to index
        %get3A_403 = arith.constant 0 : index
        %get3A_404 = tpu.vector_load %arg12[%get3A_401, %get3A_402, %get3A_403] {strides = array<i32>} : memref<3x3x80xi32, #tpu.memory_space<vmem>>, vector<16xi32>,
        %shift_right_arithmetic3A_405 = arith.constant 7 : i32
        %shift_right_arithmetic3A_406 = vector.broadcast %shift_right_arithmetic3A_405 : i32 to vector<16xi32>
        %shift_right_arithmetic3A_407 = arith.shrsi %get3A_404, %shift_right_arithmetic3A_406 : vector<16xi32>
        %and3A_408 = arith.constant 127 : i32
        %and3A_409 = vector.broadcast %and3A_408 : i32 to vector<16xi32>
        %and3A_410 = arith.andi %get3A_404, %and3A_409 : vector<16xi32>
        %scatter3A_411 = arith.constant 2 : i32
        %scatter3A_412 = arith.constant 0 : i32
        %scatter3A_413 = arith.constant 0 : i32
        %scatter3A_414 = tpu.memref_slice %arg14[%scatter3A_411, %scatter3A_412, %scatter3A_413] : memref<3x80x128xf32, #tpu.memory_space<vmem>> -> memref<1x80x128xf32, #tpu.memory_space<vmem>>
        %scatter3A_415 = tpu.memref_squeeze %scatter3A_414 : memref<1x80x128xf32, #tpu.memory_space<vmem>> -> memref<80x128xf32, #tpu.memory_space<vmem>>
        tpu.vector_store_idx %scatter3A_415[%shift_right_arithmetic3A_407, %and3A_410], %broadcast_in_dim3A_3 {add = true} : memref<80x128xf32, #tpu.memory_space<vmem>>[vector<16xi32>, vector<16xi32>], vector<16xf32>,
        %get3A_416 = arith.constant 2 : i32
        %get3A_417 = arith.constant 2 : i32
        %get3A_418 = arith.index_cast %get3A_416 : i32 to index
        %get3A_419 = arith.index_cast %get3A_417 : i32 to index
        %get3A_420 = arith.constant 16 : index
        %get3A_421 = tpu.vector_load %arg12[%get3A_418, %get3A_419, %get3A_420] {strides = array<i32>} : memref<3x3x80xi32, #tpu.memory_space<vmem>>, vector<16xi32>,
        %shift_right_arithmetic3A_422 = arith.constant 7 : i32
        %shift_right_arithmetic3A_423 = vector.broadcast %shift_right_arithmetic3A_422 : i32 to vector<16xi32>
        %shift_right_arithmetic3A_424 = arith.shrsi %get3A_421, %shift_right_arithmetic3A_423 : vector<16xi32>
        %and3A_425 = arith.constant 127 : i32
        %and3A_426 = vector.broadcast %and3A_425 : i32 to vector<16xi32>
        %and3A_427 = arith.andi %get3A_421, %and3A_426 : vector<16xi32>
        %scatter3A_428 = arith.constant 2 : i32
        %scatter3A_429 = arith.constant 0 : i32
        %scatter3A_430 = arith.constant 0 : i32
        %scatter3A_431 = tpu.memref_slice %arg14[%scatter3A_428, %scatter3A_429, %scatter3A_430] : memref<3x80x128xf32, #tpu.memory_space<vmem>> -> memref<1x80x128xf32, #tpu.memory_space<vmem>>
        %scatter3A_432 = tpu.memref_squeeze %scatter3A_431 : memref<1x80x128xf32, #tpu.memory_space<vmem>> -> memref<80x128xf32, #tpu.memory_space<vmem>>
        tpu.vector_store_idx %scatter3A_432[%shift_right_arithmetic3A_424, %and3A_427], %broadcast_in_dim3A_3 {add = true} : memref<80x128xf32, #tpu.memory_space<vmem>>[vector<16xi32>, vector<16xi32>], vector<16xf32>,
        %get3A_433 = arith.constant 2 : i32
        %get3A_434 = arith.constant 2 : i32
        %get3A_435 = arith.index_cast %get3A_433 : i32 to index
        %get3A_436 = arith.index_cast %get3A_434 : i32 to index
        %get3A_437 = arith.constant 32 : index
        %get3A_438 = tpu.vector_load %arg12[%get3A_435, %get3A_436, %get3A_437] {strides = array<i32>} : memref<3x3x80xi32, #tpu.memory_space<vmem>>, vector<16xi32>,
        %shift_right_arithmetic3A_439 = arith.constant 7 : i32
        %shift_right_arithmetic3A_440 = vector.broadcast %shift_right_arithmetic3A_439 : i32 to vector<16xi32>
        %shift_right_arithmetic3A_441 = arith.shrsi %get3A_438, %shift_right_arithmetic3A_440 : vector<16xi32>
        %and3A_442 = arith.constant 127 : i32
        %and3A_443 = vector.broadcast %and3A_442 : i32 to vector<16xi32>
        %and3A_444 = arith.andi %get3A_438, %and3A_443 : vector<16xi32>
        %scatter3A_445 = arith.constant 2 : i32
        %scatter3A_446 = arith.constant 0 : i32
        %scatter3A_447 = arith.constant 0 : i32
        %scatter3A_448 = tpu.memref_slice %arg14[%scatter3A_445, %scatter3A_446, %scatter3A_447] : memref<3x80x128xf32, #tpu.memory_space<vmem>> -> memref<1x80x128xf32, #tpu.memory_space<vmem>>
        %scatter3A_449 = tpu.memref_squeeze %scatter3A_448 : memref<1x80x128xf32, #tpu.memory_space<vmem>> -> memref<80x128xf32, #tpu.memory_space<vmem>>
        tpu.vector_store_idx %scatter3A_449[%shift_right_arithmetic3A_441, %and3A_444], %broadcast_in_dim3A_3 {add = true} : memref<80x128xf32, #tpu.memory_space<vmem>>[vector<16xi32>, vector<16xi32>], vector<16xf32>,
        %get3A_450 = arith.constant 2 : i32
        %get3A_451 = arith.constant 2 : i32
        %get3A_452 = arith.index_cast %get3A_450 : i32 to index
        %get3A_453 = arith.index_cast %get3A_451 : i32 to index
        %get3A_454 = arith.constant 48 : index
        %get3A_455 = tpu.vector_load %arg12[%get3A_452, %get3A_453, %get3A_454] {strides = array<i32>} : memref<3x3x80xi32, #tpu.memory_space<vmem>>, vector<16xi32>,
        %shift_right_arithmetic3A_456 = arith.constant 7 : i32
        %shift_right_arithmetic3A_457 = vector.broadcast %shift_right_arithmetic3A_456 : i32 to vector<16xi32>
        %shift_right_arithmetic3A_458 = arith.shrsi %get3A_455, %shift_right_arithmetic3A_457 : vector<16xi32>
        %and3A_459 = arith.constant 127 : i32
        %and3A_460 = vector.broadcast %and3A_459 : i32 to vector<16xi32>
        %and3A_461 = arith.andi %get3A_455, %and3A_460 : vector<16xi32>
        %scatter3A_462 = arith.constant 2 : i32
        %scatter3A_463 = arith.constant 0 : i32
        %scatter3A_464 = arith.constant 0 : i32
        %scatter3A_465 = tpu.memref_slice %arg14[%scatter3A_462, %scatter3A_463, %scatter3A_464] : memref<3x80x128xf32, #tpu.memory_space<vmem>> -> memref<1x80x128xf32, #tpu.memory_space<vmem>>
        %scatter3A_466 = tpu.memref_squeeze %scatter3A_465 : memref<1x80x128xf32, #tpu.memory_space<vmem>> -> memref<80x128xf32, #tpu.memory_space<vmem>>
        tpu.vector_store_idx %scatter3A_466[%shift_right_arithmetic3A_458, %and3A_461], %broadcast_in_dim3A_3 {add = true} : memref<80x128xf32, #tpu.memory_space<vmem>>[vector<16xi32>, vector<16xi32>], vector<16xf32>,
        %get3A_467 = arith.constant 2 : i32
        %get3A_468 = arith.constant 2 : i32
        %get3A_469 = arith.index_cast %get3A_467 : i32 to index
        %get3A_470 = arith.index_cast %get3A_468 : i32 to index
        %get3A_471 = arith.constant 64 : index
        %get3A_472 = tpu.vector_load %arg12[%get3A_469, %get3A_470, %get3A_471] {strides = array<i32>} : memref<3x3x80xi32, #tpu.memory_space<vmem>>, vector<16xi32>,
        %shift_right_arithmetic3A_473 = arith.constant 7 : i32
        %shift_right_arithmetic3A_474 = vector.broadcast %shift_right_arithmetic3A_473 : i32 to vector<16xi32>
        %shift_right_arithmetic3A_475 = arith.shrsi %get3A_472, %shift_right_arithmetic3A_474 : vector<16xi32>
        %and3A_476 = arith.constant 127 : i32
        %and3A_477 = vector.broadcast %and3A_476 : i32 to vector<16xi32>
        %and3A_478 = arith.andi %get3A_472, %and3A_477 : vector<16xi32>
        %scatter3A_479 = arith.constant 2 : i32
        %scatter3A_480 = arith.constant 0 : i32
        %scatter3A_481 = arith.constant 0 : i32
        %scatter3A_482 = tpu.memref_slice %arg14[%scatter3A_479, %scatter3A_480, %scatter3A_481] : memref<3x80x128xf32, #tpu.memory_space<vmem>> -> memref<1x80x128xf32, #tpu.memory_space<vmem>>
        %scatter3A_483 = tpu.memref_squeeze %scatter3A_482 : memref<1x80x128xf32, #tpu.memory_space<vmem>> -> memref<80x128xf32, #tpu.memory_space<vmem>>
        tpu.vector_store_idx %scatter3A_483[%shift_right_arithmetic3A_475, %and3A_478], %broadcast_in_dim3A_3 {add = true} : memref<80x128xf32, #tpu.memory_space<vmem>>[vector<16xi32>, vector<16xi32>], vector<16xf32>,
      } else {
      }
      %add3A_226 = arith.constant 3 : i32
      %add3A_227 = arith.addi %add3A_194, %add3A_226 : i32
      %lt3A_228 = arith.constant 252 : i32
      %lt3A_229 = arith.cmpi slt, %add3A_227, %lt3A_228 : i32
      %convert_element_type3A_230 = arith.extui %lt3A_229 : i1 to i32
      %cond3A_231 = arith.constant 0 : i32
      %cond3A_232 = arith.cmpi ne, %convert_element_type3A_230, %cond3A_231 : i32
      scf.if %cond3A_232 {
        %add3A_233 = arith.constant 3 : i32
        %add3A_234 = arith.addi %add3A_194, %add3A_233 : i32
        %mul3A_235 = arith.constant 252 : i32
        %mul3A_236 = arith.muli %arg1, %mul3A_235 : i32
        %add3A_237 = arith.addi %mul3A_236, %add3A_234 : i32
        %dma_start3A_238 = arith.constant 2 : i32
        %dma_start3A_239 = arith.constant 0 : i32
        %dma_start3A_240 = arith.constant 0 : i32
        %dma_start3A_241 = tpu.memref_slice %arg12[%dma_start3A_238, %dma_start3A_239, %dma_start3A_240] : memref<3x3x80xi32, #tpu.memory_space<vmem>> -> memref<1x3x80xi32, #tpu.memory_space<vmem>>
        %dma_start3A_242 = tpu.memref_squeeze %dma_start3A_241 : memref<1x3x80xi32, #tpu.memory_space<vmem>> -> memref<3x80xi32, #tpu.memory_space<vmem>>
        %dma_start3A_243 = arith.constant 0 : i32
        %dma_start3A_244 = arith.constant 0 : i32
        %dma_start3A_245 = tpu.memref_slice %arg4[%add3A_237, %dma_start3A_243, %dma_start3A_244] : memref<4032x3x80xi32, #tpu.memory_space<hbm>> -> memref<1x3x80xi32, #tpu.memory_space<hbm>>
        %dma_start3A_246 = tpu.memref_squeeze %dma_start3A_245 : memref<1x3x80xi32, #tpu.memory_space<hbm>> -> memref<3x80xi32, #tpu.memory_space<hbm>>
        %dma_start3A_247 = arith.constant 0 : i32
        %dma_start3A_248 = arith.constant 0 : i32
        %dma_start3A_249 = tpu.memref_slice %arg12[%dma_start3A_238, %dma_start3A_247, %dma_start3A_248] : memref<3x3x80xi32, #tpu.memory_space<vmem>> -> memref<1x3x80xi32, #tpu.memory_space<vmem>>
        %dma_start3A_250 = tpu.memref_squeeze %dma_start3A_249 : memref<1x3x80xi32, #tpu.memory_space<vmem>> -> memref<3x80xi32, #tpu.memory_space<vmem>>
        %dma_start3A_251 = arith.constant 0 : i32
        %dma_start3A_252 = arith.constant 0 : i32
        %dma_start3A_253 = tpu.memref_slice %arg4[%add3A_237, %dma_start3A_251, %dma_start3A_252] : memref<4032x3x80xi32, #tpu.memory_space<hbm>> -> memref<1x3x80xi32, #tpu.memory_space<hbm>>
        %dma_start3A_254 = tpu.memref_squeeze %dma_start3A_253 : memref<1x3x80xi32, #tpu.memory_space<hbm>> -> memref<3x80xi32, #tpu.memory_space<hbm>>
        tpu.enqueue_dma source(%dma_start3A_254 : memref<3x80xi32, #tpu.memory_space<hbm>>) target(%dma_start3A_250 : memref<3x80xi32, #tpu.memory_space<vmem>>) target_semaphore(%arg21 : memref<!tpu.dma_semaphore, #tpu.memory_space<semaphore_mem>>)
      } else {
      }
    }
    %scan3A_96 = arith.constant 84 : i32
    %barrier3A_97 = arith.constant 0 : index
    tpu.barrier barrier_id(%barrier3A_97)
    %eq3A_98 = arith.constant 0 : i32
    %eq3A_99 = arith.cmpi eq, %arg0, %eq3A_98 : i32
    %convert_element_type3A_100 = arith.extui %eq3A_99 : i1 to i32
    %cond3A_101 = arith.constant 0 : i32
    %cond3A_102 = arith.cmpi ne, %convert_element_type3A_100, %cond3A_101 : i32
    scf.if %cond3A_102 {
      %dma_start3A_108 = arith.constant 0 : i32
      %dma_start3A_109 = arith.constant 0 : i32
      %dma_start3A_110 = arith.constant 0 : i32
      %dma_start3A_111 = arith.constant 0 : i32
      %dma_start3A_112 = tpu.memref_slice %arg14[%dma_start3A_108, %dma_start3A_110, %dma_start3A_111] : memref<3x80x128xf32, #tpu.memory_space<vmem>> -> memref<1x80x128xf32, #tpu.memory_space<vmem>>
      %dma_start3A_113 = tpu.memref_squeeze %dma_start3A_112 : memref<1x80x128xf32, #tpu.memory_space<vmem>> -> memref<80x128xf32, #tpu.memory_space<vmem>>
      %dma_start3A_114 = arith.constant 0 : i32
      %dma_start3A_115 = tpu.memref_slice %arg15[%dma_start3A_109, %dma_start3A_114] : memref<3x80xi32, #tpu.memory_space<vmem>> -> memref<1x80xi32, #tpu.memory_space<vmem>>
      %dma_start3A_116 = tpu.memref_squeeze %dma_start3A_115 : memref<1x80xi32, #tpu.memory_space<vmem>> -> memref<80xi32, #tpu.memory_space<vmem>>
      %dma_start3A_117 = arith.constant 0 : i32
      %dma_start3A_118 = arith.constant 0 : i32
      %dma_start3A_119 = tpu.memref_slice %arg18[%dma_start3A_117, %dma_start3A_118] : memref<240x128xf32, #tpu.memory_space<vmem_shared>> -> memref<240x128xf32, #tpu.memory_space<vmem_shared>>
      tpu.enqueue_indirect_dma source(%dma_start3A_113 : memref<80x128xf32, #tpu.memory_space<vmem>>) target(%dma_start3A_119 : memref<240x128xf32, #tpu.memory_space<vmem_shared>>) offsets(%dma_start3A_116 : memref<80xi32, #tpu.memory_space<vmem>>) semaphore(%arg25 : memref<!tpu.dma_semaphore, #tpu.memory_space<semaphore_mem>>) {add = true}
      %dma_wait3A_120 = arith.constant 0 : i32
      %dma_wait3A_121 = arith.constant 0 : i32
      %dma_wait3A_122 = arith.constant 0 : i32
      %dma_wait3A_123 = arith.constant 0 : i32
      %dma_wait3A_124 = tpu.memref_slice %arg14[%dma_wait3A_120, %dma_wait3A_122, %dma_wait3A_123] : memref<3x80x128xf32, #tpu.memory_space<vmem>> -> memref<1x80x128xf32, #tpu.memory_space<vmem>>
      %dma_wait3A_125 = tpu.memref_squeeze %dma_wait3A_124 : memref<1x80x128xf32, #tpu.memory_space<vmem>> -> memref<80x128xf32, #tpu.memory_space<vmem>>
      %dma_wait3A_126 = arith.constant 0 : i32
      %dma_wait3A_127 = tpu.memref_slice %arg15[%dma_wait3A_121, %dma_wait3A_126] : memref<3x80xi32, #tpu.memory_space<vmem>> -> memref<1x80xi32, #tpu.memory_space<vmem>>
      %dma_wait3A_128 = tpu.memref_squeeze %dma_wait3A_127 : memref<1x80xi32, #tpu.memory_space<vmem>> -> memref<80xi32, #tpu.memory_space<vmem>>
      %dma_wait3A_129 = arith.constant 0 : i32
      %dma_wait3A_130 = arith.constant 0 : i32
      %dma_wait3A_131 = tpu.memref_slice %arg18[%dma_wait3A_129, %dma_wait3A_130] : memref<240x128xf32, #tpu.memory_space<vmem_shared>> -> memref<240x128xf32, #tpu.memory_space<vmem_shared>>
      tpu.wait_indirect_dma semaphore(%arg25 : memref<!tpu.dma_semaphore, #tpu.memory_space<semaphore_mem>>) src(%dma_wait3A_125 : memref<80x128xf32, #tpu.memory_space<vmem>>) dst(%dma_wait3A_131 : memref<240x128xf32, #tpu.memory_space<vmem_shared>>)
      %dma_start3A_132 = arith.constant 1 : i32
      %dma_start3A_133 = arith.constant 1 : i32
      %dma_start3A_134 = arith.constant 0 : i32
      %dma_start3A_135 = arith.constant 0 : i32
      %dma_start3A_136 = tpu.memref_slice %arg14[%dma_start3A_132, %dma_start3A_134, %dma_start3A_135] : memref<3x80x128xf32, #tpu.memory_space<vmem>> -> memref<1x80x128xf32, #tpu.memory_space<vmem>>
      %dma_start3A_137 = tpu.memref_squeeze %dma_start3A_136 : memref<1x80x128xf32, #tpu.memory_space<vmem>> -> memref<80x128xf32, #tpu.memory_space<vmem>>
      %dma_start3A_138 = arith.constant 0 : i32
      %dma_start3A_139 = tpu.memref_slice %arg15[%dma_start3A_133, %dma_start3A_138] : memref<3x80xi32, #tpu.memory_space<vmem>> -> memref<1x80xi32, #tpu.memory_space<vmem>>
      %dma_start3A_140 = tpu.memref_squeeze %dma_start3A_139 : memref<1x80xi32, #tpu.memory_space<vmem>> -> memref<80xi32, #tpu.memory_space<vmem>>
      %dma_start3A_141 = arith.constant 0 : i32
      %dma_start3A_142 = arith.constant 0 : i32
      %dma_start3A_143 = tpu.memref_slice %arg18[%dma_start3A_141, %dma_start3A_142] : memref<240x128xf32, #tpu.memory_space<vmem_shared>> -> memref<240x128xf32, #tpu.memory_space<vmem_shared>>
      tpu.enqueue_indirect_dma source(%dma_start3A_137 : memref<80x128xf32, #tpu.memory_space<vmem>>) target(%dma_start3A_143 : memref<240x128xf32, #tpu.memory_space<vmem_shared>>) offsets(%dma_start3A_140 : memref<80xi32, #tpu.memory_space<vmem>>) semaphore(%arg25 : memref<!tpu.dma_semaphore, #tpu.memory_space<semaphore_mem>>) {add = true}
      %dma_wait3A_144 = arith.constant 1 : i32
      %dma_wait3A_145 = arith.constant 1 : i32
      %dma_wait3A_146 = arith.constant 0 : i32
      %dma_wait3A_147 = arith.constant 0 : i32
      %dma_wait3A_148 = tpu.memref_slice %arg14[%dma_wait3A_144, %dma_wait3A_146, %dma_wait3A_147] : memref<3x80x128xf32, #tpu.memory_space<vmem>> -> memref<1x80x128xf32, #tpu.memory_space<vmem>>
      %dma_wait3A_149 = tpu.memref_squeeze %dma_wait3A_148 : memref<1x80x128xf32, #tpu.memory_space<vmem>> -> memref<80x128xf32, #tpu.memory_space<vmem>>
      %dma_wait3A_150 = arith.constant 0 : i32
      %dma_wait3A_151 = tpu.memref_slice %arg15[%dma_wait3A_145, %dma_wait3A_150] : memref<3x80xi32, #tpu.memory_space<vmem>> -> memref<1x80xi32, #tpu.memory_space<vmem>>
      %dma_wait3A_152 = tpu.memref_squeeze %dma_wait3A_151 : memref<1x80xi32, #tpu.memory_space<vmem>> -> memref<80xi32, #tpu.memory_space<vmem>>
      %dma_wait3A_153 = arith.constant 0 : i32
      %dma_wait3A_154 = arith.constant 0 : i32
      %dma_wait3A_155 = tpu.memref_slice %arg18[%dma_wait3A_153, %dma_wait3A_154] : memref<240x128xf32, #tpu.memory_space<vmem_shared>> -> memref<240x128xf32, #tpu.memory_space<vmem_shared>>
      tpu.wait_indirect_dma semaphore(%arg25 : memref<!tpu.dma_semaphore, #tpu.memory_space<semaphore_mem>>) src(%dma_wait3A_149 : memref<80x128xf32, #tpu.memory_space<vmem>>) dst(%dma_wait3A_155 : memref<240x128xf32, #tpu.memory_space<vmem_shared>>)
      %dma_start3A_156 = arith.constant 2 : i32
      %dma_start3A_157 = arith.constant 2 : i32
      %dma_start3A_158 = arith.constant 0 : i32
      %dma_start3A_159 = arith.constant 0 : i32
      %dma_start3A_160 = tpu.memref_slice %arg14[%dma_start3A_156, %dma_start3A_158, %dma_start3A_159] : memref<3x80x128xf32, #tpu.memory_space<vmem>> -> memref<1x80x128xf32, #tpu.memory_space<vmem>>
      %dma_start3A_161 = tpu.memref_squeeze %dma_start3A_160 : memref<1x80x128xf32, #tpu.memory_space<vmem>> -> memref<80x128xf32, #tpu.memory_space<vmem>>
      %dma_start3A_162 = arith.constant 0 : i32
      %dma_start3A_163 = tpu.memref_slice %arg15[%dma_start3A_157, %dma_start3A_162] : memref<3x80xi32, #tpu.memory_space<vmem>> -> memref<1x80xi32, #tpu.memory_space<vmem>>
      %dma_start3A_164 = tpu.memref_squeeze %dma_start3A_163 : memref<1x80xi32, #tpu.memory_space<vmem>> -> memref<80xi32, #tpu.memory_space<vmem>>
      %dma_start3A_165 = arith.constant 0 : i32
      %dma_start3A_166 = arith.constant 0 : i32
      %dma_start3A_167 = tpu.memref_slice %arg18[%dma_start3A_165, %dma_start3A_166] : memref<240x128xf32, #tpu.memory_space<vmem_shared>> -> memref<240x128xf32, #tpu.memory_space<vmem_shared>>
      tpu.enqueue_indirect_dma source(%dma_start3A_161 : memref<80x128xf32, #tpu.memory_space<vmem>>) target(%dma_start3A_167 : memref<240x128xf32, #tpu.memory_space<vmem_shared>>) offsets(%dma_start3A_164 : memref<80xi32, #tpu.memory_space<vmem>>) semaphore(%arg25 : memref<!tpu.dma_semaphore, #tpu.memory_space<semaphore_mem>>) {add = true}
      %dma_wait3A_168 = arith.constant 2 : i32
      %dma_wait3A_169 = arith.constant 2 : i32
      %dma_wait3A_170 = arith.constant 0 : i32
      %dma_wait3A_171 = arith.constant 0 : i32
      %dma_wait3A_172 = tpu.memref_slice %arg14[%dma_wait3A_168, %dma_wait3A_170, %dma_wait3A_171] : memref<3x80x128xf32, #tpu.memory_space<vmem>> -> memref<1x80x128xf32, #tpu.memory_space<vmem>>
      %dma_wait3A_173 = tpu.memref_squeeze %dma_wait3A_172 : memref<1x80x128xf32, #tpu.memory_space<vmem>> -> memref<80x128xf32, #tpu.memory_space<vmem>>
      %dma_wait3A_174 = arith.constant 0 : i32
      %dma_wait3A_175 = tpu.memref_slice %arg15[%dma_wait3A_169, %dma_wait3A_174] : memref<3x80xi32, #tpu.memory_space<vmem>> -> memref<1x80xi32, #tpu.memory_space<vmem>>
      %dma_wait3A_176 = tpu.memref_squeeze %dma_wait3A_175 : memref<1x80xi32, #tpu.memory_space<vmem>> -> memref<80xi32, #tpu.memory_space<vmem>>
      %dma_wait3A_177 = arith.constant 0 : i32
      %dma_wait3A_178 = arith.constant 0 : i32
      %dma_wait3A_179 = tpu.memref_slice %arg18[%dma_wait3A_177, %dma_wait3A_178] : memref<240x128xf32, #tpu.memory_space<vmem_shared>> -> memref<240x128xf32, #tpu.memory_space<vmem_shared>>
      tpu.wait_indirect_dma semaphore(%arg25 : memref<!tpu.dma_semaphore, #tpu.memory_space<semaphore_mem>>) src(%dma_wait3A_173 : memref<80x128xf32, #tpu.memory_space<vmem>>) dst(%dma_wait3A_179 : memref<240x128xf32, #tpu.memory_space<vmem_shared>>)
      %barrier3A_180 = arith.constant 0 : index
      tpu.barrier barrier_id(%barrier3A_180)
      "tpu.region"() ({
        %run_scoped3A = tpu.sem_alloc : memref<!tpu.dma_semaphore, #tpu.memory_space<semaphore_mem>>
        %dma_start3A_186 = arith.constant 0 : i32
        %dma_start3A_187 = tpu.memref_slice %arg7[%multiple_of3A, %dma_start3A_186] : memref<10112x64xf32, #tpu.memory_space<hbm>> -> memref<632x64xf32, #tpu.memory_space<hbm>>
        %dma_start3A_188 = arith.constant 0 : i32
        %dma_start3A_189 = tpu.memref_slice %arg16[%multiple_of3A, %dma_start3A_188] : memref<10112x64xf32, #tpu.memory_space<vmem_shared>> -> memref<632x64xf32, #tpu.memory_space<vmem_shared>>
        tpu.enqueue_dma source(%dma_start3A_189 : memref<632x64xf32, #tpu.memory_space<vmem_shared>>) target(%dma_start3A_187 : memref<632x64xf32, #tpu.memory_space<hbm>>) target_semaphore(%run_scoped3A : memref<!tpu.dma_semaphore, #tpu.memory_space<semaphore_mem>>)
        %dma_wait3A_190 = arith.constant 0 : i32
        %dma_wait3A_191 = tpu.memref_slice %arg7[%multiple_of3A, %dma_wait3A_190] : memref<10112x64xf32, #tpu.memory_space<hbm>> -> memref<632x64xf32, #tpu.memory_space<hbm>>
        %dma_wait3A_192 = arith.constant 0 : i32
        %dma_wait3A_193 = tpu.memref_slice %arg16[%multiple_of3A, %dma_wait3A_192] : memref<10112x64xf32, #tpu.memory_space<vmem_shared>> -> memref<632x64xf32, #tpu.memory_space<vmem_shared>>
        tpu.wait_dma2 semaphore(%run_scoped3A : memref<!tpu.dma_semaphore, #tpu.memory_space<semaphore_mem>>) src(%dma_wait3A_193 : memref<632x64xf32, #tpu.memory_space<vmem_shared>>) dst(%dma_wait3A_191 : memref<632x64xf32, #tpu.memory_space<hbm>>)
        tpu.yield
      }) : () -> ()
      "tpu.region"() ({
        %run_scoped3A = tpu.sem_alloc : memref<!tpu.dma_semaphore, #tpu.memory_space<semaphore_mem>>
        %dma_start3A_186 = arith.constant 0 : i32
        %dma_start3A_187 = tpu.memref_slice %arg9[%multiple_of3A, %dma_start3A_186] : memref<10112x64xf32, #tpu.memory_space<hbm>> -> memref<632x64xf32, #tpu.memory_space<hbm>>
        %dma_start3A_188 = arith.constant 0 : i32
        %dma_start3A_189 = tpu.memref_slice %arg17[%multiple_of3A, %dma_start3A_188] : memref<10112x64xf32, #tpu.memory_space<vmem_shared>> -> memref<632x64xf32, #tpu.memory_space<vmem_shared>>
        tpu.enqueue_dma source(%dma_start3A_189 : memref<632x64xf32, #tpu.memory_space<vmem_shared>>) target(%dma_start3A_187 : memref<632x64xf32, #tpu.memory_space<hbm>>) target_semaphore(%run_scoped3A : memref<!tpu.dma_semaphore, #tpu.memory_space<semaphore_mem>>)
        %dma_wait3A_190 = arith.constant 0 : i32
        %dma_wait3A_191 = tpu.memref_slice %arg9[%multiple_of3A, %dma_wait3A_190] : memref<10112x64xf32, #tpu.memory_space<hbm>> -> memref<632x64xf32, #tpu.memory_space<hbm>>
        %dma_wait3A_192 = arith.constant 0 : i32
        %dma_wait3A_193 = tpu.memref_slice %arg17[%multiple_of3A, %dma_wait3A_192] : memref<10112x64xf32, #tpu.memory_space<vmem_shared>> -> memref<632x64xf32, #tpu.memory_space<vmem_shared>>
        tpu.wait_dma2 semaphore(%run_scoped3A : memref<!tpu.dma_semaphore, #tpu.memory_space<semaphore_mem>>) src(%dma_wait3A_193 : memref<632x64xf32, #tpu.memory_space<vmem_shared>>) dst(%dma_wait3A_191 : memref<632x64xf32, #tpu.memory_space<hbm>>)
        tpu.yield
      }) : () -> ()
      %eq3A_181 = arith.constant 0 : i32
      %eq3A_182 = arith.cmpi eq, %arg1, %eq3A_181 : i32
      %convert_element_type3A_183 = arith.extui %eq3A_182 : i1 to i32
      %cond3A_184 = arith.constant 0 : i32
      %cond3A_185 = arith.cmpi ne, %convert_element_type3A_183, %cond3A_184 : i32
      scf.if %cond3A_185 {
        "tpu.region"() ({
          %run_scoped3A = tpu.sem_alloc : memref<!tpu.dma_semaphore, #tpu.memory_space<semaphore_mem>>
          tpu.enqueue_dma source(%arg18 : memref<240x128xf32, #tpu.memory_space<vmem_shared>>) target(%arg11 : memref<240x128xf32, #tpu.memory_space<hbm>>) target_semaphore(%run_scoped3A : memref<!tpu.dma_semaphore, #tpu.memory_space<semaphore_mem>>)
          tpu.wait_dma2 semaphore(%run_scoped3A : memref<!tpu.dma_semaphore, #tpu.memory_space<semaphore_mem>>) src(%arg18 : memref<240x128xf32, #tpu.memory_space<vmem_shared>>) dst(%arg11 : memref<240x128xf32, #tpu.memory_space<hbm>>)
          tpu.yield
        }) : () -> ()
      } else {
      }
    } else {
    }
    %eq3A_103 = arith.constant 1 : i32
    %eq3A_104 = arith.cmpi eq, %arg0, %eq3A_103 : i32
    %convert_element_type3A_105 = arith.extui %eq3A_104 : i1 to i32
    %cond3A_106 = arith.constant 0 : i32
    %cond3A_107 = arith.cmpi ne, %convert_element_type3A_105, %cond3A_106 : i32
    scf.if %cond3A_107 {
      %barrier3A_108 = arith.constant 0 : index
      tpu.barrier barrier_id(%barrier3A_108)
      "tpu.region"() ({
        %run_scoped3A = tpu.sem_alloc : memref<!tpu.dma_semaphore, #tpu.memory_space<semaphore_mem>>
        %dma_start3A_109 = arith.constant 0 : i32
        %dma_start3A_110 = tpu.memref_slice %arg8[%multiple_of3A, %dma_start3A_109] : memref<10112x64xf32, #tpu.memory_space<hbm>> -> memref<632x64xf32, #tpu.memory_space<hbm>>
        %dma_start3A_111 = arith.constant 0 : i32
        %dma_start3A_112 = tpu.memref_slice %arg16[%multiple_of3A, %dma_start3A_111] : memref<10112x64xf32, #tpu.memory_space<vmem_shared>> -> memref<632x64xf32, #tpu.memory_space<vmem_shared>>
        tpu.enqueue_dma source(%dma_start3A_112 : memref<632x64xf32, #tpu.memory_space<vmem_shared>>) target(%dma_start3A_110 : memref<632x64xf32, #tpu.memory_space<hbm>>) target_semaphore(%run_scoped3A : memref<!tpu.dma_semaphore, #tpu.memory_space<semaphore_mem>>)
        %dma_wait3A_113 = arith.constant 0 : i32
        %dma_wait3A_114 = tpu.memref_slice %arg8[%multiple_of3A, %dma_wait3A_113] : memref<10112x64xf32, #tpu.memory_space<hbm>> -> memref<632x64xf32, #tpu.memory_space<hbm>>
        %dma_wait3A_115 = arith.constant 0 : i32
        %dma_wait3A_116 = tpu.memref_slice %arg16[%multiple_of3A, %dma_wait3A_115] : memref<10112x64xf32, #tpu.memory_space<vmem_shared>> -> memref<632x64xf32, #tpu.memory_space<vmem_shared>>
        tpu.wait_dma2 semaphore(%run_scoped3A : memref<!tpu.dma_semaphore, #tpu.memory_space<semaphore_mem>>) src(%dma_wait3A_116 : memref<632x64xf32, #tpu.memory_space<vmem_shared>>) dst(%dma_wait3A_114 : memref<632x64xf32, #tpu.memory_space<hbm>>)
        tpu.yield
      }) : () -> ()
      "tpu.region"() ({
        %run_scoped3A = tpu.sem_alloc : memref<!tpu.dma_semaphore, #tpu.memory_space<semaphore_mem>>
        %dma_start3A_109 = arith.constant 0 : i32
        %dma_start3A_110 = tpu.memref_slice %arg10[%multiple_of3A, %dma_start3A_109] : memref<10112x64xf32, #tpu.memory_space<hbm>> -> memref<632x64xf32, #tpu.memory_space<hbm>>
        %dma_start3A_111 = arith.constant 0 : i32
        %dma_start3A_112 = tpu.memref_slice %arg17[%multiple_of3A, %dma_start3A_111] : memref<10112x64xf32, #tpu.memory_space<vmem_shared>> -> memref<632x64xf32, #tpu.memory_space<vmem_shared>>
        tpu.enqueue_dma source(%dma_start3A_112 : memref<632x64xf32, #tpu.memory_space<vmem_shared>>) target(%dma_start3A_110 : memref<632x64xf32, #tpu.memory_space<hbm>>) target_semaphore(%run_scoped3A : memref<!tpu.dma_semaphore, #tpu.memory_space<semaphore_mem>>)
        %dma_wait3A_113 = arith.constant 0 : i32
        %dma_wait3A_114 = tpu.memref_slice %arg10[%multiple_of3A, %dma_wait3A_113] : memref<10112x64xf32, #tpu.memory_space<hbm>> -> memref<632x64xf32, #tpu.memory_space<hbm>>
        %dma_wait3A_115 = arith.constant 0 : i32
        %dma_wait3A_116 = tpu.memref_slice %arg17[%multiple_of3A, %dma_wait3A_115] : memref<10112x64xf32, #tpu.memory_space<vmem_shared>> -> memref<632x64xf32, #tpu.memory_space<vmem_shared>>
        tpu.wait_dma2 semaphore(%run_scoped3A : memref<!tpu.dma_semaphore, #tpu.memory_space<semaphore_mem>>) src(%dma_wait3A_116 : memref<632x64xf32, #tpu.memory_space<vmem_shared>>) dst(%dma_wait3A_114 : memref<632x64xf32, #tpu.memory_space<hbm>>)
        tpu.yield
      }) : () -> ()
    } else {
    }
    return
  }
}

module attributes {stable_mosaic.version = 14 : i64} {
  func.func @_tc1_body(%arg0: i32, %arg1: memref<2528x64xf32, #tpu.memory_space<vmem>>, %arg2: memref<2528x64xf32, #tpu.memory_space<vmem>>, %arg3: memref<2528x64xf32, #tpu.memory_space<vmem>>, %arg4: memref<2528x64xf32, #tpu.memory_space<vmem>>, %arg5: memref<2528x1xf32, #tpu.memory_space<vmem>>, %arg6: memref<2528x1xf32, #tpu.memory_space<vmem>>, %arg7: memref<2528x128xf32, #tpu.memory_space<vmem>>, %arg8: memref<2528x128xf32, #tpu.memory_space<vmem>>) attributes {dimension_semantics = [#tpu.dimension_semantics<arbitrary>], iteration_bounds = array<i64: 4>, scalar_prefetch = 0 : i64, scratch_operands = 0 : i64, tpu.core_type = #tpu.core_type<tc>, window_params = [{transform_indices = @transform_0, window_bounds = array<i64: 2528, 64>}, {transform_indices = @transform_1, window_bounds = array<i64: 2528, 64>}, {transform_indices = @transform_2, window_bounds = array<i64: 2528, 64>}, {transform_indices = @transform_3, window_bounds = array<i64: 2528, 64>}, {transform_indices = @transform_4, window_bounds = array<i64: 2528, 1>}, {transform_indices = @transform_5, window_bounds = array<i64: 2528, 1>}, {transform_indices = @transform_6, window_bounds = array<i64: 2528, 128>}, {transform_indices = @transform_7, window_bounds = array<i64: 2528, 128>}]} {
    %get3A = arith.constant 0 : index
    %get3A_0 = arith.constant 0 : index
    %get3A_1 = vector.load %arg1[%get3A, %get3A_0] : memref<2528x64xf32, #tpu.memory_space<vmem>>, vector<2528x64xf32>
    %get3A_2 = arith.constant 0 : index
    %get3A_3 = arith.constant 0 : index
    %get3A_4 = vector.load %arg2[%get3A_2, %get3A_3] : memref<2528x64xf32, #tpu.memory_space<vmem>>, vector<2528x64xf32>
    %get3A_5 = arith.constant 0 : index
    %get3A_6 = arith.constant 0 : index
    %get3A_7 = vector.load %arg5[%get3A_5, %get3A_6] : memref<2528x1xf32, #tpu.memory_space<vmem>>, vector<2528x1xf32>
    %concatenate3A = tpu.concatenate %get3A_1, %get3A_4 in 1 : vector<2528x64xf32>, vector<2528x64xf32> -> vector<2528x128xf32>
    %max3A = arith.constant 1.000000e+00 : f32
    %max3A_8 = vector.broadcast %max3A : f32 to vector<2528x1xf32>
    %max3A_9 = arith.maximumf %get3A_7, %max3A_8 : vector<2528x1xf32>
    %div3A = vector.broadcast %max3A_9 : vector<2528x1xf32> to vector<2528x128xf32>
    %div3A_10 = arith.divf %concatenate3A, %div3A : vector<2528x128xf32>
    %max3A_11 = arith.constant 0.000000e+00 : f32
    %max3A_12 = vector.broadcast %max3A_11 : f32 to vector<2528x128xf32>
    %max3A_13 = arith.maximumf %div3A_10, %max3A_12 : vector<2528x128xf32>
    %swap3A = arith.constant 0 : index
    %swap3A_14 = arith.constant 0 : index
    %swap3A_15 = vector.load %arg7[%swap3A, %swap3A_14] : memref<2528x128xf32, #tpu.memory_space<vmem>>, vector<2528x128xf32>
    tpu.vector_store %arg7[%swap3A, %swap3A_14], %max3A_13 {strides = array<i32>} : memref<2528x128xf32, #tpu.memory_space<vmem>>, vector<2528x128xf32>,
    %get3A_16 = arith.constant 0 : index
    %get3A_17 = arith.constant 0 : index
    %get3A_18 = vector.load %arg3[%get3A_16, %get3A_17] : memref<2528x64xf32, #tpu.memory_space<vmem>>, vector<2528x64xf32>
    %get3A_19 = arith.constant 0 : index
    %get3A_20 = arith.constant 0 : index
    %get3A_21 = vector.load %arg4[%get3A_19, %get3A_20] : memref<2528x64xf32, #tpu.memory_space<vmem>>, vector<2528x64xf32>
    %get3A_22 = arith.constant 0 : index
    %get3A_23 = arith.constant 0 : index
    %get3A_24 = vector.load %arg6[%get3A_22, %get3A_23] : memref<2528x1xf32, #tpu.memory_space<vmem>>, vector<2528x1xf32>
    %concatenate3A_25 = tpu.concatenate %get3A_18, %get3A_21 in 1 : vector<2528x64xf32>, vector<2528x64xf32> -> vector<2528x128xf32>
    %max3A_26 = arith.constant 1.000000e+00 : f32
    %max3A_27 = vector.broadcast %max3A_26 : f32 to vector<2528x1xf32>
    %max3A_28 = arith.maximumf %get3A_24, %max3A_27 : vector<2528x1xf32>
    %div3A_29 = vector.broadcast %max3A_28 : vector<2528x1xf32> to vector<2528x128xf32>
    %div3A_30 = arith.divf %concatenate3A_25, %div3A_29 : vector<2528x128xf32>
    %max3A_31 = arith.constant 0.000000e+00 : f32
    %max3A_32 = vector.broadcast %max3A_31 : f32 to vector<2528x128xf32>
    %max3A_33 = arith.maximumf %div3A_30, %max3A_32 : vector<2528x128xf32>
    %mul3A = arith.mulf %max3A_33, %max3A_33 : vector<2528x128xf32>
    %reduce_sum3A = arith.constant dense<0.000000e+00> : vector<2528xf32>
    %reduce_sum3A_34 = vector.multi_reduction <add>, %mul3A, %reduce_sum3A [1] : vector<2528x128xf32> to vector<2528xf32>
    %broadcast_in_dim3A = vector.shape_cast %reduce_sum3A_34 : vector<2528xf32> to vector<2528x1xf32>
    %sqrt3A = math.sqrt %broadcast_in_dim3A : vector<2528x1xf32>
    %max3A_35 = arith.constant 9.99999996E-13 : f32
    %max3A_36 = vector.broadcast %max3A_35 : f32 to vector<2528x1xf32>
    %max3A_37 = arith.maximumf %sqrt3A, %max3A_36 : vector<2528x1xf32>
    %div3A_38 = vector.broadcast %max3A_37 : vector<2528x1xf32> to vector<2528x128xf32>
    %div3A_39 = arith.divf %max3A_33, %div3A_38 : vector<2528x128xf32>
    %swap3A_40 = arith.constant 0 : index
    %swap3A_41 = arith.constant 0 : index
    %swap3A_42 = vector.load %arg8[%swap3A_40, %swap3A_41] : memref<2528x128xf32, #tpu.memory_space<vmem>>, vector<2528x128xf32>
    tpu.vector_store %arg8[%swap3A_40, %swap3A_41], %div3A_39 {strides = array<i32>} : memref<2528x128xf32, #tpu.memory_space<vmem>>, vector<2528x128xf32>,
    return
  }
  func.func @transform_0(%arg0: i32) -> (i32, i32) {
    %c0_i32 = arith.constant 0 : i32
    %c0_i32_0 = arith.constant 0 : i32
    return %arg0, %c0_i32 : i32, i32
  }
  func.func @transform_1(%arg0: i32) -> (i32, i32) {
    %c0_i32 = arith.constant 0 : i32
    %c0_i32_0 = arith.constant 0 : i32
    return %arg0, %c0_i32 : i32, i32
  }
  func.func @transform_2(%arg0: i32) -> (i32, i32) {
    %c0_i32 = arith.constant 0 : i32
    %c0_i32_0 = arith.constant 0 : i32
    return %arg0, %c0_i32 : i32, i32
  }
  func.func @transform_3(%arg0: i32) -> (i32, i32) {
    %c0_i32 = arith.constant 0 : i32
    %c0_i32_0 = arith.constant 0 : i32
    return %arg0, %c0_i32 : i32, i32
  }
  func.func @transform_4(%arg0: i32) -> (i32, i32) {
    %c0_i32 = arith.constant 0 : i32
    %c0_i32_0 = arith.constant 0 : i32
    return %arg0, %c0_i32 : i32, i32
  }
  func.func @transform_5(%arg0: i32) -> (i32, i32) {
    %c0_i32 = arith.constant 0 : i32
    %c0_i32_0 = arith.constant 0 : i32
    return %arg0, %c0_i32 : i32, i32
  }
  func.func @transform_6(%arg0: i32) -> (i32, i32) {
    %c0_i32 = arith.constant 0 : i32
    %c0_i32_0 = arith.constant 0 : i32
    return %arg0, %c0_i32 : i32, i32
  }
  func.func @transform_7(%arg0: i32) -> (i32, i32) {
    %c0_i32 = arith.constant 0 : i32
    %c0_i32_0 = arith.constant 0 : i32
    return %arg0, %c0_i32 : i32, i32
  }
}

module attributes {stable_mosaic.version = 14 : i64} {
  func.func @_tc2_body(%arg0: i32, %arg1: memref<2528x128xf32, #tpu.memory_space<vmem>>, %arg2: memref<2528x128xf32, #tpu.memory_space<vmem>>, %arg3: memref<2528x128xf32, #tpu.memory_space<vmem>>, %arg4: memref<2528x128xf32, #tpu.memory_space<vmem>>, %arg5: memref<2528x1xf32, #tpu.memory_space<vmem>>, %arg6: memref<2528x1xf32, #tpu.memory_space<vmem>>, %arg7: memref<2528x512xf32, #tpu.memory_space<vmem>>) attributes {dimension_semantics = [#tpu.dimension_semantics<arbitrary>], iteration_bounds = array<i64: 4>, scalar_prefetch = 0 : i64, scratch_operands = 0 : i64, tpu.core_type = #tpu.core_type<tc>, window_params = [{transform_indices = @transform_0, window_bounds = array<i64: 2528, 128>}, {transform_indices = @transform_1, window_bounds = array<i64: 2528, 128>}, {transform_indices = @transform_2, window_bounds = array<i64: 2528, 128>}, {transform_indices = @transform_3, window_bounds = array<i64: 2528, 128>}, {transform_indices = @transform_4, window_bounds = array<i64: 2528, 1>}, {transform_indices = @transform_5, window_bounds = array<i64: 2528, 1>}, {transform_indices = @transform_6, window_bounds = array<i64: 2528, 512>}]} {
    %get3A = arith.constant 0 : index
    %get3A_0 = arith.constant 0 : index
    %get3A_1 = vector.load %arg1[%get3A, %get3A_0] : memref<2528x128xf32, #tpu.memory_space<vmem>>, vector<2528x128xf32>
    %get3A_2 = arith.constant 0 : index
    %get3A_3 = arith.constant 0 : index
    %get3A_4 = vector.load %arg5[%get3A_2, %get3A_3] : memref<2528x1xf32, #tpu.memory_space<vmem>>, vector<2528x1xf32>
    %max3A = arith.constant 1.000000e+00 : f32
    %max3A_5 = vector.broadcast %max3A : f32 to vector<2528x1xf32>
    %max3A_6 = arith.maximumf %get3A_4, %max3A_5 : vector<2528x1xf32>
    %div3A = vector.broadcast %max3A_6 : vector<2528x1xf32> to vector<2528x128xf32>
    %div3A_7 = arith.divf %get3A_1, %div3A : vector<2528x128xf32>
    %max3A_8 = arith.constant 0.000000e+00 : f32
    %max3A_9 = vector.broadcast %max3A_8 : f32 to vector<2528x128xf32>
    %max3A_10 = arith.maximumf %div3A_7, %max3A_9 : vector<2528x128xf32>
    %mul3A = arith.mulf %max3A_10, %max3A_10 : vector<2528x128xf32>
    %reduce_sum3A = arith.constant dense<0.000000e+00> : vector<2528xf32>
    %reduce_sum3A_11 = vector.multi_reduction <add>, %mul3A, %reduce_sum3A [1] : vector<2528x128xf32> to vector<2528xf32>
    %broadcast_in_dim3A = vector.shape_cast %reduce_sum3A_11 : vector<2528xf32> to vector<2528x1xf32>
    %sqrt3A = math.sqrt %broadcast_in_dim3A : vector<2528x1xf32>
    %max3A_12 = arith.constant 9.99999996E-13 : f32
    %max3A_13 = vector.broadcast %max3A_12 : f32 to vector<2528x1xf32>
    %max3A_14 = arith.maximumf %sqrt3A, %max3A_13 : vector<2528x1xf32>
    %div3A_15 = vector.broadcast %max3A_14 : vector<2528x1xf32> to vector<2528x128xf32>
    %div3A_16 = arith.divf %max3A_10, %div3A_15 : vector<2528x128xf32>
    %get3A_17 = arith.constant 0 : index
    %get3A_18 = arith.constant 0 : index
    %get3A_19 = vector.load %arg2[%get3A_17, %get3A_18] : memref<2528x128xf32, #tpu.memory_space<vmem>>, vector<2528x128xf32>
    %get3A_20 = arith.constant 0 : index
    %get3A_21 = arith.constant 0 : index
    %get3A_22 = vector.load %arg6[%get3A_20, %get3A_21] : memref<2528x1xf32, #tpu.memory_space<vmem>>, vector<2528x1xf32>
    %max3A_23 = arith.constant 1.000000e+00 : f32
    %max3A_24 = vector.broadcast %max3A_23 : f32 to vector<2528x1xf32>
    %max3A_25 = arith.maximumf %get3A_22, %max3A_24 : vector<2528x1xf32>
    %div3A_26 = vector.broadcast %max3A_25 : vector<2528x1xf32> to vector<2528x128xf32>
    %div3A_27 = arith.divf %get3A_19, %div3A_26 : vector<2528x128xf32>
    %max3A_28 = arith.constant 0.000000e+00 : f32
    %max3A_29 = vector.broadcast %max3A_28 : f32 to vector<2528x128xf32>
    %max3A_30 = arith.maximumf %div3A_27, %max3A_29 : vector<2528x128xf32>
    %mul3A_31 = arith.mulf %max3A_30, %max3A_30 : vector<2528x128xf32>
    %reduce_sum3A_32 = arith.constant dense<0.000000e+00> : vector<2528xf32>
    %reduce_sum3A_33 = vector.multi_reduction <add>, %mul3A_31, %reduce_sum3A_32 [1] : vector<2528x128xf32> to vector<2528xf32>
    %broadcast_in_dim3A_34 = vector.shape_cast %reduce_sum3A_33 : vector<2528xf32> to vector<2528x1xf32>
    %sqrt3A_35 = math.sqrt %broadcast_in_dim3A_34 : vector<2528x1xf32>
    %max3A_36 = arith.constant 9.99999996E-13 : f32
    %max3A_37 = vector.broadcast %max3A_36 : f32 to vector<2528x1xf32>
    %max3A_38 = arith.maximumf %sqrt3A_35, %max3A_37 : vector<2528x1xf32>
    %div3A_39 = vector.broadcast %max3A_38 : vector<2528x1xf32> to vector<2528x128xf32>
    %div3A_40 = arith.divf %max3A_30, %div3A_39 : vector<2528x128xf32>
    %get3A_41 = arith.constant 0 : index
    %get3A_42 = arith.constant 0 : index
    %get3A_43 = vector.load %arg3[%get3A_41, %get3A_42] : memref<2528x128xf32, #tpu.memory_space<vmem>>, vector<2528x128xf32>
    %get3A_44 = arith.constant 0 : index
    %get3A_45 = arith.constant 0 : index
    %get3A_46 = vector.load %arg4[%get3A_44, %get3A_45] : memref<2528x128xf32, #tpu.memory_space<vmem>>, vector<2528x128xf32>
    %concatenate3A = tpu.concatenate %get3A_43, %div3A_16, %get3A_46, %div3A_40 in 1 : vector<2528x128xf32>, vector<2528x128xf32>, vector<2528x128xf32>, vector<2528x128xf32> -> vector<2528x512xf32>
    %mul3A_47 = arith.mulf %concatenate3A, %concatenate3A : vector<2528x512xf32>
    %reduce_sum3A_48 = arith.constant dense<0.000000e+00> : vector<2528xf32>
    %reduce_sum3A_49 = vector.multi_reduction <add>, %mul3A_47, %reduce_sum3A_48 [1] : vector<2528x512xf32> to vector<2528xf32>
    %broadcast_in_dim3A_50 = vector.shape_cast %reduce_sum3A_49 : vector<2528xf32> to vector<2528x1xf32>
    %sqrt3A_51 = math.sqrt %broadcast_in_dim3A_50 : vector<2528x1xf32>
    %max3A_52 = arith.constant 9.99999996E-13 : f32
    %max3A_53 = vector.broadcast %max3A_52 : f32 to vector<2528x1xf32>
    %max3A_54 = arith.maximumf %sqrt3A_51, %max3A_53 : vector<2528x1xf32>
    %div3A_55 = vector.broadcast %max3A_54 : vector<2528x1xf32> to vector<2528x512xf32>
    %div3A_56 = arith.divf %concatenate3A, %div3A_55 : vector<2528x512xf32>
    %swap3A = arith.constant 0 : index
    %swap3A_57 = arith.constant 0 : index
    %swap3A_58 = vector.load %arg7[%swap3A, %swap3A_57] : memref<2528x512xf32, #tpu.memory_space<vmem>>, vector<2528x512xf32>
    tpu.vector_store %arg7[%swap3A, %swap3A_57], %div3A_56 {strides = array<i32>} : memref<2528x512xf32, #tpu.memory_space<vmem>>, vector<2528x512xf32>,
    return
  }
  func.func @transform_0(%arg0: i32) -> (i32, i32) {
    %c0_i32 = arith.constant 0 : i32
    %c0_i32_0 = arith.constant 0 : i32
    return %arg0, %c0_i32 : i32, i32
  }
  func.func @transform_1(%arg0: i32) -> (i32, i32) {
    %c0_i32 = arith.constant 0 : i32
    %c0_i32_0 = arith.constant 0 : i32
    return %arg0, %c0_i32 : i32, i32
  }
  func.func @transform_2(%arg0: i32) -> (i32, i32) {
    %c0_i32 = arith.constant 0 : i32
    %c0_i32_0 = arith.constant 0 : i32
    return %arg0, %c0_i32 : i32, i32
  }
  func.func @transform_3(%arg0: i32) -> (i32, i32) {
    %c0_i32 = arith.constant 0 : i32
    %c0_i32_0 = arith.constant 0 : i32
    return %arg0, %c0_i32 : i32, i32
  }
  func.func @transform_4(%arg0: i32) -> (i32, i32) {
    %c0_i32 = arith.constant 0 : i32
    %c0_i32_0 = arith.constant 0 : i32
    return %arg0, %c0_i32 : i32, i32
  }
  func.func @transform_5(%arg0: i32) -> (i32, i32) {
    %c0_i32 = arith.constant 0 : i32
    %c0_i32_0 = arith.constant 0 : i32
    return %arg0, %c0_i32 : i32, i32
  }
  func.func @transform_6(%arg0: i32) -> (i32, i32) {
    %c0_i32 = arith.constant 0 : i32
    %c0_i32_0 = arith.constant 0 : i32
    return %arg0, %c0_i32 : i32, i32
  }
}

</mosaic_0001>

<sc_bundles>
// kernel: kernel.6.cloned.1.call-start
scs
__scs_entry_jumppad:
0x0: {  	(pc) =	sbr.rel $0x88, $3  }
0x1: {  	(tag) =	ssettag $0x0;
	lr =	simm.s32 $0x1  }
0x2: {  	[smem:$0x3F9F] =	sst lr;
	_ =	strace $0xD0000000  }
0x3: {  	_ = 	snop  }
0x4: {  	_ = 	snop  }
0x5: {  	_ = 	snop  }
0x6: {  	_ = 	snop  }
0x7: {  	_ = 	snop  }
__scs_overlays_trampoline_lowered:
0x8: {  	[smem:$0x3FAE] =	sst s0  }
0x9: {  	[smem:$0x3FAF] =	sst s1  }
0xa: {  	[smem:$0x3FB0] =	sst s2  }
0xb: {  	[smem:$0x3FB1] =	sst s3  }
0xc: {  	[smem:$0x3FB2] =	sst s4  }
0xd: {  	[smem:$0x3FB3] =	sst s5  }
0xe: {  	[smem:$0x3FB4] =	sst s6  }
0xf: {  	[smem:$0x3FB5] =	sst s7  }
0x10: {  	[smem:$0x3FB6] =	sst s8  }
0x11: {  	[smem:$0x3FB7] =	sst s9;
	s0 =	simm.s32 @!p0 $0x0  }
0x12: {  	s1 =	sld [smem:$0x3F9D];
	s0 =	simm.s32 @p0 $0x1  }
0x13: {  	[smem:$0x3FB8] =	sst s0;
	s0 =	simm.s32 @!p1 $0x0  }
0x14: {  	s2 =	sld [smem:$0x3F9C];
	s0 =	simm.s32 @p1 $0x1  }
0x15: {  	[smem:$0x3FB9] =	sst s0;
	s0 =	simm.s32 @!p2 $0x0  }
0x16: {  	s3 =	sld [smem:$0x3FDB];
	s0 =	simm.s32 @p2 $0x1  }
0x17: {  	s4 =	simm.s32 $0x1BF5;
	[smem:$0x3FBB] =	sst s0  }
0x18: {  	s0 =	sld [smem:$0x3F9E];
	_ =	swait.ge [sflag:s4], $0x0  }
0x19: {  	s7 =	sld [smem:$0x3F9F]  }
0x1a: {  	s8 =	sadd.s32 $0xFFFFE003, lr  }
0x1b: {  	s9 =	sadd.s32 $0xFFFFFEF7, lr;
	s5 =	simm.s32 $0xFFFFFFFF;
	p2 =	slt.u32 s8, $0xFFFFF086  }
0x1c: {  	p1 =	slt.u32 s9, $0xF7A;
	s5 =	simm.s32 @!p2 $0x0  }
0x1d: {  	s5 =	simm.s32 @p1 $0x1;
	p0 =	seq.s32 s7, s2  }
0x1e: {  	s7 =	smul.u32 @!p0 $0xF7A, s2;
	p2 =	seq.s32 @!p0 s5, $0x0  }
0x1f: {  	s9 =	smul.u32 $0xF7A, s1;
	s8 =	simm.s32 @!p0 $0x1BF5;
	p2 =	por !p2, p0  }
0x20: {  	[sflag:s8] =	ssyncset.s32 @!p0 $0xFFFFF086;
	s6 =	sadd.s32 @!p0 s3, s7;
	s7 =	simm.s32 @!p0 $0x108  }
0x21: {  	s3 =	sadd.s32 s3, s9;
	s6 =	sadd.s32 @!p0 $0x88, s6;
	s7 =	simm.s32 @p2 $0x1082  }
0x22: {  	[simem:s7], [sflag:s8] =	dma.local @!p0 [hbm:s6], $0xF7A  }
0x23: {  	s9 =	sor.u32 $0xD0000000, s2;
	s6 =	simm.s32 $0x108;
	_ =	swait.ge @!p0 [sflag:s8], $0x0  }
0x24: {  	s3 =	sadd.s32 $0x88, s3;
	s6 =	simm.s32 @!p1 $0x1082;
	[sflag:s4] =	ssyncset.s32 $0xFFFFF086  }
0x25: {  	[simem:s6], [sflag:s4] =	dma.local [hbm:s3], $0xF7A  }
0x26: {  	[smem:$0x3F9F] =	sst s1;
	(tag) =	ssettag s2;
	_ =	strace s9  }
0x27: {  	s1 =	sld [smem:$0x3FAF]  }
0x28: {  	s2 =	sld [smem:$0x3FB0]  }
0x29: {  	s4 =	sld [smem:$0x3FB2]  }
0x2a: {  	p0 =	seq.s32 s5, $0x0;
	s5 =	sld [smem:$0x3FB3]  }
0x2b: {  	s6 =	sld [smem:$0x3FB4]  }
0x2c: {  	s7 =	sld [smem:$0x3FB5]  }
0x2d: {  	s3 =	simm.s32 $0x108;
	s8 =	sld [smem:$0x3FB6]  }
0x2e: {  	s3 =	simm.s32 @!p0 $0x1082;
	s9 =	sld [smem:$0x3FB7]  }
0x2f: {  	lr =	sadd.s32 s0, s3;
	s0 =	sld [smem:$0x3FAE]  }
0x30: {  	s3 =	sld [smem:$0x3FB1]  }
0x31: {  	[smem:$0x3FBA] =	sst s10  }
0x32: {  	s10 =	sld [smem:$0x3FB8];
	_ =	sdelay $0x3  }
0x33: {  	p0 =	seq.s32 s10, $0x1;
	s10 =	sld [smem:$0x3FBA];
	_ =	sdelay $0x3  }
0x34: {  	[smem:$0x3FBA] =	sst s10  }
0x35: {  	s10 =	sld [smem:$0x3FB9];
	_ =	sdelay $0x3  }
0x36: {  	p1 =	seq.s32 s10, $0x1;
	s10 =	sld [smem:$0x3FBA];
	_ =	sdelay $0x3  }
0x37: {  	[smem:$0x3FBA] =	sst s10  }
0x38: {  	s10 =	sld [smem:$0x3FBB]  }
0x39: {  	_ = 	snop;
	(pc) =	sbr.ind lr, $3  }
0x3a: {  	_ = 	snop  }
0x3b: {  	_ = 	snop  }
0x3c: {  	p2 =	seq.s32 s10, $0x1;
	s10 =	sld [smem:$0x3FBA]  }
0x3d: {  	_ =	shalt  }
0x3e: {  	_ =	shalt  }
0x3f: {  	_ =	shalt  }
0x40: {  	_ =	shalt  }
0x41: {  	_ =	shalt  }
0x42: {  	_ =	shalt  }
0x43: {  	_ =	shalt  }
0x44: {  	_ =	shalt  }
0x45: {  	_ =	shalt  }
0x46: {  	_ =	shalt  }
0x47: {  	_ =	shalt  }
0x48: {  	_ =	shalt  }
0x49: {  	_ =	shalt  }
0x4a: {  	_ =	shalt  }
0x4b: {  	_ =	shalt  }
0x4c: {  	_ =	shalt  }
0x4d: {  	_ =	shalt  }
0x4e: {  	_ =	shalt  }
0x4f: {  	_ =	shalt  }
0x50: {  	_ =	shalt  }
0x51: {  	_ =	shalt  }
0x52: {  	_ =	shalt  }
0x53: {  	_ =	shalt  }
0x54: {  	_ =	shalt  }
0x55: {  	_ =	shalt  }
0x56: {  	_ =	shalt  }
0x57: {  	_ =	shalt  }
0x58: {  	_ =	shalt  }
0x59: {  	_ =	shalt  }
0x5a: {  	_ =	shalt  }
0x5b: {  	_ =	shalt  }
0x5c: {  	_ =	shalt  }
0x5d: {  	_ =	shalt  }
0x5e: {  	_ =	shalt  }
0x5f: {  	_ =	shalt  }
0x60: {  	_ =	shalt  }
0x61: {  	_ =	shalt  }
0x62: {  	_ =	shalt  }
0x63: {  	_ =	shalt  }
0x64: {  	_ =	shalt  }
0x65: {  	_ =	shalt  }
0x66: {  	_ =	shalt  }
0x67: {  	_ =	shalt  }
0x68: {  	_ =	shalt  }
0x69: {  	_ =	shalt  }
0x6a: {  	_ =	shalt  }
0x6b: {  	_ =	shalt  }
0x6c: {  	_ =	shalt  }
0x6d: {  	_ =	shalt  }
0x6e: {  	_ =	shalt  }
0x6f: {  	_ =	shalt  }
0x70: {  	_ =	shalt  }
0x71: {  	_ =	shalt  }
0x72: {  	_ =	shalt  }
0x73: {  	_ =	shalt  }
0x74: {  	_ =	shalt  }
0x75: {  	_ =	shalt  }
0x76: {  	_ =	shalt  }
0x77: {  	_ =	shalt  }
0x78: {  	_ =	shalt  }
0x79: {  	_ =	shalt  }
0x7a: {  	_ =	shalt  }
0x7b: {  	_ =	shalt  }
0x7c: {  	_ =	shalt  }
0x7d: {  	_ =	shalt  }
0x7e: {  	_ =	shalt  }
0x7f: {  	_ =	shalt  }
0x80: {  	_ =	shalt  }
0x81: {  	_ =	shalt  }
0x82: {  	_ =	shalt  }
0x83: {  	_ =	shalt  }
0x84: {  	_ =	shalt  }
0x85: {  	_ =	shalt  }
0x86: {  	_ =	shalt  }
0x87: {  	_ =	shalt  }
.Lfunc_end0:
.L_simem_size_0:
called_computation_lowered:
.L_overlay_start_0:
0x88: {  	s2 =	sld [smem:$0x3FD9]  }
0x89: {  	s3 =	sld [smem:$0x3FFE];
	_ =	sdelay $0x1  }
0x8a: {  	s1 =	srdreg.scid  }
0x8b: {  	s0 =	sand.u32 $0x1, s1  }
0x8c: {  	s17 =	sshll.u32 s0, $0xA;
	s2 =	sadd.s32 s3, s2  }
0x8d: {  	s2 =	sadd.s32 s2, s17  }
0x8e: {  	[smem:$0x3FC6] =	sst s2  }
0x8f: {  	_ = 	snop  }
0x90: {  	s2 =	sld [smem:$0x3FD0];
	(tm) =	ssettm $0x1  }
0x91: {  	s18 =	sld [smem:$0x3FFB];
	_ =	sdelay $0x3  }
0x92: {  	_ =	strace s18  }
0x93: {  	s3 =	sld [smem:$0x3FFC];
	_ =	sdelay $0x3  }
0x94: {  	_ =	strace s3  }
0x95: {  	s3 =	sld [smem:$0x3FFD];
	_ =	sdelay $0x3  }
0x96: {  	_ =	strace s3  }
0x97: {  	_ =	strace $0x8FFFFFFF  }
0x98: {  	s19 =	sld [smem:$0x3FDB];
	_ =	sdelay $0x1  }
0x99: {  	s4 =	simm.s32 $_scs_section_size  }
0x9a: {  	s5 =	simm.s32 $_size__tile_overlayer_lowered;
	s6 =	simm.s32 $_tile_overlayer_lowered  }
0x9b: {  	s22 =	simm.s32 $0x1BFF;
	s21 =	sshll.u32 s6, $0x1;
	s3 =	sadd.s32 s4, s19  }
0x9c: {  	s7 =	simm.s32 $0x0;
	s20 =	sshll.u32 s5, $0x1;
	s5 =	sadd.s32 s21, s3  }
0x9d: {  	[timem:s7], [sflag:s22] =	dma.local [hbm:s5], s20  }
0x9e: {  	_ =	swait.ge [sflag:s22], s20  }
0x9f: {  	s4 =	ssub.s32 $0x0, s20;
	[sflag:s22] =	ssyncset.done $0x0  }
0xa0: {  	[sflag:s22] =	ssyncadd.s32 s4;
	_ =	sdelay $0x1  }
0xa1: {  	s23 =	simm.s32 $0x1B8B  }
0xa2: {  	_ =	swait.ge [sflag:s23], $0x1  }
0xa3: {  	[sflag:s23] =	ssyncset.done $0x0  }
0xa4: {  	s25 =	simm.s32 $0x1B8E;
	s24 =	sld [smem:$0x3FFE];
	[sflag:s23] =	ssyncadd.s32 $0xFFFFFFFF  }
0xa5: {  	s26 =	simm.s32 $execute0_lowered;
	[smem:$0x3FD2] =	sst s25  }
0xa6: {  	s5 =	sshll.u32 s26, $0x1;
	_ =	strace $0x80000046;
	[dreg:$0x1] =	wrdreg $0xFFFFFFFF  }
0xa7: {  	s28 =	simm.s32 $_size_execute0_lowered;
	s3 =	sadd.s32 s3, s5;
	[dreg:$0x0] =	wrdreg $0x0  }
0xa8: {  	s5 =	sshll.u32 s28, $0x1;
	[dreg:$0x2] =	wrdreg s3  }
0xa9: {  	[dreg:$0x3] =	wrdreg s5  }
0xaa: {  	[dreg:$0x4] =	wrdreg $0xC0  }
0xab: {  	_ =	task [dreg:s7], $0x5FFFF  }
0xac: {  	[dreg:$0x1] =	wrdreg $0xFFFFFFFF  }
0xad: {  	[dreg:$0x0] =	wrdreg $0x60  }
0xae: {  	[dreg:$0x2] =	wrdreg s24  }
0xaf: {  	[dreg:$0x3] =	wrdreg s2  }
0xb0: {  	[dreg:$0x4] =	wrdreg $0xB7C00  }
0xb1: {  	[dreg:$0x5] =	wrdreg $0x155C00  }
0xb2: {  	[dreg:$0x6] =	wrdreg $0x1F3C00  }
0xb3: {  	[dreg:$0x7] =	wrdreg $0x9  }
0xb4: {  	_ =	task.clear_ibuf [dreg:s7], $0x8FFFF;
	_ =	strace $0x90000046  }
0xb5: {  	s29 =	simm.s32 $0x9;
	_ =	strace $0x80000048  }
0xb6: {  	_ =	swait.ge [sflag:s29], $0x1  }
0xb7: {  	[sflag:s29] =	ssyncadd.s32 $0xFFFFFFFF  }
0xb8: {  	_ =	strace $0x90000048  }
0xb9: {  	_ =	sfence  }
0xba: {  	s30 =	sld [smem:$0x0];
	_ =	sdelay $0x2  }
0xbb: {  	s31 =	sshll.u32 s1, $0xD;
	s1 =	sshrl.u32 s1, $0x2  }
0xbc: {  	s3 =	sand.u32 $0x4000, s31;
	s1 =	sadd.s32 s1, s30  }
0xbd: {  	s0 =	sor.u32 s3, s0;
	s1 =	sshll.u32 s1, $0x11  }
0xbe: {  	s0 =	sor.u32 s1, s0  }
0xbf: {  	s0 =	sadd.s32 $0x8F2B, s0  }
0xc0: {  	[sflag:s0] =	ssyncadd.remote.s32 $0x1  }
0xc1: {  	_ =	sfence.sel $0xFFFF  }
0xc2: {  	[dreg:$0x0] =	wrdreg $0xFFFFFFFF;
	(pc) =	sbr.abs _section_cstart, $3  }
0xc3: {  	[dreg:$0x1] =	wrdreg $0xFFFFFFFF  }
0xc4: {  	_ =	task.clear_ibuf [dreg:s7], $0x2FFFF;
	_ =	strace $0x9FFFFFFF  }
0xc5: {  	(tm) =	ssettm $0x7FFFFFFF  }
tec
execute0_lowered:
.L_overlay_start_1:
0x0: {  	(tag) =	ssettag $0x1  }
0x1: {  	s0 =	rddreg [dreg:$0x0]  }
0x2: {  	s3 =	rddreg [dreg:$0x1]  }
0x3: {  	s1 =	rddreg [dreg:$0x2]  }
0x4: {  	s2 =	rddreg [dreg:$0x3];
	s4 =	simm.s32 $0x0;
	s5 =	stileid.u32  }
0x5: {  	s7 =	srdreg.scid;
	s28 =	simm.s32 $0x50;
	s29 =	simm.s32 $0x2D0  }
0x6: {  	s30 =	simm.s32 $0x2;
	s31 =	simm.s32 $0x16D0;
	[smem:$0x7FF] =	sst s4  }
0x7: {  	s6 =	smul.u32 $0x9E00, s5;
	s12 =	sadd.s32 $0x15E00, s0;
	s21 =	sadd.s32 $0x2200, s0  }
0x8: {  	s7 =	sand.u32 $0x1, s7;
	s9 =	sadd.s32 $0x3D600, s0;
	s10 =	smul.u32 $0xEC40, s5  }
0x9: {  	s18 =	sshll.u32 s5, $0x6;
	_ =	strace $0x80000047;
	[dreg:$0x8] =	wrdreg s9  }
0xa: {  	s11 =	smul.u32 $0x1D88, s5;
	s14 =	ssub.s32 $0x2, s7;
	[dreg:$0x7] =	wrdreg s21  }
0xb: {  	s9 =	sor.u32 $0x1C08, s18;
	p0 =	seq.s32 s7, $0x0;
	[dreg:$0x6] =	wrdreg s12  }
0xc: {  	p1 =	sne.s32 s7, $0x0;
	s7 =	simm.s32 $0xA0;
	s18 =	simm.s32 $0x140  }
0xd: {  	s8 =	sshrl.u32 s6, $0x3;
	s15 =	sshrl.u32 s14, $0x1;
	s16 =	sadd.s32 s6, s1  }
0xe: {  	s10 =	sshrl.u32 s10, $0x3;
	[dreg:$0xc] =	wrdreg s9;
	s6 =	sadd.s32 s6, s2  }
0xf: {  	s21 =	smov.u32 @p0 s12;
	p0 =	sne.s32 s5, $0x0;
	s5 =	simm.s32 $0x6  }
0x10: {  	s9 =	simm.s32 $0x230;
	s12 =	simm.s32 $0x280;
	[dreg:$0xa] =	wrdreg s16  }
0x11: {  	s8 =	sadd.s32 s8, s0;
	s0 =	sadd.s32 $0x3E600, s0;
	[dreg:$0xd] =	wrdreg s6  }
0x12: {  	s19 =	sadd.s32 s3, s10;
	s3 =	sadd.s32 s3, s11;
	[dreg:$0x9] =	wrdreg s0  }
0x13: {  	s16 =	simm.s32 $0x2AD0;
	s17 =	sadd.s32 $0x29A00, s8;
	[dreg:$0xe] =	wrdreg s3  }
0x14: {  	s10 =	simm.s32 $0x0;
	s20 =	sadd.s32 $0x1E, s19;
	[dreg:$0xb] =	wrdreg s17  }
0x15: {  	s0 =	ssub.s32 s14, s15;
	s6 =	sadd.s32 $0x3C, s19;
	[dreg:$0xf] =	wrdreg s20  }
0x16: {  	s22 =	sadd.s32 $0x66E00, s8;
	s23 =	sadd.s32 $0x3F600, s8;
	[dreg:$0x10] =	wrdreg s6  }
0x17: {  	s24 =	sadd.s32 $0x7AA00, s8;
	s25 =	sadd.s32 $0x53200, s8;
	[dreg:$0x11] =	wrdreg s22  }
0x18: {  	v0 =	vimm.f32 $0.0e+00;
	v1 =	vlaneseq.u32;
	s26 =	sadd.s32 $0x96, s3;
	s8 =	simm.s32 $0x3;
	[dreg:$0x12] =	wrdreg s23  }
.Ltmp0:
0x19: {  	v16 =	vimm.f32 $1.000000000e+00;
	v2 =	vor.u32 $0x10, v1;
	v3 =	vor.u32 $0x20, v1;
	s19 =	simm.s32 $0x190;
	[dreg:$0x13] =	wrdreg s24;
	(pc) =	sbr.rel .LBB2_1-.Ltmp0, $4  }
0x1a: {  	v4 =	vor.u32 $0x30, v1;
	v5 =	vor.u32 $0x40, v1;
	v6 =	vor.u32 $0x50, v1;
	s14 =	simm.s32 $0x66D0;
	s15 =	simm.s32 $0x8ED0;
	[dreg:$0x14] =	wrdreg s25  }
0x1b: {  	v7 =	vor.u32 $0x60, v1;
	v8 =	vor.u32 $0x70, v1;
	v9 =	vor.u32 $0x80, v1;
	s0 =	smax.u32 s0, $0x1;
	[dreg:$0x16] =	wrdreg s26;
	s23 =	simm.s32 $0x8  }
0x1c: {  	v10 =	vor.u32 $0x90, v1;
	v11 =	vor.u32 $0xA0, v1;
	v12 =	vor.u32 $0xB0, v1;
	s24 =	simm.s32 $0xF0;
	s25 =	simm.s32 $0x1E0;
	s17 =	simm.s32 $0x5  }
0x1d: {  	v13 =	vor.u32 $0xC0, v1;
	v14 =	vor.u32 $0xD0, v1;
	v15 =	vor.u32 $0xE0, v1;
	s6 =	simm.s32 $0x3ED0;
	[dreg:$0x15] =	wrdreg s0;
	s0 =	simm.s32 $0x4  }
.LBB2_15:
0x1e: {  	[bflag:$0x0] =	sbarrier.arrive $0xFFFF  }
0x1f: {  	[bflag:$0x0] =	sbarrier.arrive $0xFFFF  }
0x20: {  	s3 =	rddreg [dreg:$0xc]  }
0x21: {  	s10 =	rddreg [dreg:$0x11]  }
0x22: {  	s11 =	rddreg [dreg:$0x19]  }
0x23: {  	[hbm:s10], [sflag:s3] =	dma.local [spmem:s11], $0x13C0  }
0x24: {  	_ =	swait.ge [sflag:s23], $0x13C0  }
0x25: {  	[sflag:s23] =	ssyncset.done $0x0;
	s22 =	rddreg [dreg:$0x12]  }
0x26: {  	s26 =	rddreg [dreg:$0x18];
	[sflag:s23] =	ssyncadd.s32 $0xFFFFEC40  }
0x27: {  	[hbm:s22], [sflag:s3] =	dma.local [spmem:s26], $0x13C0  }
0x28: {  	_ =	swait.ge [sflag:s23], $0x13C0  }
0x29: {  	[sflag:s23] =	ssyncset.done $0x0  }
0x2a: {  	s10 =	rddreg [dreg:$0x17];
	[sflag:s23] =	ssyncadd.s32 $0xFFFFEC40  }
.LBB2_16:
0x2b: {  	s10 =	sadd.s32 $0x1, s10;
	s3 =	rddreg [dreg:$0x15]  }
0x2c: {  	p2 =	sne.s32 s10, s3  }
.Ltmp1:
0x2d: {  	_ = 	snop;
	(pc) =	sbr.rel @!p2 .LBB2_17-.Ltmp1, $1  }
0x2e: {  	_ =	sdelay $0x3  }
.LBB2_1:
0x2f: {  	[dreg:$0x17] =	wrdreg s10  }
0x30: {  	s3 =	rddreg [dreg:$0xa]  }
0x31: {  	s20 =	rddreg [dreg:$0xb]  }
0x32: {  	s22 =	rddreg [dreg:$0xc];
	s11 =	sshrl.u32 s3, $0x3  }
0x33: {  	[dreg:$0x19] =	wrdreg s11  }
0x34: {  	[spmem:s11], [sflag:s22] =	dma.local [hbm:s20], $0x13C0  }
0x35: {  	_ =	swait.ge [sflag:s23], $0x13C0  }
0x36: {  	s26 =	rddreg [dreg:$0xd]  }
0x37: {  	[sflag:s23] =	ssyncset.done $0x0;
	s11 =	sshrl.u32 s26, $0x3  }
0x38: {  	[sflag:s23] =	ssyncadd.s32 $0xFFFFEC40;
	[dreg:$0x18] =	wrdreg s11  }
0x39: {  	[spmem:s11], [sflag:s22] =	dma.local [hbm:s20], $0x13C0  }
0x3a: {  	_ =	swait.ge [sflag:s23], $0x13C0  }
0x3b: {  	[sflag:s23] =	ssyncset.done $0x0  }
.Ltmp2:
0x3c: {  	[sflag:s23] =	ssyncadd.s32 $0xFFFFEC40;
	(pc) =	sbr.rel @p1 .LBB2_9-.Ltmp2, $4  }
0x3d: {  	s3 =	rddreg [dreg:$0x4]  }
0x3e: {  	s3 =	sshrl.u32 @!p0 s3, $0x3  }
0x3f: {  	[dreg:$0x1a] =	wrdreg s3  }
0x40: {  	s3 =	rddreg [dreg:$0x7]  }
0x41: {  	s3 =	sand.u32 $0xFE00, s4  }
0x42: {  	s10 =	sand.u32 $0x70, s4;
	s3 =	sshrl.u32 s3, $0x2  }
0x43: {  	s20 =	simm.s32 $0x40;
	s22 =	simm.s32 $0x0;
	s3 =	sor.u32 s10, s3  }
.LBB2_3:
0x44: {  	p2 =	sne.s32 s20, $0x9FC0  }
0x45: {  	[tilespmem:s3+$0x3ED0] =	vst v0;
	s22 =	sadd.s32 $0x10, s22;
	s3 =	smov.u32 s20;
	s20 =	sadd.s32 $0x40, s20  }
.Ltmp3:
0x46: {  	(pc) =	sbr.rel @p2 .LBB2_3-.Ltmp3, $4  }
0x47: {  	_ = 	snop  }
0x48: {  	s3 =	sand.u32 $0xFE00, s3  }
0x49: {  	s10 =	sand.u32 $0x70, s22;
	s3 =	sshrl.u32 s3, $0x2  }
0x4a: {  	s3 =	sor.u32 s10, s3;
	s10 =	simm.s32 $0x0  }
0x4b: {  	s11 =	sand.u32 $0xFE00, s10  }
0x4c: {  	s26 =	sand.u32 $0x70, s10;
	s20 =	sshrl.u32 s11, $0x2  }
0x4d: {  	[tilespmem:s3+$0x3ED0] =	vst v0;
	s22 =	simm.s32 $0x40;
	s3 =	simm.s32 $0x0;
	s11 =	sor.u32 s26, s20  }
.LBB2_5:
0x4e: {  	p2 =	sne.s32 s22, $0x9FC0  }
0x4f: {  	[tilespmem:s11+$0x66D0] =	vst v0;
	s3 =	sadd.s32 $0x10, s3;
	s11 =	smov.u32 s22;
	s22 =	sadd.s32 $0x40, s22  }
.Ltmp4:
0x50: {  	(pc) =	sbr.rel @p2 .LBB2_5-.Ltmp4, $4  }
0x51: {  	_ = 	snop  }
0x52: {  	s11 =	sand.u32 $0xFE00, s11  }
0x53: {  	s13 =	sand.u32 $0x70, s3;
	s11 =	sshrl.u32 s11, $0x2  }
0x54: {  	s11 =	sor.u32 s13, s11  }
0x55: {  	[tilespmem:s11+$0x66D0] =	vst v0;
	s22 =	simm.s32 $0x40;
	s3 =	sor.u32 s26, s20  }
.LBB2_7:
0x56: {  	p2 =	sne.s32 s22, $0x9FC0  }
0x57: {  	[tilespmem:s3+$0x8ED0] =	vst v0;
	s10 =	sadd.s32 $0x10, s10;
	s3 =	smov.u32 s22;
	s22 =	sadd.s32 $0x40, s22  }
.Ltmp5:
0x58: {  	(pc) =	sbr.rel @p2 .LBB2_7-.Ltmp5, $4  }
0x59: {  	_ = 	snop  }
0x5a: {  	s3 =	sand.u32 $0xFE00, s3  }
0x5b: {  	s11 =	sand.u32 $0x70, s10;
	s3 =	sshrl.u32 s3, $0x2  }
0x5c: {  	s3 =	sor.u32 s11, s3  }
0x5d: {  	[tilespmem:s3+$0x8ED0] =	vst v0  }
0x5e: {  	[tilespmem:$0xB6D0] =	vst v1  }
0x5f: {  	[tilespmem:$0xB6E0] =	vst v2  }
0x60: {  	[tilespmem:$0xB6F0] =	vst v3  }
0x61: {  	[tilespmem:$0xB700] =	vst v4  }
0x62: {  	[tilespmem:$0xB710] =	vst v5  }
0x63: {  	[tilespmem:$0xB720] =	vst v6  }
0x64: {  	[tilespmem:$0xB730] =	vst v7  }
0x65: {  	[tilespmem:$0xB740] =	vst v8  }
0x66: {  	[tilespmem:$0xB750] =	vst v9  }
0x67: {  	[tilespmem:$0xB760] =	vst v10  }
0x68: {  	[tilespmem:$0xB770] =	vst v11  }
0x69: {  	[tilespmem:$0xB780] =	vst v12  }
0x6a: {  	s3 =	rddreg [dreg:$0x8];
	[tilespmem:$0xB790] =	vst v13  }
0x6b: {  	s10 =	rddreg [dreg:$0xc];
	[tilespmem:$0xB7A0] =	vst v14  }
0x6c: {  	s11 =	rddreg [dreg:$0x1a];
	[tilespmem:$0xB7B0] =	vst v15  }
0x6d: {  	[spmem:s11], [sflag:s10] =	dma.local @!p0 [hbm:s3], $0xF00  }
0x6e: {  	s3 =	simm.s32 @!p0 $0x8  }
0x6f: {  	_ =	swait.ge @!p0 [sflag:s3], $0xF00  }
0x70: {  	[sflag:s3] =	ssyncset.done @!p0 $0x0  }
0x71: {  	[sflag:s3] =	ssyncadd.s32 @!p0 $0xFFFFF100;
	s3 =	rddreg [dreg:$0x6]  }
.LBB2_9:
0x72: {  	s10 =	rddreg [dreg:$0xe]  }
0x73: {  	[tilespmem:s4], [sflag:$0x1] =	stream.linear.gather [hbm4b:s10+s4], $0xF0, $0x38;
	[tilespmem:$0x1FB40] =	vst v63  }
0x74: {  	s20 =	rddreg [dreg:$0xf]  }
0x75: {  	[tilespmem:s24], [sflag:$0x2] =	stream.linear.gather [hbm4b:s20+s4], $0xF0, $0x38;
	[tilespmem:$0x1FB40] =	vst v63  }
0x76: {  	s22 =	rddreg [dreg:$0x10];
	s26 =	simm.s32 $0x1  }
0x77: {  	[tilespmem:s25], [sflag:$0x3] =	stream.linear.gather [hbm4b:s22+s4], $0xF0, $0x38;
	[tilespmem:$0x1FB40] =	vst v63  }
0x78: {  	_ =	swait.ge [sflag:s26], $0xF0  }
.Ltmp6:
0x79: {  	[sflag:s26] =	ssyncset.done $0x0;
	(pc) =	sbr.rel .LBB2_10-.Ltmp6, $4  }
0x7a: {  	[sflag:s26] =	ssyncadd.s32 $0xFFFFFF10  }
0x7b: {  	[tilespmem:s29], [sflag:$0x4] =	stream.indirect.gather [hbm4b:s3+s28], $0x40, s4, s28, $0xb8;
	[tilespmem:$0x1FB40] =	vst v63  }
0x7c: {  	[bflag:$0x0] =	sbarrier.arrive $0xFFFF  }
0x7d: {  	s10 =	simm.s32 $0x53;
	s26 =	rddreg [dreg:$0x16]  }
.LBB2_13:
.Ltmp7:
0x7e: {  	(pc) =	sbr.rel @p2 .LBB2_15-.Ltmp7, $1  }
0x7f: {  	_ =	sdelay $0x3  }
.LBB2_14:
0x80: {  	[tilespmem:s25], [sflag:$0x3] =	stream.linear.gather [hbm4b:s26+s4], $0xF0, $0x38;
	[tilespmem:$0x1FB40] =	vst v63  }
0x81: {  	s26 =	sadd.s32 $0x5A, s26;
	s10 =	sadd.s32 $0xFFFFFFFF, s10  }
.LBB2_10:
0x82: {  	_ =	swait.ge [sflag:s30], $0xF0  }
0x83: {  	[sflag:s30] =	ssyncset.done $0x0  }
0x84: {  	[sflag:s30] =	ssyncadd.s32 $0xFFFFFF10  }
0x85: {  	[tilespmem:s31], [sflag:$0x5] =	stream.indirect.gather [hbm4b:s21+s28], $0x40, s24, s28, $0xb8;
	[tilespmem:$0x1FB40] =	vst v63  }
0x86: {  	_ =	swait.ge [sflag:s0], $0x1400  }
0x87: {  	[sflag:s0] =	ssyncset.done $0x0  }
0x88: {  	[sflag:s0] =	ssyncadd.s32 $0xFFFFEC00  }
0x89: {  	[spmem:s1] =	stream.indirect.scatter.add.f32 [tilespmem:s29], [sflag:$0x8], $0x40, s28, s28, $0xb8;
	[tilespmem:$0x1FB40] =	vst v63  }
0x8a: {  	_ =	swait.ge [sflag:s23], $0x1400  }
0x8b: {  	[sflag:s23] =	ssyncset.done $0x0  }
0x8c: {  	[sflag:s23] =	ssyncadd.s32 $0xFFFFEC00  }
0x8d: {  	[spmem:s2] =	stream.indirect.scatter.add.f32 [tilespmem:s29], [sflag:$0x8], $0x40, s7, s28, $0xb8;
	[tilespmem:$0x1FB40] =	vst v63  }
0x8e: {  	_ =	swait.ge [sflag:s23], $0x1400  }
0x8f: {  	[sflag:s23] =	ssyncset.done $0x0  }
0x90: {  	[sflag:s23] =	ssyncadd.s32 $0xFFFFEC00  }
0x91: {  	v17 =	vld @!p1 [tilespmem:$0x0];
	_ =	sdelay $0x6  }
0x92: {  	v18 =	vimm.f32 @!p1 $1.000000000e+00;
	s3 =	simm.s32 @!p1 $0x3ED0  }
0x93: {  	[tilespmem:v17+s3+$0x0] =	vst.idx.add.f32.msk @!p1 $0xffff, v18  }
0x94: {  	v17 =	vld @!p1 [tilespmem:$0x10];
	_ =	sdelay $0x7  }
0x95: {  	[tilespmem:v17+s3+$0x0] =	vst.idx.add.f32.msk @!p1 $0xffff, v18  }
0x96: {  	v17 =	vld @!p1 [tilespmem:$0x20];
	_ =	sdelay $0x7  }
0x97: {  	[tilespmem:v17+s3+$0x0] =	vst.idx.add.f32.msk @!p1 $0xffff, v18  }
0x98: {  	v17 =	vld @!p1 [tilespmem:$0x30];
	_ =	sdelay $0x7  }
0x99: {  	[tilespmem:v17+s3+$0x0] =	vst.idx.add.f32.msk @!p1 $0xffff, v18  }
0x9a: {  	v17 =	vld @!p1 [tilespmem:$0x40];
	_ =	sdelay $0x7  }
0x9b: {  	[tilespmem:v17+s3+$0x0] =	vst.idx.add.f32.msk @!p1 $0xffff, v18  }
0x9c: {  	v17 =	vld @!p1 [tilespmem:$0x50];
	_ =	sdelay $0x6  }
0x9d: {  	s11 =	simm.s32 @!p1 $0x66D0  }
0x9e: {  	[tilespmem:v17+s11+$0x0] =	vst.idx.add.f32.msk @!p1 $0xffff, v18  }
0x9f: {  	v17 =	vld @!p1 [tilespmem:$0x60];
	_ =	sdelay $0x7  }
0xa0: {  	[tilespmem:v17+s11+$0x0] =	vst.idx.add.f32.msk @!p1 $0xffff, v18  }
0xa1: {  	v17 =	vld @!p1 [tilespmem:$0x70];
	_ =	sdelay $0x7  }
0xa2: {  	[tilespmem:v17+s11+$0x0] =	vst.idx.add.f32.msk @!p1 $0xffff, v18  }
0xa3: {  	v17 =	vld @!p1 [tilespmem:$0x80];
	_ =	sdelay $0x7  }
0xa4: {  	[tilespmem:v17+s11+$0x0] =	vst.idx.add.f32.msk @!p1 $0xffff, v18  }
0xa5: {  	v17 =	vld @!p1 [tilespmem:$0x90];
	_ =	sdelay $0x7  }
0xa6: {  	[tilespmem:v17+s11+$0x0] =	vst.idx.add.f32.msk @!p1 $0xffff, v18  }
0xa7: {  	v17 =	vld @!p1 [tilespmem:$0xA0];
	_ =	sdelay $0x6  }
0xa8: {  	s13 =	simm.s32 @!p1 $0x8ED0  }
0xa9: {  	[tilespmem:v17+s13+$0x0] =	vst.idx.add.f32.msk @!p1 $0xffff, v18  }
0xaa: {  	v17 =	vld @!p1 [tilespmem:$0xB0];
	_ =	sdelay $0x7  }
0xab: {  	[tilespmem:v17+s13+$0x0] =	vst.idx.add.f32.msk @!p1 $0xffff, v18  }
0xac: {  	v17 =	vld @!p1 [tilespmem:$0xC0];
	_ =	sdelay $0x7  }
0xad: {  	[tilespmem:v17+s13+$0x0] =	vst.idx.add.f32.msk @!p1 $0xffff, v18  }
0xae: {  	v17 =	vld @!p1 [tilespmem:$0xD0];
	_ =	sdelay $0x7  }
0xaf: {  	[tilespmem:v17+s13+$0x0] =	vst.idx.add.f32.msk @!p1 $0xffff, v18  }
0xb0: {  	v17 =	vld @!p1 [tilespmem:$0xE0];
	_ =	sdelay $0x6  }
0xb1: {  	p2 =	seq.s32 s10, $0x0  }
0xb2: {  	s20 =	sadd.s32 @!p2 $0xFFFFFFC4, s26;
	s22 =	simm.s32 @!p2 $0x0;
	[tilespmem:v17+s13+$0x0] =	vst.idx.add.f32.msk @!p1 $0xffff, v18  }
0xb3: {  	[tilespmem:s22], [sflag:$0x1] =	stream.linear.gather @!p2 [hbm4b:s20+s22], $0xF0, $0x38;
	[tilespmem:$0x1FB40] =	vst v63  }
0xb4: {  	_ =	swait.ge [sflag:s8], $0xF0  }
0xb5: {  	[sflag:s8] =	ssyncset.done $0x0  }
0xb6: {  	[sflag:s8] =	ssyncadd.s32 $0xFFFFFF10  }
0xb7: {  	[tilespmem:s16], [sflag:$0x6] =	stream.indirect.gather [hbm4b:s21+s28], $0x40, s25, s28, $0xb8;
	[tilespmem:$0x1FB40] =	vst v63  }
0xb8: {  	_ =	swait.ge [sflag:s17], $0x1400  }
0xb9: {  	[sflag:s17] =	ssyncset.done $0x0  }
0xba: {  	[sflag:s17] =	ssyncadd.s32 $0xFFFFEC00  }
0xbb: {  	[spmem:s1] =	stream.indirect.scatter.add.f32 [tilespmem:s31], [sflag:$0x8], $0x40, s18, s28, $0xb8;
	[tilespmem:$0x1FB40] =	vst v63  }
0xbc: {  	_ =	swait.ge [sflag:s23], $0x1400  }
0xbd: {  	[sflag:s23] =	ssyncset.done $0x0  }
0xbe: {  	[sflag:s23] =	ssyncadd.s32 $0xFFFFEC00  }
0xbf: {  	[spmem:s2] =	stream.indirect.scatter.add.f32 [tilespmem:s31], [sflag:$0x8], $0x40, s19, s28, $0xb8;
	[tilespmem:$0x1FB40] =	vst v63  }
0xc0: {  	_ =	swait.ge [sflag:s23], $0x1400  }
0xc1: {  	[sflag:s23] =	ssyncset.done $0x0  }
0xc2: {  	[sflag:s23] =	ssyncadd.s32 $0xFFFFEC00  }
0xc3: {  	v17 =	vld @!p1 [tilespmem:$0xF0];
	_ =	sdelay $0x7  }
0xc4: {  	[tilespmem:v17+s3+$0x0] =	vst.idx.add.f32.msk @!p1 $0xffff, v18  }
0xc5: {  	v17 =	vld @!p1 [tilespmem:$0x100];
	_ =	sdelay $0x7  }
0xc6: {  	[tilespmem:v17+s3+$0x0] =	vst.idx.add.f32.msk @!p1 $0xffff, v18  }
0xc7: {  	v17 =	vld @!p1 [tilespmem:$0x110];
	_ =	sdelay $0x7  }
0xc8: {  	[tilespmem:v17+s3+$0x0] =	vst.idx.add.f32.msk @!p1 $0xffff, v18  }
0xc9: {  	v17 =	vld @!p1 [tilespmem:$0x120];
	_ =	sdelay $0x7  }
0xca: {  	[tilespmem:v17+s3+$0x0] =	vst.idx.add.f32.msk @!p1 $0xffff, v18  }
0xcb: {  	v17 =	vld @!p1 [tilespmem:$0x130];
	_ =	sdelay $0x7  }
0xcc: {  	[tilespmem:v17+s3+$0x0] =	vst.idx.add.f32.msk @!p1 $0xffff, v18  }
0xcd: {  	v17 =	vld @!p1 [tilespmem:$0x140];
	_ =	sdelay $0x7  }
0xce: {  	[tilespmem:v17+s11+$0x0] =	vst.idx.add.f32.msk @!p1 $0xffff, v18  }
0xcf: {  	v17 =	vld @!p1 [tilespmem:$0x150];
	_ =	sdelay $0x7  }
0xd0: {  	[tilespmem:v17+s11+$0x0] =	vst.idx.add.f32.msk @!p1 $0xffff, v18  }
0xd1: {  	v17 =	vld @!p1 [tilespmem:$0x160];
	_ =	sdelay $0x7  }
0xd2: {  	[tilespmem:v17+s11+$0x0] =	vst.idx.add.f32.msk @!p1 $0xffff, v18  }
0xd3: {  	v17 =	vld @!p1 [tilespmem:$0x170];
	_ =	sdelay $0x7  }
0xd4: {  	[tilespmem:v17+s11+$0x0] =	vst.idx.add.f32.msk @!p1 $0xffff, v18  }
0xd5: {  	v17 =	vld @!p1 [tilespmem:$0x180];
	_ =	sdelay $0x7  }
0xd6: {  	[tilespmem:v17+s11+$0x0] =	vst.idx.add.f32.msk @!p1 $0xffff, v18  }
0xd7: {  	v17 =	vld @!p1 [tilespmem:$0x190];
	_ =	sdelay $0x7  }
0xd8: {  	[tilespmem:v17+s13+$0x0] =	vst.idx.add.f32.msk @!p1 $0xffff, v18  }
0xd9: {  	v17 =	vld @!p1 [tilespmem:$0x1A0];
	_ =	sdelay $0x7  }
0xda: {  	[tilespmem:v17+s13+$0x0] =	vst.idx.add.f32.msk @!p1 $0xffff, v18  }
0xdb: {  	v17 =	vld @!p1 [tilespmem:$0x1B0];
	_ =	sdelay $0x7  }
0xdc: {  	[tilespmem:v17+s13+$0x0] =	vst.idx.add.f32.msk @!p1 $0xffff, v18  }
0xdd: {  	v17 =	vld @!p1 [tilespmem:$0x1C0];
	_ =	sdelay $0x7  }
0xde: {  	[tilespmem:v17+s13+$0x0] =	vst.idx.add.f32.msk @!p1 $0xffff, v18  }
0xdf: {  	v17 =	vld @!p1 [tilespmem:$0x1D0];
	_ =	sdelay $0x7  }
0xe0: {  	s3 =	sadd.s32 @!p2 $0xFFFFFFE2, s26;
	s11 =	simm.s32 @!p2 $0xF0;
	[tilespmem:v17+s13+$0x0] =	vst.idx.add.f32.msk @!p1 $0xffff, v18  }
0xe1: {  	[tilespmem:s11], [sflag:$0x2] =	stream.linear.gather @!p2 [hbm4b:s3+s22], $0xF0, $0x38;
	[tilespmem:$0x1FB40] =	vst v63  }
0xe2: {  	s3 =	simm.s32 @!p2 $0x1  }
0xe3: {  	_ =	swait.ge @!p2 [sflag:s3], $0xF0  }
0xe4: {  	[sflag:s3] =	ssyncset.done @!p2 $0x0  }
0xe5: {  	s11 =	simm.s32 @!p2 $0x2D0;
	[sflag:s3] =	ssyncadd.s32 @!p2 $0xFFFFFF10;
	s3 =	simm.s32 @!p2 $0x50  }
0xe6: {  	[tilespmem:s11], [sflag:$0x4] =	stream.indirect.gather @!p2 [hbm4b:s21+s3], $0x40, s22, s3, $0xb8;
	[tilespmem:$0x1FB40] =	vst v63  }
0xe7: {  	_ =	swait.ge [sflag:s5], $0x1400  }
0xe8: {  	[sflag:s5] =	ssyncset.done $0x0  }
0xe9: {  	[sflag:s5] =	ssyncadd.s32 $0xFFFFEC00  }
0xea: {  	[spmem:s1] =	stream.indirect.scatter.add.f32 [tilespmem:s16], [sflag:$0x8], $0x40, s9, s28, $0xb8;
	[tilespmem:$0x1FB40] =	vst v63  }
0xeb: {  	_ =	swait.ge [sflag:s23], $0x1400  }
0xec: {  	[sflag:s23] =	ssyncset.done $0x0  }
.Ltmp8:
0xed: {  	[sflag:s23] =	ssyncadd.s32 $0xFFFFEC00;
	(pc) =	sbr.rel @p1 .LBB2_13-.Ltmp8, $4  }
0xee: {  	[spmem:s2] =	stream.indirect.scatter.add.f32 [tilespmem:s16], [sflag:$0x8], $0x40, s12, s28, $0xb8;
	[tilespmem:$0x1FB40] =	vst v63  }
0xef: {  	_ =	swait.ge [sflag:s23], $0x1400  }
0xf0: {  	[sflag:s23] =	ssyncset.done $0x0  }
0xf1: {  	[sflag:s23] =	ssyncadd.s32 $0xFFFFEC00  }
0xf2: {  	v17 =	vld [tilespmem:$0x1E0];
	_ =	sdelay $0x7  }
0xf3: {  	[tilespmem:v17+s6+$0x0] =	vst.idx.add.f32.msk $0xffff, v16  }
0xf4: {  	v17 =	vld [tilespmem:$0x1F0];
	_ =	sdelay $0x7  }
0xf5: {  	[tilespmem:v17+s6+$0x0] =	vst.idx.add.f32.msk $0xffff, v16  }
0xf6: {  	v17 =	vld [tilespmem:$0x200];
	_ =	sdelay $0x7  }
0xf7: {  	[tilespmem:v17+s6+$0x0] =	vst.idx.add.f32.msk $0xffff, v16  }
0xf8: {  	v17 =	vld [tilespmem:$0x210];
	_ =	sdelay $0x7  }
0xf9: {  	[tilespmem:v17+s6+$0x0] =	vst.idx.add.f32.msk $0xffff, v16  }
0xfa: {  	v17 =	vld [tilespmem:$0x220];
	_ =	sdelay $0x7  }
0xfb: {  	[tilespmem:v17+s6+$0x0] =	vst.idx.add.f32.msk $0xffff, v16  }
0xfc: {  	v17 =	vld [tilespmem:$0x230];
	_ =	sdelay $0x7  }
0xfd: {  	[tilespmem:v17+s14+$0x0] =	vst.idx.add.f32.msk $0xffff, v16  }
0xfe: {  	v17 =	vld [tilespmem:$0x240];
	_ =	sdelay $0x7  }
0xff: {  	[tilespmem:v17+s14+$0x0] =	vst.idx.add.f32.msk $0xffff, v16  }
0x100: {  	v17 =	vld [tilespmem:$0x250];
	_ =	sdelay $0x7  }
0x101: {  	[tilespmem:v17+s14+$0x0] =	vst.idx.add.f32.msk $0xffff, v16  }
0x102: {  	v17 =	vld [tilespmem:$0x260];
	_ =	sdelay $0x7  }
0x103: {  	[tilespmem:v17+s14+$0x0] =	vst.idx.add.f32.msk $0xffff, v16  }
0x104: {  	v17 =	vld [tilespmem:$0x270];
	_ =	sdelay $0x7  }
0x105: {  	[tilespmem:v17+s14+$0x0] =	vst.idx.add.f32.msk $0xffff, v16  }
0x106: {  	v17 =	vld [tilespmem:$0x280];
	_ =	sdelay $0x7  }
0x107: {  	[tilespmem:v17+s15+$0x0] =	vst.idx.add.f32.msk $0xffff, v16  }
0x108: {  	v17 =	vld [tilespmem:$0x290];
	_ =	sdelay $0x7  }
0x109: {  	[tilespmem:v17+s15+$0x0] =	vst.idx.add.f32.msk $0xffff, v16  }
0x10a: {  	v17 =	vld [tilespmem:$0x2A0];
	_ =	sdelay $0x7  }
0x10b: {  	[tilespmem:v17+s15+$0x0] =	vst.idx.add.f32.msk $0xffff, v16  }
0x10c: {  	v17 =	vld [tilespmem:$0x2B0];
	_ =	sdelay $0x7  }
0x10d: {  	[tilespmem:v17+s15+$0x0] =	vst.idx.add.f32.msk $0xffff, v16  }
0x10e: {  	v17 =	vld [tilespmem:$0x2C0];
	_ =	sdelay $0x3  }
.Ltmp9:
0x10f: {  	_ = 	snop;
	(pc) =	sbr.rel @!p2 .LBB2_14-.Ltmp9, $2  }
0x110: {  	_ =	sdelay $0x2  }
0x111: {  	[tilespmem:v17+s15+$0x0] =	vst.idx.add.f32.msk $0xffff, v16  }
0x112: {  	[bflag:$0x0] =	sbarrier.arrive $0xFFFF  }
0x113: {  	s10 =	simm.s32 $0xB6D0;
	s22 =	simm.s32 $0x7;
	s3 =	rddreg [dreg:$0x4]  }
0x114: {  	[spmem:s3] =	stream.indirect.scatter.add.f32 [tilespmem:s6], [sflag:$0x7], $0x80, s10, s28, $0xb8;
	[tilespmem:$0x1FB40] =	vst v63  }
0x115: {  	_ =	swait.ge [sflag:s22], $0x2800  }
0x116: {  	[sflag:s22] =	ssyncset.done $0x0  }
0x117: {  	s11 =	simm.s32 $0xB720;
	[sflag:s22] =	ssyncadd.s32 $0xFFFFD800  }
0x118: {  	[spmem:s3] =	stream.indirect.scatter.add.f32 [tilespmem:s14], [sflag:$0x7], $0x80, s11, s28, $0xb8;
	[tilespmem:$0x1FB40] =	vst v63  }
0x119: {  	_ =	swait.ge [sflag:s22], $0x2800  }
0x11a: {  	[sflag:s22] =	ssyncset.done $0x0  }
0x11b: {  	s26 =	simm.s32 $0xB770;
	[sflag:s22] =	ssyncadd.s32 $0xFFFFD800  }
0x11c: {  	[spmem:s3] =	stream.indirect.scatter.add.f32 [tilespmem:s15], [sflag:$0x7], $0x80, s26, s28, $0xb8;
	[tilespmem:$0x1FB40] =	vst v63  }
0x11d: {  	_ =	swait.ge [sflag:s22], $0x2800  }
0x11e: {  	[sflag:s22] =	ssyncset.done $0x0  }
0x11f: {  	[sflag:s22] =	ssyncadd.s32 $0xFFFFD800  }
0x120: {  	[bflag:$0x0] =	sbarrier.arrive $0xFFFF  }
0x121: {  	s10 =	rddreg [dreg:$0xc]  }
0x122: {  	s13 =	rddreg [dreg:$0x13]  }
0x123: {  	s20 =	rddreg [dreg:$0x19]  }
0x124: {  	[hbm:s13], [sflag:s10] =	dma.local [spmem:s20], $0x13C0  }
0x125: {  	_ =	swait.ge [sflag:s23], $0x13C0  }
0x126: {  	[sflag:s23] =	ssyncset.done $0x0;
	s22 =	rddreg [dreg:$0x14]  }
0x127: {  	s26 =	rddreg [dreg:$0x18];
	[sflag:s23] =	ssyncadd.s32 $0xFFFFEC40  }
0x128: {  	[hbm:s22], [sflag:s10] =	dma.local [spmem:s26], $0x13C0  }
0x129: {  	_ =	swait.ge [sflag:s23], $0x13C0  }
0x12a: {  	[sflag:s23] =	ssyncset.done $0x0;
	s3 =	rddreg [dreg:$0x9]  }
0x12b: {  	s11 =	rddreg [dreg:$0x1a];
	[sflag:s23] =	ssyncadd.s32 $0xFFFFEC40  }
0x12c: {  	[hbm:s3], [sflag:s10] =	dma.local @!p0 [spmem:s11], $0xF00  }
.Ltmp10:
0x12d: {  	_ = 	snop;
	(pc) =	sbr.rel .LBB2_16-.Ltmp10, $4  }
0x12e: {  	s3 =	simm.s32 @!p0 $0x8  }
0x12f: {  	_ =	swait.ge @!p0 [sflag:s3], $0xF00  }
0x130: {  	[sflag:s3] =	ssyncset.done @!p0 $0x0  }
0x131: {  	s10 =	rddreg [dreg:$0x17];
	[sflag:s3] =	ssyncadd.s32 @!p0 $0xFFFFF100  }
.LBB2_17:
0x132: {  	_ =	sfence.sel $0x180000  }
0x133: {  	[bflag:$0x0] =	sbarrier.arrive $0xFFFF  }
0x134: {  	_ =	strace $0x90000047  }
0x135: {  	[bflag:$0x2] =	sbarrier.arrive $0xFFFF  }
0x136: {  	s0 =	rddreg [dreg:$0x5]  }
0x137: {  	s0 =	sadd.s32 @!p0 $0x100000, s0  }
0x138: {  	[sflag:s0] =	ssyncadd.tile.s32 @!p0 $0x1;
	_ =	shalt  }
.Lfunc_end2:
_tile_overlayer_lowered:
.L_overlay_start_2:
0x139: {  	(tag) =	ssettag $0x2  }
0x13a: {  	s0 =	rddreg [dreg:$0x0];
	s2 =	stileid.u32  }
0x13b: {  	s1 =	rddreg [dreg:$0x1];
	p0 =	sne.s32 s2, $0x0  }
0x13c: {  	s3 =	rddreg [dreg:$0x2];
	[bflag:$0x3] =	sbarrier.arrive $0xFFFF;
	s2 =	simm.s32 @!p0 $0x1C08  }
0x13d: {  	[timem:s3], [sflag:s2] =	dma.local @!p0 [hbm:s0], s1  }
0x13e: {  	s0 =	simm.s32 @!p0 $0x8  }
0x13f: {  	_ =	swait.ge @!p0 [sflag:s0], s1  }
0x140: {  	s1 =	ssub.s32 @!p0 $0x0, s1;
	[sflag:s0] =	ssyncset.done @!p0 $0x0  }
0x141: {  	[sflag:s0] =	ssyncadd.s32 @!p0 s1  }
0x142: {  	[bflag:$0x3] =	sbarrier.arrive $0xFFFF  }
0x143: {  	_ =	shalt  }

// kernel: kernel.9.cloned.1.call-start
scs
__scs_entry_jumppad:
0x0: {  	(pc) =	sbr.rel $0x88, $3  }
0x1: {  	(tag) =	ssettag $0x0;
	lr =	simm.s32 $0x1  }
0x2: {  	[smem:$0x3F9F] =	sst lr;
	_ =	strace $0xD0000000  }
0x3: {  	_ = 	snop  }
0x4: {  	_ = 	snop  }
0x5: {  	_ = 	snop  }
0x6: {  	_ = 	snop  }
0x7: {  	_ = 	snop  }
__scs_overlays_trampoline_lowered:
0x8: {  	[smem:$0x3FAE] =	sst s0  }
0x9: {  	[smem:$0x3FAF] =	sst s1  }
0xa: {  	[smem:$0x3FB0] =	sst s2  }
0xb: {  	[smem:$0x3FB1] =	sst s3  }
0xc: {  	[smem:$0x3FB2] =	sst s4  }
0xd: {  	[smem:$0x3FB3] =	sst s5  }
0xe: {  	[smem:$0x3FB4] =	sst s6  }
0xf: {  	[smem:$0x3FB5] =	sst s7  }
0x10: {  	[smem:$0x3FB6] =	sst s8  }
0x11: {  	[smem:$0x3FB7] =	sst s9;
	s0 =	simm.s32 @!p0 $0x0  }
0x12: {  	s1 =	sld [smem:$0x3F9D];
	s0 =	simm.s32 @p0 $0x1  }
0x13: {  	[smem:$0x3FB8] =	sst s0;
	s0 =	simm.s32 @!p1 $0x0  }
0x14: {  	s2 =	sld [smem:$0x3F9C];
	s0 =	simm.s32 @p1 $0x1  }
0x15: {  	[smem:$0x3FB9] =	sst s0;
	s0 =	simm.s32 @!p2 $0x0  }
0x16: {  	s3 =	sld [smem:$0x3FDB];
	s0 =	simm.s32 @p2 $0x1  }
0x17: {  	s4 =	simm.s32 $0x1BF5;
	[smem:$0x3FBB] =	sst s0  }
0x18: {  	s0 =	sld [smem:$0x3F9E];
	_ =	swait.ge [sflag:s4], $0x0  }
0x19: {  	s7 =	sld [smem:$0x3F9F]  }
0x1a: {  	s8 =	sadd.s32 $0xFFFFE003, lr  }
0x1b: {  	s9 =	sadd.s32 $0xFFFFFEF7, lr;
	s5 =	simm.s32 $0xFFFFFFFF;
	p2 =	slt.u32 s8, $0xFFFFF086  }
0x1c: {  	p1 =	slt.u32 s9, $0xF7A;
	s5 =	simm.s32 @!p2 $0x0  }
0x1d: {  	s5 =	simm.s32 @p1 $0x1;
	p0 =	seq.s32 s7, s2  }
0x1e: {  	s7 =	smul.u32 @!p0 $0xF7A, s2;
	p2 =	seq.s32 @!p0 s5, $0x0  }
0x1f: {  	s9 =	smul.u32 $0xF7A, s1;
	s8 =	simm.s32 @!p0 $0x1BF5;
	p2 =	por !p2, p0  }
0x20: {  	[sflag:s8] =	ssyncset.s32 @!p0 $0xFFFFF086;
	s6 =	sadd.s32 @!p0 s3, s7;
	s7 =	simm.s32 @!p0 $0x108  }
0x21: {  	s3 =	sadd.s32 s3, s9;
	s6 =	sadd.s32 @!p0 $0x88, s6;
	s7 =	simm.s32 @p2 $0x1082  }
0x22: {  	[simem:s7], [sflag:s8] =	dma.local @!p0 [hbm:s6], $0xF7A  }
0x23: {  	s9 =	sor.u32 $0xD0000000, s2;
	s6 =	simm.s32 $0x108;
	_ =	swait.ge @!p0 [sflag:s8], $0x0  }
0x24: {  	s3 =	sadd.s32 $0x88, s3;
	s6 =	simm.s32 @!p1 $0x1082;
	[sflag:s4] =	ssyncset.s32 $0xFFFFF086  }
0x25: {  	[simem:s6], [sflag:s4] =	dma.local [hbm:s3], $0xF7A  }
0x26: {  	[smem:$0x3F9F] =	sst s1;
	(tag) =	ssettag s2;
	_ =	strace s9  }
0x27: {  	s1 =	sld [smem:$0x3FAF]  }
0x28: {  	s2 =	sld [smem:$0x3FB0]  }
0x29: {  	s4 =	sld [smem:$0x3FB2]  }
0x2a: {  	p0 =	seq.s32 s5, $0x0;
	s5 =	sld [smem:$0x3FB3]  }
0x2b: {  	s6 =	sld [smem:$0x3FB4]  }
0x2c: {  	s7 =	sld [smem:$0x3FB5]  }
0x2d: {  	s3 =	simm.s32 $0x108;
	s8 =	sld [smem:$0x3FB6]  }
0x2e: {  	s3 =	simm.s32 @!p0 $0x1082;
	s9 =	sld [smem:$0x3FB7]  }
0x2f: {  	lr =	sadd.s32 s0, s3;
	s0 =	sld [smem:$0x3FAE]  }
0x30: {  	s3 =	sld [smem:$0x3FB1]  }
0x31: {  	[smem:$0x3FBA] =	sst s10  }
0x32: {  	s10 =	sld [smem:$0x3FB8];
	_ =	sdelay $0x3  }
0x33: {  	p0 =	seq.s32 s10, $0x1;
	s10 =	sld [smem:$0x3FBA];
	_ =	sdelay $0x3  }
0x34: {  	[smem:$0x3FBA] =	sst s10  }
0x35: {  	s10 =	sld [smem:$0x3FB9];
	_ =	sdelay $0x3  }
0x36: {  	p1 =	seq.s32 s10, $0x1;
	s10 =	sld [smem:$0x3FBA];
	_ =	sdelay $0x3  }
0x37: {  	[smem:$0x3FBA] =	sst s10  }
0x38: {  	s10 =	sld [smem:$0x3FBB]  }
0x39: {  	_ = 	snop;
	(pc) =	sbr.ind lr, $3  }
0x3a: {  	_ = 	snop  }
0x3b: {  	_ = 	snop  }
0x3c: {  	p2 =	seq.s32 s10, $0x1;
	s10 =	sld [smem:$0x3FBA]  }
0x3d: {  	_ =	shalt  }
0x3e: {  	_ =	shalt  }
0x3f: {  	_ =	shalt  }
0x40: {  	_ =	shalt  }
0x41: {  	_ =	shalt  }
0x42: {  	_ =	shalt  }
0x43: {  	_ =	shalt  }
0x44: {  	_ =	shalt  }
0x45: {  	_ =	shalt  }
0x46: {  	_ =	shalt  }
0x47: {  	_ =	shalt  }
0x48: {  	_ =	shalt  }
0x49: {  	_ =	shalt  }
0x4a: {  	_ =	shalt  }
0x4b: {  	_ =	shalt  }
0x4c: {  	_ =	shalt  }
0x4d: {  	_ =	shalt  }
0x4e: {  	_ =	shalt  }
0x4f: {  	_ =	shalt  }
0x50: {  	_ =	shalt  }
0x51: {  	_ =	shalt  }
0x52: {  	_ =	shalt  }
0x53: {  	_ =	shalt  }
0x54: {  	_ =	shalt  }
0x55: {  	_ =	shalt  }
0x56: {  	_ =	shalt  }
0x57: {  	_ =	shalt  }
0x58: {  	_ =	shalt  }
0x59: {  	_ =	shalt  }
0x5a: {  	_ =	shalt  }
0x5b: {  	_ =	shalt  }
0x5c: {  	_ =	shalt  }
0x5d: {  	_ =	shalt  }
0x5e: {  	_ =	shalt  }
0x5f: {  	_ =	shalt  }
0x60: {  	_ =	shalt  }
0x61: {  	_ =	shalt  }
0x62: {  	_ =	shalt  }
0x63: {  	_ =	shalt  }
0x64: {  	_ =	shalt  }
0x65: {  	_ =	shalt  }
0x66: {  	_ =	shalt  }
0x67: {  	_ =	shalt  }
0x68: {  	_ =	shalt  }
0x69: {  	_ =	shalt  }
0x6a: {  	_ =	shalt  }
0x6b: {  	_ =	shalt  }
0x6c: {  	_ =	shalt  }
0x6d: {  	_ =	shalt  }
0x6e: {  	_ =	shalt  }
0x6f: {  	_ =	shalt  }
0x70: {  	_ =	shalt  }
0x71: {  	_ =	shalt  }
0x72: {  	_ =	shalt  }
0x73: {  	_ =	shalt  }
0x74: {  	_ =	shalt  }
0x75: {  	_ =	shalt  }
0x76: {  	_ =	shalt  }
0x77: {  	_ =	shalt  }
0x78: {  	_ =	shalt  }
0x79: {  	_ =	shalt  }
0x7a: {  	_ =	shalt  }
0x7b: {  	_ =	shalt  }
0x7c: {  	_ =	shalt  }
0x7d: {  	_ =	shalt  }
0x7e: {  	_ =	shalt  }
0x7f: {  	_ =	shalt  }
0x80: {  	_ =	shalt  }
0x81: {  	_ =	shalt  }
0x82: {  	_ =	shalt  }
0x83: {  	_ =	shalt  }
0x84: {  	_ =	shalt  }
0x85: {  	_ =	shalt  }
0x86: {  	_ =	shalt  }
0x87: {  	_ =	shalt  }
.Lfunc_end0:
.L_simem_size_0:
called_computation.1_lowered:
.L_overlay_start_0:
0x88: {  	s2 =	sld [smem:$0x3FD9]  }
0x89: {  	s3 =	sld [smem:$0x3FFE];
	_ =	sdelay $0x1  }
0x8a: {  	s1 =	srdreg.scid  }
0x8b: {  	s0 =	sand.u32 $0x1, s1  }
0x8c: {  	s17 =	sshll.u32 s0, $0xA;
	s2 =	sadd.s32 s3, s2  }
0x8d: {  	s2 =	sadd.s32 s2, s17  }
0x8e: {  	[smem:$0x3FC6] =	sst s2  }
0x8f: {  	_ = 	snop  }
0x90: {  	s2 =	sld [smem:$0x3FD0];
	(tm) =	ssettm $0x1  }
0x91: {  	s18 =	sld [smem:$0x3FFB];
	_ =	sdelay $0x3  }
0x92: {  	_ =	strace s18  }
0x93: {  	s3 =	sld [smem:$0x3FFC];
	_ =	sdelay $0x3  }
0x94: {  	_ =	strace s3  }
0x95: {  	s3 =	sld [smem:$0x3FFD];
	_ =	sdelay $0x3  }
0x96: {  	_ =	strace s3  }
0x97: {  	_ =	strace $0x8FFFFFFF  }
0x98: {  	s19 =	sld [smem:$0x3FDB];
	_ =	sdelay $0x1  }
0x99: {  	s4 =	simm.s32 $_scs_section_size  }
0x9a: {  	s5 =	simm.s32 $_size__tile_overlayer_lowered;
	s6 =	simm.s32 $_tile_overlayer_lowered  }
0x9b: {  	s22 =	simm.s32 $0x1BFF;
	s21 =	sshll.u32 s6, $0x1;
	s3 =	sadd.s32 s4, s19  }
0x9c: {  	s7 =	simm.s32 $0x0;
	s20 =	sshll.u32 s5, $0x1;
	s5 =	sadd.s32 s21, s3  }
0x9d: {  	[timem:s7], [sflag:s22] =	dma.local [hbm:s5], s20  }
0x9e: {  	_ =	swait.ge [sflag:s22], s20  }
0x9f: {  	s4 =	ssub.s32 $0x0, s20;
	[sflag:s22] =	ssyncset.done $0x0  }
0xa0: {  	[sflag:s22] =	ssyncadd.s32 s4;
	_ =	sdelay $0x1  }
0xa1: {  	s23 =	simm.s32 $0x1B8B  }
0xa2: {  	_ =	swait.ge [sflag:s23], $0x1  }
0xa3: {  	[sflag:s23] =	ssyncset.done $0x0  }
0xa4: {  	s25 =	simm.s32 $0x1B8E;
	s24 =	sld [smem:$0x3FFE];
	[sflag:s23] =	ssyncadd.s32 $0xFFFFFFFF  }
0xa5: {  	s26 =	simm.s32 $execute0_lowered;
	[smem:$0x3FD2] =	sst s25  }
0xa6: {  	s5 =	sshll.u32 s26, $0x1;
	_ =	strace $0x80000049;
	[dreg:$0x1] =	wrdreg $0xFFFFFFFF  }
0xa7: {  	s28 =	simm.s32 $_size_execute0_lowered;
	s3 =	sadd.s32 s3, s5;
	[dreg:$0x0] =	wrdreg $0x0  }
0xa8: {  	s5 =	sshll.u32 s28, $0x1;
	[dreg:$0x2] =	wrdreg s3  }
0xa9: {  	[dreg:$0x3] =	wrdreg s5  }
0xaa: {  	[dreg:$0x4] =	wrdreg $0xC0  }
0xab: {  	_ =	task [dreg:s7], $0x5FFFF  }
0xac: {  	[dreg:$0x1] =	wrdreg $0xFFFFFFFF  }
0xad: {  	[dreg:$0x0] =	wrdreg $0x60  }
0xae: {  	[dreg:$0x2] =	wrdreg s2  }
0xaf: {  	[dreg:$0x3] =	wrdreg s24  }
0xb0: {  	[dreg:$0x4] =	wrdreg $0xB8380  }
0xb1: {  	[dreg:$0x5] =	wrdreg $0x9  }
0xb2: {  	_ =	task.clear_ibuf [dreg:s7], $0x6FFFF;
	_ =	strace $0x90000049  }
0xb3: {  	s29 =	simm.s32 $0x9;
	_ =	strace $0x8000004B  }
0xb4: {  	_ =	swait.ge [sflag:s29], $0x1  }
0xb5: {  	[sflag:s29] =	ssyncadd.s32 $0xFFFFFFFF  }
0xb6: {  	_ =	strace $0x9000004B  }
0xb7: {  	_ =	sfence  }
0xb8: {  	s30 =	sld [smem:$0x0];
	_ =	sdelay $0x2  }
0xb9: {  	s31 =	sshll.u32 s1, $0xD;
	s1 =	sshrl.u32 s1, $0x2  }
0xba: {  	s3 =	sand.u32 $0x4000, s31;
	s1 =	sadd.s32 s1, s30  }
0xbb: {  	s0 =	sor.u32 s3, s0;
	s1 =	sshll.u32 s1, $0x11  }
0xbc: {  	s0 =	sor.u32 s1, s0  }
0xbd: {  	s0 =	sadd.s32 $0x8F2B, s0  }
0xbe: {  	[sflag:s0] =	ssyncadd.remote.s32 $0x1  }
0xbf: {  	_ =	sfence.sel $0xFFFF  }
0xc0: {  	[dreg:$0x0] =	wrdreg $0xFFFFFFFF;
	(pc) =	sbr.abs _section_cstart, $3  }
0xc1: {  	[dreg:$0x1] =	wrdreg $0xFFFFFFFF  }
0xc2: {  	_ =	task.clear_ibuf [dreg:s7], $0x2FFFF;
	_ =	strace $0x9FFFFFFF  }
0xc3: {  	(tm) =	ssettm $0x7FFFFFFF  }
tec
execute0_lowered:
.L_overlay_start_1:
0x0: {  	(tag) =	ssettag $0x1  }
0x1: {  	s1 =	rddreg [dreg:$0x0]  }
0x2: {  	s0 =	rddreg [dreg:$0x1]  }
0x3: {  	s3 =	rddreg [dreg:$0x2];
	s4 =	simm.s32 $0x0  }
0x4: {  	s12 =	stileid.u32;
	s6 =	srdreg.scid;
	s16 =	simm.s32 $0x7  }
0x5: {  	s17 =	simm.s32 $0x168;
	s18 =	simm.s32 $0x2D0;
	s19 =	simm.s32 $0x1  }
0x6: {  	s28 =	simm.s32 $0x5;
	s29 =	simm.s32 $0x4038;
	s30 =	simm.s32 $0x6  }
0x7: {  	s31 =	simm.s32 $0x3C0;
	[smem:$0x7FF] =	sst s4;
	s2 =	smul.u32 $0x13C00, s12  }
0x8: {  	s5 =	sadd.s32 $0x29A00, s0;
	s6 =	sand.u32 $0x1, s6;
	s10 =	smul.u32 $0xEC40, s12  }
0x9: {  	s9 =	sadd.s32 $0x8E600, s0;
	s22 =	sshll.u32 s12, $0x6;
	s23 =	smul.u32 $0x1D88, s12  }
0xa: {  	_ =	strace $0x8000004A;
	s8 =	ssub.s32 $0x2, s6;
	p0 =	sne.s32 s6, $0x0  }
0xb: {  	s7 =	sshrl.u32 s2, $0x3;
	s20 =	sshrl.u32 s8, $0x1;
	s2 =	sadd.s32 s2, s3  }
0xc: {  	s24 =	sadd.s32 $0x168, s10;
	s10 =	sshrl.u32 s10, $0x3;
	s0 =	sadd.s32 s7, s0  }
0xd: {  	s11 =	ssub.s32 s8, s20;
	s7 =	sor.u32 $0x1C07, s22;
	s12 =	sshrl.u32 s24, $0x3  }
0xe: {  	s8 =	sadd.s32 s9, s23;
	s15 =	sshrl.u32 s2, $0x3;
	s20 =	simm.s32 $0x2  }
0xf: {  	s22 =	simm.s32 $0x78;
	s23 =	simm.s32 $0x438;
	s21 =	sadd.s32 $0x51200, s0  }
0x10: {  	s24 =	simm.s32 $0x3;
	s12 =	sadd.s32 s9, s12;
	[dreg:$0x4] =	wrdreg s21  }
0x11: {  	s2 =	simm.s32 $0x0;
	s25 =	sadd.s32 $0xD3800, s0;
	[dreg:$0x5] =	wrdreg s12  }
.Ltmp0:
0x12: {  	s0 =	sadd.s32 $0xAC000, s0;
	[dreg:$0x7] =	wrdreg s25;
	(pc) =	sbr.rel .LBB2_1-.Ltmp0, $4  }
0x13: {  	s9 =	sadd.s32 s9, s10;
	s26 =	smax.u32 s11, $0x1;
	[dreg:$0x8] =	wrdreg s0  }
0x14: {  	s13 =	smov.u32 s8;
	s9 =	sadd.s32 $0x5A, s9;
	[dreg:$0x9] =	wrdreg s26  }
0x15: {  	s21 =	simm.s32 $0x4;
	s25 =	simm.s32 $0x348;
	s26 =	simm.s32 $0x7C38  }
0x16: {  	s0 =	simm.s32 $0x258;
	[dreg:$0x6] =	wrdreg s9;
	s9 =	sadd.s32 $0xE1, s8  }
.LBB2_9:
0x17: {  	s11 =	simm.s32 $0x3C0;
	s6 =	rddreg [dreg:$0x7]  }
.LBB2_5:
0x18: {  	_ =	swait.ge [sflag:s30], $0x3C00  }
0x19: {  	[sflag:s30] =	ssyncset.done $0x0  }
0x1a: {  	[sflag:s30] =	ssyncadd.s32 $0xFFFFC400  }
0x1b: {  	[spmem:s3] =	stream.indirect.scatter.add.f32 [tilespmem:s26], [sflag:$0x7], $0x80, s11, s22, $0xb8;
	[tilespmem:$0x1F438] =	vst v63  }
0x1c: {  	_ =	swait.ge [sflag:s16], $0x3C00  }
0x1d: {  	[sflag:s16] =	ssyncset.done $0x0  }
0x1e: {  	[sflag:s16] =	ssyncadd.s32 $0xFFFFC400  }
.LBB2_6:
0x1f: {  	[bflag:$0x0] =	sbarrier.arrive $0xFFFF  }
0x20: {  	[hbm:s6], [sflag:s7] =	dma.local [spmem:s15], $0x2780  }
0x21: {  	_ =	swait.ge [sflag:s16], $0x2780  }
0x22: {  	s2 =	sadd.s32 $0x1, s2;
	s14 =	rddreg [dreg:$0x9]  }
0x23: {  	p1 =	sne.s32 s2, s14  }
.Ltmp1:
0x24: {  	_ = 	snop;
	(pc) =	sbr.rel @!p1 .LBB2_7-.Ltmp1, $3  }
0x25: {  	_ =	sdelay $0x1  }
0x26: {  	[sflag:s16] =	ssyncset.done $0x0  }
0x27: {  	[sflag:s16] =	ssyncadd.s32 $0xFFFFD880  }
.LBB2_1:
0x28: {  	s6 =	rddreg [dreg:$0x4]  }
0x29: {  	[spmem:s15], [sflag:s7] =	dma.local [hbm:s6], $0x2780  }
0x2a: {  	_ =	swait.ge [sflag:s16], $0x2780  }
0x2b: {  	[sflag:s16] =	ssyncset.done $0x0  }
0x2c: {  	[sflag:s16] =	ssyncadd.s32 $0xFFFFD880  }
0x2d: {  	[tilespmem:s4], [sflag:$0x1] =	stream.linear.gather [hbm4b:s13+s4], $0x168, $0x38;
	[tilespmem:$0x1F438] =	vst v63  }
0x2e: {  	s12 =	rddreg [dreg:$0x5]  }
0x2f: {  	[tilespmem:s17], [sflag:$0x2] =	stream.linear.gather [hbm4b:s12+s4], $0x168, $0x38;
	[tilespmem:$0x1F438] =	vst v63  }
0x30: {  	s14 =	rddreg [dreg:$0x6]  }
0x31: {  	[tilespmem:s18], [sflag:$0x3] =	stream.linear.gather [hbm4b:s14+s4], $0x168, $0x38;
	[tilespmem:$0x1F438] =	vst v63  }
0x32: {  	_ =	swait.ge [sflag:s19], $0x168  }
0x33: {  	s11 =	simm.s32 @p0 $0x78;
	[sflag:s19] =	ssyncset.done $0x0  }
0x34: {  	s6 =	simm.s32 @p0 $0x0;
	s12 =	simm.s32 @p0 $0x438;
	[sflag:s19] =	ssyncadd.s32 $0xFFFFFE98  }
0x35: {  	[tilespmem:s12], [sflag:$0x4] =	stream.indirect.gather @p0 [hbm4b:s5+s11], $0x80, s6, s11, $0xb8;
	[tilespmem:$0x1F438] =	vst v63  }
.Ltmp2:
0x36: {  	_ = 	snop;
	(pc) =	sbr.rel .LBB2_2-.Ltmp2, $4  }
0x37: {  	s12 =	simm.s32 @!p0 $0x78;
	s6 =	simm.s32 @!p0 $0x438  }
0x38: {  	[tilespmem:s6], [sflag:$0x4] =	stream.indirect.gather @!p0 [hbm4b:s1+s12], $0x80, s12, s12, $0xb8;
	[tilespmem:$0x1F438] =	vst v63  }
0x39: {  	[bflag:$0x0] =	sbarrier.arrive $0xFFFF  }
0x3a: {  	s14 =	smov.u32 s9;
	s6 =	simm.s32 $0x37  }
.LBB2_13:
0x3b: {  	[tilespmem:s23], [sflag:$0x4] =	stream.indirect.gather [hbm4b:s5+s22], $0x80, s4, s22, $0xb8;
	[tilespmem:$0x1F438] =	vst v63  }
0x3c: {  	_ =	swait.ge [sflag:s30], $0x3C00  }
0x3d: {  	[sflag:s30] =	ssyncset.done $0x0  }
.Ltmp3:
0x3e: {  	[sflag:s30] =	ssyncadd.s32 $0xFFFFC400;
	(pc) =	sbr.rel @p1 .LBB2_14-.Ltmp3, $4  }
0x3f: {  	[spmem:s3] =	stream.indirect.scatter.add.f32 [tilespmem:s26], [sflag:$0x7], $0x80, s31, s22, $0xb8;
	[tilespmem:$0x1F438] =	vst v63  }
0x40: {  	_ =	swait.ge [sflag:s16], $0x3C00  }
0x41: {  	[sflag:s16] =	ssyncset.done $0x0  }
0x42: {  	[sflag:s16] =	ssyncadd.s32 $0xFFFFC400  }
.LBB2_15:
0x43: {  	[tilespmem:s18], [sflag:$0x3] =	stream.linear.gather [hbm4b:s14+s4], $0x168, $0x38;
	[tilespmem:$0x1F438] =	vst v63  }
0x44: {  	s14 =	sadd.s32 $0x87, s14;
	s6 =	sadd.s32 $0xFFFFFFFF, s6  }
.LBB2_2:
0x45: {  	_ =	swait.ge [sflag:s20], $0x168  }
0x46: {  	[sflag:s20] =	ssyncset.done $0x0  }
0x47: {  	s10 =	simm.s32 @p0 $0x168;
	s8 =	simm.s32 @p0 $0x4038;
	[sflag:s20] =	ssyncadd.s32 $0xFFFFFE98  }
0x48: {  	[tilespmem:s8], [sflag:$0x5] =	stream.indirect.gather @p0 [hbm4b:s5+s11], $0x80, s10, s11, $0xb8;
	[tilespmem:$0x1F438] =	vst v63  }
0x49: {  	s8 =	simm.s32 @!p0 $0x1E0;
	s10 =	simm.s32 @!p0 $0x4038  }
0x4a: {  	[tilespmem:s10], [sflag:$0x5] =	stream.indirect.gather @!p0 [hbm4b:s1+s12], $0x80, s8, s12, $0xb8;
	[tilespmem:$0x1F438] =	vst v63  }
0x4b: {  	_ =	swait.ge [sflag:s21], $0x3C00  }
0x4c: {  	s8 =	simm.s32 @!p0 $0x0;
	[sflag:s21] =	ssyncset.done $0x0  }
0x4d: {  	s8 =	simm.s32 @p0 $0xF0;
	[sflag:s21] =	ssyncadd.s32 $0xFFFFC400  }
0x4e: {  	[spmem:s3] =	stream.indirect.scatter.add.f32 [tilespmem:s23], [sflag:$0x7], $0x80, s8, s22, $0xb8;
	[tilespmem:$0x1F438] =	vst v63  }
0x4f: {  	p1 =	seq.s32 s6, $0x0;
	_ =	swait.ge [sflag:s16], $0x3C00  }
0x50: {  	s10 =	simm.s32 @!p1 $0x0;
	[sflag:s16] =	ssyncset.done $0x0  }
.Ltmp4:
0x51: {  	s8 =	sadd.s32 @!p1 $0xFFFFFFA6, s14;
	[sflag:s16] =	ssyncadd.s32 $0xFFFFC400;
	(pc) =	sbr.rel @p0 .LBB2_8-.Ltmp4, $4  }
0x52: {  	[tilespmem:s10], [sflag:$0x1] =	stream.linear.gather @!p1 [hbm4b:s8+s10], $0x168, $0x38;
	[tilespmem:$0x1F438] =	vst v63  }
0x53: {  	_ =	swait.ge [sflag:s24], $0x168  }
0x54: {  	[sflag:s24] =	ssyncset.done $0x0  }
0x55: {  	[sflag:s24] =	ssyncadd.s32 $0xFFFFFE98  }
0x56: {  	[tilespmem:s26], [sflag:$0x6] =	stream.indirect.gather [hbm4b:s1+s22], $0x80, s25, s22, $0xb8;
	[tilespmem:$0x1F438] =	vst v63  }
0x57: {  	_ =	swait.ge [sflag:s28], $0x3C00  }
0x58: {  	[sflag:s28] =	ssyncset.done $0x0  }
0x59: {  	[sflag:s28] =	ssyncadd.s32 $0xFFFFC400  }
0x5a: {  	[spmem:s3] =	stream.indirect.scatter.add.f32 [tilespmem:s29], [sflag:$0x7], $0x80, s17, s22, $0xb8;
	[tilespmem:$0x1F438] =	vst v63  }
.Ltmp5:
0x5b: {  	_ = 	snop;
	(pc) =	sbr.rel @!p1 .LBB2_10-.Ltmp5, $4  }
.Ltmp6:
0x5c: {  	_ = 	snop;
	(pc) =	sbr.rel @p1 .LBB2_4-.Ltmp6, $4  }
0x5d: {  	_ =	swait.ge [sflag:s16], $0x3C00  }
0x5e: {  	[sflag:s16] =	ssyncset.done $0x0  }
0x5f: {  	[sflag:s16] =	ssyncadd.s32 $0xFFFFC400  }
0x60: {  	_ = 	snop  }
.LBB2_8:
0x61: {  	[tilespmem:s26], [sflag:$0x6] =	stream.indirect.gather [hbm4b:s5+s22], $0x80, s18, s22, $0xb8;
	[tilespmem:$0x1F438] =	vst v63  }
0x62: {  	_ =	swait.ge [sflag:s28], $0x3C00  }
0x63: {  	[sflag:s28] =	ssyncset.done $0x0  }
.Ltmp7:
0x64: {  	[sflag:s28] =	ssyncadd.s32 $0xFFFFC400;
	(pc) =	sbr.rel @p1 .LBB2_9-.Ltmp7, $4  }
0x65: {  	[spmem:s3] =	stream.indirect.scatter.add.f32 [tilespmem:s29], [sflag:$0x7], $0x80, s0, s22, $0xb8;
	[tilespmem:$0x1F438] =	vst v63  }
0x66: {  	_ =	swait.ge [sflag:s16], $0x3C00  }
0x67: {  	[sflag:s16] =	ssyncset.done $0x0  }
0x68: {  	[sflag:s16] =	ssyncadd.s32 $0xFFFFC400  }
.LBB2_10:
.Ltmp8:
0x69: {  	s8 =	sadd.s32 $0xFFFFFFD3, s14;
	(pc) =	sbr.rel @p0 .LBB2_13-.Ltmp8, $4  }
0x6a: {  	[tilespmem:s17], [sflag:$0x2] =	stream.linear.gather [hbm4b:s8+s4], $0x168, $0x38;
	[tilespmem:$0x1F438] =	vst v63  }
0x6b: {  	_ =	swait.ge [sflag:s19], $0x168  }
0x6c: {  	[sflag:s19] =	ssyncset.done $0x0  }
0x6d: {  	[sflag:s19] =	ssyncadd.s32 $0xFFFFFE98  }
0x6e: {  	[tilespmem:s23], [sflag:$0x4] =	stream.indirect.gather [hbm4b:s1+s22], $0x80, s22, s22, $0xb8;
	[tilespmem:$0x1F438] =	vst v63  }
0x6f: {  	_ =	swait.ge [sflag:s30], $0x3C00  }
0x70: {  	[sflag:s30] =	ssyncset.done $0x0  }
.Ltmp9:
0x71: {  	[sflag:s30] =	ssyncadd.s32 $0xFFFFC400;
	(pc) =	sbr.rel @!p1 .LBB2_15-.Ltmp9, $4  }
0x72: {  	[spmem:s3] =	stream.indirect.scatter.add.f32 [tilespmem:s26], [sflag:$0x7], $0x80, s18, s22, $0xb8;
	[tilespmem:$0x1F438] =	vst v63  }
0x73: {  	_ =	swait.ge [sflag:s16], $0x3C00  }
0x74: {  	[sflag:s16] =	ssyncset.done $0x0  }
0x75: {  	[sflag:s16] =	ssyncadd.s32 $0xFFFFC400  }
.Ltmp10:
0x76: {  	(pc) =	sbr.rel .LBB2_6-.Ltmp10, $2  }
0x77: {  	_ =	sdelay $0x2  }
0x78: {  	s6 =	rddreg [dreg:$0x8]  }
.LBB2_4:
.Ltmp11:
0x79: {  	(pc) =	sbr.rel .LBB2_5-.Ltmp11, $2  }
0x7a: {  	_ =	sdelay $0x2  }
0x7b: {  	s11 =	simm.s32 $0x2D0;
	s6 =	rddreg [dreg:$0x8]  }
.LBB2_14:
.Ltmp12:
0x7c: {  	(pc) =	sbr.rel .LBB2_6-.Ltmp12, $2  }
0x7d: {  	_ =	sdelay $0x2  }
0x7e: {  	s6 =	rddreg [dreg:$0x7]  }
.LBB2_7:
0x7f: {  	_ =	sfence.sel $0x180000  }
0x80: {  	[bflag:$0x0] =	sbarrier.arrive $0xFFFF  }
0x81: {  	_ =	strace $0x9000004A  }
0x82: {  	s0 =	stileid.u32;
	[bflag:$0x2] =	sbarrier.arrive $0xFFFF  }
0x83: {  	p0 =	sne.s32 s0, $0x0;
	s0 =	rddreg [dreg:$0x3]  }
0x84: {  	s0 =	sadd.s32 @!p0 $0x100000, s0  }
0x85: {  	[sflag:s0] =	ssyncadd.tile.s32 @!p0 $0x1;
	_ =	shalt  }
.Lfunc_end2:
_tile_overlayer_lowered:
.L_overlay_start_2:
0x86: {  	(tag) =	ssettag $0x2  }
0x87: {  	s0 =	rddreg [dreg:$0x0];
	s2 =	stileid.u32  }
0x88: {  	s1 =	rddreg [dreg:$0x1];
	p0 =	sne.s32 s2, $0x0  }
0x89: {  	s3 =	rddreg [dreg:$0x2];
	[bflag:$0x3] =	sbarrier.arrive $0xFFFF;
	s2 =	simm.s32 @!p0 $0x1C07  }
0x8a: {  	[timem:s3], [sflag:s2] =	dma.local @!p0 [hbm:s0], s1  }
0x8b: {  	s0 =	simm.s32 @!p0 $0x7  }
0x8c: {  	_ =	swait.ge @!p0 [sflag:s0], s1  }
0x8d: {  	s1 =	ssub.s32 @!p0 $0x0, s1;
	[sflag:s0] =	ssyncset.done @!p0 $0x0  }
0x8e: {  	[sflag:s0] =	ssyncadd.s32 @!p0 s1  }
0x8f: {  	[bflag:$0x3] =	sbarrier.arrive $0xFFFF  }
0x90: {  	_ =	shalt  }

</sc_bundles>
